<compile_context>
chip_gen: v7x
topology: tpu7x:2x2x1
jax: 0.10.2.dev20260603
libtpu: 0.0.44.dev20260713+nightly
codegen_flags: <defaults>
</compile_context>

<pallas_src>
import dataclasses
import functools

import jax
import jax.numpy as jnp
from jax import lax
from jax.experimental import pallas as pl
from jax.experimental.pallas import tpu as pltpu
from jax.experimental.pallas import tpu_sc as plsc

_EDGE_CHUNK = 128
_NUM_SC = 2
_NUM_TILES = 16


def _sc_compiler_params():
    cp = pltpu.CompilerParams(use_tc_tiling_on_sc=False)
    if "needs_layout_passes" in pltpu.CompilerParams.__dataclass_fields__:
        cp = dataclasses.replace(cp, needs_layout_passes=False)
    return cp


def _sc_scatter_partials(nlT, eidx_il):
    B, F, N = nlT.shape
    BN = B * N
    CH = _EDGE_CHUNK
    nchunks_total = eidx_il.shape[0] // 2
    NW = _NUM_SC * _NUM_TILES
    chunks_per_worker = nchunks_total // NW
    rows_per_tile = BN // _NUM_TILES

    mesh = plsc.VectorSubcoreMesh(core_axis_name="c", subcore_axis_name="s")

    GRP = 8
    qchunks = chunks_per_worker // 4
    ngroups = qchunks // GRP

    NPR = 128 // F
    out_rows = BN // NPR

    @functools.partial(
        pl.kernel,
        out_type=jax.ShapeDtypeStruct((_NUM_SC, out_rows, 128), jnp.float32),
        mesh=mesh,
        scratch_types=[
            pltpu.VMEM((2 * qchunks, CH), jnp.int32),
            pltpu.VMEM((2 * GRP, CH, F), jnp.float32),
            pltpu.VMEM((CH, F), jnp.float32),
            pltpu.VMEM((CH, F), jnp.float32),
            pltpu.VMEM((CH // NPR, 128), jnp.float32),
            pltpu.VMEM((F, N), jnp.float32),
            pltpu.VMEM_SHARED((BN, F), jnp.float32),
            pltpu.VMEM_SHARED((BN, F), jnp.float32),
            pltpu.SemaphoreType.DMA,
            pltpu.SemaphoreType.DMA,
        ],
        compiler_params=_sc_compiler_params(),
    )
    def k(flat_hbm, eidx_hbm, out_hbm, idx_v, bufs, zbuf, wbuf, wbuf2, fbuf,
          acc, table, gsem, ssem):
        c = lax.axis_index("c")
        s = lax.axis_index("s")
        wid = c * _NUM_TILES + s

        @pl.loop(0, CH)
        def _(i):
            zbuf[i, :] = jnp.zeros((F,), jnp.float32)

        row0 = s * rows_per_tile

        @pl.loop(0, rows_per_tile // CH)
        def _(i):
            pltpu.sync_copy(zbuf, acc.at[pl.ds(row0 + i * CH, CH)])

        bpt = rows_per_tile // N
        lane = lax.iota(jnp.int32, 16)

        @pl.loop(0, bpt)
        def _(i):
            pltpu.sync_copy(flat_hbm.at[s * bpt + i], fbuf)

            @pl.loop(0, N // CH)
            def _(nc):
                for g in range(CH // 16):
                    for f in range(F):
                        v = fbuf[f, pl.ds(nc * CH + g * 16, 16)]
                        plsc.store_scatter(
                            wbuf, [g * 16 + lane,
                                   jnp.full((16,), f, jnp.int32)], v)
                pltpu.sync_copy(
                    wbuf, table.at[pl.ds(row0 + i * N + nc * CH, CH)])

        plsc.subcore_barrier()

        def gather(j, slot):
            pltpu.async_copy(table.at[idx_v.at[2 * j]], bufs.at[slot], gsem)

        def gwait(j, slot):
            pltpu.make_async_copy(
                table.at[idx_v.at[2 * j]], bufs.at[slot], gsem).wait()

        def scat(j, slot):
            pltpu.async_copy(bufs.at[slot], acc.at[idx_v.at[2 * j + 1]],
                             ssem, add=True)

        def swait(j, slot):
            pltpu.make_async_copy(
                bufs.at[slot], acc.at[idx_v.at[2 * j + 1]], ssem).wait()

        @pl.loop(0, 4)
        def _(h):
            cbase = 2 * (wid * chunks_per_worker + h * qchunks)
            pltpu.sync_copy(eidx_hbm.at[pl.ds(cbase, 2 * qchunks)], idx_v)

            for b in range(GRP):
                gather(b, b)

            @pl.loop(0, ngroups, step=2)
            def _(g):
                ja = g * GRP
                jb = ja + GRP
                for b in range(GRP):
                    gwait(ja + b, b)
                @pl.when(g > 0)
                def _():
                    for b in range(GRP):
                        swait(jb - 2 * GRP + b, GRP + b)
                for b in range(GRP):
                    gather(jb + b, GRP + b)
                for b in range(GRP):
                    scat(ja + b, b)
                for b in range(GRP):
                    gwait(jb + b, GRP + b)
                for b in range(GRP):
                    swait(ja + b, b)

                @pl.when(g + 2 < ngroups)
                def _():
                    for b in range(GRP):
                        gather(jb + GRP + b, b)

                for b in range(GRP):
                    scat(jb + b, GRP + b)

            for b in range(GRP):
                swait((ngroups - 1) * GRP + b, GRP + b)

        plsc.subcore_barrier()

        @pl.loop(0, rows_per_tile // CH)
        def _(kblk):
            pltpu.sync_copy(acc.at[pl.ds(row0 + kblk * CH, CH)], wbuf)
            for j in range(CH):
                wbuf2[j // NPR, pl.ds((j % NPR) * F, F)] = wbuf[j, :]
            pltpu.sync_copy(
                wbuf2,
                out_hbm.at[c, pl.ds(s * (rows_per_tile // NPR)
                                    + kblk * (CH // NPR), CH // NPR)])

    return k(nlT, eidx_il)


def _tc_dense(afw, abw, x, wf, wb):
    B, N, F = x.shape
    G = wf.shape[-1]

    BB = 2

    def body(afw_ref, abw_ref, x_ref, wf_ref, wb_ref, out_ref):
        for i in range(BB):
            xb = x_ref[i]
            xwf = jnp.dot(
                xb, wf_ref[...],
                preferred_element_type=jnp.float32).astype(jnp.bfloat16)
            xwb = jnp.dot(
                xb, wb_ref[...],
                preferred_element_type=jnp.float32).astype(jnp.bfloat16)
            hf = jnp.maximum(
                jnp.dot(afw_ref[i].astype(jnp.bfloat16), xwf,
                        preferred_element_type=jnp.float32), 0.0)
            hb = jnp.maximum(
                jnp.dot(abw_ref[i].astype(jnp.bfloat16), xwb,
                        preferred_element_type=jnp.float32), 0.0)
            out_ref[i, 0, :] = jnp.sum(hf + hb, axis=0)

    return pl.pallas_call(
        body,
        grid=(B // BB,),
        in_specs=[
            pl.BlockSpec((BB, N, N), lambda b: (b, 0, 0)),
            pl.BlockSpec((BB, N, N), lambda b: (b, 0, 0)),
            pl.BlockSpec((BB, N, F), lambda b: (b, 0, 0)),
            pl.BlockSpec((F, G), lambda b: (0, 0)),
            pl.BlockSpec((F, G), lambda b: (0, 0)),
        ],
        out_specs=pl.BlockSpec((BB, 1, G), lambda b: (b, 0, 0)),
        out_shape=jax.ShapeDtypeStruct((B, 1, G), jnp.float32),
        compiler_params=pltpu.CompilerParams(
            dimension_semantics=("arbitrary",)),
    )(afw, abw, x, wf, wb)


def _tc_combine(partials, dsum, wsim_diag, wcls, bcls, n_nodes, n_feat):
    _, out_rows, _ = partials.shape
    N = n_nodes
    F = n_feat
    NPR = 128 // F
    G = wsim_diag.shape[-1] // NPR
    B = out_rows * NPR // N
    O = wcls.shape[-1]
    inv_n = 1.0 / N
    BB = 8
    RPB = N // NPR

    def body(p_ref, dsum_ref, wsim_ref, wcls_ref, b_ref, out_ref):
        agg = p_ref[0] + p_ref[1]
        sim = jnp.maximum(
            jnp.dot(agg, wsim_ref[...], preferred_element_type=jnp.float32),
            0.0)
        rows = []
        for b in range(BB):
            v = jnp.sum(sim[b * RPB:(b + 1) * RPB], axis=0)
            acc = v[0:G]
            for j in range(1, NPR):
                acc = acc + v[j * G:(j + 1) * G]
            rows.append(acc.reshape(1, G))
        sums = jnp.concatenate(rows, axis=0)
        tot = (sums + dsum_ref[:, 0, :]) * inv_n
        logits = jnp.dot(tot, wcls_ref[...],
                         preferred_element_type=jnp.float32) + b_ref[...]
        m = jnp.max(logits, axis=-1, keepdims=True)
        e = jnp.exp(logits - m)
        out_ref[...] = e / jnp.sum(e, axis=-1, keepdims=True)

    return pl.pallas_call(
        body,
        grid=(B // BB,),
        in_specs=[
            pl.BlockSpec((2, BB * RPB, 128), lambda b: (0, b, 0)),
            pl.BlockSpec((BB, 1, G), lambda b: (b, 0, 0)),
            pl.BlockSpec((128, NPR * G), lambda b: (0, 0)),
            pl.BlockSpec((G, O), lambda b: (0, 0)),
            pl.BlockSpec((1, O), lambda b: (0, 0)),
        ],
        out_specs=pl.BlockSpec((BB, O), lambda b: (b, 0)),
        out_shape=jax.ShapeDtypeStruct((B, O), jnp.float32),
        compiler_params=pltpu.CompilerParams(
            dimension_semantics=("arbitrary",)),
    )(partials, dsum, wsim_diag, wcls, bcls)


def kernel(true_batch_size, node_list, edge_index, fw_adj_matrix,
           bw_adj_matrix, W_sim, W_fw, W_bw, W_cls, b_cls):
    B, N, F = node_list.shape
    dsum = _tc_dense(fw_adj_matrix, bw_adj_matrix, node_list, W_fw, W_bw)
    E = edge_index.shape[1]
    nchunks = E // _EDGE_CHUNK
    eidx_il = (edge_index.reshape(2, nchunks, _EDGE_CHUNK)
               .transpose(1, 0, 2).reshape(2 * nchunks, _EDGE_CHUNK))
    nlT = jnp.transpose(node_list, (0, 2, 1))
    partials = _sc_scatter_partials(nlT, eidx_il)
    wsim_diag = jnp.kron(jnp.eye(128 // F, dtype=W_sim.dtype), W_sim)
    return _tc_combine(partials, dsum, wsim_diag, W_cls,
                       b_cls.reshape(1, -1), N, F)

# --- scband reference (transcript-rebuilt; emitter-appended) ---
"""Pipeline reference for scband-str-g-66632122630356 (READ-ONLY COPY).

The authoritative reference and input builder live on the scoring server;
editing this copy changes nothing except your own understanding.
"""

import jax, jax.numpy as jnp
import numpy as np

B, N, F, G, O = 64, 512, 16, 32, 16
E = B * N * 32

def setup_inputs(seed: int = 0) -> dict:
    key = jax.random.key(seed)
    ks = jax.random.split(key, 10)
    node_list = jax.random.normal(ks[0], (B, N, F), dtype=jnp.float32)
    edge_index = jax.random.randint(ks[1], (2, E), 0, B * N, dtype=jnp.int32)
    fw_adj_matrix = jax.random.uniform(ks[2], (B, N, N), dtype=jnp.float32) * (1.0 / N)
    bw_adj_matrix = jax.random.uniform(ks[3], (B, N, N), dtype=jnp.float32) * (1.0 / N)
    W_sim = jax.random.normal(ks[4], (F, G), dtype=jnp.float32) * 0.05
    W_fw = jax.random.normal(ks[5], (F, G), dtype=jnp.float32) * 0.05
    W_bw = jax.random.normal(ks[6], (F, G), dtype=jnp.float32) * 0.05
    W_cls = jax.random.normal(ks[7], (G, O), dtype=jnp.float32) * 0.05
    b_cls = jnp.zeros((O,), dtype=jnp.float32)
    return {"true_batch_size": 64, "node_list": node_list, "edge_index": edge_index,
            "fw_adj_matrix": fw_adj_matrix, "bw_adj_matrix": bw_adj_matrix,
            "W_sim": W_sim, "W_fw": W_fw, "W_bw": W_bw, "W_cls": W_cls, "b_cls": b_cls}

def reference(true_batch_size, node_list, edge_index, fw_adj_matrix, bw_adj_matrix,
              W_sim, W_fw, W_bw, W_cls, b_cls):
    b, n, f = node_list.shape
    # SimGCN: message passing over flat (batch*node) index space via edge_index
    flat = node_list.reshape(b * n, f)
    src = edge_index[0]
    dst = edge_index[1]
    msgs = flat[src]
    agg = jnp.zeros((b * n, f), dtype=flat.dtype).at[dst].add(msgs)
    sim_node_h = jax.nn.relu(agg @ W_sim).reshape(b, n, -1)
    # StGCN forward / backward: dense adjacency propagation
    fw_st_node_h = jax.nn.relu(jnp.einsum('bij,bjf->bif', fw_adj_matrix, node_list) @ W_fw)
    bw_st_node_h = jax.nn.relu(jnp.einsum('bij,bjf->bif', bw_adj_matrix, node_list) @ W_bw)
    st_node_h = fw_st_node_h + bw_st_node_h
    sum_node_h = sim_node_h + st_node_h
    out = jnp.mean(sum_node_h, axis=1)
    logits = out @ W_cls + b_cls
    return jax.nn.softmax(logits, axis=-1)

if __name__ == "__main__":
    import jax
    _d = setup_inputs()
    print(jax.jit(kernel)(*tuple(_d.values())))

</pallas_src>

<mosaic_0001>
#map = affine_map<(d0, d1) -> (0, 0, 0)>
#map1 = affine_map<(d0, d1) -> (0, 0)>
module attributes {stable_mosaic.version = 14 : i64} {
  func.func @k(%arg0: i32, %arg1: i32, %arg2: memref<64x16x512xf32, #tpu.memory_space<hbm>>, %arg3: memref<16384x128xi32, #tpu.memory_space<hbm>>, %arg4: memref<2x4096x128xf32, #tpu.memory_space<hbm>>, %arg5: memref<128x128xi32, #tpu.memory_space<vmem>>, %arg6: memref<16x128x16xf32, #tpu.memory_space<vmem>>, %arg7: memref<128x16xf32, #tpu.memory_space<vmem>>, %arg8: memref<128x16xf32, #tpu.memory_space<vmem>>, %arg9: memref<16x128xf32, #tpu.memory_space<vmem>>, %arg10: memref<16x512xf32, #tpu.memory_space<vmem>>, %arg11: memref<32768x16xf32, #tpu.memory_space<vmem_shared>>, %arg12: memref<32768x16xf32, #tpu.memory_space<vmem_shared>>, %arg13: memref<!tpu.dma_semaphore, #tpu.memory_space<semaphore_mem>>, %arg14: memref<!tpu.dma_semaphore, #tpu.memory_space<semaphore_mem>>) attributes {dimension_semantics = [#tpu.dimension_semantics<core_parallel>, #tpu.dimension_semantics<subcore_parallel>], iteration_bounds = array<i64: 2, 16>, scalar_prefetch = 0 : i64, scratch_operands = 10 : i64, tpu.core_type = #tpu.core_type<sc_vector_subcore>, window_params = [{transform_indices = #map}, {transform_indices = #map1}, {transform_indices = #map}]} {
    %mul3A = arith.constant 16 : i32
    %mul3A_0 = arith.muli %arg0, %mul3A : i32
    %add3A = arith.addi %mul3A_0, %arg1 : i32
    %scan3A = arith.constant 0 : i32
    %scan3A_1 = arith.constant 128 : i32
    %scan3A_2 = arith.addi %scan3A, %scan3A_1 : i32
    %scan3A_3 = arith.constant 1 : i32
    scf.for %scan3A_28 = %scan3A to %scan3A_2 step %scan3A_3  : i32 {
      %mul3A_29 = arith.constant 1 : i32
      %mul3A_30 = arith.muli %scan3A_28, %mul3A_29 : i32
      %add3A_31 = arith.constant 0 : i32
      %add3A_32 = arith.addi %add3A_31, %mul3A_30 : i32
      %broadcast_in_dim3A = arith.constant 0.000000e+00 : f32
      %broadcast_in_dim3A_33 = vector.broadcast %broadcast_in_dim3A : f32 to vector<16xf32>
      %swap3A = arith.index_cast %add3A_32 : i32 to index
      %swap3A_34 = arith.constant 0 : index
      %swap3A_35 = tpu.vector_load %arg7[%swap3A, %swap3A_34] {strides = array<i32>} : memref<128x16xf32, #tpu.memory_space<vmem>>, vector<16xf32>,
      tpu.vector_store %arg7[%swap3A, %swap3A_34], %broadcast_in_dim3A_33 {strides = array<i32>} : memref<128x16xf32, #tpu.memory_space<vmem>>, vector<16xf32>,
    }
    %scan3A_4 = arith.constant 128 : i32
    %mul3A_5 = arith.constant 2048 : i32
    %mul3A_6 = arith.muli %arg1, %mul3A_5 : i32
    %scan3A_7 = arith.constant 0 : i32
    %scan3A_8 = arith.constant 16 : i32
    %scan3A_9 = arith.addi %scan3A_7, %scan3A_8 : i32
    %scan3A_10 = arith.constant 1 : i32
    scf.for %scan3A_28 = %scan3A_7 to %scan3A_9 step %scan3A_10  : i32 {
      %mul3A_29 = arith.constant 1 : i32
      %mul3A_30 = arith.muli %scan3A_28, %mul3A_29 : i32
      %add3A_31 = arith.constant 0 : i32
      %add3A_32 = arith.addi %add3A_31, %mul3A_30 : i32
      %mul3A_33 = arith.constant 128 : i32
      %mul3A_34 = arith.muli %add3A_32, %mul3A_33 : i32
      %add3A_35 = arith.addi %mul3A_6, %mul3A_34 : i32
      "tpu.region"() ({
        %run_scoped3A = tpu.sem_alloc : memref<!tpu.dma_semaphore, #tpu.memory_space<semaphore_mem>>
        %dma_start3A = arith.constant 0 : i32
        %dma_start3A_36 = tpu.memref_slice %arg11[%add3A_35, %dma_start3A] : memref<32768x16xf32, #tpu.memory_space<vmem_shared>> -> memref<128x16xf32, #tpu.memory_space<vmem_shared>>
        %dma_start3A_37 = arith.constant 0 : i32
        %dma_start3A_38 = tpu.memref_slice %arg11[%add3A_35, %dma_start3A_37] : memref<32768x16xf32, #tpu.memory_space<vmem_shared>> -> memref<128x16xf32, #tpu.memory_space<vmem_shared>>
        tpu.enqueue_dma source(%arg7 : memref<128x16xf32, #tpu.memory_space<vmem>>) target(%dma_start3A_38 : memref<128x16xf32, #tpu.memory_space<vmem_shared>>) target_semaphore(%run_scoped3A : memref<!tpu.dma_semaphore, #tpu.memory_space<semaphore_mem>>)
        %dma_wait3A = arith.constant 0 : i32
        %dma_wait3A_39 = tpu.memref_slice %arg11[%add3A_35, %dma_wait3A] : memref<32768x16xf32, #tpu.memory_space<vmem_shared>> -> memref<128x16xf32, #tpu.memory_space<vmem_shared>>
        %dma_wait3A_40 = arith.constant 0 : i32
        %dma_wait3A_41 = tpu.memref_slice %arg11[%add3A_35, %dma_wait3A_40] : memref<32768x16xf32, #tpu.memory_space<vmem_shared>> -> memref<128x16xf32, #tpu.memory_space<vmem_shared>>
        tpu.wait_dma2 semaphore(%run_scoped3A : memref<!tpu.dma_semaphore, #tpu.memory_space<semaphore_mem>>) src(%arg7 : memref<128x16xf32, #tpu.memory_space<vmem>>) dst(%dma_wait3A_41 : memref<128x16xf32, #tpu.memory_space<vmem_shared>>)
        tpu.yield
      }) : () -> ()
    }
    %scan3A_11 = arith.constant 16 : i32
    %iota3A = tpu.iota {dimensions = array<i32: 0>} : vector<16xi32>
    %scan3A_12 = arith.constant 0 : i32
    %scan3A_13 = arith.constant 4 : i32
    %scan3A_14 = arith.addi %scan3A_12, %scan3A_13 : i32
    %scan3A_15 = arith.constant 1 : i32
    scf.for %scan3A_28 = %scan3A_12 to %scan3A_14 step %scan3A_15  : i32 {
      %mul3A_29 = arith.constant 1 : i32
      %mul3A_30 = arith.muli %scan3A_28, %mul3A_29 : i32
      %add3A_31 = arith.constant 0 : i32
      %add3A_32 = arith.addi %add3A_31, %mul3A_30 : i32
      %mul3A_33 = arith.constant 4 : i32
      %mul3A_34 = arith.muli %arg1, %mul3A_33 : i32
      %add3A_35 = arith.addi %mul3A_34, %add3A_32 : i32
      "tpu.region"() ({
        %run_scoped3A = tpu.sem_alloc : memref<!tpu.dma_semaphore, #tpu.memory_space<semaphore_mem>>
        %dma_start3A = arith.constant 0 : i32
        %dma_start3A_41 = arith.constant 0 : i32
        %dma_start3A_42 = tpu.memref_slice %arg2[%add3A_35, %dma_start3A, %dma_start3A_41] : memref<64x16x512xf32, #tpu.memory_space<hbm>> -> memref<1x16x512xf32, #tpu.memory_space<hbm>>
        %dma_start3A_43 = tpu.memref_squeeze %dma_start3A_42 : memref<1x16x512xf32, #tpu.memory_space<hbm>> -> memref<16x512xf32, #tpu.memory_space<hbm>>
        %dma_start3A_44 = arith.constant 0 : i32
        %dma_start3A_45 = arith.constant 0 : i32
        %dma_start3A_46 = tpu.memref_slice %arg2[%add3A_35, %dma_start3A_44, %dma_start3A_45] : memref<64x16x512xf32, #tpu.memory_space<hbm>> -> memref<1x16x512xf32, #tpu.memory_space<hbm>>
        %dma_start3A_47 = tpu.memref_squeeze %dma_start3A_46 : memref<1x16x512xf32, #tpu.memory_space<hbm>> -> memref<16x512xf32, #tpu.memory_space<hbm>>
        tpu.enqueue_dma source(%dma_start3A_47 : memref<16x512xf32, #tpu.memory_space<hbm>>) target(%arg10 : memref<16x512xf32, #tpu.memory_space<vmem>>) target_semaphore(%run_scoped3A : memref<!tpu.dma_semaphore, #tpu.memory_space<semaphore_mem>>)
        %dma_wait3A = arith.constant 0 : i32
        %dma_wait3A_48 = arith.constant 0 : i32
        %dma_wait3A_49 = tpu.memref_slice %arg2[%add3A_35, %dma_wait3A, %dma_wait3A_48] : memref<64x16x512xf32, #tpu.memory_space<hbm>> -> memref<1x16x512xf32, #tpu.memory_space<hbm>>
        %dma_wait3A_50 = tpu.memref_squeeze %dma_wait3A_49 : memref<1x16x512xf32, #tpu.memory_space<hbm>> -> memref<16x512xf32, #tpu.memory_space<hbm>>
        %dma_wait3A_51 = arith.constant 0 : i32
        %dma_wait3A_52 = arith.constant 0 : i32
        %dma_wait3A_53 = tpu.memref_slice %arg2[%add3A_35, %dma_wait3A_51, %dma_wait3A_52] : memref<64x16x512xf32, #tpu.memory_space<hbm>> -> memref<1x16x512xf32, #tpu.memory_space<hbm>>
        %dma_wait3A_54 = tpu.memref_squeeze %dma_wait3A_53 : memref<1x16x512xf32, #tpu.memory_space<hbm>> -> memref<16x512xf32, #tpu.memory_space<hbm>>
        tpu.wait_dma2 semaphore(%run_scoped3A : memref<!tpu.dma_semaphore, #tpu.memory_space<semaphore_mem>>) src(%dma_wait3A_54 : memref<16x512xf32, #tpu.memory_space<hbm>>) dst(%arg10 : memref<16x512xf32, #tpu.memory_space<vmem>>)
        tpu.yield
      }) : () -> ()
      %scan3A_36 = arith.constant 0 : i32
      %scan3A_37 = arith.constant 4 : i32
      %scan3A_38 = arith.addi %scan3A_36, %scan3A_37 : i32
      %scan3A_39 = arith.constant 1 : i32
      scf.for %scan3A_41 = %scan3A_36 to %scan3A_38 step %scan3A_39  : i32 {
        %mul3A_42 = arith.constant 1 : i32
        %mul3A_43 = arith.muli %scan3A_41, %mul3A_42 : i32
        %add3A_44 = arith.constant 0 : i32
        %add3A_45 = arith.addi %add3A_44, %mul3A_43 : i32
        %mul3A_46 = arith.constant 128 : i32
        %mul3A_47 = arith.muli %add3A_45, %mul3A_46 : i32
        %add3A_48 = arith.constant 0 : i32
        %add3A_49 = arith.addi %mul3A_47, %add3A_48 : i32
        %get3A = arith.constant 0 : i32
        %get3A_50 = arith.index_cast %get3A : i32 to index
        %get3A_51 = arith.index_cast %add3A_49 : i32 to index
        %get3A_52 = tpu.vector_load %arg10[%get3A_50, %get3A_51] {strides = array<i32>} : memref<16x512xf32, #tpu.memory_space<vmem>>, vector<16xf32>,
        %add3A_53 = arith.constant 0 : i32
        %add3A_54 = vector.broadcast %add3A_53 : i32 to vector<16xi32>
        %add3A_55 = arith.addi %add3A_54, %iota3A : vector<16xi32>
        %broadcast_in_dim3A = arith.constant 0 : i32
        %broadcast_in_dim3A_56 = vector.broadcast %broadcast_in_dim3A : i32 to vector<16xi32>
        tpu.vector_store_idx %arg8[%add3A_55, %broadcast_in_dim3A_56], %get3A_52 : memref<128x16xf32, #tpu.memory_space<vmem>>[vector<16xi32>, vector<16xi32>], vector<16xf32>,
        %mul3A_57 = arith.constant 128 : i32
        %mul3A_58 = arith.muli %add3A_45, %mul3A_57 : i32
        %add3A_59 = arith.constant 0 : i32
        %add3A_60 = arith.addi %mul3A_58, %add3A_59 : i32
        %get3A_61 = arith.constant 1 : i32
        %get3A_62 = arith.index_cast %get3A_61 : i32 to index
        %get3A_63 = arith.index_cast %add3A_60 : i32 to index
        %get3A_64 = tpu.vector_load %arg10[%get3A_62, %get3A_63] {strides = array<i32>} : memref<16x512xf32, #tpu.memory_space<vmem>>, vector<16xf32>,
        %add3A_65 = arith.constant 0 : i32
        %add3A_66 = vector.broadcast %add3A_65 : i32 to vector<16xi32>
        %add3A_67 = arith.addi %add3A_66, %iota3A : vector<16xi32>
        %broadcast_in_dim3A_68 = arith.constant 1 : i32
        %broadcast_in_dim3A_69 = vector.broadcast %broadcast_in_dim3A_68 : i32 to vector<16xi32>
        tpu.vector_store_idx %arg8[%add3A_67, %broadcast_in_dim3A_69], %get3A_64 : memref<128x16xf32, #tpu.memory_space<vmem>>[vector<16xi32>, vector<16xi32>], vector<16xf32>,
        %mul3A_70 = arith.constant 128 : i32
        %mul3A_71 = arith.muli %add3A_45, %mul3A_70 : i32
        %add3A_72 = arith.constant 0 : i32
        %add3A_73 = arith.addi %mul3A_71, %add3A_72 : i32
        %get3A_74 = arith.constant 2 : i32
        %get3A_75 = arith.index_cast %get3A_74 : i32 to index
        %get3A_76 = arith.index_cast %add3A_73 : i32 to index
        %get3A_77 = tpu.vector_load %arg10[%get3A_75, %get3A_76] {strides = array<i32>} : memref<16x512xf32, #tpu.memory_space<vmem>>, vector<16xf32>,
        %add3A_78 = arith.constant 0 : i32
        %add3A_79 = vector.broadcast %add3A_78 : i32 to vector<16xi32>
        %add3A_80 = arith.addi %add3A_79, %iota3A : vector<16xi32>
        %broadcast_in_dim3A_81 = arith.constant 2 : i32
        %broadcast_in_dim3A_82 = vector.broadcast %broadcast_in_dim3A_81 : i32 to vector<16xi32>
        tpu.vector_store_idx %arg8[%add3A_80, %broadcast_in_dim3A_82], %get3A_77 : memref<128x16xf32, #tpu.memory_space<vmem>>[vector<16xi32>, vector<16xi32>], vector<16xf32>,
        %mul3A_83 = arith.constant 128 : i32
        %mul3A_84 = arith.muli %add3A_45, %mul3A_83 : i32
        %add3A_85 = arith.constant 0 : i32
        %add3A_86 = arith.addi %mul3A_84, %add3A_85 : i32
        %get3A_87 = arith.constant 3 : i32
        %get3A_88 = arith.index_cast %get3A_87 : i32 to index
        %get3A_89 = arith.index_cast %add3A_86 : i32 to index
        %get3A_90 = tpu.vector_load %arg10[%get3A_88, %get3A_89] {strides = array<i32>} : memref<16x512xf32, #tpu.memory_space<vmem>>, vector<16xf32>,
        %add3A_91 = arith.constant 0 : i32
        %add3A_92 = vector.broadcast %add3A_91 : i32 to vector<16xi32>
        %add3A_93 = arith.addi %add3A_92, %iota3A : vector<16xi32>
        %broadcast_in_dim3A_94 = arith.constant 3 : i32
        %broadcast_in_dim3A_95 = vector.broadcast %broadcast_in_dim3A_94 : i32 to vector<16xi32>
        tpu.vector_store_idx %arg8[%add3A_93, %broadcast_in_dim3A_95], %get3A_90 : memref<128x16xf32, #tpu.memory_space<vmem>>[vector<16xi32>, vector<16xi32>], vector<16xf32>,
        %mul3A_96 = arith.constant 128 : i32
        %mul3A_97 = arith.muli %add3A_45, %mul3A_96 : i32
        %add3A_98 = arith.constant 0 : i32
        %add3A_99 = arith.addi %mul3A_97, %add3A_98 : i32
        %get3A_100 = arith.constant 4 : i32
        %get3A_101 = arith.index_cast %get3A_100 : i32 to index
        %get3A_102 = arith.index_cast %add3A_99 : i32 to index
        %get3A_103 = tpu.vector_load %arg10[%get3A_101, %get3A_102] {strides = array<i32>} : memref<16x512xf32, #tpu.memory_space<vmem>>, vector<16xf32>,
        %add3A_104 = arith.constant 0 : i32
        %add3A_105 = vector.broadcast %add3A_104 : i32 to vector<16xi32>
        %add3A_106 = arith.addi %add3A_105, %iota3A : vector<16xi32>
        %broadcast_in_dim3A_107 = arith.constant 4 : i32
        %broadcast_in_dim3A_108 = vector.broadcast %broadcast_in_dim3A_107 : i32 to vector<16xi32>
        tpu.vector_store_idx %arg8[%add3A_106, %broadcast_in_dim3A_108], %get3A_103 : memref<128x16xf32, #tpu.memory_space<vmem>>[vector<16xi32>, vector<16xi32>], vector<16xf32>,
        %mul3A_109 = arith.constant 128 : i32
        %mul3A_110 = arith.muli %add3A_45, %mul3A_109 : i32
        %add3A_111 = arith.constant 0 : i32
        %add3A_112 = arith.addi %mul3A_110, %add3A_111 : i32
        %get3A_113 = arith.constant 5 : i32
        %get3A_114 = arith.index_cast %get3A_113 : i32 to index
        %get3A_115 = arith.index_cast %add3A_112 : i32 to index
        %get3A_116 = tpu.vector_load %arg10[%get3A_114, %get3A_115] {strides = array<i32>} : memref<16x512xf32, #tpu.memory_space<vmem>>, vector<16xf32>,
        %add3A_117 = arith.constant 0 : i32
        %add3A_118 = vector.broadcast %add3A_117 : i32 to vector<16xi32>
        %add3A_119 = arith.addi %add3A_118, %iota3A : vector<16xi32>
        %broadcast_in_dim3A_120 = arith.constant 5 : i32
        %broadcast_in_dim3A_121 = vector.broadcast %broadcast_in_dim3A_120 : i32 to vector<16xi32>
        tpu.vector_store_idx %arg8[%add3A_119, %broadcast_in_dim3A_121], %get3A_116 : memref<128x16xf32, #tpu.memory_space<vmem>>[vector<16xi32>, vector<16xi32>], vector<16xf32>,
        %mul3A_122 = arith.constant 128 : i32
        %mul3A_123 = arith.muli %add3A_45, %mul3A_122 : i32
        %add3A_124 = arith.constant 0 : i32
        %add3A_125 = arith.addi %mul3A_123, %add3A_124 : i32
        %get3A_126 = arith.constant 6 : i32
        %get3A_127 = arith.index_cast %get3A_126 : i32 to index
        %get3A_128 = arith.index_cast %add3A_125 : i32 to index
        %get3A_129 = tpu.vector_load %arg10[%get3A_127, %get3A_128] {strides = array<i32>} : memref<16x512xf32, #tpu.memory_space<vmem>>, vector<16xf32>,
        %add3A_130 = arith.constant 0 : i32
        %add3A_131 = vector.broadcast %add3A_130 : i32 to vector<16xi32>
        %add3A_132 = arith.addi %add3A_131, %iota3A : vector<16xi32>
        %broadcast_in_dim3A_133 = arith.constant 6 : i32
        %broadcast_in_dim3A_134 = vector.broadcast %broadcast_in_dim3A_133 : i32 to vector<16xi32>
        tpu.vector_store_idx %arg8[%add3A_132, %broadcast_in_dim3A_134], %get3A_129 : memref<128x16xf32, #tpu.memory_space<vmem>>[vector<16xi32>, vector<16xi32>], vector<16xf32>,
        %mul3A_135 = arith.constant 128 : i32
        %mul3A_136 = arith.muli %add3A_45, %mul3A_135 : i32
        %add3A_137 = arith.constant 0 : i32
        %add3A_138 = arith.addi %mul3A_136, %add3A_137 : i32
        %get3A_139 = arith.constant 7 : i32
        %get3A_140 = arith.index_cast %get3A_139 : i32 to index
        %get3A_141 = arith.index_cast %add3A_138 : i32 to index
        %get3A_142 = tpu.vector_load %arg10[%get3A_140, %get3A_141] {strides = array<i32>} : memref<16x512xf32, #tpu.memory_space<vmem>>, vector<16xf32>,
        %add3A_143 = arith.constant 0 : i32
        %add3A_144 = vector.broadcast %add3A_143 : i32 to vector<16xi32>
        %add3A_145 = arith.addi %add3A_144, %iota3A : vector<16xi32>
        %broadcast_in_dim3A_146 = arith.constant 7 : i32
        %broadcast_in_dim3A_147 = vector.broadcast %broadcast_in_dim3A_146 : i32 to vector<16xi32>
        tpu.vector_store_idx %arg8[%add3A_145, %broadcast_in_dim3A_147], %get3A_142 : memref<128x16xf32, #tpu.memory_space<vmem>>[vector<16xi32>, vector<16xi32>], vector<16xf32>,
        %mul3A_148 = arith.constant 128 : i32
        %mul3A_149 = arith.muli %add3A_45, %mul3A_148 : i32
        %add3A_150 = arith.constant 0 : i32
        %add3A_151 = arith.addi %mul3A_149, %add3A_150 : i32
        %get3A_152 = arith.constant 8 : i32
        %get3A_153 = arith.index_cast %get3A_152 : i32 to index
        %get3A_154 = arith.index_cast %add3A_151 : i32 to index
        %get3A_155 = tpu.vector_load %arg10[%get3A_153, %get3A_154] {strides = array<i32>} : memref<16x512xf32, #tpu.memory_space<vmem>>, vector<16xf32>,
        %add3A_156 = arith.constant 0 : i32
        %add3A_157 = vector.broadcast %add3A_156 : i32 to vector<16xi32>
        %add3A_158 = arith.addi %add3A_157, %iota3A : vector<16xi32>
        %broadcast_in_dim3A_159 = arith.constant 8 : i32
        %broadcast_in_dim3A_160 = vector.broadcast %broadcast_in_dim3A_159 : i32 to vector<16xi32>
        tpu.vector_store_idx %arg8[%add3A_158, %broadcast_in_dim3A_160], %get3A_155 : memref<128x16xf32, #tpu.memory_space<vmem>>[vector<16xi32>, vector<16xi32>], vector<16xf32>,
        %mul3A_161 = arith.constant 128 : i32
        %mul3A_162 = arith.muli %add3A_45, %mul3A_161 : i32
        %add3A_163 = arith.constant 0 : i32
        %add3A_164 = arith.addi %mul3A_162, %add3A_163 : i32
        %get3A_165 = arith.constant 9 : i32
        %get3A_166 = arith.index_cast %get3A_165 : i32 to index
        %get3A_167 = arith.index_cast %add3A_164 : i32 to index
        %get3A_168 = tpu.vector_load %arg10[%get3A_166, %get3A_167] {strides = array<i32>} : memref<16x512xf32, #tpu.memory_space<vmem>>, vector<16xf32>,
        %add3A_169 = arith.constant 0 : i32
        %add3A_170 = vector.broadcast %add3A_169 : i32 to vector<16xi32>
        %add3A_171 = arith.addi %add3A_170, %iota3A : vector<16xi32>
        %broadcast_in_dim3A_172 = arith.constant 9 : i32
        %broadcast_in_dim3A_173 = vector.broadcast %broadcast_in_dim3A_172 : i32 to vector<16xi32>
        tpu.vector_store_idx %arg8[%add3A_171, %broadcast_in_dim3A_173], %get3A_168 : memref<128x16xf32, #tpu.memory_space<vmem>>[vector<16xi32>, vector<16xi32>], vector<16xf32>,
        %mul3A_174 = arith.constant 128 : i32
        %mul3A_175 = arith.muli %add3A_45, %mul3A_174 : i32
        %add3A_176 = arith.constant 0 : i32
        %add3A_177 = arith.addi %mul3A_175, %add3A_176 : i32
        %get3A_178 = arith.constant 10 : i32
        %get3A_179 = arith.index_cast %get3A_178 : i32 to index
        %get3A_180 = arith.index_cast %add3A_177 : i32 to index
        %get3A_181 = tpu.vector_load %arg10[%get3A_179, %get3A_180] {strides = array<i32>} : memref<16x512xf32, #tpu.memory_space<vmem>>, vector<16xf32>,
        %add3A_182 = arith.constant 0 : i32
        %add3A_183 = vector.broadcast %add3A_182 : i32 to vector<16xi32>
        %add3A_184 = arith.addi %add3A_183, %iota3A : vector<16xi32>
        %broadcast_in_dim3A_185 = arith.constant 10 : i32
        %broadcast_in_dim3A_186 = vector.broadcast %broadcast_in_dim3A_185 : i32 to vector<16xi32>
        tpu.vector_store_idx %arg8[%add3A_184, %broadcast_in_dim3A_186], %get3A_181 : memref<128x16xf32, #tpu.memory_space<vmem>>[vector<16xi32>, vector<16xi32>], vector<16xf32>,
        %mul3A_187 = arith.constant 128 : i32
        %mul3A_188 = arith.muli %add3A_45, %mul3A_187 : i32
        %add3A_189 = arith.constant 0 : i32
        %add3A_190 = arith.addi %mul3A_188, %add3A_189 : i32
        %get3A_191 = arith.constant 11 : i32
        %get3A_192 = arith.index_cast %get3A_191 : i32 to index
        %get3A_193 = arith.index_cast %add3A_190 : i32 to index
        %get3A_194 = tpu.vector_load %arg10[%get3A_192, %get3A_193] {strides = array<i32>} : memref<16x512xf32, #tpu.memory_space<vmem>>, vector<16xf32>,
        %add3A_195 = arith.constant 0 : i32
        %add3A_196 = vector.broadcast %add3A_195 : i32 to vector<16xi32>
        %add3A_197 = arith.addi %add3A_196, %iota3A : vector<16xi32>
        %broadcast_in_dim3A_198 = arith.constant 11 : i32
        %broadcast_in_dim3A_199 = vector.broadcast %broadcast_in_dim3A_198 : i32 to vector<16xi32>
        tpu.vector_store_idx %arg8[%add3A_197, %broadcast_in_dim3A_199], %get3A_194 : memref<128x16xf32, #tpu.memory_space<vmem>>[vector<16xi32>, vector<16xi32>], vector<16xf32>,
        %mul3A_200 = arith.constant 128 : i32
        %mul3A_201 = arith.muli %add3A_45, %mul3A_200 : i32
        %add3A_202 = arith.constant 0 : i32
        %add3A_203 = arith.addi %mul3A_201, %add3A_202 : i32
        %get3A_204 = arith.constant 12 : i32
        %get3A_205 = arith.index_cast %get3A_204 : i32 to index
        %get3A_206 = arith.index_cast %add3A_203 : i32 to index
        %get3A_207 = tpu.vector_load %arg10[%get3A_205, %get3A_206] {strides = array<i32>} : memref<16x512xf32, #tpu.memory_space<vmem>>, vector<16xf32>,
        %add3A_208 = arith.constant 0 : i32
        %add3A_209 = vector.broadcast %add3A_208 : i32 to vector<16xi32>
        %add3A_210 = arith.addi %add3A_209, %iota3A : vector<16xi32>
        %broadcast_in_dim3A_211 = arith.constant 12 : i32
        %broadcast_in_dim3A_212 = vector.broadcast %broadcast_in_dim3A_211 : i32 to vector<16xi32>
        tpu.vector_store_idx %arg8[%add3A_210, %broadcast_in_dim3A_212], %get3A_207 : memref<128x16xf32, #tpu.memory_space<vmem>>[vector<16xi32>, vector<16xi32>], vector<16xf32>,
        %mul3A_213 = arith.constant 128 : i32
        %mul3A_214 = arith.muli %add3A_45, %mul3A_213 : i32
        %add3A_215 = arith.constant 0 : i32
        %add3A_216 = arith.addi %mul3A_214, %add3A_215 : i32
        %get3A_217 = arith.constant 13 : i32
        %get3A_218 = arith.index_cast %get3A_217 : i32 to index
        %get3A_219 = arith.index_cast %add3A_216 : i32 to index
        %get3A_220 = tpu.vector_load %arg10[%get3A_218, %get3A_219] {strides = array<i32>} : memref<16x512xf32, #tpu.memory_space<vmem>>, vector<16xf32>,
        %add3A_221 = arith.constant 0 : i32
        %add3A_222 = vector.broadcast %add3A_221 : i32 to vector<16xi32>
        %add3A_223 = arith.addi %add3A_222, %iota3A : vector<16xi32>
        %broadcast_in_dim3A_224 = arith.constant 13 : i32
        %broadcast_in_dim3A_225 = vector.broadcast %broadcast_in_dim3A_224 : i32 to vector<16xi32>
        tpu.vector_store_idx %arg8[%add3A_223, %broadcast_in_dim3A_225], %get3A_220 : memref<128x16xf32, #tpu.memory_space<vmem>>[vector<16xi32>, vector<16xi32>], vector<16xf32>,
        %mul3A_226 = arith.constant 128 : i32
        %mul3A_227 = arith.muli %add3A_45, %mul3A_226 : i32
        %add3A_228 = arith.constant 0 : i32
        %add3A_229 = arith.addi %mul3A_227, %add3A_228 : i32
        %get3A_230 = arith.constant 14 : i32
        %get3A_231 = arith.index_cast %get3A_230 : i32 to index
        %get3A_232 = arith.index_cast %add3A_229 : i32 to index
        %get3A_233 = tpu.vector_load %arg10[%get3A_231, %get3A_232] {strides = array<i32>} : memref<16x512xf32, #tpu.memory_space<vmem>>, vector<16xf32>,
        %add3A_234 = arith.constant 0 : i32
        %add3A_235 = vector.broadcast %add3A_234 : i32 to vector<16xi32>
        %add3A_236 = arith.addi %add3A_235, %iota3A : vector<16xi32>
        %broadcast_in_dim3A_237 = arith.constant 14 : i32
        %broadcast_in_dim3A_238 = vector.broadcast %broadcast_in_dim3A_237 : i32 to vector<16xi32>
        tpu.vector_store_idx %arg8[%add3A_236, %broadcast_in_dim3A_238], %get3A_233 : memref<128x16xf32, #tpu.memory_space<vmem>>[vector<16xi32>, vector<16xi32>], vector<16xf32>,
        %mul3A_239 = arith.constant 128 : i32
        %mul3A_240 = arith.muli %add3A_45, %mul3A_239 : i32
        %add3A_241 = arith.constant 0 : i32
        %add3A_242 = arith.addi %mul3A_240, %add3A_241 : i32
        %get3A_243 = arith.constant 15 : i32
        %get3A_244 = arith.index_cast %get3A_243 : i32 to index
        %get3A_245 = arith.index_cast %add3A_242 : i32 to index
        %get3A_246 = tpu.vector_load %arg10[%get3A_244, %get3A_245] {strides = array<i32>} : memref<16x512xf32, #tpu.memory_space<vmem>>, vector<16xf32>,
        %add3A_247 = arith.constant 0 : i32
        %add3A_248 = vector.broadcast %add3A_247 : i32 to vector<16xi32>
        %add3A_249 = arith.addi %add3A_248, %iota3A : vector<16xi32>
        %broadcast_in_dim3A_250 = arith.constant 15 : i32
        %broadcast_in_dim3A_251 = vector.broadcast %broadcast_in_dim3A_250 : i32 to vector<16xi32>
        tpu.vector_store_idx %arg8[%add3A_249, %broadcast_in_dim3A_251], %get3A_246 : memref<128x16xf32, #tpu.memory_space<vmem>>[vector<16xi32>, vector<16xi32>], vector<16xf32>,
        %mul3A_252 = arith.constant 128 : i32
        %mul3A_253 = arith.muli %add3A_45, %mul3A_252 : i32
        %add3A_254 = arith.constant 16 : i32
        %add3A_255 = arith.addi %mul3A_253, %add3A_254 : i32
        %get3A_256 = arith.constant 0 : i32
        %get3A_257 = arith.index_cast %get3A_256 : i32 to index
        %get3A_258 = arith.index_cast %add3A_255 : i32 to index
        %get3A_259 = tpu.vector_load %arg10[%get3A_257, %get3A_258] {strides = array<i32>} : memref<16x512xf32, #tpu.memory_space<vmem>>, vector<16xf32>,
        %add3A_260 = arith.constant 16 : i32
        %add3A_261 = vector.broadcast %add3A_260 : i32 to vector<16xi32>
        %add3A_262 = arith.addi %add3A_261, %iota3A : vector<16xi32>
        %broadcast_in_dim3A_263 = arith.constant 0 : i32
        %broadcast_in_dim3A_264 = vector.broadcast %broadcast_in_dim3A_263 : i32 to vector<16xi32>
        tpu.vector_store_idx %arg8[%add3A_262, %broadcast_in_dim3A_264], %get3A_259 : memref<128x16xf32, #tpu.memory_space<vmem>>[vector<16xi32>, vector<16xi32>], vector<16xf32>,
        %mul3A_265 = arith.constant 128 : i32
        %mul3A_266 = arith.muli %add3A_45, %mul3A_265 : i32
        %add3A_267 = arith.constant 16 : i32
        %add3A_268 = arith.addi %mul3A_266, %add3A_267 : i32
        %get3A_269 = arith.constant 1 : i32
        %get3A_270 = arith.index_cast %get3A_269 : i32 to index
        %get3A_271 = arith.index_cast %add3A_268 : i32 to index
        %get3A_272 = tpu.vector_load %arg10[%get3A_270, %get3A_271] {strides = array<i32>} : memref<16x512xf32, #tpu.memory_space<vmem>>, vector<16xf32>,
        %add3A_273 = arith.constant 16 : i32
        %add3A_274 = vector.broadcast %add3A_273 : i32 to vector<16xi32>
        %add3A_275 = arith.addi %add3A_274, %iota3A : vector<16xi32>
        %broadcast_in_dim3A_276 = arith.constant 1 : i32
        %broadcast_in_dim3A_277 = vector.broadcast %broadcast_in_dim3A_276 : i32 to vector<16xi32>
        tpu.vector_store_idx %arg8[%add3A_275, %broadcast_in_dim3A_277], %get3A_272 : memref<128x16xf32, #tpu.memory_space<vmem>>[vector<16xi32>, vector<16xi32>], vector<16xf32>,
        %mul3A_278 = arith.constant 128 : i32
        %mul3A_279 = arith.muli %add3A_45, %mul3A_278 : i32
        %add3A_280 = arith.constant 16 : i32
        %add3A_281 = arith.addi %mul3A_279, %add3A_280 : i32
        %get3A_282 = arith.constant 2 : i32
        %get3A_283 = arith.index_cast %get3A_282 : i32 to index
        %get3A_284 = arith.index_cast %add3A_281 : i32 to index
        %get3A_285 = tpu.vector_load %arg10[%get3A_283, %get3A_284] {strides = array<i32>} : memref<16x512xf32, #tpu.memory_space<vmem>>, vector<16xf32>,
        %add3A_286 = arith.constant 16 : i32
        %add3A_287 = vector.broadcast %add3A_286 : i32 to vector<16xi32>
        %add3A_288 = arith.addi %add3A_287, %iota3A : vector<16xi32>
        %broadcast_in_dim3A_289 = arith.constant 2 : i32
        %broadcast_in_dim3A_290 = vector.broadcast %broadcast_in_dim3A_289 : i32 to vector<16xi32>
        tpu.vector_store_idx %arg8[%add3A_288, %broadcast_in_dim3A_290], %get3A_285 : memref<128x16xf32, #tpu.memory_space<vmem>>[vector<16xi32>, vector<16xi32>], vector<16xf32>,
        %mul3A_291 = arith.constant 128 : i32
        %mul3A_292 = arith.muli %add3A_45, %mul3A_291 : i32
        %add3A_293 = arith.constant 16 : i32
        %add3A_294 = arith.addi %mul3A_292, %add3A_293 : i32
        %get3A_295 = arith.constant 3 : i32
        %get3A_296 = arith.index_cast %get3A_295 : i32 to index
        %get3A_297 = arith.index_cast %add3A_294 : i32 to index
        %get3A_298 = tpu.vector_load %arg10[%get3A_296, %get3A_297] {strides = array<i32>} : memref<16x512xf32, #tpu.memory_space<vmem>>, vector<16xf32>,
        %add3A_299 = arith.constant 16 : i32
        %add3A_300 = vector.broadcast %add3A_299 : i32 to vector<16xi32>
        %add3A_301 = arith.addi %add3A_300, %iota3A : vector<16xi32>
        %broadcast_in_dim3A_302 = arith.constant 3 : i32
        %broadcast_in_dim3A_303 = vector.broadcast %broadcast_in_dim3A_302 : i32 to vector<16xi32>
        tpu.vector_store_idx %arg8[%add3A_301, %broadcast_in_dim3A_303], %get3A_298 : memref<128x16xf32, #tpu.memory_space<vmem>>[vector<16xi32>, vector<16xi32>], vector<16xf32>,
        %mul3A_304 = arith.constant 128 : i32
        %mul3A_305 = arith.muli %add3A_45, %mul3A_304 : i32
        %add3A_306 = arith.constant 16 : i32
        %add3A_307 = arith.addi %mul3A_305, %add3A_306 : i32
        %get3A_308 = arith.constant 4 : i32
        %get3A_309 = arith.index_cast %get3A_308 : i32 to index
        %get3A_310 = arith.index_cast %add3A_307 : i32 to index
        %get3A_311 = tpu.vector_load %arg10[%get3A_309, %get3A_310] {strides = array<i32>} : memref<16x512xf32, #tpu.memory_space<vmem>>, vector<16xf32>,
        %add3A_312 = arith.constant 16 : i32
        %add3A_313 = vector.broadcast %add3A_312 : i32 to vector<16xi32>
        %add3A_314 = arith.addi %add3A_313, %iota3A : vector<16xi32>
        %broadcast_in_dim3A_315 = arith.constant 4 : i32
        %broadcast_in_dim3A_316 = vector.broadcast %broadcast_in_dim3A_315 : i32 to vector<16xi32>
        tpu.vector_store_idx %arg8[%add3A_314, %broadcast_in_dim3A_316], %get3A_311 : memref<128x16xf32, #tpu.memory_space<vmem>>[vector<16xi32>, vector<16xi32>], vector<16xf32>,
        %mul3A_317 = arith.constant 128 : i32
        %mul3A_318 = arith.muli %add3A_45, %mul3A_317 : i32
        %add3A_319 = arith.constant 16 : i32
        %add3A_320 = arith.addi %mul3A_318, %add3A_319 : i32
        %get3A_321 = arith.constant 5 : i32
        %get3A_322 = arith.index_cast %get3A_321 : i32 to index
        %get3A_323 = arith.index_cast %add3A_320 : i32 to index
        %get3A_324 = tpu.vector_load %arg10[%get3A_322, %get3A_323] {strides = array<i32>} : memref<16x512xf32, #tpu.memory_space<vmem>>, vector<16xf32>,
        %add3A_325 = arith.constant 16 : i32
        %add3A_326 = vector.broadcast %add3A_325 : i32 to vector<16xi32>
        %add3A_327 = arith.addi %add3A_326, %iota3A : vector<16xi32>
        %broadcast_in_dim3A_328 = arith.constant 5 : i32
        %broadcast_in_dim3A_329 = vector.broadcast %broadcast_in_dim3A_328 : i32 to vector<16xi32>
        tpu.vector_store_idx %arg8[%add3A_327, %broadcast_in_dim3A_329], %get3A_324 : memref<128x16xf32, #tpu.memory_space<vmem>>[vector<16xi32>, vector<16xi32>], vector<16xf32>,
        %mul3A_330 = arith.constant 128 : i32
        %mul3A_331 = arith.muli %add3A_45, %mul3A_330 : i32
        %add3A_332 = arith.constant 16 : i32
        %add3A_333 = arith.addi %mul3A_331, %add3A_332 : i32
        %get3A_334 = arith.constant 6 : i32
        %get3A_335 = arith.index_cast %get3A_334 : i32 to index
        %get3A_336 = arith.index_cast %add3A_333 : i32 to index
        %get3A_337 = tpu.vector_load %arg10[%get3A_335, %get3A_336] {strides = array<i32>} : memref<16x512xf32, #tpu.memory_space<vmem>>, vector<16xf32>,
        %add3A_338 = arith.constant 16 : i32
        %add3A_339 = vector.broadcast %add3A_338 : i32 to vector<16xi32>
        %add3A_340 = arith.addi %add3A_339, %iota3A : vector<16xi32>
        %broadcast_in_dim3A_341 = arith.constant 6 : i32
        %broadcast_in_dim3A_342 = vector.broadcast %broadcast_in_dim3A_341 : i32 to vector<16xi32>
        tpu.vector_store_idx %arg8[%add3A_340, %broadcast_in_dim3A_342], %get3A_337 : memref<128x16xf32, #tpu.memory_space<vmem>>[vector<16xi32>, vector<16xi32>], vector<16xf32>,
        %mul3A_343 = arith.constant 128 : i32
        %mul3A_344 = arith.muli %add3A_45, %mul3A_343 : i32
        %add3A_345 = arith.constant 16 : i32
        %add3A_346 = arith.addi %mul3A_344, %add3A_345 : i32
        %get3A_347 = arith.constant 7 : i32
        %get3A_348 = arith.index_cast %get3A_347 : i32 to index
        %get3A_349 = arith.index_cast %add3A_346 : i32 to index
        %get3A_350 = tpu.vector_load %arg10[%get3A_348, %get3A_349] {strides = array<i32>} : memref<16x512xf32, #tpu.memory_space<vmem>>, vector<16xf32>,
        %add3A_351 = arith.constant 16 : i32
        %add3A_352 = vector.broadcast %add3A_351 : i32 to vector<16xi32>
        %add3A_353 = arith.addi %add3A_352, %iota3A : vector<16xi32>
        %broadcast_in_dim3A_354 = arith.constant 7 : i32
        %broadcast_in_dim3A_355 = vector.broadcast %broadcast_in_dim3A_354 : i32 to vector<16xi32>
        tpu.vector_store_idx %arg8[%add3A_353, %broadcast_in_dim3A_355], %get3A_350 : memref<128x16xf32, #tpu.memory_space<vmem>>[vector<16xi32>, vector<16xi32>], vector<16xf32>,
        %mul3A_356 = arith.constant 128 : i32
        %mul3A_357 = arith.muli %add3A_45, %mul3A_356 : i32
        %add3A_358 = arith.constant 16 : i32
        %add3A_359 = arith.addi %mul3A_357, %add3A_358 : i32
        %get3A_360 = arith.constant 8 : i32
        %get3A_361 = arith.index_cast %get3A_360 : i32 to index
        %get3A_362 = arith.index_cast %add3A_359 : i32 to index
        %get3A_363 = tpu.vector_load %arg10[%get3A_361, %get3A_362] {strides = array<i32>} : memref<16x512xf32, #tpu.memory_space<vmem>>, vector<16xf32>,
        %add3A_364 = arith.constant 16 : i32
        %add3A_365 = vector.broadcast %add3A_364 : i32 to vector<16xi32>
        %add3A_366 = arith.addi %add3A_365, %iota3A : vector<16xi32>
        %broadcast_in_dim3A_367 = arith.constant 8 : i32
        %broadcast_in_dim3A_368 = vector.broadcast %broadcast_in_dim3A_367 : i32 to vector<16xi32>
        tpu.vector_store_idx %arg8[%add3A_366, %broadcast_in_dim3A_368], %get3A_363 : memref<128x16xf32, #tpu.memory_space<vmem>>[vector<16xi32>, vector<16xi32>], vector<16xf32>,
        %mul3A_369 = arith.constant 128 : i32
        %mul3A_370 = arith.muli %add3A_45, %mul3A_369 : i32
        %add3A_371 = arith.constant 16 : i32
        %add3A_372 = arith.addi %mul3A_370, %add3A_371 : i32
        %get3A_373 = arith.constant 9 : i32
        %get3A_374 = arith.index_cast %get3A_373 : i32 to index
        %get3A_375 = arith.index_cast %add3A_372 : i32 to index
        %get3A_376 = tpu.vector_load %arg10[%get3A_374, %get3A_375] {strides = array<i32>} : memref<16x512xf32, #tpu.memory_space<vmem>>, vector<16xf32>,
        %add3A_377 = arith.constant 16 : i32
        %add3A_378 = vector.broadcast %add3A_377 : i32 to vector<16xi32>
        %add3A_379 = arith.addi %add3A_378, %iota3A : vector<16xi32>
        %broadcast_in_dim3A_380 = arith.constant 9 : i32
        %broadcast_in_dim3A_381 = vector.broadcast %broadcast_in_dim3A_380 : i32 to vector<16xi32>
        tpu.vector_store_idx %arg8[%add3A_379, %broadcast_in_dim3A_381], %get3A_376 : memref<128x16xf32, #tpu.memory_space<vmem>>[vector<16xi32>, vector<16xi32>], vector<16xf32>,
        %mul3A_382 = arith.constant 128 : i32
        %mul3A_383 = arith.muli %add3A_45, %mul3A_382 : i32
        %add3A_384 = arith.constant 16 : i32
        %add3A_385 = arith.addi %mul3A_383, %add3A_384 : i32
        %get3A_386 = arith.constant 10 : i32
        %get3A_387 = arith.index_cast %get3A_386 : i32 to index
        %get3A_388 = arith.index_cast %add3A_385 : i32 to index
        %get3A_389 = tpu.vector_load %arg10[%get3A_387, %get3A_388] {strides = array<i32>} : memref<16x512xf32, #tpu.memory_space<vmem>>, vector<16xf32>,
        %add3A_390 = arith.constant 16 : i32
        %add3A_391 = vector.broadcast %add3A_390 : i32 to vector<16xi32>
        %add3A_392 = arith.addi %add3A_391, %iota3A : vector<16xi32>
        %broadcast_in_dim3A_393 = arith.constant 10 : i32
        %broadcast_in_dim3A_394 = vector.broadcast %broadcast_in_dim3A_393 : i32 to vector<16xi32>
        tpu.vector_store_idx %arg8[%add3A_392, %broadcast_in_dim3A_394], %get3A_389 : memref<128x16xf32, #tpu.memory_space<vmem>>[vector<16xi32>, vector<16xi32>], vector<16xf32>,
        %mul3A_395 = arith.constant 128 : i32
        %mul3A_396 = arith.muli %add3A_45, %mul3A_395 : i32
        %add3A_397 = arith.constant 16 : i32
        %add3A_398 = arith.addi %mul3A_396, %add3A_397 : i32
        %get3A_399 = arith.constant 11 : i32
        %get3A_400 = arith.index_cast %get3A_399 : i32 to index
        %get3A_401 = arith.index_cast %add3A_398 : i32 to index
        %get3A_402 = tpu.vector_load %arg10[%get3A_400, %get3A_401] {strides = array<i32>} : memref<16x512xf32, #tpu.memory_space<vmem>>, vector<16xf32>,
        %add3A_403 = arith.constant 16 : i32
        %add3A_404 = vector.broadcast %add3A_403 : i32 to vector<16xi32>
        %add3A_405 = arith.addi %add3A_404, %iota3A : vector<16xi32>
        %broadcast_in_dim3A_406 = arith.constant 11 : i32
        %broadcast_in_dim3A_407 = vector.broadcast %broadcast_in_dim3A_406 : i32 to vector<16xi32>
        tpu.vector_store_idx %arg8[%add3A_405, %broadcast_in_dim3A_407], %get3A_402 : memref<128x16xf32, #tpu.memory_space<vmem>>[vector<16xi32>, vector<16xi32>], vector<16xf32>,
        %mul3A_408 = arith.constant 128 : i32
        %mul3A_409 = arith.muli %add3A_45, %mul3A_408 : i32
        %add3A_410 = arith.constant 16 : i32
        %add3A_411 = arith.addi %mul3A_409, %add3A_410 : i32
        %get3A_412 = arith.constant 12 : i32
        %get3A_413 = arith.index_cast %get3A_412 : i32 to index
        %get3A_414 = arith.index_cast %add3A_411 : i32 to index
        %get3A_415 = tpu.vector_load %arg10[%get3A_413, %get3A_414] {strides = array<i32>} : memref<16x512xf32, #tpu.memory_space<vmem>>, vector<16xf32>,
        %add3A_416 = arith.constant 16 : i32
        %add3A_417 = vector.broadcast %add3A_416 : i32 to vector<16xi32>
        %add3A_418 = arith.addi %add3A_417, %iota3A : vector<16xi32>
        %broadcast_in_dim3A_419 = arith.constant 12 : i32
        %broadcast_in_dim3A_420 = vector.broadcast %broadcast_in_dim3A_419 : i32 to vector<16xi32>
        tpu.vector_store_idx %arg8[%add3A_418, %broadcast_in_dim3A_420], %get3A_415 : memref<128x16xf32, #tpu.memory_space<vmem>>[vector<16xi32>, vector<16xi32>], vector<16xf32>,
        %mul3A_421 = arith.constant 128 : i32
        %mul3A_422 = arith.muli %add3A_45, %mul3A_421 : i32
        %add3A_423 = arith.constant 16 : i32
        %add3A_424 = arith.addi %mul3A_422, %add3A_423 : i32
        %get3A_425 = arith.constant 13 : i32
        %get3A_426 = arith.index_cast %get3A_425 : i32 to index
        %get3A_427 = arith.index_cast %add3A_424 : i32 to index
        %get3A_428 = tpu.vector_load %arg10[%get3A_426, %get3A_427] {strides = array<i32>} : memref<16x512xf32, #tpu.memory_space<vmem>>, vector<16xf32>,
        %add3A_429 = arith.constant 16 : i32
        %add3A_430 = vector.broadcast %add3A_429 : i32 to vector<16xi32>
        %add3A_431 = arith.addi %add3A_430, %iota3A : vector<16xi32>
        %broadcast_in_dim3A_432 = arith.constant 13 : i32
        %broadcast_in_dim3A_433 = vector.broadcast %broadcast_in_dim3A_432 : i32 to vector<16xi32>
        tpu.vector_store_idx %arg8[%add3A_431, %broadcast_in_dim3A_433], %get3A_428 : memref<128x16xf32, #tpu.memory_space<vmem>>[vector<16xi32>, vector<16xi32>], vector<16xf32>,
        %mul3A_434 = arith.constant 128 : i32
        %mul3A_435 = arith.muli %add3A_45, %mul3A_434 : i32
        %add3A_436 = arith.constant 16 : i32
        %add3A_437 = arith.addi %mul3A_435, %add3A_436 : i32
        %get3A_438 = arith.constant 14 : i32
        %get3A_439 = arith.index_cast %get3A_438 : i32 to index
        %get3A_440 = arith.index_cast %add3A_437 : i32 to index
        %get3A_441 = tpu.vector_load %arg10[%get3A_439, %get3A_440] {strides = array<i32>} : memref<16x512xf32, #tpu.memory_space<vmem>>, vector<16xf32>,
        %add3A_442 = arith.constant 16 : i32
        %add3A_443 = vector.broadcast %add3A_442 : i32 to vector<16xi32>
        %add3A_444 = arith.addi %add3A_443, %iota3A : vector<16xi32>
        %broadcast_in_dim3A_445 = arith.constant 14 : i32
        %broadcast_in_dim3A_446 = vector.broadcast %broadcast_in_dim3A_445 : i32 to vector<16xi32>
        tpu.vector_store_idx %arg8[%add3A_444, %broadcast_in_dim3A_446], %get3A_441 : memref<128x16xf32, #tpu.memory_space<vmem>>[vector<16xi32>, vector<16xi32>], vector<16xf32>,
        %mul3A_447 = arith.constant 128 : i32
        %mul3A_448 = arith.muli %add3A_45, %mul3A_447 : i32
        %add3A_449 = arith.constant 16 : i32
        %add3A_450 = arith.addi %mul3A_448, %add3A_449 : i32
        %get3A_451 = arith.constant 15 : i32
        %get3A_452 = arith.index_cast %get3A_451 : i32 to index
        %get3A_453 = arith.index_cast %add3A_450 : i32 to index
        %get3A_454 = tpu.vector_load %arg10[%get3A_452, %get3A_453] {strides = array<i32>} : memref<16x512xf32, #tpu.memory_space<vmem>>, vector<16xf32>,
        %add3A_455 = arith.constant 16 : i32
        %add3A_456 = vector.broadcast %add3A_455 : i32 to vector<16xi32>
        %add3A_457 = arith.addi %add3A_456, %iota3A : vector<16xi32>
        %broadcast_in_dim3A_458 = arith.constant 15 : i32
        %broadcast_in_dim3A_459 = vector.broadcast %broadcast_in_dim3A_458 : i32 to vector<16xi32>
        tpu.vector_store_idx %arg8[%add3A_457, %broadcast_in_dim3A_459], %get3A_454 : memref<128x16xf32, #tpu.memory_space<vmem>>[vector<16xi32>, vector<16xi32>], vector<16xf32>,
        %mul3A_460 = arith.constant 128 : i32
        %mul3A_461 = arith.muli %add3A_45, %mul3A_460 : i32
        %add3A_462 = arith.constant 32 : i32
        %add3A_463 = arith.addi %mul3A_461, %add3A_462 : i32
        %get3A_464 = arith.constant 0 : i32
        %get3A_465 = arith.index_cast %get3A_464 : i32 to index
        %get3A_466 = arith.index_cast %add3A_463 : i32 to index
        %get3A_467 = tpu.vector_load %arg10[%get3A_465, %get3A_466] {strides = array<i32>} : memref<16x512xf32, #tpu.memory_space<vmem>>, vector<16xf32>,
        %add3A_468 = arith.constant 32 : i32
        %add3A_469 = vector.broadcast %add3A_468 : i32 to vector<16xi32>
        %add3A_470 = arith.addi %add3A_469, %iota3A : vector<16xi32>
        %broadcast_in_dim3A_471 = arith.constant 0 : i32
        %broadcast_in_dim3A_472 = vector.broadcast %broadcast_in_dim3A_471 : i32 to vector<16xi32>
        tpu.vector_store_idx %arg8[%add3A_470, %broadcast_in_dim3A_472], %get3A_467 : memref<128x16xf32, #tpu.memory_space<vmem>>[vector<16xi32>, vector<16xi32>], vector<16xf32>,
        %mul3A_473 = arith.constant 128 : i32
        %mul3A_474 = arith.muli %add3A_45, %mul3A_473 : i32
        %add3A_475 = arith.constant 32 : i32
        %add3A_476 = arith.addi %mul3A_474, %add3A_475 : i32
        %get3A_477 = arith.constant 1 : i32
        %get3A_478 = arith.index_cast %get3A_477 : i32 to index
        %get3A_479 = arith.index_cast %add3A_476 : i32 to index
        %get3A_480 = tpu.vector_load %arg10[%get3A_478, %get3A_479] {strides = array<i32>} : memref<16x512xf32, #tpu.memory_space<vmem>>, vector<16xf32>,
        %add3A_481 = arith.constant 32 : i32
        %add3A_482 = vector.broadcast %add3A_481 : i32 to vector<16xi32>
        %add3A_483 = arith.addi %add3A_482, %iota3A : vector<16xi32>
        %broadcast_in_dim3A_484 = arith.constant 1 : i32
        %broadcast_in_dim3A_485 = vector.broadcast %broadcast_in_dim3A_484 : i32 to vector<16xi32>
        tpu.vector_store_idx %arg8[%add3A_483, %broadcast_in_dim3A_485], %get3A_480 : memref<128x16xf32, #tpu.memory_space<vmem>>[vector<16xi32>, vector<16xi32>], vector<16xf32>,
        %mul3A_486 = arith.constant 128 : i32
        %mul3A_487 = arith.muli %add3A_45, %mul3A_486 : i32
        %add3A_488 = arith.constant 32 : i32
        %add3A_489 = arith.addi %mul3A_487, %add3A_488 : i32
        %get3A_490 = arith.constant 2 : i32
        %get3A_491 = arith.index_cast %get3A_490 : i32 to index
        %get3A_492 = arith.index_cast %add3A_489 : i32 to index
        %get3A_493 = tpu.vector_load %arg10[%get3A_491, %get3A_492] {strides = array<i32>} : memref<16x512xf32, #tpu.memory_space<vmem>>, vector<16xf32>,
        %add3A_494 = arith.constant 32 : i32
        %add3A_495 = vector.broadcast %add3A_494 : i32 to vector<16xi32>
        %add3A_496 = arith.addi %add3A_495, %iota3A : vector<16xi32>
        %broadcast_in_dim3A_497 = arith.constant 2 : i32
        %broadcast_in_dim3A_498 = vector.broadcast %broadcast_in_dim3A_497 : i32 to vector<16xi32>
        tpu.vector_store_idx %arg8[%add3A_496, %broadcast_in_dim3A_498], %get3A_493 : memref<128x16xf32, #tpu.memory_space<vmem>>[vector<16xi32>, vector<16xi32>], vector<16xf32>,
        %mul3A_499 = arith.constant 128 : i32
        %mul3A_500 = arith.muli %add3A_45, %mul3A_499 : i32
        %add3A_501 = arith.constant 32 : i32
        %add3A_502 = arith.addi %mul3A_500, %add3A_501 : i32
        %get3A_503 = arith.constant 3 : i32
        %get3A_504 = arith.index_cast %get3A_503 : i32 to index
        %get3A_505 = arith.index_cast %add3A_502 : i32 to index
        %get3A_506 = tpu.vector_load %arg10[%get3A_504, %get3A_505] {strides = array<i32>} : memref<16x512xf32, #tpu.memory_space<vmem>>, vector<16xf32>,
        %add3A_507 = arith.constant 32 : i32
        %add3A_508 = vector.broadcast %add3A_507 : i32 to vector<16xi32>
        %add3A_509 = arith.addi %add3A_508, %iota3A : vector<16xi32>
        %broadcast_in_dim3A_510 = arith.constant 3 : i32
        %broadcast_in_dim3A_511 = vector.broadcast %broadcast_in_dim3A_510 : i32 to vector<16xi32>
        tpu.vector_store_idx %arg8[%add3A_509, %broadcast_in_dim3A_511], %get3A_506 : memref<128x16xf32, #tpu.memory_space<vmem>>[vector<16xi32>, vector<16xi32>], vector<16xf32>,
        %mul3A_512 = arith.constant 128 : i32
        %mul3A_513 = arith.muli %add3A_45, %mul3A_512 : i32
        %add3A_514 = arith.constant 32 : i32
        %add3A_515 = arith.addi %mul3A_513, %add3A_514 : i32
        %get3A_516 = arith.constant 4 : i32
        %get3A_517 = arith.index_cast %get3A_516 : i32 to index
        %get3A_518 = arith.index_cast %add3A_515 : i32 to index
        %get3A_519 = tpu.vector_load %arg10[%get3A_517, %get3A_518] {strides = array<i32>} : memref<16x512xf32, #tpu.memory_space<vmem>>, vector<16xf32>,
        %add3A_520 = arith.constant 32 : i32
        %add3A_521 = vector.broadcast %add3A_520 : i32 to vector<16xi32>
        %add3A_522 = arith.addi %add3A_521, %iota3A : vector<16xi32>
        %broadcast_in_dim3A_523 = arith.constant 4 : i32
        %broadcast_in_dim3A_524 = vector.broadcast %broadcast_in_dim3A_523 : i32 to vector<16xi32>
        tpu.vector_store_idx %arg8[%add3A_522, %broadcast_in_dim3A_524], %get3A_519 : memref<128x16xf32, #tpu.memory_space<vmem>>[vector<16xi32>, vector<16xi32>], vector<16xf32>,
        %mul3A_525 = arith.constant 128 : i32
        %mul3A_526 = arith.muli %add3A_45, %mul3A_525 : i32
        %add3A_527 = arith.constant 32 : i32
        %add3A_528 = arith.addi %mul3A_526, %add3A_527 : i32
        %get3A_529 = arith.constant 5 : i32
        %get3A_530 = arith.index_cast %get3A_529 : i32 to index
        %get3A_531 = arith.index_cast %add3A_528 : i32 to index
        %get3A_532 = tpu.vector_load %arg10[%get3A_530, %get3A_531] {strides = array<i32>} : memref<16x512xf32, #tpu.memory_space<vmem>>, vector<16xf32>,
        %add3A_533 = arith.constant 32 : i32
        %add3A_534 = vector.broadcast %add3A_533 : i32 to vector<16xi32>
        %add3A_535 = arith.addi %add3A_534, %iota3A : vector<16xi32>
        %broadcast_in_dim3A_536 = arith.constant 5 : i32
        %broadcast_in_dim3A_537 = vector.broadcast %broadcast_in_dim3A_536 : i32 to vector<16xi32>
        tpu.vector_store_idx %arg8[%add3A_535, %broadcast_in_dim3A_537], %get3A_532 : memref<128x16xf32, #tpu.memory_space<vmem>>[vector<16xi32>, vector<16xi32>], vector<16xf32>,
        %mul3A_538 = arith.constant 128 : i32
        %mul3A_539 = arith.muli %add3A_45, %mul3A_538 : i32
        %add3A_540 = arith.constant 32 : i32
        %add3A_541 = arith.addi %mul3A_539, %add3A_540 : i32
        %get3A_542 = arith.constant 6 : i32
        %get3A_543 = arith.index_cast %get3A_542 : i32 to index
        %get3A_544 = arith.index_cast %add3A_541 : i32 to index
        %get3A_545 = tpu.vector_load %arg10[%get3A_543, %get3A_544] {strides = array<i32>} : memref<16x512xf32, #tpu.memory_space<vmem>>, vector<16xf32>,
        %add3A_546 = arith.constant 32 : i32
        %add3A_547 = vector.broadcast %add3A_546 : i32 to vector<16xi32>
        %add3A_548 = arith.addi %add3A_547, %iota3A : vector<16xi32>
        %broadcast_in_dim3A_549 = arith.constant 6 : i32
        %broadcast_in_dim3A_550 = vector.broadcast %broadcast_in_dim3A_549 : i32 to vector<16xi32>
        tpu.vector_store_idx %arg8[%add3A_548, %broadcast_in_dim3A_550], %get3A_545 : memref<128x16xf32, #tpu.memory_space<vmem>>[vector<16xi32>, vector<16xi32>], vector<16xf32>,
        %mul3A_551 = arith.constant 128 : i32
        %mul3A_552 = arith.muli %add3A_45, %mul3A_551 : i32
        %add3A_553 = arith.constant 32 : i32
        %add3A_554 = arith.addi %mul3A_552, %add3A_553 : i32
        %get3A_555 = arith.constant 7 : i32
        %get3A_556 = arith.index_cast %get3A_555 : i32 to index
        %get3A_557 = arith.index_cast %add3A_554 : i32 to index
        %get3A_558 = tpu.vector_load %arg10[%get3A_556, %get3A_557] {strides = array<i32>} : memref<16x512xf32, #tpu.memory_space<vmem>>, vector<16xf32>,
        %add3A_559 = arith.constant 32 : i32
        %add3A_560 = vector.broadcast %add3A_559 : i32 to vector<16xi32>
        %add3A_561 = arith.addi %add3A_560, %iota3A : vector<16xi32>
        %broadcast_in_dim3A_562 = arith.constant 7 : i32
        %broadcast_in_dim3A_563 = vector.broadcast %broadcast_in_dim3A_562 : i32 to vector<16xi32>
        tpu.vector_store_idx %arg8[%add3A_561, %broadcast_in_dim3A_563], %get3A_558 : memref<128x16xf32, #tpu.memory_space<vmem>>[vector<16xi32>, vector<16xi32>], vector<16xf32>,
        %mul3A_564 = arith.constant 128 : i32
        %mul3A_565 = arith.muli %add3A_45, %mul3A_564 : i32
        %add3A_566 = arith.constant 32 : i32
        %add3A_567 = arith.addi %mul3A_565, %add3A_566 : i32
        %get3A_568 = arith.constant 8 : i32
        %get3A_569 = arith.index_cast %get3A_568 : i32 to index
        %get3A_570 = arith.index_cast %add3A_567 : i32 to index
        %get3A_571 = tpu.vector_load %arg10[%get3A_569, %get3A_570] {strides = array<i32>} : memref<16x512xf32, #tpu.memory_space<vmem>>, vector<16xf32>,
        %add3A_572 = arith.constant 32 : i32
        %add3A_573 = vector.broadcast %add3A_572 : i32 to vector<16xi32>
        %add3A_574 = arith.addi %add3A_573, %iota3A : vector<16xi32>
        %broadcast_in_dim3A_575 = arith.constant 8 : i32
        %broadcast_in_dim3A_576 = vector.broadcast %broadcast_in_dim3A_575 : i32 to vector<16xi32>
        tpu.vector_store_idx %arg8[%add3A_574, %broadcast_in_dim3A_576], %get3A_571 : memref<128x16xf32, #tpu.memory_space<vmem>>[vector<16xi32>, vector<16xi32>], vector<16xf32>,
        %mul3A_577 = arith.constant 128 : i32
        %mul3A_578 = arith.muli %add3A_45, %mul3A_577 : i32
        %add3A_579 = arith.constant 32 : i32
        %add3A_580 = arith.addi %mul3A_578, %add3A_579 : i32
        %get3A_581 = arith.constant 9 : i32
        %get3A_582 = arith.index_cast %get3A_581 : i32 to index
        %get3A_583 = arith.index_cast %add3A_580 : i32 to index
        %get3A_584 = tpu.vector_load %arg10[%get3A_582, %get3A_583] {strides = array<i32>} : memref<16x512xf32, #tpu.memory_space<vmem>>, vector<16xf32>,
        %add3A_585 = arith.constant 32 : i32
        %add3A_586 = vector.broadcast %add3A_585 : i32 to vector<16xi32>
        %add3A_587 = arith.addi %add3A_586, %iota3A : vector<16xi32>
        %broadcast_in_dim3A_588 = arith.constant 9 : i32
        %broadcast_in_dim3A_589 = vector.broadcast %broadcast_in_dim3A_588 : i32 to vector<16xi32>
        tpu.vector_store_idx %arg8[%add3A_587, %broadcast_in_dim3A_589], %get3A_584 : memref<128x16xf32, #tpu.memory_space<vmem>>[vector<16xi32>, vector<16xi32>], vector<16xf32>,
        %mul3A_590 = arith.constant 128 : i32
        %mul3A_591 = arith.muli %add3A_45, %mul3A_590 : i32
        %add3A_592 = arith.constant 32 : i32
        %add3A_593 = arith.addi %mul3A_591, %add3A_592 : i32
        %get3A_594 = arith.constant 10 : i32
        %get3A_595 = arith.index_cast %get3A_594 : i32 to index
        %get3A_596 = arith.index_cast %add3A_593 : i32 to index
        %get3A_597 = tpu.vector_load %arg10[%get3A_595, %get3A_596] {strides = array<i32>} : memref<16x512xf32, #tpu.memory_space<vmem>>, vector<16xf32>,
        %add3A_598 = arith.constant 32 : i32
        %add3A_599 = vector.broadcast %add3A_598 : i32 to vector<16xi32>
        %add3A_600 = arith.addi %add3A_599, %iota3A : vector<16xi32>
        %broadcast_in_dim3A_601 = arith.constant 10 : i32
        %broadcast_in_dim3A_602 = vector.broadcast %broadcast_in_dim3A_601 : i32 to vector<16xi32>
        tpu.vector_store_idx %arg8[%add3A_600, %broadcast_in_dim3A_602], %get3A_597 : memref<128x16xf32, #tpu.memory_space<vmem>>[vector<16xi32>, vector<16xi32>], vector<16xf32>,
        %mul3A_603 = arith.constant 128 : i32
        %mul3A_604 = arith.muli %add3A_45, %mul3A_603 : i32
        %add3A_605 = arith.constant 32 : i32
        %add3A_606 = arith.addi %mul3A_604, %add3A_605 : i32
        %get3A_607 = arith.constant 11 : i32
        %get3A_608 = arith.index_cast %get3A_607 : i32 to index
        %get3A_609 = arith.index_cast %add3A_606 : i32 to index
        %get3A_610 = tpu.vector_load %arg10[%get3A_608, %get3A_609] {strides = array<i32>} : memref<16x512xf32, #tpu.memory_space<vmem>>, vector<16xf32>,
        %add3A_611 = arith.constant 32 : i32
        %add3A_612 = vector.broadcast %add3A_611 : i32 to vector<16xi32>
        %add3A_613 = arith.addi %add3A_612, %iota3A : vector<16xi32>
        %broadcast_in_dim3A_614 = arith.constant 11 : i32
        %broadcast_in_dim3A_615 = vector.broadcast %broadcast_in_dim3A_614 : i32 to vector<16xi32>
        tpu.vector_store_idx %arg8[%add3A_613, %broadcast_in_dim3A_615], %get3A_610 : memref<128x16xf32, #tpu.memory_space<vmem>>[vector<16xi32>, vector<16xi32>], vector<16xf32>,
        %mul3A_616 = arith.constant 128 : i32
        %mul3A_617 = arith.muli %add3A_45, %mul3A_616 : i32
        %add3A_618 = arith.constant 32 : i32
        %add3A_619 = arith.addi %mul3A_617, %add3A_618 : i32
        %get3A_620 = arith.constant 12 : i32
        %get3A_621 = arith.index_cast %get3A_620 : i32 to index
        %get3A_622 = arith.index_cast %add3A_619 : i32 to index
        %get3A_623 = tpu.vector_load %arg10[%get3A_621, %get3A_622] {strides = array<i32>} : memref<16x512xf32, #tpu.memory_space<vmem>>, vector<16xf32>,
        %add3A_624 = arith.constant 32 : i32
        %add3A_625 = vector.broadcast %add3A_624 : i32 to vector<16xi32>
        %add3A_626 = arith.addi %add3A_625, %iota3A : vector<16xi32>
        %broadcast_in_dim3A_627 = arith.constant 12 : i32
        %broadcast_in_dim3A_628 = vector.broadcast %broadcast_in_dim3A_627 : i32 to vector<16xi32>
        tpu.vector_store_idx %arg8[%add3A_626, %broadcast_in_dim3A_628], %get3A_623 : memref<128x16xf32, #tpu.memory_space<vmem>>[vector<16xi32>, vector<16xi32>], vector<16xf32>,
        %mul3A_629 = arith.constant 128 : i32
        %mul3A_630 = arith.muli %add3A_45, %mul3A_629 : i32
        %add3A_631 = arith.constant 32 : i32
        %add3A_632 = arith.addi %mul3A_630, %add3A_631 : i32
        %get3A_633 = arith.constant 13 : i32
        %get3A_634 = arith.index_cast %get3A_633 : i32 to index
        %get3A_635 = arith.index_cast %add3A_632 : i32 to index
        %get3A_636 = tpu.vector_load %arg10[%get3A_634, %get3A_635] {strides = array<i32>} : memref<16x512xf32, #tpu.memory_space<vmem>>, vector<16xf32>,
        %add3A_637 = arith.constant 32 : i32
        %add3A_638 = vector.broadcast %add3A_637 : i32 to vector<16xi32>
        %add3A_639 = arith.addi %add3A_638, %iota3A : vector<16xi32>
        %broadcast_in_dim3A_640 = arith.constant 13 : i32
        %broadcast_in_dim3A_641 = vector.broadcast %broadcast_in_dim3A_640 : i32 to vector<16xi32>
        tpu.vector_store_idx %arg8[%add3A_639, %broadcast_in_dim3A_641], %get3A_636 : memref<128x16xf32, #tpu.memory_space<vmem>>[vector<16xi32>, vector<16xi32>], vector<16xf32>,
        %mul3A_642 = arith.constant 128 : i32
        %mul3A_643 = arith.muli %add3A_45, %mul3A_642 : i32
        %add3A_644 = arith.constant 32 : i32
        %add3A_645 = arith.addi %mul3A_643, %add3A_644 : i32
        %get3A_646 = arith.constant 14 : i32
        %get3A_647 = arith.index_cast %get3A_646 : i32 to index
        %get3A_648 = arith.index_cast %add3A_645 : i32 to index
        %get3A_649 = tpu.vector_load %arg10[%get3A_647, %get3A_648] {strides = array<i32>} : memref<16x512xf32, #tpu.memory_space<vmem>>, vector<16xf32>,
        %add3A_650 = arith.constant 32 : i32
        %add3A_651 = vector.broadcast %add3A_650 : i32 to vector<16xi32>
        %add3A_652 = arith.addi %add3A_651, %iota3A : vector<16xi32>
        %broadcast_in_dim3A_653 = arith.constant 14 : i32
        %broadcast_in_dim3A_654 = vector.broadcast %broadcast_in_dim3A_653 : i32 to vector<16xi32>
        tpu.vector_store_idx %arg8[%add3A_652, %broadcast_in_dim3A_654], %get3A_649 : memref<128x16xf32, #tpu.memory_space<vmem>>[vector<16xi32>, vector<16xi32>], vector<16xf32>,
        %mul3A_655 = arith.constant 128 : i32
        %mul3A_656 = arith.muli %add3A_45, %mul3A_655 : i32
        %add3A_657 = arith.constant 32 : i32
        %add3A_658 = arith.addi %mul3A_656, %add3A_657 : i32
        %get3A_659 = arith.constant 15 : i32
        %get3A_660 = arith.index_cast %get3A_659 : i32 to index
        %get3A_661 = arith.index_cast %add3A_658 : i32 to index
        %get3A_662 = tpu.vector_load %arg10[%get3A_660, %get3A_661] {strides = array<i32>} : memref<16x512xf32, #tpu.memory_space<vmem>>, vector<16xf32>,
        %add3A_663 = arith.constant 32 : i32
        %add3A_664 = vector.broadcast %add3A_663 : i32 to vector<16xi32>
        %add3A_665 = arith.addi %add3A_664, %iota3A : vector<16xi32>
        %broadcast_in_dim3A_666 = arith.constant 15 : i32
        %broadcast_in_dim3A_667 = vector.broadcast %broadcast_in_dim3A_666 : i32 to vector<16xi32>
        tpu.vector_store_idx %arg8[%add3A_665, %broadcast_in_dim3A_667], %get3A_662 : memref<128x16xf32, #tpu.memory_space<vmem>>[vector<16xi32>, vector<16xi32>], vector<16xf32>,
        %mul3A_668 = arith.constant 128 : i32
        %mul3A_669 = arith.muli %add3A_45, %mul3A_668 : i32
        %add3A_670 = arith.constant 48 : i32
        %add3A_671 = arith.addi %mul3A_669, %add3A_670 : i32
        %get3A_672 = arith.constant 0 : i32
        %get3A_673 = arith.index_cast %get3A_672 : i32 to index
        %get3A_674 = arith.index_cast %add3A_671 : i32 to index
        %get3A_675 = tpu.vector_load %arg10[%get3A_673, %get3A_674] {strides = array<i32>} : memref<16x512xf32, #tpu.memory_space<vmem>>, vector<16xf32>,
        %add3A_676 = arith.constant 48 : i32
        %add3A_677 = vector.broadcast %add3A_676 : i32 to vector<16xi32>
        %add3A_678 = arith.addi %add3A_677, %iota3A : vector<16xi32>
        %broadcast_in_dim3A_679 = arith.constant 0 : i32
        %broadcast_in_dim3A_680 = vector.broadcast %broadcast_in_dim3A_679 : i32 to vector<16xi32>
        tpu.vector_store_idx %arg8[%add3A_678, %broadcast_in_dim3A_680], %get3A_675 : memref<128x16xf32, #tpu.memory_space<vmem>>[vector<16xi32>, vector<16xi32>], vector<16xf32>,
        %mul3A_681 = arith.constant 128 : i32
        %mul3A_682 = arith.muli %add3A_45, %mul3A_681 : i32
        %add3A_683 = arith.constant 48 : i32
        %add3A_684 = arith.addi %mul3A_682, %add3A_683 : i32
        %get3A_685 = arith.constant 1 : i32
        %get3A_686 = arith.index_cast %get3A_685 : i32 to index
        %get3A_687 = arith.index_cast %add3A_684 : i32 to index
        %get3A_688 = tpu.vector_load %arg10[%get3A_686, %get3A_687] {strides = array<i32>} : memref<16x512xf32, #tpu.memory_space<vmem>>, vector<16xf32>,
        %add3A_689 = arith.constant 48 : i32
        %add3A_690 = vector.broadcast %add3A_689 : i32 to vector<16xi32>
        %add3A_691 = arith.addi %add3A_690, %iota3A : vector<16xi32>
        %broadcast_in_dim3A_692 = arith.constant 1 : i32
        %broadcast_in_dim3A_693 = vector.broadcast %broadcast_in_dim3A_692 : i32 to vector<16xi32>
        tpu.vector_store_idx %arg8[%add3A_691, %broadcast_in_dim3A_693], %get3A_688 : memref<128x16xf32, #tpu.memory_space<vmem>>[vector<16xi32>, vector<16xi32>], vector<16xf32>,
        %mul3A_694 = arith.constant 128 : i32
        %mul3A_695 = arith.muli %add3A_45, %mul3A_694 : i32
        %add3A_696 = arith.constant 48 : i32
        %add3A_697 = arith.addi %mul3A_695, %add3A_696 : i32
        %get3A_698 = arith.constant 2 : i32
        %get3A_699 = arith.index_cast %get3A_698 : i32 to index
        %get3A_700 = arith.index_cast %add3A_697 : i32 to index
        %get3A_701 = tpu.vector_load %arg10[%get3A_699, %get3A_700] {strides = array<i32>} : memref<16x512xf32, #tpu.memory_space<vmem>>, vector<16xf32>,
        %add3A_702 = arith.constant 48 : i32
        %add3A_703 = vector.broadcast %add3A_702 : i32 to vector<16xi32>
        %add3A_704 = arith.addi %add3A_703, %iota3A : vector<16xi32>
        %broadcast_in_dim3A_705 = arith.constant 2 : i32
        %broadcast_in_dim3A_706 = vector.broadcast %broadcast_in_dim3A_705 : i32 to vector<16xi32>
        tpu.vector_store_idx %arg8[%add3A_704, %broadcast_in_dim3A_706], %get3A_701 : memref<128x16xf32, #tpu.memory_space<vmem>>[vector<16xi32>, vector<16xi32>], vector<16xf32>,
        %mul3A_707 = arith.constant 128 : i32
        %mul3A_708 = arith.muli %add3A_45, %mul3A_707 : i32
        %add3A_709 = arith.constant 48 : i32
        %add3A_710 = arith.addi %mul3A_708, %add3A_709 : i32
        %get3A_711 = arith.constant 3 : i32
        %get3A_712 = arith.index_cast %get3A_711 : i32 to index
        %get3A_713 = arith.index_cast %add3A_710 : i32 to index
        %get3A_714 = tpu.vector_load %arg10[%get3A_712, %get3A_713] {strides = array<i32>} : memref<16x512xf32, #tpu.memory_space<vmem>>, vector<16xf32>,
        %add3A_715 = arith.constant 48 : i32
        %add3A_716 = vector.broadcast %add3A_715 : i32 to vector<16xi32>
        %add3A_717 = arith.addi %add3A_716, %iota3A : vector<16xi32>
        %broadcast_in_dim3A_718 = arith.constant 3 : i32
        %broadcast_in_dim3A_719 = vector.broadcast %broadcast_in_dim3A_718 : i32 to vector<16xi32>
        tpu.vector_store_idx %arg8[%add3A_717, %broadcast_in_dim3A_719], %get3A_714 : memref<128x16xf32, #tpu.memory_space<vmem>>[vector<16xi32>, vector<16xi32>], vector<16xf32>,
        %mul3A_720 = arith.constant 128 : i32
        %mul3A_721 = arith.muli %add3A_45, %mul3A_720 : i32
        %add3A_722 = arith.constant 48 : i32
        %add3A_723 = arith.addi %mul3A_721, %add3A_722 : i32
        %get3A_724 = arith.constant 4 : i32
        %get3A_725 = arith.index_cast %get3A_724 : i32 to index
        %get3A_726 = arith.index_cast %add3A_723 : i32 to index
        %get3A_727 = tpu.vector_load %arg10[%get3A_725, %get3A_726] {strides = array<i32>} : memref<16x512xf32, #tpu.memory_space<vmem>>, vector<16xf32>,
        %add3A_728 = arith.constant 48 : i32
        %add3A_729 = vector.broadcast %add3A_728 : i32 to vector<16xi32>
        %add3A_730 = arith.addi %add3A_729, %iota3A : vector<16xi32>
        %broadcast_in_dim3A_731 = arith.constant 4 : i32
        %broadcast_in_dim3A_732 = vector.broadcast %broadcast_in_dim3A_731 : i32 to vector<16xi32>
        tpu.vector_store_idx %arg8[%add3A_730, %broadcast_in_dim3A_732], %get3A_727 : memref<128x16xf32, #tpu.memory_space<vmem>>[vector<16xi32>, vector<16xi32>], vector<16xf32>,
        %mul3A_733 = arith.constant 128 : i32
        %mul3A_734 = arith.muli %add3A_45, %mul3A_733 : i32
        %add3A_735 = arith.constant 48 : i32
        %add3A_736 = arith.addi %mul3A_734, %add3A_735 : i32
        %get3A_737 = arith.constant 5 : i32
        %get3A_738 = arith.index_cast %get3A_737 : i32 to index
        %get3A_739 = arith.index_cast %add3A_736 : i32 to index
        %get3A_740 = tpu.vector_load %arg10[%get3A_738, %get3A_739] {strides = array<i32>} : memref<16x512xf32, #tpu.memory_space<vmem>>, vector<16xf32>,
        %add3A_741 = arith.constant 48 : i32
        %add3A_742 = vector.broadcast %add3A_741 : i32 to vector<16xi32>
        %add3A_743 = arith.addi %add3A_742, %iota3A : vector<16xi32>
        %broadcast_in_dim3A_744 = arith.constant 5 : i32
        %broadcast_in_dim3A_745 = vector.broadcast %broadcast_in_dim3A_744 : i32 to vector<16xi32>
        tpu.vector_store_idx %arg8[%add3A_743, %broadcast_in_dim3A_745], %get3A_740 : memref<128x16xf32, #tpu.memory_space<vmem>>[vector<16xi32>, vector<16xi32>], vector<16xf32>,
        %mul3A_746 = arith.constant 128 : i32
        %mul3A_747 = arith.muli %add3A_45, %mul3A_746 : i32
        %add3A_748 = arith.constant 48 : i32
        %add3A_749 = arith.addi %mul3A_747, %add3A_748 : i32
        %get3A_750 = arith.constant 6 : i32
        %get3A_751 = arith.index_cast %get3A_750 : i32 to index
        %get3A_752 = arith.index_cast %add3A_749 : i32 to index
        %get3A_753 = tpu.vector_load %arg10[%get3A_751, %get3A_752] {strides = array<i32>} : memref<16x512xf32, #tpu.memory_space<vmem>>, vector<16xf32>,
        %add3A_754 = arith.constant 48 : i32
        %add3A_755 = vector.broadcast %add3A_754 : i32 to vector<16xi32>
        %add3A_756 = arith.addi %add3A_755, %iota3A : vector<16xi32>
        %broadcast_in_dim3A_757 = arith.constant 6 : i32
        %broadcast_in_dim3A_758 = vector.broadcast %broadcast_in_dim3A_757 : i32 to vector<16xi32>
        tpu.vector_store_idx %arg8[%add3A_756, %broadcast_in_dim3A_758], %get3A_753 : memref<128x16xf32, #tpu.memory_space<vmem>>[vector<16xi32>, vector<16xi32>], vector<16xf32>,
        %mul3A_759 = arith.constant 128 : i32
        %mul3A_760 = arith.muli %add3A_45, %mul3A_759 : i32
        %add3A_761 = arith.constant 48 : i32
        %add3A_762 = arith.addi %mul3A_760, %add3A_761 : i32
        %get3A_763 = arith.constant 7 : i32
        %get3A_764 = arith.index_cast %get3A_763 : i32 to index
        %get3A_765 = arith.index_cast %add3A_762 : i32 to index
        %get3A_766 = tpu.vector_load %arg10[%get3A_764, %get3A_765] {strides = array<i32>} : memref<16x512xf32, #tpu.memory_space<vmem>>, vector<16xf32>,
        %add3A_767 = arith.constant 48 : i32
        %add3A_768 = vector.broadcast %add3A_767 : i32 to vector<16xi32>
        %add3A_769 = arith.addi %add3A_768, %iota3A : vector<16xi32>
        %broadcast_in_dim3A_770 = arith.constant 7 : i32
        %broadcast_in_dim3A_771 = vector.broadcast %broadcast_in_dim3A_770 : i32 to vector<16xi32>
        tpu.vector_store_idx %arg8[%add3A_769, %broadcast_in_dim3A_771], %get3A_766 : memref<128x16xf32, #tpu.memory_space<vmem>>[vector<16xi32>, vector<16xi32>], vector<16xf32>,
        %mul3A_772 = arith.constant 128 : i32
        %mul3A_773 = arith.muli %add3A_45, %mul3A_772 : i32
        %add3A_774 = arith.constant 48 : i32
        %add3A_775 = arith.addi %mul3A_773, %add3A_774 : i32
        %get3A_776 = arith.constant 8 : i32
        %get3A_777 = arith.index_cast %get3A_776 : i32 to index
        %get3A_778 = arith.index_cast %add3A_775 : i32 to index
        %get3A_779 = tpu.vector_load %arg10[%get3A_777, %get3A_778] {strides = array<i32>} : memref<16x512xf32, #tpu.memory_space<vmem>>, vector<16xf32>,
        %add3A_780 = arith.constant 48 : i32
        %add3A_781 = vector.broadcast %add3A_780 : i32 to vector<16xi32>
        %add3A_782 = arith.addi %add3A_781, %iota3A : vector<16xi32>
        %broadcast_in_dim3A_783 = arith.constant 8 : i32
        %broadcast_in_dim3A_784 = vector.broadcast %broadcast_in_dim3A_783 : i32 to vector<16xi32>
        tpu.vector_store_idx %arg8[%add3A_782, %broadcast_in_dim3A_784], %get3A_779 : memref<128x16xf32, #tpu.memory_space<vmem>>[vector<16xi32>, vector<16xi32>], vector<16xf32>,
        %mul3A_785 = arith.constant 128 : i32
        %mul3A_786 = arith.muli %add3A_45, %mul3A_785 : i32
        %add3A_787 = arith.constant 48 : i32
        %add3A_788 = arith.addi %mul3A_786, %add3A_787 : i32
        %get3A_789 = arith.constant 9 : i32
        %get3A_790 = arith.index_cast %get3A_789 : i32 to index
        %get3A_791 = arith.index_cast %add3A_788 : i32 to index
        %get3A_792 = tpu.vector_load %arg10[%get3A_790, %get3A_791] {strides = array<i32>} : memref<16x512xf32, #tpu.memory_space<vmem>>, vector<16xf32>,
        %add3A_793 = arith.constant 48 : i32
        %add3A_794 = vector.broadcast %add3A_793 : i32 to vector<16xi32>
        %add3A_795 = arith.addi %add3A_794, %iota3A : vector<16xi32>
        %broadcast_in_dim3A_796 = arith.constant 9 : i32
        %broadcast_in_dim3A_797 = vector.broadcast %broadcast_in_dim3A_796 : i32 to vector<16xi32>
        tpu.vector_store_idx %arg8[%add3A_795, %broadcast_in_dim3A_797], %get3A_792 : memref<128x16xf32, #tpu.memory_space<vmem>>[vector<16xi32>, vector<16xi32>], vector<16xf32>,
        %mul3A_798 = arith.constant 128 : i32
        %mul3A_799 = arith.muli %add3A_45, %mul3A_798 : i32
        %add3A_800 = arith.constant 48 : i32
        %add3A_801 = arith.addi %mul3A_799, %add3A_800 : i32
        %get3A_802 = arith.constant 10 : i32
        %get3A_803 = arith.index_cast %get3A_802 : i32 to index
        %get3A_804 = arith.index_cast %add3A_801 : i32 to index
        %get3A_805 = tpu.vector_load %arg10[%get3A_803, %get3A_804] {strides = array<i32>} : memref<16x512xf32, #tpu.memory_space<vmem>>, vector<16xf32>,
        %add3A_806 = arith.constant 48 : i32
        %add3A_807 = vector.broadcast %add3A_806 : i32 to vector<16xi32>
        %add3A_808 = arith.addi %add3A_807, %iota3A : vector<16xi32>
        %broadcast_in_dim3A_809 = arith.constant 10 : i32
        %broadcast_in_dim3A_810 = vector.broadcast %broadcast_in_dim3A_809 : i32 to vector<16xi32>
        tpu.vector_store_idx %arg8[%add3A_808, %broadcast_in_dim3A_810], %get3A_805 : memref<128x16xf32, #tpu.memory_space<vmem>>[vector<16xi32>, vector<16xi32>], vector<16xf32>,
        %mul3A_811 = arith.constant 128 : i32
        %mul3A_812 = arith.muli %add3A_45, %mul3A_811 : i32
        %add3A_813 = arith.constant 48 : i32
        %add3A_814 = arith.addi %mul3A_812, %add3A_813 : i32
        %get3A_815 = arith.constant 11 : i32
        %get3A_816 = arith.index_cast %get3A_815 : i32 to index
        %get3A_817 = arith.index_cast %add3A_814 : i32 to index
        %get3A_818 = tpu.vector_load %arg10[%get3A_816, %get3A_817] {strides = array<i32>} : memref<16x512xf32, #tpu.memory_space<vmem>>, vector<16xf32>,
        %add3A_819 = arith.constant 48 : i32
        %add3A_820 = vector.broadcast %add3A_819 : i32 to vector<16xi32>
        %add3A_821 = arith.addi %add3A_820, %iota3A : vector<16xi32>
        %broadcast_in_dim3A_822 = arith.constant 11 : i32
        %broadcast_in_dim3A_823 = vector.broadcast %broadcast_in_dim3A_822 : i32 to vector<16xi32>
        tpu.vector_store_idx %arg8[%add3A_821, %broadcast_in_dim3A_823], %get3A_818 : memref<128x16xf32, #tpu.memory_space<vmem>>[vector<16xi32>, vector<16xi32>], vector<16xf32>,
        %mul3A_824 = arith.constant 128 : i32
        %mul3A_825 = arith.muli %add3A_45, %mul3A_824 : i32
        %add3A_826 = arith.constant 48 : i32
        %add3A_827 = arith.addi %mul3A_825, %add3A_826 : i32
        %get3A_828 = arith.constant 12 : i32
        %get3A_829 = arith.index_cast %get3A_828 : i32 to index
        %get3A_830 = arith.index_cast %add3A_827 : i32 to index
        %get3A_831 = tpu.vector_load %arg10[%get3A_829, %get3A_830] {strides = array<i32>} : memref<16x512xf32, #tpu.memory_space<vmem>>, vector<16xf32>,
        %add3A_832 = arith.constant 48 : i32
        %add3A_833 = vector.broadcast %add3A_832 : i32 to vector<16xi32>
        %add3A_834 = arith.addi %add3A_833, %iota3A : vector<16xi32>
        %broadcast_in_dim3A_835 = arith.constant 12 : i32
        %broadcast_in_dim3A_836 = vector.broadcast %broadcast_in_dim3A_835 : i32 to vector<16xi32>
        tpu.vector_store_idx %arg8[%add3A_834, %broadcast_in_dim3A_836], %get3A_831 : memref<128x16xf32, #tpu.memory_space<vmem>>[vector<16xi32>, vector<16xi32>], vector<16xf32>,
        %mul3A_837 = arith.constant 128 : i32
        %mul3A_838 = arith.muli %add3A_45, %mul3A_837 : i32
        %add3A_839 = arith.constant 48 : i32
        %add3A_840 = arith.addi %mul3A_838, %add3A_839 : i32
        %get3A_841 = arith.constant 13 : i32
        %get3A_842 = arith.index_cast %get3A_841 : i32 to index
        %get3A_843 = arith.index_cast %add3A_840 : i32 to index
        %get3A_844 = tpu.vector_load %arg10[%get3A_842, %get3A_843] {strides = array<i32>} : memref<16x512xf32, #tpu.memory_space<vmem>>, vector<16xf32>,
        %add3A_845 = arith.constant 48 : i32
        %add3A_846 = vector.broadcast %add3A_845 : i32 to vector<16xi32>
        %add3A_847 = arith.addi %add3A_846, %iota3A : vector<16xi32>
        %broadcast_in_dim3A_848 = arith.constant 13 : i32
        %broadcast_in_dim3A_849 = vector.broadcast %broadcast_in_dim3A_848 : i32 to vector<16xi32>
        tpu.vector_store_idx %arg8[%add3A_847, %broadcast_in_dim3A_849], %get3A_844 : memref<128x16xf32, #tpu.memory_space<vmem>>[vector<16xi32>, vector<16xi32>], vector<16xf32>,
        %mul3A_850 = arith.constant 128 : i32
        %mul3A_851 = arith.muli %add3A_45, %mul3A_850 : i32
        %add3A_852 = arith.constant 48 : i32
        %add3A_853 = arith.addi %mul3A_851, %add3A_852 : i32
        %get3A_854 = arith.constant 14 : i32
        %get3A_855 = arith.index_cast %get3A_854 : i32 to index
        %get3A_856 = arith.index_cast %add3A_853 : i32 to index
        %get3A_857 = tpu.vector_load %arg10[%get3A_855, %get3A_856] {strides = array<i32>} : memref<16x512xf32, #tpu.memory_space<vmem>>, vector<16xf32>,
        %add3A_858 = arith.constant 48 : i32
        %add3A_859 = vector.broadcast %add3A_858 : i32 to vector<16xi32>
        %add3A_860 = arith.addi %add3A_859, %iota3A : vector<16xi32>
        %broadcast_in_dim3A_861 = arith.constant 14 : i32
        %broadcast_in_dim3A_862 = vector.broadcast %broadcast_in_dim3A_861 : i32 to vector<16xi32>
        tpu.vector_store_idx %arg8[%add3A_860, %broadcast_in_dim3A_862], %get3A_857 : memref<128x16xf32, #tpu.memory_space<vmem>>[vector<16xi32>, vector<16xi32>], vector<16xf32>,
        %mul3A_863 = arith.constant 128 : i32
        %mul3A_864 = arith.muli %add3A_45, %mul3A_863 : i32
        %add3A_865 = arith.constant 48 : i32
        %add3A_866 = arith.addi %mul3A_864, %add3A_865 : i32
        %get3A_867 = arith.constant 15 : i32
        %get3A_868 = arith.index_cast %get3A_867 : i32 to index
        %get3A_869 = arith.index_cast %add3A_866 : i32 to index
        %get3A_870 = tpu.vector_load %arg10[%get3A_868, %get3A_869] {strides = array<i32>} : memref<16x512xf32, #tpu.memory_space<vmem>>, vector<16xf32>,
        %add3A_871 = arith.constant 48 : i32
        %add3A_872 = vector.broadcast %add3A_871 : i32 to vector<16xi32>
        %add3A_873 = arith.addi %add3A_872, %iota3A : vector<16xi32>
        %broadcast_in_dim3A_874 = arith.constant 15 : i32
        %broadcast_in_dim3A_875 = vector.broadcast %broadcast_in_dim3A_874 : i32 to vector<16xi32>
        tpu.vector_store_idx %arg8[%add3A_873, %broadcast_in_dim3A_875], %get3A_870 : memref<128x16xf32, #tpu.memory_space<vmem>>[vector<16xi32>, vector<16xi32>], vector<16xf32>,
        %mul3A_876 = arith.constant 128 : i32
        %mul3A_877 = arith.muli %add3A_45, %mul3A_876 : i32
        %add3A_878 = arith.constant 64 : i32
        %add3A_879 = arith.addi %mul3A_877, %add3A_878 : i32
        %get3A_880 = arith.constant 0 : i32
        %get3A_881 = arith.index_cast %get3A_880 : i32 to index
        %get3A_882 = arith.index_cast %add3A_879 : i32 to index
        %get3A_883 = tpu.vector_load %arg10[%get3A_881, %get3A_882] {strides = array<i32>} : memref<16x512xf32, #tpu.memory_space<vmem>>, vector<16xf32>,
        %add3A_884 = arith.constant 64 : i32
        %add3A_885 = vector.broadcast %add3A_884 : i32 to vector<16xi32>
        %add3A_886 = arith.addi %add3A_885, %iota3A : vector<16xi32>
        %broadcast_in_dim3A_887 = arith.constant 0 : i32
        %broadcast_in_dim3A_888 = vector.broadcast %broadcast_in_dim3A_887 : i32 to vector<16xi32>
        tpu.vector_store_idx %arg8[%add3A_886, %broadcast_in_dim3A_888], %get3A_883 : memref<128x16xf32, #tpu.memory_space<vmem>>[vector<16xi32>, vector<16xi32>], vector<16xf32>,
        %mul3A_889 = arith.constant 128 : i32
        %mul3A_890 = arith.muli %add3A_45, %mul3A_889 : i32
        %add3A_891 = arith.constant 64 : i32
        %add3A_892 = arith.addi %mul3A_890, %add3A_891 : i32
        %get3A_893 = arith.constant 1 : i32
        %get3A_894 = arith.index_cast %get3A_893 : i32 to index
        %get3A_895 = arith.index_cast %add3A_892 : i32 to index
        %get3A_896 = tpu.vector_load %arg10[%get3A_894, %get3A_895] {strides = array<i32>} : memref<16x512xf32, #tpu.memory_space<vmem>>, vector<16xf32>,
        %add3A_897 = arith.constant 64 : i32
        %add3A_898 = vector.broadcast %add3A_897 : i32 to vector<16xi32>
        %add3A_899 = arith.addi %add3A_898, %iota3A : vector<16xi32>
        %broadcast_in_dim3A_900 = arith.constant 1 : i32
        %broadcast_in_dim3A_901 = vector.broadcast %broadcast_in_dim3A_900 : i32 to vector<16xi32>
        tpu.vector_store_idx %arg8[%add3A_899, %broadcast_in_dim3A_901], %get3A_896 : memref<128x16xf32, #tpu.memory_space<vmem>>[vector<16xi32>, vector<16xi32>], vector<16xf32>,
        %mul3A_902 = arith.constant 128 : i32
        %mul3A_903 = arith.muli %add3A_45, %mul3A_902 : i32
        %add3A_904 = arith.constant 64 : i32
        %add3A_905 = arith.addi %mul3A_903, %add3A_904 : i32
        %get3A_906 = arith.constant 2 : i32
        %get3A_907 = arith.index_cast %get3A_906 : i32 to index
        %get3A_908 = arith.index_cast %add3A_905 : i32 to index
        %get3A_909 = tpu.vector_load %arg10[%get3A_907, %get3A_908] {strides = array<i32>} : memref<16x512xf32, #tpu.memory_space<vmem>>, vector<16xf32>,
        %add3A_910 = arith.constant 64 : i32
        %add3A_911 = vector.broadcast %add3A_910 : i32 to vector<16xi32>
        %add3A_912 = arith.addi %add3A_911, %iota3A : vector<16xi32>
        %broadcast_in_dim3A_913 = arith.constant 2 : i32
        %broadcast_in_dim3A_914 = vector.broadcast %broadcast_in_dim3A_913 : i32 to vector<16xi32>
        tpu.vector_store_idx %arg8[%add3A_912, %broadcast_in_dim3A_914], %get3A_909 : memref<128x16xf32, #tpu.memory_space<vmem>>[vector<16xi32>, vector<16xi32>], vector<16xf32>,
        %mul3A_915 = arith.constant 128 : i32
        %mul3A_916 = arith.muli %add3A_45, %mul3A_915 : i32
        %add3A_917 = arith.constant 64 : i32
        %add3A_918 = arith.addi %mul3A_916, %add3A_917 : i32
        %get3A_919 = arith.constant 3 : i32
        %get3A_920 = arith.index_cast %get3A_919 : i32 to index
        %get3A_921 = arith.index_cast %add3A_918 : i32 to index
        %get3A_922 = tpu.vector_load %arg10[%get3A_920, %get3A_921] {strides = array<i32>} : memref<16x512xf32, #tpu.memory_space<vmem>>, vector<16xf32>,
        %add3A_923 = arith.constant 64 : i32
        %add3A_924 = vector.broadcast %add3A_923 : i32 to vector<16xi32>
        %add3A_925 = arith.addi %add3A_924, %iota3A : vector<16xi32>
        %broadcast_in_dim3A_926 = arith.constant 3 : i32
        %broadcast_in_dim3A_927 = vector.broadcast %broadcast_in_dim3A_926 : i32 to vector<16xi32>
        tpu.vector_store_idx %arg8[%add3A_925, %broadcast_in_dim3A_927], %get3A_922 : memref<128x16xf32, #tpu.memory_space<vmem>>[vector<16xi32>, vector<16xi32>], vector<16xf32>,
        %mul3A_928 = arith.constant 128 : i32
        %mul3A_929 = arith.muli %add3A_45, %mul3A_928 : i32
        %add3A_930 = arith.constant 64 : i32
        %add3A_931 = arith.addi %mul3A_929, %add3A_930 : i32
        %get3A_932 = arith.constant 4 : i32
        %get3A_933 = arith.index_cast %get3A_932 : i32 to index
        %get3A_934 = arith.index_cast %add3A_931 : i32 to index
        %get3A_935 = tpu.vector_load %arg10[%get3A_933, %get3A_934] {strides = array<i32>} : memref<16x512xf32, #tpu.memory_space<vmem>>, vector<16xf32>,
        %add3A_936 = arith.constant 64 : i32
        %add3A_937 = vector.broadcast %add3A_936 : i32 to vector<16xi32>
        %add3A_938 = arith.addi %add3A_937, %iota3A : vector<16xi32>
        %broadcast_in_dim3A_939 = arith.constant 4 : i32
        %broadcast_in_dim3A_940 = vector.broadcast %broadcast_in_dim3A_939 : i32 to vector<16xi32>
        tpu.vector_store_idx %arg8[%add3A_938, %broadcast_in_dim3A_940], %get3A_935 : memref<128x16xf32, #tpu.memory_space<vmem>>[vector<16xi32>, vector<16xi32>], vector<16xf32>,
        %mul3A_941 = arith.constant 128 : i32
        %mul3A_942 = arith.muli %add3A_45, %mul3A_941 : i32
        %add3A_943 = arith.constant 64 : i32
        %add3A_944 = arith.addi %mul3A_942, %add3A_943 : i32
        %get3A_945 = arith.constant 5 : i32
        %get3A_946 = arith.index_cast %get3A_945 : i32 to index
        %get3A_947 = arith.index_cast %add3A_944 : i32 to index
        %get3A_948 = tpu.vector_load %arg10[%get3A_946, %get3A_947] {strides = array<i32>} : memref<16x512xf32, #tpu.memory_space<vmem>>, vector<16xf32>,
        %add3A_949 = arith.constant 64 : i32
        %add3A_950 = vector.broadcast %add3A_949 : i32 to vector<16xi32>
        %add3A_951 = arith.addi %add3A_950, %iota3A : vector<16xi32>
        %broadcast_in_dim3A_952 = arith.constant 5 : i32
        %broadcast_in_dim3A_953 = vector.broadcast %broadcast_in_dim3A_952 : i32 to vector<16xi32>
        tpu.vector_store_idx %arg8[%add3A_951, %broadcast_in_dim3A_953], %get3A_948 : memref<128x16xf32, #tpu.memory_space<vmem>>[vector<16xi32>, vector<16xi32>], vector<16xf32>,
        %mul3A_954 = arith.constant 128 : i32
        %mul3A_955 = arith.muli %add3A_45, %mul3A_954 : i32
        %add3A_956 = arith.constant 64 : i32
        %add3A_957 = arith.addi %mul3A_955, %add3A_956 : i32
        %get3A_958 = arith.constant 6 : i32
        %get3A_959 = arith.index_cast %get3A_958 : i32 to index
        %get3A_960 = arith.index_cast %add3A_957 : i32 to index
        %get3A_961 = tpu.vector_load %arg10[%get3A_959, %get3A_960] {strides = array<i32>} : memref<16x512xf32, #tpu.memory_space<vmem>>, vector<16xf32>,
        %add3A_962 = arith.constant 64 : i32
        %add3A_963 = vector.broadcast %add3A_962 : i32 to vector<16xi32>
        %add3A_964 = arith.addi %add3A_963, %iota3A : vector<16xi32>
        %broadcast_in_dim3A_965 = arith.constant 6 : i32
        %broadcast_in_dim3A_966 = vector.broadcast %broadcast_in_dim3A_965 : i32 to vector<16xi32>
        tpu.vector_store_idx %arg8[%add3A_964, %broadcast_in_dim3A_966], %get3A_961 : memref<128x16xf32, #tpu.memory_space<vmem>>[vector<16xi32>, vector<16xi32>], vector<16xf32>,
        %mul3A_967 = arith.constant 128 : i32
        %mul3A_968 = arith.muli %add3A_45, %mul3A_967 : i32
        %add3A_969 = arith.constant 64 : i32
        %add3A_970 = arith.addi %mul3A_968, %add3A_969 : i32
        %get3A_971 = arith.constant 7 : i32
        %get3A_972 = arith.index_cast %get3A_971 : i32 to index
        %get3A_973 = arith.index_cast %add3A_970 : i32 to index
        %get3A_974 = tpu.vector_load %arg10[%get3A_972, %get3A_973] {strides = array<i32>} : memref<16x512xf32, #tpu.memory_space<vmem>>, vector<16xf32>,
        %add3A_975 = arith.constant 64 : i32
        %add3A_976 = vector.broadcast %add3A_975 : i32 to vector<16xi32>
        %add3A_977 = arith.addi %add3A_976, %iota3A : vector<16xi32>
        %broadcast_in_dim3A_978 = arith.constant 7 : i32
        %broadcast_in_dim3A_979 = vector.broadcast %broadcast_in_dim3A_978 : i32 to vector<16xi32>
        tpu.vector_store_idx %arg8[%add3A_977, %broadcast_in_dim3A_979], %get3A_974 : memref<128x16xf32, #tpu.memory_space<vmem>>[vector<16xi32>, vector<16xi32>], vector<16xf32>,
        %mul3A_980 = arith.constant 128 : i32
        %mul3A_981 = arith.muli %add3A_45, %mul3A_980 : i32
        %add3A_982 = arith.constant 64 : i32
        %add3A_983 = arith.addi %mul3A_981, %add3A_982 : i32
        %get3A_984 = arith.constant 8 : i32
        %get3A_985 = arith.index_cast %get3A_984 : i32 to index
        %get3A_986 = arith.index_cast %add3A_983 : i32 to index
        %get3A_987 = tpu.vector_load %arg10[%get3A_985, %get3A_986] {strides = array<i32>} : memref<16x512xf32, #tpu.memory_space<vmem>>, vector<16xf32>,
        %add3A_988 = arith.constant 64 : i32
        %add3A_989 = vector.broadcast %add3A_988 : i32 to vector<16xi32>
        %add3A_990 = arith.addi %add3A_989, %iota3A : vector<16xi32>
        %broadcast_in_dim3A_991 = arith.constant 8 : i32
        %broadcast_in_dim3A_992 = vector.broadcast %broadcast_in_dim3A_991 : i32 to vector<16xi32>
        tpu.vector_store_idx %arg8[%add3A_990, %broadcast_in_dim3A_992], %get3A_987 : memref<128x16xf32, #tpu.memory_space<vmem>>[vector<16xi32>, vector<16xi32>], vector<16xf32>,
        %mul3A_993 = arith.constant 128 : i32
        %mul3A_994 = arith.muli %add3A_45, %mul3A_993 : i32
        %add3A_995 = arith.constant 64 : i32
        %add3A_996 = arith.addi %mul3A_994, %add3A_995 : i32
        %get3A_997 = arith.constant 9 : i32
        %get3A_998 = arith.index_cast %get3A_997 : i32 to index
        %get3A_999 = arith.index_cast %add3A_996 : i32 to index
        %get3A_1000 = tpu.vector_load %arg10[%get3A_998, %get3A_999] {strides = array<i32>} : memref<16x512xf32, #tpu.memory_space<vmem>>, vector<16xf32>,
        %add3A_1001 = arith.constant 64 : i32
        %add3A_1002 = vector.broadcast %add3A_1001 : i32 to vector<16xi32>
        %add3A_1003 = arith.addi %add3A_1002, %iota3A : vector<16xi32>
        %broadcast_in_dim3A_1004 = arith.constant 9 : i32
        %broadcast_in_dim3A_1005 = vector.broadcast %broadcast_in_dim3A_1004 : i32 to vector<16xi32>
        tpu.vector_store_idx %arg8[%add3A_1003, %broadcast_in_dim3A_1005], %get3A_1000 : memref<128x16xf32, #tpu.memory_space<vmem>>[vector<16xi32>, vector<16xi32>], vector<16xf32>,
        %mul3A_1006 = arith.constant 128 : i32
        %mul3A_1007 = arith.muli %add3A_45, %mul3A_1006 : i32
        %add3A_1008 = arith.constant 64 : i32
        %add3A_1009 = arith.addi %mul3A_1007, %add3A_1008 : i32
        %get3A_1010 = arith.constant 10 : i32
        %get3A_1011 = arith.index_cast %get3A_1010 : i32 to index
        %get3A_1012 = arith.index_cast %add3A_1009 : i32 to index
        %get3A_1013 = tpu.vector_load %arg10[%get3A_1011, %get3A_1012] {strides = array<i32>} : memref<16x512xf32, #tpu.memory_space<vmem>>, vector<16xf32>,
        %add3A_1014 = arith.constant 64 : i32
        %add3A_1015 = vector.broadcast %add3A_1014 : i32 to vector<16xi32>
        %add3A_1016 = arith.addi %add3A_1015, %iota3A : vector<16xi32>
        %broadcast_in_dim3A_1017 = arith.constant 10 : i32
        %broadcast_in_dim3A_1018 = vector.broadcast %broadcast_in_dim3A_1017 : i32 to vector<16xi32>
        tpu.vector_store_idx %arg8[%add3A_1016, %broadcast_in_dim3A_1018], %get3A_1013 : memref<128x16xf32, #tpu.memory_space<vmem>>[vector<16xi32>, vector<16xi32>], vector<16xf32>,
        %mul3A_1019 = arith.constant 128 : i32
        %mul3A_1020 = arith.muli %add3A_45, %mul3A_1019 : i32
        %add3A_1021 = arith.constant 64 : i32
        %add3A_1022 = arith.addi %mul3A_1020, %add3A_1021 : i32
        %get3A_1023 = arith.constant 11 : i32
        %get3A_1024 = arith.index_cast %get3A_1023 : i32 to index
        %get3A_1025 = arith.index_cast %add3A_1022 : i32 to index
        %get3A_1026 = tpu.vector_load %arg10[%get3A_1024, %get3A_1025] {strides = array<i32>} : memref<16x512xf32, #tpu.memory_space<vmem>>, vector<16xf32>,
        %add3A_1027 = arith.constant 64 : i32
        %add3A_1028 = vector.broadcast %add3A_1027 : i32 to vector<16xi32>
        %add3A_1029 = arith.addi %add3A_1028, %iota3A : vector<16xi32>
        %broadcast_in_dim3A_1030 = arith.constant 11 : i32
        %broadcast_in_dim3A_1031 = vector.broadcast %broadcast_in_dim3A_1030 : i32 to vector<16xi32>
        tpu.vector_store_idx %arg8[%add3A_1029, %broadcast_in_dim3A_1031], %get3A_1026 : memref<128x16xf32, #tpu.memory_space<vmem>>[vector<16xi32>, vector<16xi32>], vector<16xf32>,
        %mul3A_1032 = arith.constant 128 : i32
        %mul3A_1033 = arith.muli %add3A_45, %mul3A_1032 : i32
        %add3A_1034 = arith.constant 64 : i32
        %add3A_1035 = arith.addi %mul3A_1033, %add3A_1034 : i32
        %get3A_1036 = arith.constant 12 : i32
        %get3A_1037 = arith.index_cast %get3A_1036 : i32 to index
        %get3A_1038 = arith.index_cast %add3A_1035 : i32 to index
        %get3A_1039 = tpu.vector_load %arg10[%get3A_1037, %get3A_1038] {strides = array<i32>} : memref<16x512xf32, #tpu.memory_space<vmem>>, vector<16xf32>,
        %add3A_1040 = arith.constant 64 : i32
        %add3A_1041 = vector.broadcast %add3A_1040 : i32 to vector<16xi32>
        %add3A_1042 = arith.addi %add3A_1041, %iota3A : vector<16xi32>
        %broadcast_in_dim3A_1043 = arith.constant 12 : i32
        %broadcast_in_dim3A_1044 = vector.broadcast %broadcast_in_dim3A_1043 : i32 to vector<16xi32>
        tpu.vector_store_idx %arg8[%add3A_1042, %broadcast_in_dim3A_1044], %get3A_1039 : memref<128x16xf32, #tpu.memory_space<vmem>>[vector<16xi32>, vector<16xi32>], vector<16xf32>,
        %mul3A_1045 = arith.constant 128 : i32
        %mul3A_1046 = arith.muli %add3A_45, %mul3A_1045 : i32
        %add3A_1047 = arith.constant 64 : i32
        %add3A_1048 = arith.addi %mul3A_1046, %add3A_1047 : i32
        %get3A_1049 = arith.constant 13 : i32
        %get3A_1050 = arith.index_cast %get3A_1049 : i32 to index
        %get3A_1051 = arith.index_cast %add3A_1048 : i32 to index
        %get3A_1052 = tpu.vector_load %arg10[%get3A_1050, %get3A_1051] {strides = array<i32>} : memref<16x512xf32, #tpu.memory_space<vmem>>, vector<16xf32>,
        %add3A_1053 = arith.constant 64 : i32
        %add3A_1054 = vector.broadcast %add3A_1053 : i32 to vector<16xi32>
        %add3A_1055 = arith.addi %add3A_1054, %iota3A : vector<16xi32>
        %broadcast_in_dim3A_1056 = arith.constant 13 : i32
        %broadcast_in_dim3A_1057 = vector.broadcast %broadcast_in_dim3A_1056 : i32 to vector<16xi32>
        tpu.vector_store_idx %arg8[%add3A_1055, %broadcast_in_dim3A_1057], %get3A_1052 : memref<128x16xf32, #tpu.memory_space<vmem>>[vector<16xi32>, vector<16xi32>], vector<16xf32>,
        %mul3A_1058 = arith.constant 128 : i32
        %mul3A_1059 = arith.muli %add3A_45, %mul3A_1058 : i32
        %add3A_1060 = arith.constant 64 : i32
        %add3A_1061 = arith.addi %mul3A_1059, %add3A_1060 : i32
        %get3A_1062 = arith.constant 14 : i32
        %get3A_1063 = arith.index_cast %get3A_1062 : i32 to index
        %get3A_1064 = arith.index_cast %add3A_1061 : i32 to index
        %get3A_1065 = tpu.vector_load %arg10[%get3A_1063, %get3A_1064] {strides = array<i32>} : memref<16x512xf32, #tpu.memory_space<vmem>>, vector<16xf32>,
        %add3A_1066 = arith.constant 64 : i32
        %add3A_1067 = vector.broadcast %add3A_1066 : i32 to vector<16xi32>
        %add3A_1068 = arith.addi %add3A_1067, %iota3A : vector<16xi32>
        %broadcast_in_dim3A_1069 = arith.constant 14 : i32
        %broadcast_in_dim3A_1070 = vector.broadcast %broadcast_in_dim3A_1069 : i32 to vector<16xi32>
        tpu.vector_store_idx %arg8[%add3A_1068, %broadcast_in_dim3A_1070], %get3A_1065 : memref<128x16xf32, #tpu.memory_space<vmem>>[vector<16xi32>, vector<16xi32>], vector<16xf32>,
        %mul3A_1071 = arith.constant 128 : i32
        %mul3A_1072 = arith.muli %add3A_45, %mul3A_1071 : i32
        %add3A_1073 = arith.constant 64 : i32
        %add3A_1074 = arith.addi %mul3A_1072, %add3A_1073 : i32
        %get3A_1075 = arith.constant 15 : i32
        %get3A_1076 = arith.index_cast %get3A_1075 : i32 to index
        %get3A_1077 = arith.index_cast %add3A_1074 : i32 to index
        %get3A_1078 = tpu.vector_load %arg10[%get3A_1076, %get3A_1077] {strides = array<i32>} : memref<16x512xf32, #tpu.memory_space<vmem>>, vector<16xf32>,
        %add3A_1079 = arith.constant 64 : i32
        %add3A_1080 = vector.broadcast %add3A_1079 : i32 to vector<16xi32>
        %add3A_1081 = arith.addi %add3A_1080, %iota3A : vector<16xi32>
        %broadcast_in_dim3A_1082 = arith.constant 15 : i32
        %broadcast_in_dim3A_1083 = vector.broadcast %broadcast_in_dim3A_1082 : i32 to vector<16xi32>
        tpu.vector_store_idx %arg8[%add3A_1081, %broadcast_in_dim3A_1083], %get3A_1078 : memref<128x16xf32, #tpu.memory_space<vmem>>[vector<16xi32>, vector<16xi32>], vector<16xf32>,
        %mul3A_1084 = arith.constant 128 : i32
        %mul3A_1085 = arith.muli %add3A_45, %mul3A_1084 : i32
        %add3A_1086 = arith.constant 80 : i32
        %add3A_1087 = arith.addi %mul3A_1085, %add3A_1086 : i32
        %get3A_1088 = arith.constant 0 : i32
        %get3A_1089 = arith.index_cast %get3A_1088 : i32 to index
        %get3A_1090 = arith.index_cast %add3A_1087 : i32 to index
        %get3A_1091 = tpu.vector_load %arg10[%get3A_1089, %get3A_1090] {strides = array<i32>} : memref<16x512xf32, #tpu.memory_space<vmem>>, vector<16xf32>,
        %add3A_1092 = arith.constant 80 : i32
        %add3A_1093 = vector.broadcast %add3A_1092 : i32 to vector<16xi32>
        %add3A_1094 = arith.addi %add3A_1093, %iota3A : vector<16xi32>
        %broadcast_in_dim3A_1095 = arith.constant 0 : i32
        %broadcast_in_dim3A_1096 = vector.broadcast %broadcast_in_dim3A_1095 : i32 to vector<16xi32>
        tpu.vector_store_idx %arg8[%add3A_1094, %broadcast_in_dim3A_1096], %get3A_1091 : memref<128x16xf32, #tpu.memory_space<vmem>>[vector<16xi32>, vector<16xi32>], vector<16xf32>,
        %mul3A_1097 = arith.constant 128 : i32
        %mul3A_1098 = arith.muli %add3A_45, %mul3A_1097 : i32
        %add3A_1099 = arith.constant 80 : i32
        %add3A_1100 = arith.addi %mul3A_1098, %add3A_1099 : i32
        %get3A_1101 = arith.constant 1 : i32
        %get3A_1102 = arith.index_cast %get3A_1101 : i32 to index
        %get3A_1103 = arith.index_cast %add3A_1100 : i32 to index
        %get3A_1104 = tpu.vector_load %arg10[%get3A_1102, %get3A_1103] {strides = array<i32>} : memref<16x512xf32, #tpu.memory_space<vmem>>, vector<16xf32>,
        %add3A_1105 = arith.constant 80 : i32
        %add3A_1106 = vector.broadcast %add3A_1105 : i32 to vector<16xi32>
        %add3A_1107 = arith.addi %add3A_1106, %iota3A : vector<16xi32>
        %broadcast_in_dim3A_1108 = arith.constant 1 : i32
        %broadcast_in_dim3A_1109 = vector.broadcast %broadcast_in_dim3A_1108 : i32 to vector<16xi32>
        tpu.vector_store_idx %arg8[%add3A_1107, %broadcast_in_dim3A_1109], %get3A_1104 : memref<128x16xf32, #tpu.memory_space<vmem>>[vector<16xi32>, vector<16xi32>], vector<16xf32>,
        %mul3A_1110 = arith.constant 128 : i32
        %mul3A_1111 = arith.muli %add3A_45, %mul3A_1110 : i32
        %add3A_1112 = arith.constant 80 : i32
        %add3A_1113 = arith.addi %mul3A_1111, %add3A_1112 : i32
        %get3A_1114 = arith.constant 2 : i32
        %get3A_1115 = arith.index_cast %get3A_1114 : i32 to index
        %get3A_1116 = arith.index_cast %add3A_1113 : i32 to index
        %get3A_1117 = tpu.vector_load %arg10[%get3A_1115, %get3A_1116] {strides = array<i32>} : memref<16x512xf32, #tpu.memory_space<vmem>>, vector<16xf32>,
        %add3A_1118 = arith.constant 80 : i32
        %add3A_1119 = vector.broadcast %add3A_1118 : i32 to vector<16xi32>
        %add3A_1120 = arith.addi %add3A_1119, %iota3A : vector<16xi32>
        %broadcast_in_dim3A_1121 = arith.constant 2 : i32
        %broadcast_in_dim3A_1122 = vector.broadcast %broadcast_in_dim3A_1121 : i32 to vector<16xi32>
        tpu.vector_store_idx %arg8[%add3A_1120, %broadcast_in_dim3A_1122], %get3A_1117 : memref<128x16xf32, #tpu.memory_space<vmem>>[vector<16xi32>, vector<16xi32>], vector<16xf32>,
        %mul3A_1123 = arith.constant 128 : i32
        %mul3A_1124 = arith.muli %add3A_45, %mul3A_1123 : i32
        %add3A_1125 = arith.constant 80 : i32
        %add3A_1126 = arith.addi %mul3A_1124, %add3A_1125 : i32
        %get3A_1127 = arith.constant 3 : i32
        %get3A_1128 = arith.index_cast %get3A_1127 : i32 to index
        %get3A_1129 = arith.index_cast %add3A_1126 : i32 to index
        %get3A_1130 = tpu.vector_load %arg10[%get3A_1128, %get3A_1129] {strides = array<i32>} : memref<16x512xf32, #tpu.memory_space<vmem>>, vector<16xf32>,
        %add3A_1131 = arith.constant 80 : i32
        %add3A_1132 = vector.broadcast %add3A_1131 : i32 to vector<16xi32>
        %add3A_1133 = arith.addi %add3A_1132, %iota3A : vector<16xi32>
        %broadcast_in_dim3A_1134 = arith.constant 3 : i32
        %broadcast_in_dim3A_1135 = vector.broadcast %broadcast_in_dim3A_1134 : i32 to vector<16xi32>
        tpu.vector_store_idx %arg8[%add3A_1133, %broadcast_in_dim3A_1135], %get3A_1130 : memref<128x16xf32, #tpu.memory_space<vmem>>[vector<16xi32>, vector<16xi32>], vector<16xf32>,
        %mul3A_1136 = arith.constant 128 : i32
        %mul3A_1137 = arith.muli %add3A_45, %mul3A_1136 : i32
        %add3A_1138 = arith.constant 80 : i32
        %add3A_1139 = arith.addi %mul3A_1137, %add3A_1138 : i32
        %get3A_1140 = arith.constant 4 : i32
        %get3A_1141 = arith.index_cast %get3A_1140 : i32 to index
        %get3A_1142 = arith.index_cast %add3A_1139 : i32 to index
        %get3A_1143 = tpu.vector_load %arg10[%get3A_1141, %get3A_1142] {strides = array<i32>} : memref<16x512xf32, #tpu.memory_space<vmem>>, vector<16xf32>,
        %add3A_1144 = arith.constant 80 : i32
        %add3A_1145 = vector.broadcast %add3A_1144 : i32 to vector<16xi32>
        %add3A_1146 = arith.addi %add3A_1145, %iota3A : vector<16xi32>
        %broadcast_in_dim3A_1147 = arith.constant 4 : i32
        %broadcast_in_dim3A_1148 = vector.broadcast %broadcast_in_dim3A_1147 : i32 to vector<16xi32>
        tpu.vector_store_idx %arg8[%add3A_1146, %broadcast_in_dim3A_1148], %get3A_1143 : memref<128x16xf32, #tpu.memory_space<vmem>>[vector<16xi32>, vector<16xi32>], vector<16xf32>,
        %mul3A_1149 = arith.constant 128 : i32
        %mul3A_1150 = arith.muli %add3A_45, %mul3A_1149 : i32
        %add3A_1151 = arith.constant 80 : i32
        %add3A_1152 = arith.addi %mul3A_1150, %add3A_1151 : i32
        %get3A_1153 = arith.constant 5 : i32
        %get3A_1154 = arith.index_cast %get3A_1153 : i32 to index
        %get3A_1155 = arith.index_cast %add3A_1152 : i32 to index
        %get3A_1156 = tpu.vector_load %arg10[%get3A_1154, %get3A_1155] {strides = array<i32>} : memref<16x512xf32, #tpu.memory_space<vmem>>, vector<16xf32>,
        %add3A_1157 = arith.constant 80 : i32
        %add3A_1158 = vector.broadcast %add3A_1157 : i32 to vector<16xi32>
        %add3A_1159 = arith.addi %add3A_1158, %iota3A : vector<16xi32>
        %broadcast_in_dim3A_1160 = arith.constant 5 : i32
        %broadcast_in_dim3A_1161 = vector.broadcast %broadcast_in_dim3A_1160 : i32 to vector<16xi32>
        tpu.vector_store_idx %arg8[%add3A_1159, %broadcast_in_dim3A_1161], %get3A_1156 : memref<128x16xf32, #tpu.memory_space<vmem>>[vector<16xi32>, vector<16xi32>], vector<16xf32>,
        %mul3A_1162 = arith.constant 128 : i32
        %mul3A_1163 = arith.muli %add3A_45, %mul3A_1162 : i32
        %add3A_1164 = arith.constant 80 : i32
        %add3A_1165 = arith.addi %mul3A_1163, %add3A_1164 : i32
        %get3A_1166 = arith.constant 6 : i32
        %get3A_1167 = arith.index_cast %get3A_1166 : i32 to index
        %get3A_1168 = arith.index_cast %add3A_1165 : i32 to index
        %get3A_1169 = tpu.vector_load %arg10[%get3A_1167, %get3A_1168] {strides = array<i32>} : memref<16x512xf32, #tpu.memory_space<vmem>>, vector<16xf32>,
        %add3A_1170 = arith.constant 80 : i32
        %add3A_1171 = vector.broadcast %add3A_1170 : i32 to vector<16xi32>
        %add3A_1172 = arith.addi %add3A_1171, %iota3A : vector<16xi32>
        %broadcast_in_dim3A_1173 = arith.constant 6 : i32
        %broadcast_in_dim3A_1174 = vector.broadcast %broadcast_in_dim3A_1173 : i32 to vector<16xi32>
        tpu.vector_store_idx %arg8[%add3A_1172, %broadcast_in_dim3A_1174], %get3A_1169 : memref<128x16xf32, #tpu.memory_space<vmem>>[vector<16xi32>, vector<16xi32>], vector<16xf32>,
        %mul3A_1175 = arith.constant 128 : i32
        %mul3A_1176 = arith.muli %add3A_45, %mul3A_1175 : i32
        %add3A_1177 = arith.constant 80 : i32
        %add3A_1178 = arith.addi %mul3A_1176, %add3A_1177 : i32
        %get3A_1179 = arith.constant 7 : i32
        %get3A_1180 = arith.index_cast %get3A_1179 : i32 to index
        %get3A_1181 = arith.index_cast %add3A_1178 : i32 to index
        %get3A_1182 = tpu.vector_load %arg10[%get3A_1180, %get3A_1181] {strides = array<i32>} : memref<16x512xf32, #tpu.memory_space<vmem>>, vector<16xf32>,
        %add3A_1183 = arith.constant 80 : i32
        %add3A_1184 = vector.broadcast %add3A_1183 : i32 to vector<16xi32>
        %add3A_1185 = arith.addi %add3A_1184, %iota3A : vector<16xi32>
        %broadcast_in_dim3A_1186 = arith.constant 7 : i32
        %broadcast_in_dim3A_1187 = vector.broadcast %broadcast_in_dim3A_1186 : i32 to vector<16xi32>
        tpu.vector_store_idx %arg8[%add3A_1185, %broadcast_in_dim3A_1187], %get3A_1182 : memref<128x16xf32, #tpu.memory_space<vmem>>[vector<16xi32>, vector<16xi32>], vector<16xf32>,
        %mul3A_1188 = arith.constant 128 : i32
        %mul3A_1189 = arith.muli %add3A_45, %mul3A_1188 : i32
        %add3A_1190 = arith.constant 80 : i32
        %add3A_1191 = arith.addi %mul3A_1189, %add3A_1190 : i32
        %get3A_1192 = arith.constant 8 : i32
        %get3A_1193 = arith.index_cast %get3A_1192 : i32 to index
        %get3A_1194 = arith.index_cast %add3A_1191 : i32 to index
        %get3A_1195 = tpu.vector_load %arg10[%get3A_1193, %get3A_1194] {strides = array<i32>} : memref<16x512xf32, #tpu.memory_space<vmem>>, vector<16xf32>,
        %add3A_1196 = arith.constant 80 : i32
        %add3A_1197 = vector.broadcast %add3A_1196 : i32 to vector<16xi32>
        %add3A_1198 = arith.addi %add3A_1197, %iota3A : vector<16xi32>
        %broadcast_in_dim3A_1199 = arith.constant 8 : i32
        %broadcast_in_dim3A_1200 = vector.broadcast %broadcast_in_dim3A_1199 : i32 to vector<16xi32>
        tpu.vector_store_idx %arg8[%add3A_1198, %broadcast_in_dim3A_1200], %get3A_1195 : memref<128x16xf32, #tpu.memory_space<vmem>>[vector<16xi32>, vector<16xi32>], vector<16xf32>,
        %mul3A_1201 = arith.constant 128 : i32
        %mul3A_1202 = arith.muli %add3A_45, %mul3A_1201 : i32
        %add3A_1203 = arith.constant 80 : i32
        %add3A_1204 = arith.addi %mul3A_1202, %add3A_1203 : i32
        %get3A_1205 = arith.constant 9 : i32
        %get3A_1206 = arith.index_cast %get3A_1205 : i32 to index
        %get3A_1207 = arith.index_cast %add3A_1204 : i32 to index
        %get3A_1208 = tpu.vector_load %arg10[%get3A_1206, %get3A_1207] {strides = array<i32>} : memref<16x512xf32, #tpu.memory_space<vmem>>, vector<16xf32>,
        %add3A_1209 = arith.constant 80 : i32
        %add3A_1210 = vector.broadcast %add3A_1209 : i32 to vector<16xi32>
        %add3A_1211 = arith.addi %add3A_1210, %iota3A : vector<16xi32>
        %broadcast_in_dim3A_1212 = arith.constant 9 : i32
        %broadcast_in_dim3A_1213 = vector.broadcast %broadcast_in_dim3A_1212 : i32 to vector<16xi32>
        tpu.vector_store_idx %arg8[%add3A_1211, %broadcast_in_dim3A_1213], %get3A_1208 : memref<128x16xf32, #tpu.memory_space<vmem>>[vector<16xi32>, vector<16xi32>], vector<16xf32>,
        %mul3A_1214 = arith.constant 128 : i32
        %mul3A_1215 = arith.muli %add3A_45, %mul3A_1214 : i32
        %add3A_1216 = arith.constant 80 : i32
        %add3A_1217 = arith.addi %mul3A_1215, %add3A_1216 : i32
        %get3A_1218 = arith.constant 10 : i32
        %get3A_1219 = arith.index_cast %get3A_1218 : i32 to index
        %get3A_1220 = arith.index_cast %add3A_1217 : i32 to index
        %get3A_1221 = tpu.vector_load %arg10[%get3A_1219, %get3A_1220] {strides = array<i32>} : memref<16x512xf32, #tpu.memory_space<vmem>>, vector<16xf32>,
        %add3A_1222 = arith.constant 80 : i32
        %add3A_1223 = vector.broadcast %add3A_1222 : i32 to vector<16xi32>
        %add3A_1224 = arith.addi %add3A_1223, %iota3A : vector<16xi32>
        %broadcast_in_dim3A_1225 = arith.constant 10 : i32
        %broadcast_in_dim3A_1226 = vector.broadcast %broadcast_in_dim3A_1225 : i32 to vector<16xi32>
        tpu.vector_store_idx %arg8[%add3A_1224, %broadcast_in_dim3A_1226], %get3A_1221 : memref<128x16xf32, #tpu.memory_space<vmem>>[vector<16xi32>, vector<16xi32>], vector<16xf32>,
        %mul3A_1227 = arith.constant 128 : i32
        %mul3A_1228 = arith.muli %add3A_45, %mul3A_1227 : i32
        %add3A_1229 = arith.constant 80 : i32
        %add3A_1230 = arith.addi %mul3A_1228, %add3A_1229 : i32
        %get3A_1231 = arith.constant 11 : i32
        %get3A_1232 = arith.index_cast %get3A_1231 : i32 to index
        %get3A_1233 = arith.index_cast %add3A_1230 : i32 to index
        %get3A_1234 = tpu.vector_load %arg10[%get3A_1232, %get3A_1233] {strides = array<i32>} : memref<16x512xf32, #tpu.memory_space<vmem>>, vector<16xf32>,
        %add3A_1235 = arith.constant 80 : i32
        %add3A_1236 = vector.broadcast %add3A_1235 : i32 to vector<16xi32>
        %add3A_1237 = arith.addi %add3A_1236, %iota3A : vector<16xi32>
        %broadcast_in_dim3A_1238 = arith.constant 11 : i32
        %broadcast_in_dim3A_1239 = vector.broadcast %broadcast_in_dim3A_1238 : i32 to vector<16xi32>
        tpu.vector_store_idx %arg8[%add3A_1237, %broadcast_in_dim3A_1239], %get3A_1234 : memref<128x16xf32, #tpu.memory_space<vmem>>[vector<16xi32>, vector<16xi32>], vector<16xf32>,
        %mul3A_1240 = arith.constant 128 : i32
        %mul3A_1241 = arith.muli %add3A_45, %mul3A_1240 : i32
        %add3A_1242 = arith.constant 80 : i32
        %add3A_1243 = arith.addi %mul3A_1241, %add3A_1242 : i32
        %get3A_1244 = arith.constant 12 : i32
        %get3A_1245 = arith.index_cast %get3A_1244 : i32 to index
        %get3A_1246 = arith.index_cast %add3A_1243 : i32 to index
        %get3A_1247 = tpu.vector_load %arg10[%get3A_1245, %get3A_1246] {strides = array<i32>} : memref<16x512xf32, #tpu.memory_space<vmem>>, vector<16xf32>,
        %add3A_1248 = arith.constant 80 : i32
        %add3A_1249 = vector.broadcast %add3A_1248 : i32 to vector<16xi32>
        %add3A_1250 = arith.addi %add3A_1249, %iota3A : vector<16xi32>
        %broadcast_in_dim3A_1251 = arith.constant 12 : i32
        %broadcast_in_dim3A_1252 = vector.broadcast %broadcast_in_dim3A_1251 : i32 to vector<16xi32>
        tpu.vector_store_idx %arg8[%add3A_1250, %broadcast_in_dim3A_1252], %get3A_1247 : memref<128x16xf32, #tpu.memory_space<vmem>>[vector<16xi32>, vector<16xi32>], vector<16xf32>,
        %mul3A_1253 = arith.constant 128 : i32
        %mul3A_1254 = arith.muli %add3A_45, %mul3A_1253 : i32
        %add3A_1255 = arith.constant 80 : i32
        %add3A_1256 = arith.addi %mul3A_1254, %add3A_1255 : i32
        %get3A_1257 = arith.constant 13 : i32
        %get3A_1258 = arith.index_cast %get3A_1257 : i32 to index
        %get3A_1259 = arith.index_cast %add3A_1256 : i32 to index
        %get3A_1260 = tpu.vector_load %arg10[%get3A_1258, %get3A_1259] {strides = array<i32>} : memref<16x512xf32, #tpu.memory_space<vmem>>, vector<16xf32>,
        %add3A_1261 = arith.constant 80 : i32
        %add3A_1262 = vector.broadcast %add3A_1261 : i32 to vector<16xi32>
        %add3A_1263 = arith.addi %add3A_1262, %iota3A : vector<16xi32>
        %broadcast_in_dim3A_1264 = arith.constant 13 : i32
        %broadcast_in_dim3A_1265 = vector.broadcast %broadcast_in_dim3A_1264 : i32 to vector<16xi32>
        tpu.vector_store_idx %arg8[%add3A_1263, %broadcast_in_dim3A_1265], %get3A_1260 : memref<128x16xf32, #tpu.memory_space<vmem>>[vector<16xi32>, vector<16xi32>], vector<16xf32>,
        %mul3A_1266 = arith.constant 128 : i32
        %mul3A_1267 = arith.muli %add3A_45, %mul3A_1266 : i32
        %add3A_1268 = arith.constant 80 : i32
        %add3A_1269 = arith.addi %mul3A_1267, %add3A_1268 : i32
        %get3A_1270 = arith.constant 14 : i32
        %get3A_1271 = arith.index_cast %get3A_1270 : i32 to index
        %get3A_1272 = arith.index_cast %add3A_1269 : i32 to index
        %get3A_1273 = tpu.vector_load %arg10[%get3A_1271, %get3A_1272] {strides = array<i32>} : memref<16x512xf32, #tpu.memory_space<vmem>>, vector<16xf32>,
        %add3A_1274 = arith.constant 80 : i32
        %add3A_1275 = vector.broadcast %add3A_1274 : i32 to vector<16xi32>
        %add3A_1276 = arith.addi %add3A_1275, %iota3A : vector<16xi32>
        %broadcast_in_dim3A_1277 = arith.constant 14 : i32
        %broadcast_in_dim3A_1278 = vector.broadcast %broadcast_in_dim3A_1277 : i32 to vector<16xi32>
        tpu.vector_store_idx %arg8[%add3A_1276, %broadcast_in_dim3A_1278], %get3A_1273 : memref<128x16xf32, #tpu.memory_space<vmem>>[vector<16xi32>, vector<16xi32>], vector<16xf32>,
        %mul3A_1279 = arith.constant 128 : i32
        %mul3A_1280 = arith.muli %add3A_45, %mul3A_1279 : i32
        %add3A_1281 = arith.constant 80 : i32
        %add3A_1282 = arith.addi %mul3A_1280, %add3A_1281 : i32
        %get3A_1283 = arith.constant 15 : i32
        %get3A_1284 = arith.index_cast %get3A_1283 : i32 to index
        %get3A_1285 = arith.index_cast %add3A_1282 : i32 to index
        %get3A_1286 = tpu.vector_load %arg10[%get3A_1284, %get3A_1285] {strides = array<i32>} : memref<16x512xf32, #tpu.memory_space<vmem>>, vector<16xf32>,
        %add3A_1287 = arith.constant 80 : i32
        %add3A_1288 = vector.broadcast %add3A_1287 : i32 to vector<16xi32>
        %add3A_1289 = arith.addi %add3A_1288, %iota3A : vector<16xi32>
        %broadcast_in_dim3A_1290 = arith.constant 15 : i32
        %broadcast_in_dim3A_1291 = vector.broadcast %broadcast_in_dim3A_1290 : i32 to vector<16xi32>
        tpu.vector_store_idx %arg8[%add3A_1289, %broadcast_in_dim3A_1291], %get3A_1286 : memref<128x16xf32, #tpu.memory_space<vmem>>[vector<16xi32>, vector<16xi32>], vector<16xf32>,
        %mul3A_1292 = arith.constant 128 : i32
        %mul3A_1293 = arith.muli %add3A_45, %mul3A_1292 : i32
        %add3A_1294 = arith.constant 96 : i32
        %add3A_1295 = arith.addi %mul3A_1293, %add3A_1294 : i32
        %get3A_1296 = arith.constant 0 : i32
        %get3A_1297 = arith.index_cast %get3A_1296 : i32 to index
        %get3A_1298 = arith.index_cast %add3A_1295 : i32 to index
        %get3A_1299 = tpu.vector_load %arg10[%get3A_1297, %get3A_1298] {strides = array<i32>} : memref<16x512xf32, #tpu.memory_space<vmem>>, vector<16xf32>,
        %add3A_1300 = arith.constant 96 : i32
        %add3A_1301 = vector.broadcast %add3A_1300 : i32 to vector<16xi32>
        %add3A_1302 = arith.addi %add3A_1301, %iota3A : vector<16xi32>
        %broadcast_in_dim3A_1303 = arith.constant 0 : i32
        %broadcast_in_dim3A_1304 = vector.broadcast %broadcast_in_dim3A_1303 : i32 to vector<16xi32>
        tpu.vector_store_idx %arg8[%add3A_1302, %broadcast_in_dim3A_1304], %get3A_1299 : memref<128x16xf32, #tpu.memory_space<vmem>>[vector<16xi32>, vector<16xi32>], vector<16xf32>,
        %mul3A_1305 = arith.constant 128 : i32
        %mul3A_1306 = arith.muli %add3A_45, %mul3A_1305 : i32
        %add3A_1307 = arith.constant 96 : i32
        %add3A_1308 = arith.addi %mul3A_1306, %add3A_1307 : i32
        %get3A_1309 = arith.constant 1 : i32
        %get3A_1310 = arith.index_cast %get3A_1309 : i32 to index
        %get3A_1311 = arith.index_cast %add3A_1308 : i32 to index
        %get3A_1312 = tpu.vector_load %arg10[%get3A_1310, %get3A_1311] {strides = array<i32>} : memref<16x512xf32, #tpu.memory_space<vmem>>, vector<16xf32>,
        %add3A_1313 = arith.constant 96 : i32
        %add3A_1314 = vector.broadcast %add3A_1313 : i32 to vector<16xi32>
        %add3A_1315 = arith.addi %add3A_1314, %iota3A : vector<16xi32>
        %broadcast_in_dim3A_1316 = arith.constant 1 : i32
        %broadcast_in_dim3A_1317 = vector.broadcast %broadcast_in_dim3A_1316 : i32 to vector<16xi32>
        tpu.vector_store_idx %arg8[%add3A_1315, %broadcast_in_dim3A_1317], %get3A_1312 : memref<128x16xf32, #tpu.memory_space<vmem>>[vector<16xi32>, vector<16xi32>], vector<16xf32>,
        %mul3A_1318 = arith.constant 128 : i32
        %mul3A_1319 = arith.muli %add3A_45, %mul3A_1318 : i32
        %add3A_1320 = arith.constant 96 : i32
        %add3A_1321 = arith.addi %mul3A_1319, %add3A_1320 : i32
        %get3A_1322 = arith.constant 2 : i32
        %get3A_1323 = arith.index_cast %get3A_1322 : i32 to index
        %get3A_1324 = arith.index_cast %add3A_1321 : i32 to index
        %get3A_1325 = tpu.vector_load %arg10[%get3A_1323, %get3A_1324] {strides = array<i32>} : memref<16x512xf32, #tpu.memory_space<vmem>>, vector<16xf32>,
        %add3A_1326 = arith.constant 96 : i32
        %add3A_1327 = vector.broadcast %add3A_1326 : i32 to vector<16xi32>
        %add3A_1328 = arith.addi %add3A_1327, %iota3A : vector<16xi32>
        %broadcast_in_dim3A_1329 = arith.constant 2 : i32
        %broadcast_in_dim3A_1330 = vector.broadcast %broadcast_in_dim3A_1329 : i32 to vector<16xi32>
        tpu.vector_store_idx %arg8[%add3A_1328, %broadcast_in_dim3A_1330], %get3A_1325 : memref<128x16xf32, #tpu.memory_space<vmem>>[vector<16xi32>, vector<16xi32>], vector<16xf32>,
        %mul3A_1331 = arith.constant 128 : i32
        %mul3A_1332 = arith.muli %add3A_45, %mul3A_1331 : i32
        %add3A_1333 = arith.constant 96 : i32
        %add3A_1334 = arith.addi %mul3A_1332, %add3A_1333 : i32
        %get3A_1335 = arith.constant 3 : i32
        %get3A_1336 = arith.index_cast %get3A_1335 : i32 to index
        %get3A_1337 = arith.index_cast %add3A_1334 : i32 to index
        %get3A_1338 = tpu.vector_load %arg10[%get3A_1336, %get3A_1337] {strides = array<i32>} : memref<16x512xf32, #tpu.memory_space<vmem>>, vector<16xf32>,
        %add3A_1339 = arith.constant 96 : i32
        %add3A_1340 = vector.broadcast %add3A_1339 : i32 to vector<16xi32>
        %add3A_1341 = arith.addi %add3A_1340, %iota3A : vector<16xi32>
        %broadcast_in_dim3A_1342 = arith.constant 3 : i32
        %broadcast_in_dim3A_1343 = vector.broadcast %broadcast_in_dim3A_1342 : i32 to vector<16xi32>
        tpu.vector_store_idx %arg8[%add3A_1341, %broadcast_in_dim3A_1343], %get3A_1338 : memref<128x16xf32, #tpu.memory_space<vmem>>[vector<16xi32>, vector<16xi32>], vector<16xf32>,
        %mul3A_1344 = arith.constant 128 : i32
        %mul3A_1345 = arith.muli %add3A_45, %mul3A_1344 : i32
        %add3A_1346 = arith.constant 96 : i32
        %add3A_1347 = arith.addi %mul3A_1345, %add3A_1346 : i32
        %get3A_1348 = arith.constant 4 : i32
        %get3A_1349 = arith.index_cast %get3A_1348 : i32 to index
        %get3A_1350 = arith.index_cast %add3A_1347 : i32 to index
        %get3A_1351 = tpu.vector_load %arg10[%get3A_1349, %get3A_1350] {strides = array<i32>} : memref<16x512xf32, #tpu.memory_space<vmem>>, vector<16xf32>,
        %add3A_1352 = arith.constant 96 : i32
        %add3A_1353 = vector.broadcast %add3A_1352 : i32 to vector<16xi32>
        %add3A_1354 = arith.addi %add3A_1353, %iota3A : vector<16xi32>
        %broadcast_in_dim3A_1355 = arith.constant 4 : i32
        %broadcast_in_dim3A_1356 = vector.broadcast %broadcast_in_dim3A_1355 : i32 to vector<16xi32>
        tpu.vector_store_idx %arg8[%add3A_1354, %broadcast_in_dim3A_1356], %get3A_1351 : memref<128x16xf32, #tpu.memory_space<vmem>>[vector<16xi32>, vector<16xi32>], vector<16xf32>,
        %mul3A_1357 = arith.constant 128 : i32
        %mul3A_1358 = arith.muli %add3A_45, %mul3A_1357 : i32
        %add3A_1359 = arith.constant 96 : i32
        %add3A_1360 = arith.addi %mul3A_1358, %add3A_1359 : i32
        %get3A_1361 = arith.constant 5 : i32
        %get3A_1362 = arith.index_cast %get3A_1361 : i32 to index
        %get3A_1363 = arith.index_cast %add3A_1360 : i32 to index
        %get3A_1364 = tpu.vector_load %arg10[%get3A_1362, %get3A_1363] {strides = array<i32>} : memref<16x512xf32, #tpu.memory_space<vmem>>, vector<16xf32>,
        %add3A_1365 = arith.constant 96 : i32
        %add3A_1366 = vector.broadcast %add3A_1365 : i32 to vector<16xi32>
        %add3A_1367 = arith.addi %add3A_1366, %iota3A : vector<16xi32>
        %broadcast_in_dim3A_1368 = arith.constant 5 : i32
        %broadcast_in_dim3A_1369 = vector.broadcast %broadcast_in_dim3A_1368 : i32 to vector<16xi32>
        tpu.vector_store_idx %arg8[%add3A_1367, %broadcast_in_dim3A_1369], %get3A_1364 : memref<128x16xf32, #tpu.memory_space<vmem>>[vector<16xi32>, vector<16xi32>], vector<16xf32>,
        %mul3A_1370 = arith.constant 128 : i32
        %mul3A_1371 = arith.muli %add3A_45, %mul3A_1370 : i32
        %add3A_1372 = arith.constant 96 : i32
        %add3A_1373 = arith.addi %mul3A_1371, %add3A_1372 : i32
        %get3A_1374 = arith.constant 6 : i32
        %get3A_1375 = arith.index_cast %get3A_1374 : i32 to index
        %get3A_1376 = arith.index_cast %add3A_1373 : i32 to index
        %get3A_1377 = tpu.vector_load %arg10[%get3A_1375, %get3A_1376] {strides = array<i32>} : memref<16x512xf32, #tpu.memory_space<vmem>>, vector<16xf32>,
        %add3A_1378 = arith.constant 96 : i32
        %add3A_1379 = vector.broadcast %add3A_1378 : i32 to vector<16xi32>
        %add3A_1380 = arith.addi %add3A_1379, %iota3A : vector<16xi32>
        %broadcast_in_dim3A_1381 = arith.constant 6 : i32
        %broadcast_in_dim3A_1382 = vector.broadcast %broadcast_in_dim3A_1381 : i32 to vector<16xi32>
        tpu.vector_store_idx %arg8[%add3A_1380, %broadcast_in_dim3A_1382], %get3A_1377 : memref<128x16xf32, #tpu.memory_space<vmem>>[vector<16xi32>, vector<16xi32>], vector<16xf32>,
        %mul3A_1383 = arith.constant 128 : i32
        %mul3A_1384 = arith.muli %add3A_45, %mul3A_1383 : i32
        %add3A_1385 = arith.constant 96 : i32
        %add3A_1386 = arith.addi %mul3A_1384, %add3A_1385 : i32
        %get3A_1387 = arith.constant 7 : i32
        %get3A_1388 = arith.index_cast %get3A_1387 : i32 to index
        %get3A_1389 = arith.index_cast %add3A_1386 : i32 to index
        %get3A_1390 = tpu.vector_load %arg10[%get3A_1388, %get3A_1389] {strides = array<i32>} : memref<16x512xf32, #tpu.memory_space<vmem>>, vector<16xf32>,
        %add3A_1391 = arith.constant 96 : i32
        %add3A_1392 = vector.broadcast %add3A_1391 : i32 to vector<16xi32>
        %add3A_1393 = arith.addi %add3A_1392, %iota3A : vector<16xi32>
        %broadcast_in_dim3A_1394 = arith.constant 7 : i32
        %broadcast_in_dim3A_1395 = vector.broadcast %broadcast_in_dim3A_1394 : i32 to vector<16xi32>
        tpu.vector_store_idx %arg8[%add3A_1393, %broadcast_in_dim3A_1395], %get3A_1390 : memref<128x16xf32, #tpu.memory_space<vmem>>[vector<16xi32>, vector<16xi32>], vector<16xf32>,
        %mul3A_1396 = arith.constant 128 : i32
        %mul3A_1397 = arith.muli %add3A_45, %mul3A_1396 : i32
        %add3A_1398 = arith.constant 96 : i32
        %add3A_1399 = arith.addi %mul3A_1397, %add3A_1398 : i32
        %get3A_1400 = arith.constant 8 : i32
        %get3A_1401 = arith.index_cast %get3A_1400 : i32 to index
        %get3A_1402 = arith.index_cast %add3A_1399 : i32 to index
        %get3A_1403 = tpu.vector_load %arg10[%get3A_1401, %get3A_1402] {strides = array<i32>} : memref<16x512xf32, #tpu.memory_space<vmem>>, vector<16xf32>,
        %add3A_1404 = arith.constant 96 : i32
        %add3A_1405 = vector.broadcast %add3A_1404 : i32 to vector<16xi32>
        %add3A_1406 = arith.addi %add3A_1405, %iota3A : vector<16xi32>
        %broadcast_in_dim3A_1407 = arith.constant 8 : i32
        %broadcast_in_dim3A_1408 = vector.broadcast %broadcast_in_dim3A_1407 : i32 to vector<16xi32>
        tpu.vector_store_idx %arg8[%add3A_1406, %broadcast_in_dim3A_1408], %get3A_1403 : memref<128x16xf32, #tpu.memory_space<vmem>>[vector<16xi32>, vector<16xi32>], vector<16xf32>,
        %mul3A_1409 = arith.constant 128 : i32
        %mul3A_1410 = arith.muli %add3A_45, %mul3A_1409 : i32
        %add3A_1411 = arith.constant 96 : i32
        %add3A_1412 = arith.addi %mul3A_1410, %add3A_1411 : i32
        %get3A_1413 = arith.constant 9 : i32
        %get3A_1414 = arith.index_cast %get3A_1413 : i32 to index
        %get3A_1415 = arith.index_cast %add3A_1412 : i32 to index
        %get3A_1416 = tpu.vector_load %arg10[%get3A_1414, %get3A_1415] {strides = array<i32>} : memref<16x512xf32, #tpu.memory_space<vmem>>, vector<16xf32>,
        %add3A_1417 = arith.constant 96 : i32
        %add3A_1418 = vector.broadcast %add3A_1417 : i32 to vector<16xi32>
        %add3A_1419 = arith.addi %add3A_1418, %iota3A : vector<16xi32>
        %broadcast_in_dim3A_1420 = arith.constant 9 : i32
        %broadcast_in_dim3A_1421 = vector.broadcast %broadcast_in_dim3A_1420 : i32 to vector<16xi32>
        tpu.vector_store_idx %arg8[%add3A_1419, %broadcast_in_dim3A_1421], %get3A_1416 : memref<128x16xf32, #tpu.memory_space<vmem>>[vector<16xi32>, vector<16xi32>], vector<16xf32>,
        %mul3A_1422 = arith.constant 128 : i32
        %mul3A_1423 = arith.muli %add3A_45, %mul3A_1422 : i32
        %add3A_1424 = arith.constant 96 : i32
        %add3A_1425 = arith.addi %mul3A_1423, %add3A_1424 : i32
        %get3A_1426 = arith.constant 10 : i32
        %get3A_1427 = arith.index_cast %get3A_1426 : i32 to index
        %get3A_1428 = arith.index_cast %add3A_1425 : i32 to index
        %get3A_1429 = tpu.vector_load %arg10[%get3A_1427, %get3A_1428] {strides = array<i32>} : memref<16x512xf32, #tpu.memory_space<vmem>>, vector<16xf32>,
        %add3A_1430 = arith.constant 96 : i32
        %add3A_1431 = vector.broadcast %add3A_1430 : i32 to vector<16xi32>
        %add3A_1432 = arith.addi %add3A_1431, %iota3A : vector<16xi32>
        %broadcast_in_dim3A_1433 = arith.constant 10 : i32
        %broadcast_in_dim3A_1434 = vector.broadcast %broadcast_in_dim3A_1433 : i32 to vector<16xi32>
        tpu.vector_store_idx %arg8[%add3A_1432, %broadcast_in_dim3A_1434], %get3A_1429 : memref<128x16xf32, #tpu.memory_space<vmem>>[vector<16xi32>, vector<16xi32>], vector<16xf32>,
        %mul3A_1435 = arith.constant 128 : i32
        %mul3A_1436 = arith.muli %add3A_45, %mul3A_1435 : i32
        %add3A_1437 = arith.constant 96 : i32
        %add3A_1438 = arith.addi %mul3A_1436, %add3A_1437 : i32
        %get3A_1439 = arith.constant 11 : i32
        %get3A_1440 = arith.index_cast %get3A_1439 : i32 to index
        %get3A_1441 = arith.index_cast %add3A_1438 : i32 to index
        %get3A_1442 = tpu.vector_load %arg10[%get3A_1440, %get3A_1441] {strides = array<i32>} : memref<16x512xf32, #tpu.memory_space<vmem>>, vector<16xf32>,
        %add3A_1443 = arith.constant 96 : i32
        %add3A_1444 = vector.broadcast %add3A_1443 : i32 to vector<16xi32>
        %add3A_1445 = arith.addi %add3A_1444, %iota3A : vector<16xi32>
        %broadcast_in_dim3A_1446 = arith.constant 11 : i32
        %broadcast_in_dim3A_1447 = vector.broadcast %broadcast_in_dim3A_1446 : i32 to vector<16xi32>
        tpu.vector_store_idx %arg8[%add3A_1445, %broadcast_in_dim3A_1447], %get3A_1442 : memref<128x16xf32, #tpu.memory_space<vmem>>[vector<16xi32>, vector<16xi32>], vector<16xf32>,
        %mul3A_1448 = arith.constant 128 : i32
        %mul3A_1449 = arith.muli %add3A_45, %mul3A_1448 : i32
        %add3A_1450 = arith.constant 96 : i32
        %add3A_1451 = arith.addi %mul3A_1449, %add3A_1450 : i32
        %get3A_1452 = arith.constant 12 : i32
        %get3A_1453 = arith.index_cast %get3A_1452 : i32 to index
        %get3A_1454 = arith.index_cast %add3A_1451 : i32 to index
        %get3A_1455 = tpu.vector_load %arg10[%get3A_1453, %get3A_1454] {strides = array<i32>} : memref<16x512xf32, #tpu.memory_space<vmem>>, vector<16xf32>,
        %add3A_1456 = arith.constant 96 : i32
        %add3A_1457 = vector.broadcast %add3A_1456 : i32 to vector<16xi32>
        %add3A_1458 = arith.addi %add3A_1457, %iota3A : vector<16xi32>
        %broadcast_in_dim3A_1459 = arith.constant 12 : i32
        %broadcast_in_dim3A_1460 = vector.broadcast %broadcast_in_dim3A_1459 : i32 to vector<16xi32>
        tpu.vector_store_idx %arg8[%add3A_1458, %broadcast_in_dim3A_1460], %get3A_1455 : memref<128x16xf32, #tpu.memory_space<vmem>>[vector<16xi32>, vector<16xi32>], vector<16xf32>,
        %mul3A_1461 = arith.constant 128 : i32
        %mul3A_1462 = arith.muli %add3A_45, %mul3A_1461 : i32
        %add3A_1463 = arith.constant 96 : i32
        %add3A_1464 = arith.addi %mul3A_1462, %add3A_1463 : i32
        %get3A_1465 = arith.constant 13 : i32
        %get3A_1466 = arith.index_cast %get3A_1465 : i32 to index
        %get3A_1467 = arith.index_cast %add3A_1464 : i32 to index
        %get3A_1468 = tpu.vector_load %arg10[%get3A_1466, %get3A_1467] {strides = array<i32>} : memref<16x512xf32, #tpu.memory_space<vmem>>, vector<16xf32>,
        %add3A_1469 = arith.constant 96 : i32
        %add3A_1470 = vector.broadcast %add3A_1469 : i32 to vector<16xi32>
        %add3A_1471 = arith.addi %add3A_1470, %iota3A : vector<16xi32>
        %broadcast_in_dim3A_1472 = arith.constant 13 : i32
        %broadcast_in_dim3A_1473 = vector.broadcast %broadcast_in_dim3A_1472 : i32 to vector<16xi32>
        tpu.vector_store_idx %arg8[%add3A_1471, %broadcast_in_dim3A_1473], %get3A_1468 : memref<128x16xf32, #tpu.memory_space<vmem>>[vector<16xi32>, vector<16xi32>], vector<16xf32>,
        %mul3A_1474 = arith.constant 128 : i32
        %mul3A_1475 = arith.muli %add3A_45, %mul3A_1474 : i32
        %add3A_1476 = arith.constant 96 : i32
        %add3A_1477 = arith.addi %mul3A_1475, %add3A_1476 : i32
        %get3A_1478 = arith.constant 14 : i32
        %get3A_1479 = arith.index_cast %get3A_1478 : i32 to index
        %get3A_1480 = arith.index_cast %add3A_1477 : i32 to index
        %get3A_1481 = tpu.vector_load %arg10[%get3A_1479, %get3A_1480] {strides = array<i32>} : memref<16x512xf32, #tpu.memory_space<vmem>>, vector<16xf32>,
        %add3A_1482 = arith.constant 96 : i32
        %add3A_1483 = vector.broadcast %add3A_1482 : i32 to vector<16xi32>
        %add3A_1484 = arith.addi %add3A_1483, %iota3A : vector<16xi32>
        %broadcast_in_dim3A_1485 = arith.constant 14 : i32
        %broadcast_in_dim3A_1486 = vector.broadcast %broadcast_in_dim3A_1485 : i32 to vector<16xi32>
        tpu.vector_store_idx %arg8[%add3A_1484, %broadcast_in_dim3A_1486], %get3A_1481 : memref<128x16xf32, #tpu.memory_space<vmem>>[vector<16xi32>, vector<16xi32>], vector<16xf32>,
        %mul3A_1487 = arith.constant 128 : i32
        %mul3A_1488 = arith.muli %add3A_45, %mul3A_1487 : i32
        %add3A_1489 = arith.constant 96 : i32
        %add3A_1490 = arith.addi %mul3A_1488, %add3A_1489 : i32
        %get3A_1491 = arith.constant 15 : i32
        %get3A_1492 = arith.index_cast %get3A_1491 : i32 to index
        %get3A_1493 = arith.index_cast %add3A_1490 : i32 to index
        %get3A_1494 = tpu.vector_load %arg10[%get3A_1492, %get3A_1493] {strides = array<i32>} : memref<16x512xf32, #tpu.memory_space<vmem>>, vector<16xf32>,
        %add3A_1495 = arith.constant 96 : i32
        %add3A_1496 = vector.broadcast %add3A_1495 : i32 to vector<16xi32>
        %add3A_1497 = arith.addi %add3A_1496, %iota3A : vector<16xi32>
        %broadcast_in_dim3A_1498 = arith.constant 15 : i32
        %broadcast_in_dim3A_1499 = vector.broadcast %broadcast_in_dim3A_1498 : i32 to vector<16xi32>
        tpu.vector_store_idx %arg8[%add3A_1497, %broadcast_in_dim3A_1499], %get3A_1494 : memref<128x16xf32, #tpu.memory_space<vmem>>[vector<16xi32>, vector<16xi32>], vector<16xf32>,
        %mul3A_1500 = arith.constant 128 : i32
        %mul3A_1501 = arith.muli %add3A_45, %mul3A_1500 : i32
        %add3A_1502 = arith.constant 112 : i32
        %add3A_1503 = arith.addi %mul3A_1501, %add3A_1502 : i32
        %get3A_1504 = arith.constant 0 : i32
        %get3A_1505 = arith.index_cast %get3A_1504 : i32 to index
        %get3A_1506 = arith.index_cast %add3A_1503 : i32 to index
        %get3A_1507 = tpu.vector_load %arg10[%get3A_1505, %get3A_1506] {strides = array<i32>} : memref<16x512xf32, #tpu.memory_space<vmem>>, vector<16xf32>,
        %add3A_1508 = arith.constant 112 : i32
        %add3A_1509 = vector.broadcast %add3A_1508 : i32 to vector<16xi32>
        %add3A_1510 = arith.addi %add3A_1509, %iota3A : vector<16xi32>
        %broadcast_in_dim3A_1511 = arith.constant 0 : i32
        %broadcast_in_dim3A_1512 = vector.broadcast %broadcast_in_dim3A_1511 : i32 to vector<16xi32>
        tpu.vector_store_idx %arg8[%add3A_1510, %broadcast_in_dim3A_1512], %get3A_1507 : memref<128x16xf32, #tpu.memory_space<vmem>>[vector<16xi32>, vector<16xi32>], vector<16xf32>,
        %mul3A_1513 = arith.constant 128 : i32
        %mul3A_1514 = arith.muli %add3A_45, %mul3A_1513 : i32
        %add3A_1515 = arith.constant 112 : i32
        %add3A_1516 = arith.addi %mul3A_1514, %add3A_1515 : i32
        %get3A_1517 = arith.constant 1 : i32
        %get3A_1518 = arith.index_cast %get3A_1517 : i32 to index
        %get3A_1519 = arith.index_cast %add3A_1516 : i32 to index
        %get3A_1520 = tpu.vector_load %arg10[%get3A_1518, %get3A_1519] {strides = array<i32>} : memref<16x512xf32, #tpu.memory_space<vmem>>, vector<16xf32>,
        %add3A_1521 = arith.constant 112 : i32
        %add3A_1522 = vector.broadcast %add3A_1521 : i32 to vector<16xi32>
        %add3A_1523 = arith.addi %add3A_1522, %iota3A : vector<16xi32>
        %broadcast_in_dim3A_1524 = arith.constant 1 : i32
        %broadcast_in_dim3A_1525 = vector.broadcast %broadcast_in_dim3A_1524 : i32 to vector<16xi32>
        tpu.vector_store_idx %arg8[%add3A_1523, %broadcast_in_dim3A_1525], %get3A_1520 : memref<128x16xf32, #tpu.memory_space<vmem>>[vector<16xi32>, vector<16xi32>], vector<16xf32>,
        %mul3A_1526 = arith.constant 128 : i32
        %mul3A_1527 = arith.muli %add3A_45, %mul3A_1526 : i32
        %add3A_1528 = arith.constant 112 : i32
        %add3A_1529 = arith.addi %mul3A_1527, %add3A_1528 : i32
        %get3A_1530 = arith.constant 2 : i32
        %get3A_1531 = arith.index_cast %get3A_1530 : i32 to index
        %get3A_1532 = arith.index_cast %add3A_1529 : i32 to index
        %get3A_1533 = tpu.vector_load %arg10[%get3A_1531, %get3A_1532] {strides = array<i32>} : memref<16x512xf32, #tpu.memory_space<vmem>>, vector<16xf32>,
        %add3A_1534 = arith.constant 112 : i32
        %add3A_1535 = vector.broadcast %add3A_1534 : i32 to vector<16xi32>
        %add3A_1536 = arith.addi %add3A_1535, %iota3A : vector<16xi32>
        %broadcast_in_dim3A_1537 = arith.constant 2 : i32
        %broadcast_in_dim3A_1538 = vector.broadcast %broadcast_in_dim3A_1537 : i32 to vector<16xi32>
        tpu.vector_store_idx %arg8[%add3A_1536, %broadcast_in_dim3A_1538], %get3A_1533 : memref<128x16xf32, #tpu.memory_space<vmem>>[vector<16xi32>, vector<16xi32>], vector<16xf32>,
        %mul3A_1539 = arith.constant 128 : i32
        %mul3A_1540 = arith.muli %add3A_45, %mul3A_1539 : i32
        %add3A_1541 = arith.constant 112 : i32
        %add3A_1542 = arith.addi %mul3A_1540, %add3A_1541 : i32
        %get3A_1543 = arith.constant 3 : i32
        %get3A_1544 = arith.index_cast %get3A_1543 : i32 to index
        %get3A_1545 = arith.index_cast %add3A_1542 : i32 to index
        %get3A_1546 = tpu.vector_load %arg10[%get3A_1544, %get3A_1545] {strides = array<i32>} : memref<16x512xf32, #tpu.memory_space<vmem>>, vector<16xf32>,
        %add3A_1547 = arith.constant 112 : i32
        %add3A_1548 = vector.broadcast %add3A_1547 : i32 to vector<16xi32>
        %add3A_1549 = arith.addi %add3A_1548, %iota3A : vector<16xi32>
        %broadcast_in_dim3A_1550 = arith.constant 3 : i32
        %broadcast_in_dim3A_1551 = vector.broadcast %broadcast_in_dim3A_1550 : i32 to vector<16xi32>
        tpu.vector_store_idx %arg8[%add3A_1549, %broadcast_in_dim3A_1551], %get3A_1546 : memref<128x16xf32, #tpu.memory_space<vmem>>[vector<16xi32>, vector<16xi32>], vector<16xf32>,
        %mul3A_1552 = arith.constant 128 : i32
        %mul3A_1553 = arith.muli %add3A_45, %mul3A_1552 : i32
        %add3A_1554 = arith.constant 112 : i32
        %add3A_1555 = arith.addi %mul3A_1553, %add3A_1554 : i32
        %get3A_1556 = arith.constant 4 : i32
        %get3A_1557 = arith.index_cast %get3A_1556 : i32 to index
        %get3A_1558 = arith.index_cast %add3A_1555 : i32 to index
        %get3A_1559 = tpu.vector_load %arg10[%get3A_1557, %get3A_1558] {strides = array<i32>} : memref<16x512xf32, #tpu.memory_space<vmem>>, vector<16xf32>,
        %add3A_1560 = arith.constant 112 : i32
        %add3A_1561 = vector.broadcast %add3A_1560 : i32 to vector<16xi32>
        %add3A_1562 = arith.addi %add3A_1561, %iota3A : vector<16xi32>
        %broadcast_in_dim3A_1563 = arith.constant 4 : i32
        %broadcast_in_dim3A_1564 = vector.broadcast %broadcast_in_dim3A_1563 : i32 to vector<16xi32>
        tpu.vector_store_idx %arg8[%add3A_1562, %broadcast_in_dim3A_1564], %get3A_1559 : memref<128x16xf32, #tpu.memory_space<vmem>>[vector<16xi32>, vector<16xi32>], vector<16xf32>,
        %mul3A_1565 = arith.constant 128 : i32
        %mul3A_1566 = arith.muli %add3A_45, %mul3A_1565 : i32
        %add3A_1567 = arith.constant 112 : i32
        %add3A_1568 = arith.addi %mul3A_1566, %add3A_1567 : i32
        %get3A_1569 = arith.constant 5 : i32
        %get3A_1570 = arith.index_cast %get3A_1569 : i32 to index
        %get3A_1571 = arith.index_cast %add3A_1568 : i32 to index
        %get3A_1572 = tpu.vector_load %arg10[%get3A_1570, %get3A_1571] {strides = array<i32>} : memref<16x512xf32, #tpu.memory_space<vmem>>, vector<16xf32>,
        %add3A_1573 = arith.constant 112 : i32
        %add3A_1574 = vector.broadcast %add3A_1573 : i32 to vector<16xi32>
        %add3A_1575 = arith.addi %add3A_1574, %iota3A : vector<16xi32>
        %broadcast_in_dim3A_1576 = arith.constant 5 : i32
        %broadcast_in_dim3A_1577 = vector.broadcast %broadcast_in_dim3A_1576 : i32 to vector<16xi32>
        tpu.vector_store_idx %arg8[%add3A_1575, %broadcast_in_dim3A_1577], %get3A_1572 : memref<128x16xf32, #tpu.memory_space<vmem>>[vector<16xi32>, vector<16xi32>], vector<16xf32>,
        %mul3A_1578 = arith.constant 128 : i32
        %mul3A_1579 = arith.muli %add3A_45, %mul3A_1578 : i32
        %add3A_1580 = arith.constant 112 : i32
        %add3A_1581 = arith.addi %mul3A_1579, %add3A_1580 : i32
        %get3A_1582 = arith.constant 6 : i32
        %get3A_1583 = arith.index_cast %get3A_1582 : i32 to index
        %get3A_1584 = arith.index_cast %add3A_1581 : i32 to index
        %get3A_1585 = tpu.vector_load %arg10[%get3A_1583, %get3A_1584] {strides = array<i32>} : memref<16x512xf32, #tpu.memory_space<vmem>>, vector<16xf32>,
        %add3A_1586 = arith.constant 112 : i32
        %add3A_1587 = vector.broadcast %add3A_1586 : i32 to vector<16xi32>
        %add3A_1588 = arith.addi %add3A_1587, %iota3A : vector<16xi32>
        %broadcast_in_dim3A_1589 = arith.constant 6 : i32
        %broadcast_in_dim3A_1590 = vector.broadcast %broadcast_in_dim3A_1589 : i32 to vector<16xi32>
        tpu.vector_store_idx %arg8[%add3A_1588, %broadcast_in_dim3A_1590], %get3A_1585 : memref<128x16xf32, #tpu.memory_space<vmem>>[vector<16xi32>, vector<16xi32>], vector<16xf32>,
        %mul3A_1591 = arith.constant 128 : i32
        %mul3A_1592 = arith.muli %add3A_45, %mul3A_1591 : i32
        %add3A_1593 = arith.constant 112 : i32
        %add3A_1594 = arith.addi %mul3A_1592, %add3A_1593 : i32
        %get3A_1595 = arith.constant 7 : i32
        %get3A_1596 = arith.index_cast %get3A_1595 : i32 to index
        %get3A_1597 = arith.index_cast %add3A_1594 : i32 to index
        %get3A_1598 = tpu.vector_load %arg10[%get3A_1596, %get3A_1597] {strides = array<i32>} : memref<16x512xf32, #tpu.memory_space<vmem>>, vector<16xf32>,
        %add3A_1599 = arith.constant 112 : i32
        %add3A_1600 = vector.broadcast %add3A_1599 : i32 to vector<16xi32>
        %add3A_1601 = arith.addi %add3A_1600, %iota3A : vector<16xi32>
        %broadcast_in_dim3A_1602 = arith.constant 7 : i32
        %broadcast_in_dim3A_1603 = vector.broadcast %broadcast_in_dim3A_1602 : i32 to vector<16xi32>
        tpu.vector_store_idx %arg8[%add3A_1601, %broadcast_in_dim3A_1603], %get3A_1598 : memref<128x16xf32, #tpu.memory_space<vmem>>[vector<16xi32>, vector<16xi32>], vector<16xf32>,
        %mul3A_1604 = arith.constant 128 : i32
        %mul3A_1605 = arith.muli %add3A_45, %mul3A_1604 : i32
        %add3A_1606 = arith.constant 112 : i32
        %add3A_1607 = arith.addi %mul3A_1605, %add3A_1606 : i32
        %get3A_1608 = arith.constant 8 : i32
        %get3A_1609 = arith.index_cast %get3A_1608 : i32 to index
        %get3A_1610 = arith.index_cast %add3A_1607 : i32 to index
        %get3A_1611 = tpu.vector_load %arg10[%get3A_1609, %get3A_1610] {strides = array<i32>} : memref<16x512xf32, #tpu.memory_space<vmem>>, vector<16xf32>,
        %add3A_1612 = arith.constant 112 : i32
        %add3A_1613 = vector.broadcast %add3A_1612 : i32 to vector<16xi32>
        %add3A_1614 = arith.addi %add3A_1613, %iota3A : vector<16xi32>
        %broadcast_in_dim3A_1615 = arith.constant 8 : i32
        %broadcast_in_dim3A_1616 = vector.broadcast %broadcast_in_dim3A_1615 : i32 to vector<16xi32>
        tpu.vector_store_idx %arg8[%add3A_1614, %broadcast_in_dim3A_1616], %get3A_1611 : memref<128x16xf32, #tpu.memory_space<vmem>>[vector<16xi32>, vector<16xi32>], vector<16xf32>,
        %mul3A_1617 = arith.constant 128 : i32
        %mul3A_1618 = arith.muli %add3A_45, %mul3A_1617 : i32
        %add3A_1619 = arith.constant 112 : i32
        %add3A_1620 = arith.addi %mul3A_1618, %add3A_1619 : i32
        %get3A_1621 = arith.constant 9 : i32
        %get3A_1622 = arith.index_cast %get3A_1621 : i32 to index
        %get3A_1623 = arith.index_cast %add3A_1620 : i32 to index
        %get3A_1624 = tpu.vector_load %arg10[%get3A_1622, %get3A_1623] {strides = array<i32>} : memref<16x512xf32, #tpu.memory_space<vmem>>, vector<16xf32>,
        %add3A_1625 = arith.constant 112 : i32
        %add3A_1626 = vector.broadcast %add3A_1625 : i32 to vector<16xi32>
        %add3A_1627 = arith.addi %add3A_1626, %iota3A : vector<16xi32>
        %broadcast_in_dim3A_1628 = arith.constant 9 : i32
        %broadcast_in_dim3A_1629 = vector.broadcast %broadcast_in_dim3A_1628 : i32 to vector<16xi32>
        tpu.vector_store_idx %arg8[%add3A_1627, %broadcast_in_dim3A_1629], %get3A_1624 : memref<128x16xf32, #tpu.memory_space<vmem>>[vector<16xi32>, vector<16xi32>], vector<16xf32>,
        %mul3A_1630 = arith.constant 128 : i32
        %mul3A_1631 = arith.muli %add3A_45, %mul3A_1630 : i32
        %add3A_1632 = arith.constant 112 : i32
        %add3A_1633 = arith.addi %mul3A_1631, %add3A_1632 : i32
        %get3A_1634 = arith.constant 10 : i32
        %get3A_1635 = arith.index_cast %get3A_1634 : i32 to index
        %get3A_1636 = arith.index_cast %add3A_1633 : i32 to index
        %get3A_1637 = tpu.vector_load %arg10[%get3A_1635, %get3A_1636] {strides = array<i32>} : memref<16x512xf32, #tpu.memory_space<vmem>>, vector<16xf32>,
        %add3A_1638 = arith.constant 112 : i32
        %add3A_1639 = vector.broadcast %add3A_1638 : i32 to vector<16xi32>
        %add3A_1640 = arith.addi %add3A_1639, %iota3A : vector<16xi32>
        %broadcast_in_dim3A_1641 = arith.constant 10 : i32
        %broadcast_in_dim3A_1642 = vector.broadcast %broadcast_in_dim3A_1641 : i32 to vector<16xi32>
        tpu.vector_store_idx %arg8[%add3A_1640, %broadcast_in_dim3A_1642], %get3A_1637 : memref<128x16xf32, #tpu.memory_space<vmem>>[vector<16xi32>, vector<16xi32>], vector<16xf32>,
        %mul3A_1643 = arith.constant 128 : i32
        %mul3A_1644 = arith.muli %add3A_45, %mul3A_1643 : i32
        %add3A_1645 = arith.constant 112 : i32
        %add3A_1646 = arith.addi %mul3A_1644, %add3A_1645 : i32
        %get3A_1647 = arith.constant 11 : i32
        %get3A_1648 = arith.index_cast %get3A_1647 : i32 to index
        %get3A_1649 = arith.index_cast %add3A_1646 : i32 to index
        %get3A_1650 = tpu.vector_load %arg10[%get3A_1648, %get3A_1649] {strides = array<i32>} : memref<16x512xf32, #tpu.memory_space<vmem>>, vector<16xf32>,
        %add3A_1651 = arith.constant 112 : i32
        %add3A_1652 = vector.broadcast %add3A_1651 : i32 to vector<16xi32>
        %add3A_1653 = arith.addi %add3A_1652, %iota3A : vector<16xi32>
        %broadcast_in_dim3A_1654 = arith.constant 11 : i32
        %broadcast_in_dim3A_1655 = vector.broadcast %broadcast_in_dim3A_1654 : i32 to vector<16xi32>
        tpu.vector_store_idx %arg8[%add3A_1653, %broadcast_in_dim3A_1655], %get3A_1650 : memref<128x16xf32, #tpu.memory_space<vmem>>[vector<16xi32>, vector<16xi32>], vector<16xf32>,
        %mul3A_1656 = arith.constant 128 : i32
        %mul3A_1657 = arith.muli %add3A_45, %mul3A_1656 : i32
        %add3A_1658 = arith.constant 112 : i32
        %add3A_1659 = arith.addi %mul3A_1657, %add3A_1658 : i32
        %get3A_1660 = arith.constant 12 : i32
        %get3A_1661 = arith.index_cast %get3A_1660 : i32 to index
        %get3A_1662 = arith.index_cast %add3A_1659 : i32 to index
        %get3A_1663 = tpu.vector_load %arg10[%get3A_1661, %get3A_1662] {strides = array<i32>} : memref<16x512xf32, #tpu.memory_space<vmem>>, vector<16xf32>,
        %add3A_1664 = arith.constant 112 : i32
        %add3A_1665 = vector.broadcast %add3A_1664 : i32 to vector<16xi32>
        %add3A_1666 = arith.addi %add3A_1665, %iota3A : vector<16xi32>
        %broadcast_in_dim3A_1667 = arith.constant 12 : i32
        %broadcast_in_dim3A_1668 = vector.broadcast %broadcast_in_dim3A_1667 : i32 to vector<16xi32>
        tpu.vector_store_idx %arg8[%add3A_1666, %broadcast_in_dim3A_1668], %get3A_1663 : memref<128x16xf32, #tpu.memory_space<vmem>>[vector<16xi32>, vector<16xi32>], vector<16xf32>,
        %mul3A_1669 = arith.constant 128 : i32
        %mul3A_1670 = arith.muli %add3A_45, %mul3A_1669 : i32
        %add3A_1671 = arith.constant 112 : i32
        %add3A_1672 = arith.addi %mul3A_1670, %add3A_1671 : i32
        %get3A_1673 = arith.constant 13 : i32
        %get3A_1674 = arith.index_cast %get3A_1673 : i32 to index
        %get3A_1675 = arith.index_cast %add3A_1672 : i32 to index
        %get3A_1676 = tpu.vector_load %arg10[%get3A_1674, %get3A_1675] {strides = array<i32>} : memref<16x512xf32, #tpu.memory_space<vmem>>, vector<16xf32>,
        %add3A_1677 = arith.constant 112 : i32
        %add3A_1678 = vector.broadcast %add3A_1677 : i32 to vector<16xi32>
        %add3A_1679 = arith.addi %add3A_1678, %iota3A : vector<16xi32>
        %broadcast_in_dim3A_1680 = arith.constant 13 : i32
        %broadcast_in_dim3A_1681 = vector.broadcast %broadcast_in_dim3A_1680 : i32 to vector<16xi32>
        tpu.vector_store_idx %arg8[%add3A_1679, %broadcast_in_dim3A_1681], %get3A_1676 : memref<128x16xf32, #tpu.memory_space<vmem>>[vector<16xi32>, vector<16xi32>], vector<16xf32>,
        %mul3A_1682 = arith.constant 128 : i32
        %mul3A_1683 = arith.muli %add3A_45, %mul3A_1682 : i32
        %add3A_1684 = arith.constant 112 : i32
        %add3A_1685 = arith.addi %mul3A_1683, %add3A_1684 : i32
        %get3A_1686 = arith.constant 14 : i32
        %get3A_1687 = arith.index_cast %get3A_1686 : i32 to index
        %get3A_1688 = arith.index_cast %add3A_1685 : i32 to index
        %get3A_1689 = tpu.vector_load %arg10[%get3A_1687, %get3A_1688] {strides = array<i32>} : memref<16x512xf32, #tpu.memory_space<vmem>>, vector<16xf32>,
        %add3A_1690 = arith.constant 112 : i32
        %add3A_1691 = vector.broadcast %add3A_1690 : i32 to vector<16xi32>
        %add3A_1692 = arith.addi %add3A_1691, %iota3A : vector<16xi32>
        %broadcast_in_dim3A_1693 = arith.constant 14 : i32
        %broadcast_in_dim3A_1694 = vector.broadcast %broadcast_in_dim3A_1693 : i32 to vector<16xi32>
        tpu.vector_store_idx %arg8[%add3A_1692, %broadcast_in_dim3A_1694], %get3A_1689 : memref<128x16xf32, #tpu.memory_space<vmem>>[vector<16xi32>, vector<16xi32>], vector<16xf32>,
        %mul3A_1695 = arith.constant 128 : i32
        %mul3A_1696 = arith.muli %add3A_45, %mul3A_1695 : i32
        %add3A_1697 = arith.constant 112 : i32
        %add3A_1698 = arith.addi %mul3A_1696, %add3A_1697 : i32
        %get3A_1699 = arith.constant 15 : i32
        %get3A_1700 = arith.index_cast %get3A_1699 : i32 to index
        %get3A_1701 = arith.index_cast %add3A_1698 : i32 to index
        %get3A_1702 = tpu.vector_load %arg10[%get3A_1700, %get3A_1701] {strides = array<i32>} : memref<16x512xf32, #tpu.memory_space<vmem>>, vector<16xf32>,
        %add3A_1703 = arith.constant 112 : i32
        %add3A_1704 = vector.broadcast %add3A_1703 : i32 to vector<16xi32>
        %add3A_1705 = arith.addi %add3A_1704, %iota3A : vector<16xi32>
        %broadcast_in_dim3A_1706 = arith.constant 15 : i32
        %broadcast_in_dim3A_1707 = vector.broadcast %broadcast_in_dim3A_1706 : i32 to vector<16xi32>
        tpu.vector_store_idx %arg8[%add3A_1705, %broadcast_in_dim3A_1707], %get3A_1702 : memref<128x16xf32, #tpu.memory_space<vmem>>[vector<16xi32>, vector<16xi32>], vector<16xf32>,
        %mul3A_1708 = arith.constant 512 : i32
        %mul3A_1709 = arith.muli %add3A_32, %mul3A_1708 : i32
        %add3A_1710 = arith.addi %mul3A_6, %mul3A_1709 : i32
        %mul3A_1711 = arith.constant 128 : i32
        %mul3A_1712 = arith.muli %add3A_45, %mul3A_1711 : i32
        %add3A_1713 = arith.addi %add3A_1710, %mul3A_1712 : i32
        "tpu.region"() ({
          %run_scoped3A = tpu.sem_alloc : memref<!tpu.dma_semaphore, #tpu.memory_space<semaphore_mem>>
          %dma_start3A = arith.constant 0 : i32
          %dma_start3A_1714 = tpu.memref_slice %arg12[%add3A_1713, %dma_start3A] : memref<32768x16xf32, #tpu.memory_space<vmem_shared>> -> memref<128x16xf32, #tpu.memory_space<vmem_shared>>
          %dma_start3A_1715 = arith.constant 0 : i32
          %dma_start3A_1716 = tpu.memref_slice %arg12[%add3A_1713, %dma_start3A_1715] : memref<32768x16xf32, #tpu.memory_space<vmem_shared>> -> memref<128x16xf32, #tpu.memory_space<vmem_shared>>
          tpu.enqueue_dma source(%arg8 : memref<128x16xf32, #tpu.memory_space<vmem>>) target(%dma_start3A_1716 : memref<128x16xf32, #tpu.memory_space<vmem_shared>>) target_semaphore(%run_scoped3A : memref<!tpu.dma_semaphore, #tpu.memory_space<semaphore_mem>>)
          %dma_wait3A = arith.constant 0 : i32
          %dma_wait3A_1717 = tpu.memref_slice %arg12[%add3A_1713, %dma_wait3A] : memref<32768x16xf32, #tpu.memory_space<vmem_shared>> -> memref<128x16xf32, #tpu.memory_space<vmem_shared>>
          %dma_wait3A_1718 = arith.constant 0 : i32
          %dma_wait3A_1719 = tpu.memref_slice %arg12[%add3A_1713, %dma_wait3A_1718] : memref<32768x16xf32, #tpu.memory_space<vmem_shared>> -> memref<128x16xf32, #tpu.memory_space<vmem_shared>>
          tpu.wait_dma2 semaphore(%run_scoped3A : memref<!tpu.dma_semaphore, #tpu.memory_space<semaphore_mem>>) src(%arg8 : memref<128x16xf32, #tpu.memory_space<vmem>>) dst(%dma_wait3A_1719 : memref<128x16xf32, #tpu.memory_space<vmem_shared>>)
          tpu.yield
        }) : () -> ()
      }
      %scan3A_40 = arith.constant 4 : i32
    }
    %scan3A_16 = arith.constant 4 : i32
    %barrier3A = arith.constant 0 : index
    tpu.barrier barrier_id(%barrier3A)
    %scan3A_17 = arith.constant 0 : i32
    %scan3A_18 = arith.constant 4 : i32
    %scan3A_19 = arith.addi %scan3A_17, %scan3A_18 : i32
    %scan3A_20 = arith.constant 1 : i32
    scf.for %scan3A_28 = %scan3A_17 to %scan3A_19 step %scan3A_20  : i32 {
      %mul3A_29 = arith.constant 1 : i32
      %mul3A_30 = arith.muli %scan3A_28, %mul3A_29 : i32
      %add3A_31 = arith.constant 0 : i32
      %add3A_32 = arith.addi %add3A_31, %mul3A_30 : i32
      %mul3A_33 = arith.constant 256 : i32
      %mul3A_34 = arith.muli %add3A, %mul3A_33 : i32
      %mul3A_35 = arith.constant 64 : i32
      %mul3A_36 = arith.muli %add3A_32, %mul3A_35 : i32
      %add3A_37 = arith.addi %mul3A_34, %mul3A_36 : i32
      %mul3A_38 = arith.constant 2 : i32
      %mul3A_39 = arith.muli %mul3A_38, %add3A_37 : i32
      "tpu.region"() ({
        %run_scoped3A = tpu.sem_alloc : memref<!tpu.dma_semaphore, #tpu.memory_space<semaphore_mem>>
        %dma_start3A_235 = arith.constant 0 : i32
        %dma_start3A_236 = tpu.memref_slice %arg3[%mul3A_39, %dma_start3A_235] : memref<16384x128xi32, #tpu.memory_space<hbm>> -> memref<128x128xi32, #tpu.memory_space<hbm>>
        %dma_start3A_237 = arith.constant 0 : i32
        %dma_start3A_238 = tpu.memref_slice %arg3[%mul3A_39, %dma_start3A_237] : memref<16384x128xi32, #tpu.memory_space<hbm>> -> memref<128x128xi32, #tpu.memory_space<hbm>>
        tpu.enqueue_dma source(%dma_start3A_238 : memref<128x128xi32, #tpu.memory_space<hbm>>) target(%arg5 : memref<128x128xi32, #tpu.memory_space<vmem>>) target_semaphore(%run_scoped3A : memref<!tpu.dma_semaphore, #tpu.memory_space<semaphore_mem>>)
        %dma_wait3A_239 = arith.constant 0 : i32
        %dma_wait3A_240 = tpu.memref_slice %arg3[%mul3A_39, %dma_wait3A_239] : memref<16384x128xi32, #tpu.memory_space<hbm>> -> memref<128x128xi32, #tpu.memory_space<hbm>>
        %dma_wait3A_241 = arith.constant 0 : i32
        %dma_wait3A_242 = tpu.memref_slice %arg3[%mul3A_39, %dma_wait3A_241] : memref<16384x128xi32, #tpu.memory_space<hbm>> -> memref<128x128xi32, #tpu.memory_space<hbm>>
        tpu.wait_dma2 semaphore(%run_scoped3A : memref<!tpu.dma_semaphore, #tpu.memory_space<semaphore_mem>>) src(%dma_wait3A_242 : memref<128x128xi32, #tpu.memory_space<hbm>>) dst(%arg5 : memref<128x128xi32, #tpu.memory_space<vmem>>)
        tpu.yield
      }) : () -> ()
      %dma_start3A = arith.constant 0 : i32
      %dma_start3A_40 = arith.constant 0 : i32
      %dma_start3A_41 = arith.constant 0 : i32
      %dma_start3A_42 = arith.constant 0 : i32
      %dma_start3A_43 = tpu.memref_slice %arg6[%dma_start3A_40, %dma_start3A_41, %dma_start3A_42] : memref<16x128x16xf32, #tpu.memory_space<vmem>> -> memref<1x128x16xf32, #tpu.memory_space<vmem>>
      %dma_start3A_44 = tpu.memref_squeeze %dma_start3A_43 : memref<1x128x16xf32, #tpu.memory_space<vmem>> -> memref<128x16xf32, #tpu.memory_space<vmem>>
      %dma_start3A_45 = arith.constant 0 : i32
      %dma_start3A_46 = tpu.memref_slice %arg5[%dma_start3A, %dma_start3A_45] : memref<128x128xi32, #tpu.memory_space<vmem>> -> memref<1x128xi32, #tpu.memory_space<vmem>>
      %dma_start3A_47 = tpu.memref_squeeze %dma_start3A_46 : memref<1x128xi32, #tpu.memory_space<vmem>> -> memref<128xi32, #tpu.memory_space<vmem>>
      %dma_start3A_48 = arith.constant 0 : i32
      %dma_start3A_49 = arith.constant 0 : i32
      %dma_start3A_50 = tpu.memref_slice %arg12[%dma_start3A_48, %dma_start3A_49] : memref<32768x16xf32, #tpu.memory_space<vmem_shared>> -> memref<32768x16xf32, #tpu.memory_space<vmem_shared>>
      tpu.enqueue_indirect_dma source(%dma_start3A_50 : memref<32768x16xf32, #tpu.memory_space<vmem_shared>>) target(%dma_start3A_44 : memref<128x16xf32, #tpu.memory_space<vmem>>) offsets(%dma_start3A_47 : memref<128xi32, #tpu.memory_space<vmem>>) semaphore(%arg13 : memref<!tpu.dma_semaphore, #tpu.memory_space<semaphore_mem>>)
      %dma_start3A_51 = arith.constant 2 : i32
      %dma_start3A_52 = arith.constant 1 : i32
      %dma_start3A_53 = arith.constant 0 : i32
      %dma_start3A_54 = arith.constant 0 : i32
      %dma_start3A_55 = tpu.memref_slice %arg6[%dma_start3A_52, %dma_start3A_53, %dma_start3A_54] : memref<16x128x16xf32, #tpu.memory_space<vmem>> -> memref<1x128x16xf32, #tpu.memory_space<vmem>>
      %dma_start3A_56 = tpu.memref_squeeze %dma_start3A_55 : memref<1x128x16xf32, #tpu.memory_space<vmem>> -> memref<128x16xf32, #tpu.memory_space<vmem>>
      %dma_start3A_57 = arith.constant 0 : i32
      %dma_start3A_58 = tpu.memref_slice %arg5[%dma_start3A_51, %dma_start3A_57] : memref<128x128xi32, #tpu.memory_space<vmem>> -> memref<1x128xi32, #tpu.memory_space<vmem>>
      %dma_start3A_59 = tpu.memref_squeeze %dma_start3A_58 : memref<1x128xi32, #tpu.memory_space<vmem>> -> memref<128xi32, #tpu.memory_space<vmem>>
      %dma_start3A_60 = arith.constant 0 : i32
      %dma_start3A_61 = arith.constant 0 : i32
      %dma_start3A_62 = tpu.memref_slice %arg12[%dma_start3A_60, %dma_start3A_61] : memref<32768x16xf32, #tpu.memory_space<vmem_shared>> -> memref<32768x16xf32, #tpu.memory_space<vmem_shared>>
      tpu.enqueue_indirect_dma source(%dma_start3A_62 : memref<32768x16xf32, #tpu.memory_space<vmem_shared>>) target(%dma_start3A_56 : memref<128x16xf32, #tpu.memory_space<vmem>>) offsets(%dma_start3A_59 : memref<128xi32, #tpu.memory_space<vmem>>) semaphore(%arg13 : memref<!tpu.dma_semaphore, #tpu.memory_space<semaphore_mem>>)
      %dma_start3A_63 = arith.constant 4 : i32
      %dma_start3A_64 = arith.constant 2 : i32
      %dma_start3A_65 = arith.constant 0 : i32
      %dma_start3A_66 = arith.constant 0 : i32
      %dma_start3A_67 = tpu.memref_slice %arg6[%dma_start3A_64, %dma_start3A_65, %dma_start3A_66] : memref<16x128x16xf32, #tpu.memory_space<vmem>> -> memref<1x128x16xf32, #tpu.memory_space<vmem>>
      %dma_start3A_68 = tpu.memref_squeeze %dma_start3A_67 : memref<1x128x16xf32, #tpu.memory_space<vmem>> -> memref<128x16xf32, #tpu.memory_space<vmem>>
      %dma_start3A_69 = arith.constant 0 : i32
      %dma_start3A_70 = tpu.memref_slice %arg5[%dma_start3A_63, %dma_start3A_69] : memref<128x128xi32, #tpu.memory_space<vmem>> -> memref<1x128xi32, #tpu.memory_space<vmem>>
      %dma_start3A_71 = tpu.memref_squeeze %dma_start3A_70 : memref<1x128xi32, #tpu.memory_space<vmem>> -> memref<128xi32, #tpu.memory_space<vmem>>
      %dma_start3A_72 = arith.constant 0 : i32
      %dma_start3A_73 = arith.constant 0 : i32
      %dma_start3A_74 = tpu.memref_slice %arg12[%dma_start3A_72, %dma_start3A_73] : memref<32768x16xf32, #tpu.memory_space<vmem_shared>> -> memref<32768x16xf32, #tpu.memory_space<vmem_shared>>
      tpu.enqueue_indirect_dma source(%dma_start3A_74 : memref<32768x16xf32, #tpu.memory_space<vmem_shared>>) target(%dma_start3A_68 : memref<128x16xf32, #tpu.memory_space<vmem>>) offsets(%dma_start3A_71 : memref<128xi32, #tpu.memory_space<vmem>>) semaphore(%arg13 : memref<!tpu.dma_semaphore, #tpu.memory_space<semaphore_mem>>)
      %dma_start3A_75 = arith.constant 6 : i32
      %dma_start3A_76 = arith.constant 3 : i32
      %dma_start3A_77 = arith.constant 0 : i32
      %dma_start3A_78 = arith.constant 0 : i32
      %dma_start3A_79 = tpu.memref_slice %arg6[%dma_start3A_76, %dma_start3A_77, %dma_start3A_78] : memref<16x128x16xf32, #tpu.memory_space<vmem>> -> memref<1x128x16xf32, #tpu.memory_space<vmem>>
      %dma_start3A_80 = tpu.memref_squeeze %dma_start3A_79 : memref<1x128x16xf32, #tpu.memory_space<vmem>> -> memref<128x16xf32, #tpu.memory_space<vmem>>
      %dma_start3A_81 = arith.constant 0 : i32
      %dma_start3A_82 = tpu.memref_slice %arg5[%dma_start3A_75, %dma_start3A_81] : memref<128x128xi32, #tpu.memory_space<vmem>> -> memref<1x128xi32, #tpu.memory_space<vmem>>
      %dma_start3A_83 = tpu.memref_squeeze %dma_start3A_82 : memref<1x128xi32, #tpu.memory_space<vmem>> -> memref<128xi32, #tpu.memory_space<vmem>>
      %dma_start3A_84 = arith.constant 0 : i32
      %dma_start3A_85 = arith.constant 0 : i32
      %dma_start3A_86 = tpu.memref_slice %arg12[%dma_start3A_84, %dma_start3A_85] : memref<32768x16xf32, #tpu.memory_space<vmem_shared>> -> memref<32768x16xf32, #tpu.memory_space<vmem_shared>>
      tpu.enqueue_indirect_dma source(%dma_start3A_86 : memref<32768x16xf32, #tpu.memory_space<vmem_shared>>) target(%dma_start3A_80 : memref<128x16xf32, #tpu.memory_space<vmem>>) offsets(%dma_start3A_83 : memref<128xi32, #tpu.memory_space<vmem>>) semaphore(%arg13 : memref<!tpu.dma_semaphore, #tpu.memory_space<semaphore_mem>>)
      %dma_start3A_87 = arith.constant 8 : i32
      %dma_start3A_88 = arith.constant 4 : i32
      %dma_start3A_89 = arith.constant 0 : i32
      %dma_start3A_90 = arith.constant 0 : i32
      %dma_start3A_91 = tpu.memref_slice %arg6[%dma_start3A_88, %dma_start3A_89, %dma_start3A_90] : memref<16x128x16xf32, #tpu.memory_space<vmem>> -> memref<1x128x16xf32, #tpu.memory_space<vmem>>
      %dma_start3A_92 = tpu.memref_squeeze %dma_start3A_91 : memref<1x128x16xf32, #tpu.memory_space<vmem>> -> memref<128x16xf32, #tpu.memory_space<vmem>>
      %dma_start3A_93 = arith.constant 0 : i32
      %dma_start3A_94 = tpu.memref_slice %arg5[%dma_start3A_87, %dma_start3A_93] : memref<128x128xi32, #tpu.memory_space<vmem>> -> memref<1x128xi32, #tpu.memory_space<vmem>>
      %dma_start3A_95 = tpu.memref_squeeze %dma_start3A_94 : memref<1x128xi32, #tpu.memory_space<vmem>> -> memref<128xi32, #tpu.memory_space<vmem>>
      %dma_start3A_96 = arith.constant 0 : i32
      %dma_start3A_97 = arith.constant 0 : i32
      %dma_start3A_98 = tpu.memref_slice %arg12[%dma_start3A_96, %dma_start3A_97] : memref<32768x16xf32, #tpu.memory_space<vmem_shared>> -> memref<32768x16xf32, #tpu.memory_space<vmem_shared>>
      tpu.enqueue_indirect_dma source(%dma_start3A_98 : memref<32768x16xf32, #tpu.memory_space<vmem_shared>>) target(%dma_start3A_92 : memref<128x16xf32, #tpu.memory_space<vmem>>) offsets(%dma_start3A_95 : memref<128xi32, #tpu.memory_space<vmem>>) semaphore(%arg13 : memref<!tpu.dma_semaphore, #tpu.memory_space<semaphore_mem>>)
      %dma_start3A_99 = arith.constant 10 : i32
      %dma_start3A_100 = arith.constant 5 : i32
      %dma_start3A_101 = arith.constant 0 : i32
      %dma_start3A_102 = arith.constant 0 : i32
      %dma_start3A_103 = tpu.memref_slice %arg6[%dma_start3A_100, %dma_start3A_101, %dma_start3A_102] : memref<16x128x16xf32, #tpu.memory_space<vmem>> -> memref<1x128x16xf32, #tpu.memory_space<vmem>>
      %dma_start3A_104 = tpu.memref_squeeze %dma_start3A_103 : memref<1x128x16xf32, #tpu.memory_space<vmem>> -> memref<128x16xf32, #tpu.memory_space<vmem>>
      %dma_start3A_105 = arith.constant 0 : i32
      %dma_start3A_106 = tpu.memref_slice %arg5[%dma_start3A_99, %dma_start3A_105] : memref<128x128xi32, #tpu.memory_space<vmem>> -> memref<1x128xi32, #tpu.memory_space<vmem>>
      %dma_start3A_107 = tpu.memref_squeeze %dma_start3A_106 : memref<1x128xi32, #tpu.memory_space<vmem>> -> memref<128xi32, #tpu.memory_space<vmem>>
      %dma_start3A_108 = arith.constant 0 : i32
      %dma_start3A_109 = arith.constant 0 : i32
      %dma_start3A_110 = tpu.memref_slice %arg12[%dma_start3A_108, %dma_start3A_109] : memref<32768x16xf32, #tpu.memory_space<vmem_shared>> -> memref<32768x16xf32, #tpu.memory_space<vmem_shared>>
      tpu.enqueue_indirect_dma source(%dma_start3A_110 : memref<32768x16xf32, #tpu.memory_space<vmem_shared>>) target(%dma_start3A_104 : memref<128x16xf32, #tpu.memory_space<vmem>>) offsets(%dma_start3A_107 : memref<128xi32, #tpu.memory_space<vmem>>) semaphore(%arg13 : memref<!tpu.dma_semaphore, #tpu.memory_space<semaphore_mem>>)
      %dma_start3A_111 = arith.constant 12 : i32
      %dma_start3A_112 = arith.constant 6 : i32
      %dma_start3A_113 = arith.constant 0 : i32
      %dma_start3A_114 = arith.constant 0 : i32
      %dma_start3A_115 = tpu.memref_slice %arg6[%dma_start3A_112, %dma_start3A_113, %dma_start3A_114] : memref<16x128x16xf32, #tpu.memory_space<vmem>> -> memref<1x128x16xf32, #tpu.memory_space<vmem>>
      %dma_start3A_116 = tpu.memref_squeeze %dma_start3A_115 : memref<1x128x16xf32, #tpu.memory_space<vmem>> -> memref<128x16xf32, #tpu.memory_space<vmem>>
      %dma_start3A_117 = arith.constant 0 : i32
      %dma_start3A_118 = tpu.memref_slice %arg5[%dma_start3A_111, %dma_start3A_117] : memref<128x128xi32, #tpu.memory_space<vmem>> -> memref<1x128xi32, #tpu.memory_space<vmem>>
      %dma_start3A_119 = tpu.memref_squeeze %dma_start3A_118 : memref<1x128xi32, #tpu.memory_space<vmem>> -> memref<128xi32, #tpu.memory_space<vmem>>
      %dma_start3A_120 = arith.constant 0 : i32
      %dma_start3A_121 = arith.constant 0 : i32
      %dma_start3A_122 = tpu.memref_slice %arg12[%dma_start3A_120, %dma_start3A_121] : memref<32768x16xf32, #tpu.memory_space<vmem_shared>> -> memref<32768x16xf32, #tpu.memory_space<vmem_shared>>
      tpu.enqueue_indirect_dma source(%dma_start3A_122 : memref<32768x16xf32, #tpu.memory_space<vmem_shared>>) target(%dma_start3A_116 : memref<128x16xf32, #tpu.memory_space<vmem>>) offsets(%dma_start3A_119 : memref<128xi32, #tpu.memory_space<vmem>>) semaphore(%arg13 : memref<!tpu.dma_semaphore, #tpu.memory_space<semaphore_mem>>)
      %dma_start3A_123 = arith.constant 14 : i32
      %dma_start3A_124 = arith.constant 7 : i32
      %dma_start3A_125 = arith.constant 0 : i32
      %dma_start3A_126 = arith.constant 0 : i32
      %dma_start3A_127 = tpu.memref_slice %arg6[%dma_start3A_124, %dma_start3A_125, %dma_start3A_126] : memref<16x128x16xf32, #tpu.memory_space<vmem>> -> memref<1x128x16xf32, #tpu.memory_space<vmem>>
      %dma_start3A_128 = tpu.memref_squeeze %dma_start3A_127 : memref<1x128x16xf32, #tpu.memory_space<vmem>> -> memref<128x16xf32, #tpu.memory_space<vmem>>
      %dma_start3A_129 = arith.constant 0 : i32
      %dma_start3A_130 = tpu.memref_slice %arg5[%dma_start3A_123, %dma_start3A_129] : memref<128x128xi32, #tpu.memory_space<vmem>> -> memref<1x128xi32, #tpu.memory_space<vmem>>
      %dma_start3A_131 = tpu.memref_squeeze %dma_start3A_130 : memref<1x128xi32, #tpu.memory_space<vmem>> -> memref<128xi32, #tpu.memory_space<vmem>>
      %dma_start3A_132 = arith.constant 0 : i32
      %dma_start3A_133 = arith.constant 0 : i32
      %dma_start3A_134 = tpu.memref_slice %arg12[%dma_start3A_132, %dma_start3A_133] : memref<32768x16xf32, #tpu.memory_space<vmem_shared>> -> memref<32768x16xf32, #tpu.memory_space<vmem_shared>>
      tpu.enqueue_indirect_dma source(%dma_start3A_134 : memref<32768x16xf32, #tpu.memory_space<vmem_shared>>) target(%dma_start3A_128 : memref<128x16xf32, #tpu.memory_space<vmem>>) offsets(%dma_start3A_131 : memref<128xi32, #tpu.memory_space<vmem>>) semaphore(%arg13 : memref<!tpu.dma_semaphore, #tpu.memory_space<semaphore_mem>>)
      %scan3A_135 = arith.constant 0 : i32
      %scan3A_136 = arith.constant 4 : i32
      %scan3A_137 = arith.addi %scan3A_135, %scan3A_136 : i32
      %scan3A_138 = arith.constant 1 : i32
      scf.for %scan3A_235 = %scan3A_135 to %scan3A_137 step %scan3A_138  : i32 {
        %mul3A_236 = arith.constant 2 : i32
        %mul3A_237 = arith.muli %scan3A_235, %mul3A_236 : i32
        %add3A_238 = arith.constant 0 : i32
        %add3A_239 = arith.addi %add3A_238, %mul3A_237 : i32
        %mul3A_240 = arith.constant 8 : i32
        %mul3A_241 = arith.muli %add3A_239, %mul3A_240 : i32
        %add3A_242 = arith.constant 8 : i32
        %add3A_243 = arith.addi %mul3A_241, %add3A_242 : i32
        %add3A_244 = arith.constant 0 : i32
        %add3A_245 = arith.addi %mul3A_241, %add3A_244 : i32
        %mul3A_246 = arith.constant 2 : i32
        %mul3A_247 = arith.muli %mul3A_246, %add3A_245 : i32
        %dma_wait3A_248 = arith.constant 0 : i32
        %dma_wait3A_249 = arith.constant 0 : i32
        %dma_wait3A_250 = arith.constant 0 : i32
        %dma_wait3A_251 = tpu.memref_slice %arg6[%dma_wait3A_248, %dma_wait3A_249, %dma_wait3A_250] : memref<16x128x16xf32, #tpu.memory_space<vmem>> -> memref<1x128x16xf32, #tpu.memory_space<vmem>>
        %dma_wait3A_252 = tpu.memref_squeeze %dma_wait3A_251 : memref<1x128x16xf32, #tpu.memory_space<vmem>> -> memref<128x16xf32, #tpu.memory_space<vmem>>
        %dma_wait3A_253 = arith.constant 0 : i32
        %dma_wait3A_254 = tpu.memref_slice %arg5[%mul3A_247, %dma_wait3A_253] : memref<128x128xi32, #tpu.memory_space<vmem>> -> memref<1x128xi32, #tpu.memory_space<vmem>>
        %dma_wait3A_255 = tpu.memref_squeeze %dma_wait3A_254 : memref<1x128xi32, #tpu.memory_space<vmem>> -> memref<128xi32, #tpu.memory_space<vmem>>
        %dma_wait3A_256 = arith.constant 0 : i32
        %dma_wait3A_257 = arith.constant 0 : i32
        %dma_wait3A_258 = tpu.memref_slice %arg12[%dma_wait3A_256, %dma_wait3A_257] : memref<32768x16xf32, #tpu.memory_space<vmem_shared>> -> memref<32768x16xf32, #tpu.memory_space<vmem_shared>>
        tpu.wait_indirect_dma semaphore(%arg13 : memref<!tpu.dma_semaphore, #tpu.memory_space<semaphore_mem>>) src(%dma_wait3A_258 : memref<32768x16xf32, #tpu.memory_space<vmem_shared>>) dst(%dma_wait3A_252 : memref<128x16xf32, #tpu.memory_space<vmem>>)
        %add3A_259 = arith.constant 1 : i32
        %add3A_260 = arith.addi %mul3A_241, %add3A_259 : i32
        %mul3A_261 = arith.constant 2 : i32
        %mul3A_262 = arith.muli %mul3A_261, %add3A_260 : i32
        %dma_wait3A_263 = arith.constant 1 : i32
        %dma_wait3A_264 = arith.constant 0 : i32
        %dma_wait3A_265 = arith.constant 0 : i32
        %dma_wait3A_266 = tpu.memref_slice %arg6[%dma_wait3A_263, %dma_wait3A_264, %dma_wait3A_265] : memref<16x128x16xf32, #tpu.memory_space<vmem>> -> memref<1x128x16xf32, #tpu.memory_space<vmem>>
        %dma_wait3A_267 = tpu.memref_squeeze %dma_wait3A_266 : memref<1x128x16xf32, #tpu.memory_space<vmem>> -> memref<128x16xf32, #tpu.memory_space<vmem>>
        %dma_wait3A_268 = arith.constant 0 : i32
        %dma_wait3A_269 = tpu.memref_slice %arg5[%mul3A_262, %dma_wait3A_268] : memref<128x128xi32, #tpu.memory_space<vmem>> -> memref<1x128xi32, #tpu.memory_space<vmem>>
        %dma_wait3A_270 = tpu.memref_squeeze %dma_wait3A_269 : memref<1x128xi32, #tpu.memory_space<vmem>> -> memref<128xi32, #tpu.memory_space<vmem>>
        %dma_wait3A_271 = arith.constant 0 : i32
        %dma_wait3A_272 = arith.constant 0 : i32
        %dma_wait3A_273 = tpu.memref_slice %arg12[%dma_wait3A_271, %dma_wait3A_272] : memref<32768x16xf32, #tpu.memory_space<vmem_shared>> -> memref<32768x16xf32, #tpu.memory_space<vmem_shared>>
        tpu.wait_indirect_dma semaphore(%arg13 : memref<!tpu.dma_semaphore, #tpu.memory_space<semaphore_mem>>) src(%dma_wait3A_273 : memref<32768x16xf32, #tpu.memory_space<vmem_shared>>) dst(%dma_wait3A_267 : memref<128x16xf32, #tpu.memory_space<vmem>>)
        %add3A_274 = arith.constant 2 : i32
        %add3A_275 = arith.addi %mul3A_241, %add3A_274 : i32
        %mul3A_276 = arith.constant 2 : i32
        %mul3A_277 = arith.muli %mul3A_276, %add3A_275 : i32
        %dma_wait3A_278 = arith.constant 2 : i32
        %dma_wait3A_279 = arith.constant 0 : i32
        %dma_wait3A_280 = arith.constant 0 : i32
        %dma_wait3A_281 = tpu.memref_slice %arg6[%dma_wait3A_278, %dma_wait3A_279, %dma_wait3A_280] : memref<16x128x16xf32, #tpu.memory_space<vmem>> -> memref<1x128x16xf32, #tpu.memory_space<vmem>>
        %dma_wait3A_282 = tpu.memref_squeeze %dma_wait3A_281 : memref<1x128x16xf32, #tpu.memory_space<vmem>> -> memref<128x16xf32, #tpu.memory_space<vmem>>
        %dma_wait3A_283 = arith.constant 0 : i32
        %dma_wait3A_284 = tpu.memref_slice %arg5[%mul3A_277, %dma_wait3A_283] : memref<128x128xi32, #tpu.memory_space<vmem>> -> memref<1x128xi32, #tpu.memory_space<vmem>>
        %dma_wait3A_285 = tpu.memref_squeeze %dma_wait3A_284 : memref<1x128xi32, #tpu.memory_space<vmem>> -> memref<128xi32, #tpu.memory_space<vmem>>
        %dma_wait3A_286 = arith.constant 0 : i32
        %dma_wait3A_287 = arith.constant 0 : i32
        %dma_wait3A_288 = tpu.memref_slice %arg12[%dma_wait3A_286, %dma_wait3A_287] : memref<32768x16xf32, #tpu.memory_space<vmem_shared>> -> memref<32768x16xf32, #tpu.memory_space<vmem_shared>>
        tpu.wait_indirect_dma semaphore(%arg13 : memref<!tpu.dma_semaphore, #tpu.memory_space<semaphore_mem>>) src(%dma_wait3A_288 : memref<32768x16xf32, #tpu.memory_space<vmem_shared>>) dst(%dma_wait3A_282 : memref<128x16xf32, #tpu.memory_space<vmem>>)
        %add3A_289 = arith.constant 3 : i32
        %add3A_290 = arith.addi %mul3A_241, %add3A_289 : i32
        %mul3A_291 = arith.constant 2 : i32
        %mul3A_292 = arith.muli %mul3A_291, %add3A_290 : i32
        %dma_wait3A_293 = arith.constant 3 : i32
        %dma_wait3A_294 = arith.constant 0 : i32
        %dma_wait3A_295 = arith.constant 0 : i32
        %dma_wait3A_296 = tpu.memref_slice %arg6[%dma_wait3A_293, %dma_wait3A_294, %dma_wait3A_295] : memref<16x128x16xf32, #tpu.memory_space<vmem>> -> memref<1x128x16xf32, #tpu.memory_space<vmem>>
        %dma_wait3A_297 = tpu.memref_squeeze %dma_wait3A_296 : memref<1x128x16xf32, #tpu.memory_space<vmem>> -> memref<128x16xf32, #tpu.memory_space<vmem>>
        %dma_wait3A_298 = arith.constant 0 : i32
        %dma_wait3A_299 = tpu.memref_slice %arg5[%mul3A_292, %dma_wait3A_298] : memref<128x128xi32, #tpu.memory_space<vmem>> -> memref<1x128xi32, #tpu.memory_space<vmem>>
        %dma_wait3A_300 = tpu.memref_squeeze %dma_wait3A_299 : memref<1x128xi32, #tpu.memory_space<vmem>> -> memref<128xi32, #tpu.memory_space<vmem>>
        %dma_wait3A_301 = arith.constant 0 : i32
        %dma_wait3A_302 = arith.constant 0 : i32
        %dma_wait3A_303 = tpu.memref_slice %arg12[%dma_wait3A_301, %dma_wait3A_302] : memref<32768x16xf32, #tpu.memory_space<vmem_shared>> -> memref<32768x16xf32, #tpu.memory_space<vmem_shared>>
        tpu.wait_indirect_dma semaphore(%arg13 : memref<!tpu.dma_semaphore, #tpu.memory_space<semaphore_mem>>) src(%dma_wait3A_303 : memref<32768x16xf32, #tpu.memory_space<vmem_shared>>) dst(%dma_wait3A_297 : memref<128x16xf32, #tpu.memory_space<vmem>>)
        %add3A_304 = arith.constant 4 : i32
        %add3A_305 = arith.addi %mul3A_241, %add3A_304 : i32
        %mul3A_306 = arith.constant 2 : i32
        %mul3A_307 = arith.muli %mul3A_306, %add3A_305 : i32
        %dma_wait3A_308 = arith.constant 4 : i32
        %dma_wait3A_309 = arith.constant 0 : i32
        %dma_wait3A_310 = arith.constant 0 : i32
        %dma_wait3A_311 = tpu.memref_slice %arg6[%dma_wait3A_308, %dma_wait3A_309, %dma_wait3A_310] : memref<16x128x16xf32, #tpu.memory_space<vmem>> -> memref<1x128x16xf32, #tpu.memory_space<vmem>>
        %dma_wait3A_312 = tpu.memref_squeeze %dma_wait3A_311 : memref<1x128x16xf32, #tpu.memory_space<vmem>> -> memref<128x16xf32, #tpu.memory_space<vmem>>
        %dma_wait3A_313 = arith.constant 0 : i32
        %dma_wait3A_314 = tpu.memref_slice %arg5[%mul3A_307, %dma_wait3A_313] : memref<128x128xi32, #tpu.memory_space<vmem>> -> memref<1x128xi32, #tpu.memory_space<vmem>>
        %dma_wait3A_315 = tpu.memref_squeeze %dma_wait3A_314 : memref<1x128xi32, #tpu.memory_space<vmem>> -> memref<128xi32, #tpu.memory_space<vmem>>
        %dma_wait3A_316 = arith.constant 0 : i32
        %dma_wait3A_317 = arith.constant 0 : i32
        %dma_wait3A_318 = tpu.memref_slice %arg12[%dma_wait3A_316, %dma_wait3A_317] : memref<32768x16xf32, #tpu.memory_space<vmem_shared>> -> memref<32768x16xf32, #tpu.memory_space<vmem_shared>>
        tpu.wait_indirect_dma semaphore(%arg13 : memref<!tpu.dma_semaphore, #tpu.memory_space<semaphore_mem>>) src(%dma_wait3A_318 : memref<32768x16xf32, #tpu.memory_space<vmem_shared>>) dst(%dma_wait3A_312 : memref<128x16xf32, #tpu.memory_space<vmem>>)
        %add3A_319 = arith.constant 5 : i32
        %add3A_320 = arith.addi %mul3A_241, %add3A_319 : i32
        %mul3A_321 = arith.constant 2 : i32
        %mul3A_322 = arith.muli %mul3A_321, %add3A_320 : i32
        %dma_wait3A_323 = arith.constant 5 : i32
        %dma_wait3A_324 = arith.constant 0 : i32
        %dma_wait3A_325 = arith.constant 0 : i32
        %dma_wait3A_326 = tpu.memref_slice %arg6[%dma_wait3A_323, %dma_wait3A_324, %dma_wait3A_325] : memref<16x128x16xf32, #tpu.memory_space<vmem>> -> memref<1x128x16xf32, #tpu.memory_space<vmem>>
        %dma_wait3A_327 = tpu.memref_squeeze %dma_wait3A_326 : memref<1x128x16xf32, #tpu.memory_space<vmem>> -> memref<128x16xf32, #tpu.memory_space<vmem>>
        %dma_wait3A_328 = arith.constant 0 : i32
        %dma_wait3A_329 = tpu.memref_slice %arg5[%mul3A_322, %dma_wait3A_328] : memref<128x128xi32, #tpu.memory_space<vmem>> -> memref<1x128xi32, #tpu.memory_space<vmem>>
        %dma_wait3A_330 = tpu.memref_squeeze %dma_wait3A_329 : memref<1x128xi32, #tpu.memory_space<vmem>> -> memref<128xi32, #tpu.memory_space<vmem>>
        %dma_wait3A_331 = arith.constant 0 : i32
        %dma_wait3A_332 = arith.constant 0 : i32
        %dma_wait3A_333 = tpu.memref_slice %arg12[%dma_wait3A_331, %dma_wait3A_332] : memref<32768x16xf32, #tpu.memory_space<vmem_shared>> -> memref<32768x16xf32, #tpu.memory_space<vmem_shared>>
        tpu.wait_indirect_dma semaphore(%arg13 : memref<!tpu.dma_semaphore, #tpu.memory_space<semaphore_mem>>) src(%dma_wait3A_333 : memref<32768x16xf32, #tpu.memory_space<vmem_shared>>) dst(%dma_wait3A_327 : memref<128x16xf32, #tpu.memory_space<vmem>>)
        %add3A_334 = arith.constant 6 : i32
        %add3A_335 = arith.addi %mul3A_241, %add3A_334 : i32
        %mul3A_336 = arith.constant 2 : i32
        %mul3A_337 = arith.muli %mul3A_336, %add3A_335 : i32
        %dma_wait3A_338 = arith.constant 6 : i32
        %dma_wait3A_339 = arith.constant 0 : i32
        %dma_wait3A_340 = arith.constant 0 : i32
        %dma_wait3A_341 = tpu.memref_slice %arg6[%dma_wait3A_338, %dma_wait3A_339, %dma_wait3A_340] : memref<16x128x16xf32, #tpu.memory_space<vmem>> -> memref<1x128x16xf32, #tpu.memory_space<vmem>>
        %dma_wait3A_342 = tpu.memref_squeeze %dma_wait3A_341 : memref<1x128x16xf32, #tpu.memory_space<vmem>> -> memref<128x16xf32, #tpu.memory_space<vmem>>
        %dma_wait3A_343 = arith.constant 0 : i32
        %dma_wait3A_344 = tpu.memref_slice %arg5[%mul3A_337, %dma_wait3A_343] : memref<128x128xi32, #tpu.memory_space<vmem>> -> memref<1x128xi32, #tpu.memory_space<vmem>>
        %dma_wait3A_345 = tpu.memref_squeeze %dma_wait3A_344 : memref<1x128xi32, #tpu.memory_space<vmem>> -> memref<128xi32, #tpu.memory_space<vmem>>
        %dma_wait3A_346 = arith.constant 0 : i32
        %dma_wait3A_347 = arith.constant 0 : i32
        %dma_wait3A_348 = tpu.memref_slice %arg12[%dma_wait3A_346, %dma_wait3A_347] : memref<32768x16xf32, #tpu.memory_space<vmem_shared>> -> memref<32768x16xf32, #tpu.memory_space<vmem_shared>>
        tpu.wait_indirect_dma semaphore(%arg13 : memref<!tpu.dma_semaphore, #tpu.memory_space<semaphore_mem>>) src(%dma_wait3A_348 : memref<32768x16xf32, #tpu.memory_space<vmem_shared>>) dst(%dma_wait3A_342 : memref<128x16xf32, #tpu.memory_space<vmem>>)
        %add3A_349 = arith.constant 7 : i32
        %add3A_350 = arith.addi %mul3A_241, %add3A_349 : i32
        %mul3A_351 = arith.constant 2 : i32
        %mul3A_352 = arith.muli %mul3A_351, %add3A_350 : i32
        %dma_wait3A_353 = arith.constant 7 : i32
        %dma_wait3A_354 = arith.constant 0 : i32
        %dma_wait3A_355 = arith.constant 0 : i32
        %dma_wait3A_356 = tpu.memref_slice %arg6[%dma_wait3A_353, %dma_wait3A_354, %dma_wait3A_355] : memref<16x128x16xf32, #tpu.memory_space<vmem>> -> memref<1x128x16xf32, #tpu.memory_space<vmem>>
        %dma_wait3A_357 = tpu.memref_squeeze %dma_wait3A_356 : memref<1x128x16xf32, #tpu.memory_space<vmem>> -> memref<128x16xf32, #tpu.memory_space<vmem>>
        %dma_wait3A_358 = arith.constant 0 : i32
        %dma_wait3A_359 = tpu.memref_slice %arg5[%mul3A_352, %dma_wait3A_358] : memref<128x128xi32, #tpu.memory_space<vmem>> -> memref<1x128xi32, #tpu.memory_space<vmem>>
        %dma_wait3A_360 = tpu.memref_squeeze %dma_wait3A_359 : memref<1x128xi32, #tpu.memory_space<vmem>> -> memref<128xi32, #tpu.memory_space<vmem>>
        %dma_wait3A_361 = arith.constant 0 : i32
        %dma_wait3A_362 = arith.constant 0 : i32
        %dma_wait3A_363 = tpu.memref_slice %arg12[%dma_wait3A_361, %dma_wait3A_362] : memref<32768x16xf32, #tpu.memory_space<vmem_shared>> -> memref<32768x16xf32, #tpu.memory_space<vmem_shared>>
        tpu.wait_indirect_dma semaphore(%arg13 : memref<!tpu.dma_semaphore, #tpu.memory_space<semaphore_mem>>) src(%dma_wait3A_363 : memref<32768x16xf32, #tpu.memory_space<vmem_shared>>) dst(%dma_wait3A_357 : memref<128x16xf32, #tpu.memory_space<vmem>>)
        %gt3A = arith.constant 0 : i32
        %gt3A_364 = arith.cmpi sgt, %add3A_239, %gt3A : i32
        %convert_element_type3A = arith.extui %gt3A_364 : i1 to i32
        %cond3A = arith.constant 0 : i32
        %cond3A_365 = arith.cmpi ne, %convert_element_type3A, %cond3A : i32
        scf.if %cond3A_365 {
          %sub3A = arith.constant 16 : i32
          %sub3A_1020 = arith.subi %add3A_243, %sub3A : i32
          %add3A_1021 = arith.constant 0 : i32
          %add3A_1022 = arith.addi %sub3A_1020, %add3A_1021 : i32
          %mul3A_1023 = arith.constant 2 : i32
          %mul3A_1024 = arith.muli %mul3A_1023, %add3A_1022 : i32
          %add3A_1025 = arith.constant 1 : i32
          %add3A_1026 = arith.addi %mul3A_1024, %add3A_1025 : i32
          %dma_wait3A_1027 = arith.constant 8 : i32
          %dma_wait3A_1028 = arith.constant 0 : i32
          %dma_wait3A_1029 = arith.constant 0 : i32
          %dma_wait3A_1030 = tpu.memref_slice %arg6[%dma_wait3A_1027, %dma_wait3A_1028, %dma_wait3A_1029] : memref<16x128x16xf32, #tpu.memory_space<vmem>> -> memref<1x128x16xf32, #tpu.memory_space<vmem>>
          %dma_wait3A_1031 = tpu.memref_squeeze %dma_wait3A_1030 : memref<1x128x16xf32, #tpu.memory_space<vmem>> -> memref<128x16xf32, #tpu.memory_space<vmem>>
          %dma_wait3A_1032 = arith.constant 0 : i32
          %dma_wait3A_1033 = tpu.memref_slice %arg5[%add3A_1026, %dma_wait3A_1032] : memref<128x128xi32, #tpu.memory_space<vmem>> -> memref<1x128xi32, #tpu.memory_space<vmem>>
          %dma_wait3A_1034 = tpu.memref_squeeze %dma_wait3A_1033 : memref<1x128xi32, #tpu.memory_space<vmem>> -> memref<128xi32, #tpu.memory_space<vmem>>
          %dma_wait3A_1035 = arith.constant 0 : i32
          %dma_wait3A_1036 = arith.constant 0 : i32
          %dma_wait3A_1037 = tpu.memref_slice %arg11[%dma_wait3A_1035, %dma_wait3A_1036] : memref<32768x16xf32, #tpu.memory_space<vmem_shared>> -> memref<32768x16xf32, #tpu.memory_space<vmem_shared>>
          tpu.wait_indirect_dma semaphore(%arg14 : memref<!tpu.dma_semaphore, #tpu.memory_space<semaphore_mem>>) src(%dma_wait3A_1031 : memref<128x16xf32, #tpu.memory_space<vmem>>) dst(%dma_wait3A_1037 : memref<32768x16xf32, #tpu.memory_space<vmem_shared>>)
          %sub3A_1038 = arith.constant 16 : i32
          %sub3A_1039 = arith.subi %add3A_243, %sub3A_1038 : i32
          %add3A_1040 = arith.constant 1 : i32
          %add3A_1041 = arith.addi %sub3A_1039, %add3A_1040 : i32
          %mul3A_1042 = arith.constant 2 : i32
          %mul3A_1043 = arith.muli %mul3A_1042, %add3A_1041 : i32
          %add3A_1044 = arith.constant 1 : i32
          %add3A_1045 = arith.addi %mul3A_1043, %add3A_1044 : i32
          %dma_wait3A_1046 = arith.constant 9 : i32
          %dma_wait3A_1047 = arith.constant 0 : i32
          %dma_wait3A_1048 = arith.constant 0 : i32
          %dma_wait3A_1049 = tpu.memref_slice %arg6[%dma_wait3A_1046, %dma_wait3A_1047, %dma_wait3A_1048] : memref<16x128x16xf32, #tpu.memory_space<vmem>> -> memref<1x128x16xf32, #tpu.memory_space<vmem>>
          %dma_wait3A_1050 = tpu.memref_squeeze %dma_wait3A_1049 : memref<1x128x16xf32, #tpu.memory_space<vmem>> -> memref<128x16xf32, #tpu.memory_space<vmem>>
          %dma_wait3A_1051 = arith.constant 0 : i32
          %dma_wait3A_1052 = tpu.memref_slice %arg5[%add3A_1045, %dma_wait3A_1051] : memref<128x128xi32, #tpu.memory_space<vmem>> -> memref<1x128xi32, #tpu.memory_space<vmem>>
          %dma_wait3A_1053 = tpu.memref_squeeze %dma_wait3A_1052 : memref<1x128xi32, #tpu.memory_space<vmem>> -> memref<128xi32, #tpu.memory_space<vmem>>
          %dma_wait3A_1054 = arith.constant 0 : i32
          %dma_wait3A_1055 = arith.constant 0 : i32
          %dma_wait3A_1056 = tpu.memref_slice %arg11[%dma_wait3A_1054, %dma_wait3A_1055] : memref<32768x16xf32, #tpu.memory_space<vmem_shared>> -> memref<32768x16xf32, #tpu.memory_space<vmem_shared>>
          tpu.wait_indirect_dma semaphore(%arg14 : memref<!tpu.dma_semaphore, #tpu.memory_space<semaphore_mem>>) src(%dma_wait3A_1050 : memref<128x16xf32, #tpu.memory_space<vmem>>) dst(%dma_wait3A_1056 : memref<32768x16xf32, #tpu.memory_space<vmem_shared>>)
          %sub3A_1057 = arith.constant 16 : i32
          %sub3A_1058 = arith.subi %add3A_243, %sub3A_1057 : i32
          %add3A_1059 = arith.constant 2 : i32
          %add3A_1060 = arith.addi %sub3A_1058, %add3A_1059 : i32
          %mul3A_1061 = arith.constant 2 : i32
          %mul3A_1062 = arith.muli %mul3A_1061, %add3A_1060 : i32
          %add3A_1063 = arith.constant 1 : i32
          %add3A_1064 = arith.addi %mul3A_1062, %add3A_1063 : i32
          %dma_wait3A_1065 = arith.constant 10 : i32
          %dma_wait3A_1066 = arith.constant 0 : i32
          %dma_wait3A_1067 = arith.constant 0 : i32
          %dma_wait3A_1068 = tpu.memref_slice %arg6[%dma_wait3A_1065, %dma_wait3A_1066, %dma_wait3A_1067] : memref<16x128x16xf32, #tpu.memory_space<vmem>> -> memref<1x128x16xf32, #tpu.memory_space<vmem>>
          %dma_wait3A_1069 = tpu.memref_squeeze %dma_wait3A_1068 : memref<1x128x16xf32, #tpu.memory_space<vmem>> -> memref<128x16xf32, #tpu.memory_space<vmem>>
          %dma_wait3A_1070 = arith.constant 0 : i32
          %dma_wait3A_1071 = tpu.memref_slice %arg5[%add3A_1064, %dma_wait3A_1070] : memref<128x128xi32, #tpu.memory_space<vmem>> -> memref<1x128xi32, #tpu.memory_space<vmem>>
          %dma_wait3A_1072 = tpu.memref_squeeze %dma_wait3A_1071 : memref<1x128xi32, #tpu.memory_space<vmem>> -> memref<128xi32, #tpu.memory_space<vmem>>
          %dma_wait3A_1073 = arith.constant 0 : i32
          %dma_wait3A_1074 = arith.constant 0 : i32
          %dma_wait3A_1075 = tpu.memref_slice %arg11[%dma_wait3A_1073, %dma_wait3A_1074] : memref<32768x16xf32, #tpu.memory_space<vmem_shared>> -> memref<32768x16xf32, #tpu.memory_space<vmem_shared>>
          tpu.wait_indirect_dma semaphore(%arg14 : memref<!tpu.dma_semaphore, #tpu.memory_space<semaphore_mem>>) src(%dma_wait3A_1069 : memref<128x16xf32, #tpu.memory_space<vmem>>) dst(%dma_wait3A_1075 : memref<32768x16xf32, #tpu.memory_space<vmem_shared>>)
          %sub3A_1076 = arith.constant 16 : i32
          %sub3A_1077 = arith.subi %add3A_243, %sub3A_1076 : i32
          %add3A_1078 = arith.constant 3 : i32
          %add3A_1079 = arith.addi %sub3A_1077, %add3A_1078 : i32
          %mul3A_1080 = arith.constant 2 : i32
          %mul3A_1081 = arith.muli %mul3A_1080, %add3A_1079 : i32
          %add3A_1082 = arith.constant 1 : i32
          %add3A_1083 = arith.addi %mul3A_1081, %add3A_1082 : i32
          %dma_wait3A_1084 = arith.constant 11 : i32
          %dma_wait3A_1085 = arith.constant 0 : i32
          %dma_wait3A_1086 = arith.constant 0 : i32
          %dma_wait3A_1087 = tpu.memref_slice %arg6[%dma_wait3A_1084, %dma_wait3A_1085, %dma_wait3A_1086] : memref<16x128x16xf32, #tpu.memory_space<vmem>> -> memref<1x128x16xf32, #tpu.memory_space<vmem>>
          %dma_wait3A_1088 = tpu.memref_squeeze %dma_wait3A_1087 : memref<1x128x16xf32, #tpu.memory_space<vmem>> -> memref<128x16xf32, #tpu.memory_space<vmem>>
          %dma_wait3A_1089 = arith.constant 0 : i32
          %dma_wait3A_1090 = tpu.memref_slice %arg5[%add3A_1083, %dma_wait3A_1089] : memref<128x128xi32, #tpu.memory_space<vmem>> -> memref<1x128xi32, #tpu.memory_space<vmem>>
          %dma_wait3A_1091 = tpu.memref_squeeze %dma_wait3A_1090 : memref<1x128xi32, #tpu.memory_space<vmem>> -> memref<128xi32, #tpu.memory_space<vmem>>
          %dma_wait3A_1092 = arith.constant 0 : i32
          %dma_wait3A_1093 = arith.constant 0 : i32
          %dma_wait3A_1094 = tpu.memref_slice %arg11[%dma_wait3A_1092, %dma_wait3A_1093] : memref<32768x16xf32, #tpu.memory_space<vmem_shared>> -> memref<32768x16xf32, #tpu.memory_space<vmem_shared>>
          tpu.wait_indirect_dma semaphore(%arg14 : memref<!tpu.dma_semaphore, #tpu.memory_space<semaphore_mem>>) src(%dma_wait3A_1088 : memref<128x16xf32, #tpu.memory_space<vmem>>) dst(%dma_wait3A_1094 : memref<32768x16xf32, #tpu.memory_space<vmem_shared>>)
          %sub3A_1095 = arith.constant 16 : i32
          %sub3A_1096 = arith.subi %add3A_243, %sub3A_1095 : i32
          %add3A_1097 = arith.constant 4 : i32
          %add3A_1098 = arith.addi %sub3A_1096, %add3A_1097 : i32
          %mul3A_1099 = arith.constant 2 : i32
          %mul3A_1100 = arith.muli %mul3A_1099, %add3A_1098 : i32
          %add3A_1101 = arith.constant 1 : i32
          %add3A_1102 = arith.addi %mul3A_1100, %add3A_1101 : i32
          %dma_wait3A_1103 = arith.constant 12 : i32
          %dma_wait3A_1104 = arith.constant 0 : i32
          %dma_wait3A_1105 = arith.constant 0 : i32
          %dma_wait3A_1106 = tpu.memref_slice %arg6[%dma_wait3A_1103, %dma_wait3A_1104, %dma_wait3A_1105] : memref<16x128x16xf32, #tpu.memory_space<vmem>> -> memref<1x128x16xf32, #tpu.memory_space<vmem>>
          %dma_wait3A_1107 = tpu.memref_squeeze %dma_wait3A_1106 : memref<1x128x16xf32, #tpu.memory_space<vmem>> -> memref<128x16xf32, #tpu.memory_space<vmem>>
          %dma_wait3A_1108 = arith.constant 0 : i32
          %dma_wait3A_1109 = tpu.memref_slice %arg5[%add3A_1102, %dma_wait3A_1108] : memref<128x128xi32, #tpu.memory_space<vmem>> -> memref<1x128xi32, #tpu.memory_space<vmem>>
          %dma_wait3A_1110 = tpu.memref_squeeze %dma_wait3A_1109 : memref<1x128xi32, #tpu.memory_space<vmem>> -> memref<128xi32, #tpu.memory_space<vmem>>
          %dma_wait3A_1111 = arith.constant 0 : i32
          %dma_wait3A_1112 = arith.constant 0 : i32
          %dma_wait3A_1113 = tpu.memref_slice %arg11[%dma_wait3A_1111, %dma_wait3A_1112] : memref<32768x16xf32, #tpu.memory_space<vmem_shared>> -> memref<32768x16xf32, #tpu.memory_space<vmem_shared>>
          tpu.wait_indirect_dma semaphore(%arg14 : memref<!tpu.dma_semaphore, #tpu.memory_space<semaphore_mem>>) src(%dma_wait3A_1107 : memref<128x16xf32, #tpu.memory_space<vmem>>) dst(%dma_wait3A_1113 : memref<32768x16xf32, #tpu.memory_space<vmem_shared>>)
          %sub3A_1114 = arith.constant 16 : i32
          %sub3A_1115 = arith.subi %add3A_243, %sub3A_1114 : i32
          %add3A_1116 = arith.constant 5 : i32
          %add3A_1117 = arith.addi %sub3A_1115, %add3A_1116 : i32
          %mul3A_1118 = arith.constant 2 : i32
          %mul3A_1119 = arith.muli %mul3A_1118, %add3A_1117 : i32
          %add3A_1120 = arith.constant 1 : i32
          %add3A_1121 = arith.addi %mul3A_1119, %add3A_1120 : i32
          %dma_wait3A_1122 = arith.constant 13 : i32
          %dma_wait3A_1123 = arith.constant 0 : i32
          %dma_wait3A_1124 = arith.constant 0 : i32
          %dma_wait3A_1125 = tpu.memref_slice %arg6[%dma_wait3A_1122, %dma_wait3A_1123, %dma_wait3A_1124] : memref<16x128x16xf32, #tpu.memory_space<vmem>> -> memref<1x128x16xf32, #tpu.memory_space<vmem>>
          %dma_wait3A_1126 = tpu.memref_squeeze %dma_wait3A_1125 : memref<1x128x16xf32, #tpu.memory_space<vmem>> -> memref<128x16xf32, #tpu.memory_space<vmem>>
          %dma_wait3A_1127 = arith.constant 0 : i32
          %dma_wait3A_1128 = tpu.memref_slice %arg5[%add3A_1121, %dma_wait3A_1127] : memref<128x128xi32, #tpu.memory_space<vmem>> -> memref<1x128xi32, #tpu.memory_space<vmem>>
          %dma_wait3A_1129 = tpu.memref_squeeze %dma_wait3A_1128 : memref<1x128xi32, #tpu.memory_space<vmem>> -> memref<128xi32, #tpu.memory_space<vmem>>
          %dma_wait3A_1130 = arith.constant 0 : i32
          %dma_wait3A_1131 = arith.constant 0 : i32
          %dma_wait3A_1132 = tpu.memref_slice %arg11[%dma_wait3A_1130, %dma_wait3A_1131] : memref<32768x16xf32, #tpu.memory_space<vmem_shared>> -> memref<32768x16xf32, #tpu.memory_space<vmem_shared>>
          tpu.wait_indirect_dma semaphore(%arg14 : memref<!tpu.dma_semaphore, #tpu.memory_space<semaphore_mem>>) src(%dma_wait3A_1126 : memref<128x16xf32, #tpu.memory_space<vmem>>) dst(%dma_wait3A_1132 : memref<32768x16xf32, #tpu.memory_space<vmem_shared>>)
          %sub3A_1133 = arith.constant 16 : i32
          %sub3A_1134 = arith.subi %add3A_243, %sub3A_1133 : i32
          %add3A_1135 = arith.constant 6 : i32
          %add3A_1136 = arith.addi %sub3A_1134, %add3A_1135 : i32
          %mul3A_1137 = arith.constant 2 : i32
          %mul3A_1138 = arith.muli %mul3A_1137, %add3A_1136 : i32
          %add3A_1139 = arith.constant 1 : i32
          %add3A_1140 = arith.addi %mul3A_1138, %add3A_1139 : i32
          %dma_wait3A_1141 = arith.constant 14 : i32
          %dma_wait3A_1142 = arith.constant 0 : i32
          %dma_wait3A_1143 = arith.constant 0 : i32
          %dma_wait3A_1144 = tpu.memref_slice %arg6[%dma_wait3A_1141, %dma_wait3A_1142, %dma_wait3A_1143] : memref<16x128x16xf32, #tpu.memory_space<vmem>> -> memref<1x128x16xf32, #tpu.memory_space<vmem>>
          %dma_wait3A_1145 = tpu.memref_squeeze %dma_wait3A_1144 : memref<1x128x16xf32, #tpu.memory_space<vmem>> -> memref<128x16xf32, #tpu.memory_space<vmem>>
          %dma_wait3A_1146 = arith.constant 0 : i32
          %dma_wait3A_1147 = tpu.memref_slice %arg5[%add3A_1140, %dma_wait3A_1146] : memref<128x128xi32, #tpu.memory_space<vmem>> -> memref<1x128xi32, #tpu.memory_space<vmem>>
          %dma_wait3A_1148 = tpu.memref_squeeze %dma_wait3A_1147 : memref<1x128xi32, #tpu.memory_space<vmem>> -> memref<128xi32, #tpu.memory_space<vmem>>
          %dma_wait3A_1149 = arith.constant 0 : i32
          %dma_wait3A_1150 = arith.constant 0 : i32
          %dma_wait3A_1151 = tpu.memref_slice %arg11[%dma_wait3A_1149, %dma_wait3A_1150] : memref<32768x16xf32, #tpu.memory_space<vmem_shared>> -> memref<32768x16xf32, #tpu.memory_space<vmem_shared>>
          tpu.wait_indirect_dma semaphore(%arg14 : memref<!tpu.dma_semaphore, #tpu.memory_space<semaphore_mem>>) src(%dma_wait3A_1145 : memref<128x16xf32, #tpu.memory_space<vmem>>) dst(%dma_wait3A_1151 : memref<32768x16xf32, #tpu.memory_space<vmem_shared>>)
          %sub3A_1152 = arith.constant 16 : i32
          %sub3A_1153 = arith.subi %add3A_243, %sub3A_1152 : i32
          %add3A_1154 = arith.constant 7 : i32
          %add3A_1155 = arith.addi %sub3A_1153, %add3A_1154 : i32
          %mul3A_1156 = arith.constant 2 : i32
          %mul3A_1157 = arith.muli %mul3A_1156, %add3A_1155 : i32
          %add3A_1158 = arith.constant 1 : i32
          %add3A_1159 = arith.addi %mul3A_1157, %add3A_1158 : i32
          %dma_wait3A_1160 = arith.constant 15 : i32
          %dma_wait3A_1161 = arith.constant 0 : i32
          %dma_wait3A_1162 = arith.constant 0 : i32
          %dma_wait3A_1163 = tpu.memref_slice %arg6[%dma_wait3A_1160, %dma_wait3A_1161, %dma_wait3A_1162] : memref<16x128x16xf32, #tpu.memory_space<vmem>> -> memref<1x128x16xf32, #tpu.memory_space<vmem>>
          %dma_wait3A_1164 = tpu.memref_squeeze %dma_wait3A_1163 : memref<1x128x16xf32, #tpu.memory_space<vmem>> -> memref<128x16xf32, #tpu.memory_space<vmem>>
          %dma_wait3A_1165 = arith.constant 0 : i32
          %dma_wait3A_1166 = tpu.memref_slice %arg5[%add3A_1159, %dma_wait3A_1165] : memref<128x128xi32, #tpu.memory_space<vmem>> -> memref<1x128xi32, #tpu.memory_space<vmem>>
          %dma_wait3A_1167 = tpu.memref_squeeze %dma_wait3A_1166 : memref<1x128xi32, #tpu.memory_space<vmem>> -> memref<128xi32, #tpu.memory_space<vmem>>
          %dma_wait3A_1168 = arith.constant 0 : i32
          %dma_wait3A_1169 = arith.constant 0 : i32
          %dma_wait3A_1170 = tpu.memref_slice %arg11[%dma_wait3A_1168, %dma_wait3A_1169] : memref<32768x16xf32, #tpu.memory_space<vmem_shared>> -> memref<32768x16xf32, #tpu.memory_space<vmem_shared>>
          tpu.wait_indirect_dma semaphore(%arg14 : memref<!tpu.dma_semaphore, #tpu.memory_space<semaphore_mem>>) src(%dma_wait3A_1164 : memref<128x16xf32, #tpu.memory_space<vmem>>) dst(%dma_wait3A_1170 : memref<32768x16xf32, #tpu.memory_space<vmem_shared>>)
        } else {
        }
        %add3A_366 = arith.constant 0 : i32
        %add3A_367 = arith.addi %add3A_243, %add3A_366 : i32
        %mul3A_368 = arith.constant 2 : i32
        %mul3A_369 = arith.muli %mul3A_368, %add3A_367 : i32
        %dma_start3A_370 = arith.constant 8 : i32
        %dma_start3A_371 = arith.constant 0 : i32
        %dma_start3A_372 = arith.constant 0 : i32
        %dma_start3A_373 = tpu.memref_slice %arg6[%dma_start3A_370, %dma_start3A_371, %dma_start3A_372] : memref<16x128x16xf32, #tpu.memory_space<vmem>> -> memref<1x128x16xf32, #tpu.memory_space<vmem>>
        %dma_start3A_374 = tpu.memref_squeeze %dma_start3A_373 : memref<1x128x16xf32, #tpu.memory_space<vmem>> -> memref<128x16xf32, #tpu.memory_space<vmem>>
        %dma_start3A_375 = arith.constant 0 : i32
        %dma_start3A_376 = tpu.memref_slice %arg5[%mul3A_369, %dma_start3A_375] : memref<128x128xi32, #tpu.memory_space<vmem>> -> memref<1x128xi32, #tpu.memory_space<vmem>>
        %dma_start3A_377 = tpu.memref_squeeze %dma_start3A_376 : memref<1x128xi32, #tpu.memory_space<vmem>> -> memref<128xi32, #tpu.memory_space<vmem>>
        %dma_start3A_378 = arith.constant 0 : i32
        %dma_start3A_379 = arith.constant 0 : i32
        %dma_start3A_380 = tpu.memref_slice %arg12[%dma_start3A_378, %dma_start3A_379] : memref<32768x16xf32, #tpu.memory_space<vmem_shared>> -> memref<32768x16xf32, #tpu.memory_space<vmem_shared>>
        tpu.enqueue_indirect_dma source(%dma_start3A_380 : memref<32768x16xf32, #tpu.memory_space<vmem_shared>>) target(%dma_start3A_374 : memref<128x16xf32, #tpu.memory_space<vmem>>) offsets(%dma_start3A_377 : memref<128xi32, #tpu.memory_space<vmem>>) semaphore(%arg13 : memref<!tpu.dma_semaphore, #tpu.memory_space<semaphore_mem>>)
        %add3A_381 = arith.constant 1 : i32
        %add3A_382 = arith.addi %add3A_243, %add3A_381 : i32
        %mul3A_383 = arith.constant 2 : i32
        %mul3A_384 = arith.muli %mul3A_383, %add3A_382 : i32
        %dma_start3A_385 = arith.constant 9 : i32
        %dma_start3A_386 = arith.constant 0 : i32
        %dma_start3A_387 = arith.constant 0 : i32
        %dma_start3A_388 = tpu.memref_slice %arg6[%dma_start3A_385, %dma_start3A_386, %dma_start3A_387] : memref<16x128x16xf32, #tpu.memory_space<vmem>> -> memref<1x128x16xf32, #tpu.memory_space<vmem>>
        %dma_start3A_389 = tpu.memref_squeeze %dma_start3A_388 : memref<1x128x16xf32, #tpu.memory_space<vmem>> -> memref<128x16xf32, #tpu.memory_space<vmem>>
        %dma_start3A_390 = arith.constant 0 : i32
        %dma_start3A_391 = tpu.memref_slice %arg5[%mul3A_384, %dma_start3A_390] : memref<128x128xi32, #tpu.memory_space<vmem>> -> memref<1x128xi32, #tpu.memory_space<vmem>>
        %dma_start3A_392 = tpu.memref_squeeze %dma_start3A_391 : memref<1x128xi32, #tpu.memory_space<vmem>> -> memref<128xi32, #tpu.memory_space<vmem>>
        %dma_start3A_393 = arith.constant 0 : i32
        %dma_start3A_394 = arith.constant 0 : i32
        %dma_start3A_395 = tpu.memref_slice %arg12[%dma_start3A_393, %dma_start3A_394] : memref<32768x16xf32, #tpu.memory_space<vmem_shared>> -> memref<32768x16xf32, #tpu.memory_space<vmem_shared>>
        tpu.enqueue_indirect_dma source(%dma_start3A_395 : memref<32768x16xf32, #tpu.memory_space<vmem_shared>>) target(%dma_start3A_389 : memref<128x16xf32, #tpu.memory_space<vmem>>) offsets(%dma_start3A_392 : memref<128xi32, #tpu.memory_space<vmem>>) semaphore(%arg13 : memref<!tpu.dma_semaphore, #tpu.memory_space<semaphore_mem>>)
        %add3A_396 = arith.constant 2 : i32
        %add3A_397 = arith.addi %add3A_243, %add3A_396 : i32
        %mul3A_398 = arith.constant 2 : i32
        %mul3A_399 = arith.muli %mul3A_398, %add3A_397 : i32
        %dma_start3A_400 = arith.constant 10 : i32
        %dma_start3A_401 = arith.constant 0 : i32
        %dma_start3A_402 = arith.constant 0 : i32
        %dma_start3A_403 = tpu.memref_slice %arg6[%dma_start3A_400, %dma_start3A_401, %dma_start3A_402] : memref<16x128x16xf32, #tpu.memory_space<vmem>> -> memref<1x128x16xf32, #tpu.memory_space<vmem>>
        %dma_start3A_404 = tpu.memref_squeeze %dma_start3A_403 : memref<1x128x16xf32, #tpu.memory_space<vmem>> -> memref<128x16xf32, #tpu.memory_space<vmem>>
        %dma_start3A_405 = arith.constant 0 : i32
        %dma_start3A_406 = tpu.memref_slice %arg5[%mul3A_399, %dma_start3A_405] : memref<128x128xi32, #tpu.memory_space<vmem>> -> memref<1x128xi32, #tpu.memory_space<vmem>>
        %dma_start3A_407 = tpu.memref_squeeze %dma_start3A_406 : memref<1x128xi32, #tpu.memory_space<vmem>> -> memref<128xi32, #tpu.memory_space<vmem>>
        %dma_start3A_408 = arith.constant 0 : i32
        %dma_start3A_409 = arith.constant 0 : i32
        %dma_start3A_410 = tpu.memref_slice %arg12[%dma_start3A_408, %dma_start3A_409] : memref<32768x16xf32, #tpu.memory_space<vmem_shared>> -> memref<32768x16xf32, #tpu.memory_space<vmem_shared>>
        tpu.enqueue_indirect_dma source(%dma_start3A_410 : memref<32768x16xf32, #tpu.memory_space<vmem_shared>>) target(%dma_start3A_404 : memref<128x16xf32, #tpu.memory_space<vmem>>) offsets(%dma_start3A_407 : memref<128xi32, #tpu.memory_space<vmem>>) semaphore(%arg13 : memref<!tpu.dma_semaphore, #tpu.memory_space<semaphore_mem>>)
        %add3A_411 = arith.constant 3 : i32
        %add3A_412 = arith.addi %add3A_243, %add3A_411 : i32
        %mul3A_413 = arith.constant 2 : i32
        %mul3A_414 = arith.muli %mul3A_413, %add3A_412 : i32
        %dma_start3A_415 = arith.constant 11 : i32
        %dma_start3A_416 = arith.constant 0 : i32
        %dma_start3A_417 = arith.constant 0 : i32
        %dma_start3A_418 = tpu.memref_slice %arg6[%dma_start3A_415, %dma_start3A_416, %dma_start3A_417] : memref<16x128x16xf32, #tpu.memory_space<vmem>> -> memref<1x128x16xf32, #tpu.memory_space<vmem>>
        %dma_start3A_419 = tpu.memref_squeeze %dma_start3A_418 : memref<1x128x16xf32, #tpu.memory_space<vmem>> -> memref<128x16xf32, #tpu.memory_space<vmem>>
        %dma_start3A_420 = arith.constant 0 : i32
        %dma_start3A_421 = tpu.memref_slice %arg5[%mul3A_414, %dma_start3A_420] : memref<128x128xi32, #tpu.memory_space<vmem>> -> memref<1x128xi32, #tpu.memory_space<vmem>>
        %dma_start3A_422 = tpu.memref_squeeze %dma_start3A_421 : memref<1x128xi32, #tpu.memory_space<vmem>> -> memref<128xi32, #tpu.memory_space<vmem>>
        %dma_start3A_423 = arith.constant 0 : i32
        %dma_start3A_424 = arith.constant 0 : i32
        %dma_start3A_425 = tpu.memref_slice %arg12[%dma_start3A_423, %dma_start3A_424] : memref<32768x16xf32, #tpu.memory_space<vmem_shared>> -> memref<32768x16xf32, #tpu.memory_space<vmem_shared>>
        tpu.enqueue_indirect_dma source(%dma_start3A_425 : memref<32768x16xf32, #tpu.memory_space<vmem_shared>>) target(%dma_start3A_419 : memref<128x16xf32, #tpu.memory_space<vmem>>) offsets(%dma_start3A_422 : memref<128xi32, #tpu.memory_space<vmem>>) semaphore(%arg13 : memref<!tpu.dma_semaphore, #tpu.memory_space<semaphore_mem>>)
        %add3A_426 = arith.constant 4 : i32
        %add3A_427 = arith.addi %add3A_243, %add3A_426 : i32
        %mul3A_428 = arith.constant 2 : i32
        %mul3A_429 = arith.muli %mul3A_428, %add3A_427 : i32
        %dma_start3A_430 = arith.constant 12 : i32
        %dma_start3A_431 = arith.constant 0 : i32
        %dma_start3A_432 = arith.constant 0 : i32
        %dma_start3A_433 = tpu.memref_slice %arg6[%dma_start3A_430, %dma_start3A_431, %dma_start3A_432] : memref<16x128x16xf32, #tpu.memory_space<vmem>> -> memref<1x128x16xf32, #tpu.memory_space<vmem>>
        %dma_start3A_434 = tpu.memref_squeeze %dma_start3A_433 : memref<1x128x16xf32, #tpu.memory_space<vmem>> -> memref<128x16xf32, #tpu.memory_space<vmem>>
        %dma_start3A_435 = arith.constant 0 : i32
        %dma_start3A_436 = tpu.memref_slice %arg5[%mul3A_429, %dma_start3A_435] : memref<128x128xi32, #tpu.memory_space<vmem>> -> memref<1x128xi32, #tpu.memory_space<vmem>>
        %dma_start3A_437 = tpu.memref_squeeze %dma_start3A_436 : memref<1x128xi32, #tpu.memory_space<vmem>> -> memref<128xi32, #tpu.memory_space<vmem>>
        %dma_start3A_438 = arith.constant 0 : i32
        %dma_start3A_439 = arith.constant 0 : i32
        %dma_start3A_440 = tpu.memref_slice %arg12[%dma_start3A_438, %dma_start3A_439] : memref<32768x16xf32, #tpu.memory_space<vmem_shared>> -> memref<32768x16xf32, #tpu.memory_space<vmem_shared>>
        tpu.enqueue_indirect_dma source(%dma_start3A_440 : memref<32768x16xf32, #tpu.memory_space<vmem_shared>>) target(%dma_start3A_434 : memref<128x16xf32, #tpu.memory_space<vmem>>) offsets(%dma_start3A_437 : memref<128xi32, #tpu.memory_space<vmem>>) semaphore(%arg13 : memref<!tpu.dma_semaphore, #tpu.memory_space<semaphore_mem>>)
        %add3A_441 = arith.constant 5 : i32
        %add3A_442 = arith.addi %add3A_243, %add3A_441 : i32
        %mul3A_443 = arith.constant 2 : i32
        %mul3A_444 = arith.muli %mul3A_443, %add3A_442 : i32
        %dma_start3A_445 = arith.constant 13 : i32
        %dma_start3A_446 = arith.constant 0 : i32
        %dma_start3A_447 = arith.constant 0 : i32
        %dma_start3A_448 = tpu.memref_slice %arg6[%dma_start3A_445, %dma_start3A_446, %dma_start3A_447] : memref<16x128x16xf32, #tpu.memory_space<vmem>> -> memref<1x128x16xf32, #tpu.memory_space<vmem>>
        %dma_start3A_449 = tpu.memref_squeeze %dma_start3A_448 : memref<1x128x16xf32, #tpu.memory_space<vmem>> -> memref<128x16xf32, #tpu.memory_space<vmem>>
        %dma_start3A_450 = arith.constant 0 : i32
        %dma_start3A_451 = tpu.memref_slice %arg5[%mul3A_444, %dma_start3A_450] : memref<128x128xi32, #tpu.memory_space<vmem>> -> memref<1x128xi32, #tpu.memory_space<vmem>>
        %dma_start3A_452 = tpu.memref_squeeze %dma_start3A_451 : memref<1x128xi32, #tpu.memory_space<vmem>> -> memref<128xi32, #tpu.memory_space<vmem>>
        %dma_start3A_453 = arith.constant 0 : i32
        %dma_start3A_454 = arith.constant 0 : i32
        %dma_start3A_455 = tpu.memref_slice %arg12[%dma_start3A_453, %dma_start3A_454] : memref<32768x16xf32, #tpu.memory_space<vmem_shared>> -> memref<32768x16xf32, #tpu.memory_space<vmem_shared>>
        tpu.enqueue_indirect_dma source(%dma_start3A_455 : memref<32768x16xf32, #tpu.memory_space<vmem_shared>>) target(%dma_start3A_449 : memref<128x16xf32, #tpu.memory_space<vmem>>) offsets(%dma_start3A_452 : memref<128xi32, #tpu.memory_space<vmem>>) semaphore(%arg13 : memref<!tpu.dma_semaphore, #tpu.memory_space<semaphore_mem>>)
        %add3A_456 = arith.constant 6 : i32
        %add3A_457 = arith.addi %add3A_243, %add3A_456 : i32
        %mul3A_458 = arith.constant 2 : i32
        %mul3A_459 = arith.muli %mul3A_458, %add3A_457 : i32
        %dma_start3A_460 = arith.constant 14 : i32
        %dma_start3A_461 = arith.constant 0 : i32
        %dma_start3A_462 = arith.constant 0 : i32
        %dma_start3A_463 = tpu.memref_slice %arg6[%dma_start3A_460, %dma_start3A_461, %dma_start3A_462] : memref<16x128x16xf32, #tpu.memory_space<vmem>> -> memref<1x128x16xf32, #tpu.memory_space<vmem>>
        %dma_start3A_464 = tpu.memref_squeeze %dma_start3A_463 : memref<1x128x16xf32, #tpu.memory_space<vmem>> -> memref<128x16xf32, #tpu.memory_space<vmem>>
        %dma_start3A_465 = arith.constant 0 : i32
        %dma_start3A_466 = tpu.memref_slice %arg5[%mul3A_459, %dma_start3A_465] : memref<128x128xi32, #tpu.memory_space<vmem>> -> memref<1x128xi32, #tpu.memory_space<vmem>>
        %dma_start3A_467 = tpu.memref_squeeze %dma_start3A_466 : memref<1x128xi32, #tpu.memory_space<vmem>> -> memref<128xi32, #tpu.memory_space<vmem>>
        %dma_start3A_468 = arith.constant 0 : i32
        %dma_start3A_469 = arith.constant 0 : i32
        %dma_start3A_470 = tpu.memref_slice %arg12[%dma_start3A_468, %dma_start3A_469] : memref<32768x16xf32, #tpu.memory_space<vmem_shared>> -> memref<32768x16xf32, #tpu.memory_space<vmem_shared>>
        tpu.enqueue_indirect_dma source(%dma_start3A_470 : memref<32768x16xf32, #tpu.memory_space<vmem_shared>>) target(%dma_start3A_464 : memref<128x16xf32, #tpu.memory_space<vmem>>) offsets(%dma_start3A_467 : memref<128xi32, #tpu.memory_space<vmem>>) semaphore(%arg13 : memref<!tpu.dma_semaphore, #tpu.memory_space<semaphore_mem>>)
        %add3A_471 = arith.constant 7 : i32
        %add3A_472 = arith.addi %add3A_243, %add3A_471 : i32
        %mul3A_473 = arith.constant 2 : i32
        %mul3A_474 = arith.muli %mul3A_473, %add3A_472 : i32
        %dma_start3A_475 = arith.constant 15 : i32
        %dma_start3A_476 = arith.constant 0 : i32
        %dma_start3A_477 = arith.constant 0 : i32
        %dma_start3A_478 = tpu.memref_slice %arg6[%dma_start3A_475, %dma_start3A_476, %dma_start3A_477] : memref<16x128x16xf32, #tpu.memory_space<vmem>> -> memref<1x128x16xf32, #tpu.memory_space<vmem>>
        %dma_start3A_479 = tpu.memref_squeeze %dma_start3A_478 : memref<1x128x16xf32, #tpu.memory_space<vmem>> -> memref<128x16xf32, #tpu.memory_space<vmem>>
        %dma_start3A_480 = arith.constant 0 : i32
        %dma_start3A_481 = tpu.memref_slice %arg5[%mul3A_474, %dma_start3A_480] : memref<128x128xi32, #tpu.memory_space<vmem>> -> memref<1x128xi32, #tpu.memory_space<vmem>>
        %dma_start3A_482 = tpu.memref_squeeze %dma_start3A_481 : memref<1x128xi32, #tpu.memory_space<vmem>> -> memref<128xi32, #tpu.memory_space<vmem>>
        %dma_start3A_483 = arith.constant 0 : i32
        %dma_start3A_484 = arith.constant 0 : i32
        %dma_start3A_485 = tpu.memref_slice %arg12[%dma_start3A_483, %dma_start3A_484] : memref<32768x16xf32, #tpu.memory_space<vmem_shared>> -> memref<32768x16xf32, #tpu.memory_space<vmem_shared>>
        tpu.enqueue_indirect_dma source(%dma_start3A_485 : memref<32768x16xf32, #tpu.memory_space<vmem_shared>>) target(%dma_start3A_479 : memref<128x16xf32, #tpu.memory_space<vmem>>) offsets(%dma_start3A_482 : memref<128xi32, #tpu.memory_space<vmem>>) semaphore(%arg13 : memref<!tpu.dma_semaphore, #tpu.memory_space<semaphore_mem>>)
        %add3A_486 = arith.constant 0 : i32
        %add3A_487 = arith.addi %mul3A_241, %add3A_486 : i32
        %mul3A_488 = arith.constant 2 : i32
        %mul3A_489 = arith.muli %mul3A_488, %add3A_487 : i32
        %add3A_490 = arith.constant 1 : i32
        %add3A_491 = arith.addi %mul3A_489, %add3A_490 : i32
        %dma_start3A_492 = arith.constant 0 : i32
        %dma_start3A_493 = arith.constant 0 : i32
        %dma_start3A_494 = arith.constant 0 : i32
        %dma_start3A_495 = tpu.memref_slice %arg6[%dma_start3A_492, %dma_start3A_493, %dma_start3A_494] : memref<16x128x16xf32, #tpu.memory_space<vmem>> -> memref<1x128x16xf32, #tpu.memory_space<vmem>>
        %dma_start3A_496 = tpu.memref_squeeze %dma_start3A_495 : memref<1x128x16xf32, #tpu.memory_space<vmem>> -> memref<128x16xf32, #tpu.memory_space<vmem>>
        %dma_start3A_497 = arith.constant 0 : i32
        %dma_start3A_498 = tpu.memref_slice %arg5[%add3A_491, %dma_start3A_497] : memref<128x128xi32, #tpu.memory_space<vmem>> -> memref<1x128xi32, #tpu.memory_space<vmem>>
        %dma_start3A_499 = tpu.memref_squeeze %dma_start3A_498 : memref<1x128xi32, #tpu.memory_space<vmem>> -> memref<128xi32, #tpu.memory_space<vmem>>
        %dma_start3A_500 = arith.constant 0 : i32
        %dma_start3A_501 = arith.constant 0 : i32
        %dma_start3A_502 = tpu.memref_slice %arg11[%dma_start3A_500, %dma_start3A_501] : memref<32768x16xf32, #tpu.memory_space<vmem_shared>> -> memref<32768x16xf32, #tpu.memory_space<vmem_shared>>
        tpu.enqueue_indirect_dma source(%dma_start3A_496 : memref<128x16xf32, #tpu.memory_space<vmem>>) target(%dma_start3A_502 : memref<32768x16xf32, #tpu.memory_space<vmem_shared>>) offsets(%dma_start3A_499 : memref<128xi32, #tpu.memory_space<vmem>>) semaphore(%arg14 : memref<!tpu.dma_semaphore, #tpu.memory_space<semaphore_mem>>) {add = true}
        %add3A_503 = arith.constant 1 : i32
        %add3A_504 = arith.addi %mul3A_241, %add3A_503 : i32
        %mul3A_505 = arith.constant 2 : i32
        %mul3A_506 = arith.muli %mul3A_505, %add3A_504 : i32
        %add3A_507 = arith.constant 1 : i32
        %add3A_508 = arith.addi %mul3A_506, %add3A_507 : i32
        %dma_start3A_509 = arith.constant 1 : i32
        %dma_start3A_510 = arith.constant 0 : i32
        %dma_start3A_511 = arith.constant 0 : i32
        %dma_start3A_512 = tpu.memref_slice %arg6[%dma_start3A_509, %dma_start3A_510, %dma_start3A_511] : memref<16x128x16xf32, #tpu.memory_space<vmem>> -> memref<1x128x16xf32, #tpu.memory_space<vmem>>
        %dma_start3A_513 = tpu.memref_squeeze %dma_start3A_512 : memref<1x128x16xf32, #tpu.memory_space<vmem>> -> memref<128x16xf32, #tpu.memory_space<vmem>>
        %dma_start3A_514 = arith.constant 0 : i32
        %dma_start3A_515 = tpu.memref_slice %arg5[%add3A_508, %dma_start3A_514] : memref<128x128xi32, #tpu.memory_space<vmem>> -> memref<1x128xi32, #tpu.memory_space<vmem>>
        %dma_start3A_516 = tpu.memref_squeeze %dma_start3A_515 : memref<1x128xi32, #tpu.memory_space<vmem>> -> memref<128xi32, #tpu.memory_space<vmem>>
        %dma_start3A_517 = arith.constant 0 : i32
        %dma_start3A_518 = arith.constant 0 : i32
        %dma_start3A_519 = tpu.memref_slice %arg11[%dma_start3A_517, %dma_start3A_518] : memref<32768x16xf32, #tpu.memory_space<vmem_shared>> -> memref<32768x16xf32, #tpu.memory_space<vmem_shared>>
        tpu.enqueue_indirect_dma source(%dma_start3A_513 : memref<128x16xf32, #tpu.memory_space<vmem>>) target(%dma_start3A_519 : memref<32768x16xf32, #tpu.memory_space<vmem_shared>>) offsets(%dma_start3A_516 : memref<128xi32, #tpu.memory_space<vmem>>) semaphore(%arg14 : memref<!tpu.dma_semaphore, #tpu.memory_space<semaphore_mem>>) {add = true}
        %add3A_520 = arith.constant 2 : i32
        %add3A_521 = arith.addi %mul3A_241, %add3A_520 : i32
        %mul3A_522 = arith.constant 2 : i32
        %mul3A_523 = arith.muli %mul3A_522, %add3A_521 : i32
        %add3A_524 = arith.constant 1 : i32
        %add3A_525 = arith.addi %mul3A_523, %add3A_524 : i32
        %dma_start3A_526 = arith.constant 2 : i32
        %dma_start3A_527 = arith.constant 0 : i32
        %dma_start3A_528 = arith.constant 0 : i32
        %dma_start3A_529 = tpu.memref_slice %arg6[%dma_start3A_526, %dma_start3A_527, %dma_start3A_528] : memref<16x128x16xf32, #tpu.memory_space<vmem>> -> memref<1x128x16xf32, #tpu.memory_space<vmem>>
        %dma_start3A_530 = tpu.memref_squeeze %dma_start3A_529 : memref<1x128x16xf32, #tpu.memory_space<vmem>> -> memref<128x16xf32, #tpu.memory_space<vmem>>
        %dma_start3A_531 = arith.constant 0 : i32
        %dma_start3A_532 = tpu.memref_slice %arg5[%add3A_525, %dma_start3A_531] : memref<128x128xi32, #tpu.memory_space<vmem>> -> memref<1x128xi32, #tpu.memory_space<vmem>>
        %dma_start3A_533 = tpu.memref_squeeze %dma_start3A_532 : memref<1x128xi32, #tpu.memory_space<vmem>> -> memref<128xi32, #tpu.memory_space<vmem>>
        %dma_start3A_534 = arith.constant 0 : i32
        %dma_start3A_535 = arith.constant 0 : i32
        %dma_start3A_536 = tpu.memref_slice %arg11[%dma_start3A_534, %dma_start3A_535] : memref<32768x16xf32, #tpu.memory_space<vmem_shared>> -> memref<32768x16xf32, #tpu.memory_space<vmem_shared>>
        tpu.enqueue_indirect_dma source(%dma_start3A_530 : memref<128x16xf32, #tpu.memory_space<vmem>>) target(%dma_start3A_536 : memref<32768x16xf32, #tpu.memory_space<vmem_shared>>) offsets(%dma_start3A_533 : memref<128xi32, #tpu.memory_space<vmem>>) semaphore(%arg14 : memref<!tpu.dma_semaphore, #tpu.memory_space<semaphore_mem>>) {add = true}
        %add3A_537 = arith.constant 3 : i32
        %add3A_538 = arith.addi %mul3A_241, %add3A_537 : i32
        %mul3A_539 = arith.constant 2 : i32
        %mul3A_540 = arith.muli %mul3A_539, %add3A_538 : i32
        %add3A_541 = arith.constant 1 : i32
        %add3A_542 = arith.addi %mul3A_540, %add3A_541 : i32
        %dma_start3A_543 = arith.constant 3 : i32
        %dma_start3A_544 = arith.constant 0 : i32
        %dma_start3A_545 = arith.constant 0 : i32
        %dma_start3A_546 = tpu.memref_slice %arg6[%dma_start3A_543, %dma_start3A_544, %dma_start3A_545] : memref<16x128x16xf32, #tpu.memory_space<vmem>> -> memref<1x128x16xf32, #tpu.memory_space<vmem>>
        %dma_start3A_547 = tpu.memref_squeeze %dma_start3A_546 : memref<1x128x16xf32, #tpu.memory_space<vmem>> -> memref<128x16xf32, #tpu.memory_space<vmem>>
        %dma_start3A_548 = arith.constant 0 : i32
        %dma_start3A_549 = tpu.memref_slice %arg5[%add3A_542, %dma_start3A_548] : memref<128x128xi32, #tpu.memory_space<vmem>> -> memref<1x128xi32, #tpu.memory_space<vmem>>
        %dma_start3A_550 = tpu.memref_squeeze %dma_start3A_549 : memref<1x128xi32, #tpu.memory_space<vmem>> -> memref<128xi32, #tpu.memory_space<vmem>>
        %dma_start3A_551 = arith.constant 0 : i32
        %dma_start3A_552 = arith.constant 0 : i32
        %dma_start3A_553 = tpu.memref_slice %arg11[%dma_start3A_551, %dma_start3A_552] : memref<32768x16xf32, #tpu.memory_space<vmem_shared>> -> memref<32768x16xf32, #tpu.memory_space<vmem_shared>>
        tpu.enqueue_indirect_dma source(%dma_start3A_547 : memref<128x16xf32, #tpu.memory_space<vmem>>) target(%dma_start3A_553 : memref<32768x16xf32, #tpu.memory_space<vmem_shared>>) offsets(%dma_start3A_550 : memref<128xi32, #tpu.memory_space<vmem>>) semaphore(%arg14 : memref<!tpu.dma_semaphore, #tpu.memory_space<semaphore_mem>>) {add = true}
        %add3A_554 = arith.constant 4 : i32
        %add3A_555 = arith.addi %mul3A_241, %add3A_554 : i32
        %mul3A_556 = arith.constant 2 : i32
        %mul3A_557 = arith.muli %mul3A_556, %add3A_555 : i32
        %add3A_558 = arith.constant 1 : i32
        %add3A_559 = arith.addi %mul3A_557, %add3A_558 : i32
        %dma_start3A_560 = arith.constant 4 : i32
        %dma_start3A_561 = arith.constant 0 : i32
        %dma_start3A_562 = arith.constant 0 : i32
        %dma_start3A_563 = tpu.memref_slice %arg6[%dma_start3A_560, %dma_start3A_561, %dma_start3A_562] : memref<16x128x16xf32, #tpu.memory_space<vmem>> -> memref<1x128x16xf32, #tpu.memory_space<vmem>>
        %dma_start3A_564 = tpu.memref_squeeze %dma_start3A_563 : memref<1x128x16xf32, #tpu.memory_space<vmem>> -> memref<128x16xf32, #tpu.memory_space<vmem>>
        %dma_start3A_565 = arith.constant 0 : i32
        %dma_start3A_566 = tpu.memref_slice %arg5[%add3A_559, %dma_start3A_565] : memref<128x128xi32, #tpu.memory_space<vmem>> -> memref<1x128xi32, #tpu.memory_space<vmem>>
        %dma_start3A_567 = tpu.memref_squeeze %dma_start3A_566 : memref<1x128xi32, #tpu.memory_space<vmem>> -> memref<128xi32, #tpu.memory_space<vmem>>
        %dma_start3A_568 = arith.constant 0 : i32
        %dma_start3A_569 = arith.constant 0 : i32
        %dma_start3A_570 = tpu.memref_slice %arg11[%dma_start3A_568, %dma_start3A_569] : memref<32768x16xf32, #tpu.memory_space<vmem_shared>> -> memref<32768x16xf32, #tpu.memory_space<vmem_shared>>
        tpu.enqueue_indirect_dma source(%dma_start3A_564 : memref<128x16xf32, #tpu.memory_space<vmem>>) target(%dma_start3A_570 : memref<32768x16xf32, #tpu.memory_space<vmem_shared>>) offsets(%dma_start3A_567 : memref<128xi32, #tpu.memory_space<vmem>>) semaphore(%arg14 : memref<!tpu.dma_semaphore, #tpu.memory_space<semaphore_mem>>) {add = true}
        %add3A_571 = arith.constant 5 : i32
        %add3A_572 = arith.addi %mul3A_241, %add3A_571 : i32
        %mul3A_573 = arith.constant 2 : i32
        %mul3A_574 = arith.muli %mul3A_573, %add3A_572 : i32
        %add3A_575 = arith.constant 1 : i32
        %add3A_576 = arith.addi %mul3A_574, %add3A_575 : i32
        %dma_start3A_577 = arith.constant 5 : i32
        %dma_start3A_578 = arith.constant 0 : i32
        %dma_start3A_579 = arith.constant 0 : i32
        %dma_start3A_580 = tpu.memref_slice %arg6[%dma_start3A_577, %dma_start3A_578, %dma_start3A_579] : memref<16x128x16xf32, #tpu.memory_space<vmem>> -> memref<1x128x16xf32, #tpu.memory_space<vmem>>
        %dma_start3A_581 = tpu.memref_squeeze %dma_start3A_580 : memref<1x128x16xf32, #tpu.memory_space<vmem>> -> memref<128x16xf32, #tpu.memory_space<vmem>>
        %dma_start3A_582 = arith.constant 0 : i32
        %dma_start3A_583 = tpu.memref_slice %arg5[%add3A_576, %dma_start3A_582] : memref<128x128xi32, #tpu.memory_space<vmem>> -> memref<1x128xi32, #tpu.memory_space<vmem>>
        %dma_start3A_584 = tpu.memref_squeeze %dma_start3A_583 : memref<1x128xi32, #tpu.memory_space<vmem>> -> memref<128xi32, #tpu.memory_space<vmem>>
        %dma_start3A_585 = arith.constant 0 : i32
        %dma_start3A_586 = arith.constant 0 : i32
        %dma_start3A_587 = tpu.memref_slice %arg11[%dma_start3A_585, %dma_start3A_586] : memref<32768x16xf32, #tpu.memory_space<vmem_shared>> -> memref<32768x16xf32, #tpu.memory_space<vmem_shared>>
        tpu.enqueue_indirect_dma source(%dma_start3A_581 : memref<128x16xf32, #tpu.memory_space<vmem>>) target(%dma_start3A_587 : memref<32768x16xf32, #tpu.memory_space<vmem_shared>>) offsets(%dma_start3A_584 : memref<128xi32, #tpu.memory_space<vmem>>) semaphore(%arg14 : memref<!tpu.dma_semaphore, #tpu.memory_space<semaphore_mem>>) {add = true}
        %add3A_588 = arith.constant 6 : i32
        %add3A_589 = arith.addi %mul3A_241, %add3A_588 : i32
        %mul3A_590 = arith.constant 2 : i32
        %mul3A_591 = arith.muli %mul3A_590, %add3A_589 : i32
        %add3A_592 = arith.constant 1 : i32
        %add3A_593 = arith.addi %mul3A_591, %add3A_592 : i32
        %dma_start3A_594 = arith.constant 6 : i32
        %dma_start3A_595 = arith.constant 0 : i32
        %dma_start3A_596 = arith.constant 0 : i32
        %dma_start3A_597 = tpu.memref_slice %arg6[%dma_start3A_594, %dma_start3A_595, %dma_start3A_596] : memref<16x128x16xf32, #tpu.memory_space<vmem>> -> memref<1x128x16xf32, #tpu.memory_space<vmem>>
        %dma_start3A_598 = tpu.memref_squeeze %dma_start3A_597 : memref<1x128x16xf32, #tpu.memory_space<vmem>> -> memref<128x16xf32, #tpu.memory_space<vmem>>
        %dma_start3A_599 = arith.constant 0 : i32
        %dma_start3A_600 = tpu.memref_slice %arg5[%add3A_593, %dma_start3A_599] : memref<128x128xi32, #tpu.memory_space<vmem>> -> memref<1x128xi32, #tpu.memory_space<vmem>>
        %dma_start3A_601 = tpu.memref_squeeze %dma_start3A_600 : memref<1x128xi32, #tpu.memory_space<vmem>> -> memref<128xi32, #tpu.memory_space<vmem>>
        %dma_start3A_602 = arith.constant 0 : i32
        %dma_start3A_603 = arith.constant 0 : i32
        %dma_start3A_604 = tpu.memref_slice %arg11[%dma_start3A_602, %dma_start3A_603] : memref<32768x16xf32, #tpu.memory_space<vmem_shared>> -> memref<32768x16xf32, #tpu.memory_space<vmem_shared>>
        tpu.enqueue_indirect_dma source(%dma_start3A_598 : memref<128x16xf32, #tpu.memory_space<vmem>>) target(%dma_start3A_604 : memref<32768x16xf32, #tpu.memory_space<vmem_shared>>) offsets(%dma_start3A_601 : memref<128xi32, #tpu.memory_space<vmem>>) semaphore(%arg14 : memref<!tpu.dma_semaphore, #tpu.memory_space<semaphore_mem>>) {add = true}
        %add3A_605 = arith.constant 7 : i32
        %add3A_606 = arith.addi %mul3A_241, %add3A_605 : i32
        %mul3A_607 = arith.constant 2 : i32
        %mul3A_608 = arith.muli %mul3A_607, %add3A_606 : i32
        %add3A_609 = arith.constant 1 : i32
        %add3A_610 = arith.addi %mul3A_608, %add3A_609 : i32
        %dma_start3A_611 = arith.constant 7 : i32
        %dma_start3A_612 = arith.constant 0 : i32
        %dma_start3A_613 = arith.constant 0 : i32
        %dma_start3A_614 = tpu.memref_slice %arg6[%dma_start3A_611, %dma_start3A_612, %dma_start3A_613] : memref<16x128x16xf32, #tpu.memory_space<vmem>> -> memref<1x128x16xf32, #tpu.memory_space<vmem>>
        %dma_start3A_615 = tpu.memref_squeeze %dma_start3A_614 : memref<1x128x16xf32, #tpu.memory_space<vmem>> -> memref<128x16xf32, #tpu.memory_space<vmem>>
        %dma_start3A_616 = arith.constant 0 : i32
        %dma_start3A_617 = tpu.memref_slice %arg5[%add3A_610, %dma_start3A_616] : memref<128x128xi32, #tpu.memory_space<vmem>> -> memref<1x128xi32, #tpu.memory_space<vmem>>
        %dma_start3A_618 = tpu.memref_squeeze %dma_start3A_617 : memref<1x128xi32, #tpu.memory_space<vmem>> -> memref<128xi32, #tpu.memory_space<vmem>>
        %dma_start3A_619 = arith.constant 0 : i32
        %dma_start3A_620 = arith.constant 0 : i32
        %dma_start3A_621 = tpu.memref_slice %arg11[%dma_start3A_619, %dma_start3A_620] : memref<32768x16xf32, #tpu.memory_space<vmem_shared>> -> memref<32768x16xf32, #tpu.memory_space<vmem_shared>>
        tpu.enqueue_indirect_dma source(%dma_start3A_615 : memref<128x16xf32, #tpu.memory_space<vmem>>) target(%dma_start3A_621 : memref<32768x16xf32, #tpu.memory_space<vmem_shared>>) offsets(%dma_start3A_618 : memref<128xi32, #tpu.memory_space<vmem>>) semaphore(%arg14 : memref<!tpu.dma_semaphore, #tpu.memory_space<semaphore_mem>>) {add = true}
        %add3A_622 = arith.constant 0 : i32
        %add3A_623 = arith.addi %add3A_243, %add3A_622 : i32
        %mul3A_624 = arith.constant 2 : i32
        %mul3A_625 = arith.muli %mul3A_624, %add3A_623 : i32
        %dma_wait3A_626 = arith.constant 8 : i32
        %dma_wait3A_627 = arith.constant 0 : i32
        %dma_wait3A_628 = arith.constant 0 : i32
        %dma_wait3A_629 = tpu.memref_slice %arg6[%dma_wait3A_626, %dma_wait3A_627, %dma_wait3A_628] : memref<16x128x16xf32, #tpu.memory_space<vmem>> -> memref<1x128x16xf32, #tpu.memory_space<vmem>>
        %dma_wait3A_630 = tpu.memref_squeeze %dma_wait3A_629 : memref<1x128x16xf32, #tpu.memory_space<vmem>> -> memref<128x16xf32, #tpu.memory_space<vmem>>
        %dma_wait3A_631 = arith.constant 0 : i32
        %dma_wait3A_632 = tpu.memref_slice %arg5[%mul3A_625, %dma_wait3A_631] : memref<128x128xi32, #tpu.memory_space<vmem>> -> memref<1x128xi32, #tpu.memory_space<vmem>>
        %dma_wait3A_633 = tpu.memref_squeeze %dma_wait3A_632 : memref<1x128xi32, #tpu.memory_space<vmem>> -> memref<128xi32, #tpu.memory_space<vmem>>
        %dma_wait3A_634 = arith.constant 0 : i32
        %dma_wait3A_635 = arith.constant 0 : i32
        %dma_wait3A_636 = tpu.memref_slice %arg12[%dma_wait3A_634, %dma_wait3A_635] : memref<32768x16xf32, #tpu.memory_space<vmem_shared>> -> memref<32768x16xf32, #tpu.memory_space<vmem_shared>>
        tpu.wait_indirect_dma semaphore(%arg13 : memref<!tpu.dma_semaphore, #tpu.memory_space<semaphore_mem>>) src(%dma_wait3A_636 : memref<32768x16xf32, #tpu.memory_space<vmem_shared>>) dst(%dma_wait3A_630 : memref<128x16xf32, #tpu.memory_space<vmem>>)
        %add3A_637 = arith.constant 1 : i32
        %add3A_638 = arith.addi %add3A_243, %add3A_637 : i32
        %mul3A_639 = arith.constant 2 : i32
        %mul3A_640 = arith.muli %mul3A_639, %add3A_638 : i32
        %dma_wait3A_641 = arith.constant 9 : i32
        %dma_wait3A_642 = arith.constant 0 : i32
        %dma_wait3A_643 = arith.constant 0 : i32
        %dma_wait3A_644 = tpu.memref_slice %arg6[%dma_wait3A_641, %dma_wait3A_642, %dma_wait3A_643] : memref<16x128x16xf32, #tpu.memory_space<vmem>> -> memref<1x128x16xf32, #tpu.memory_space<vmem>>
        %dma_wait3A_645 = tpu.memref_squeeze %dma_wait3A_644 : memref<1x128x16xf32, #tpu.memory_space<vmem>> -> memref<128x16xf32, #tpu.memory_space<vmem>>
        %dma_wait3A_646 = arith.constant 0 : i32
        %dma_wait3A_647 = tpu.memref_slice %arg5[%mul3A_640, %dma_wait3A_646] : memref<128x128xi32, #tpu.memory_space<vmem>> -> memref<1x128xi32, #tpu.memory_space<vmem>>
        %dma_wait3A_648 = tpu.memref_squeeze %dma_wait3A_647 : memref<1x128xi32, #tpu.memory_space<vmem>> -> memref<128xi32, #tpu.memory_space<vmem>>
        %dma_wait3A_649 = arith.constant 0 : i32
        %dma_wait3A_650 = arith.constant 0 : i32
        %dma_wait3A_651 = tpu.memref_slice %arg12[%dma_wait3A_649, %dma_wait3A_650] : memref<32768x16xf32, #tpu.memory_space<vmem_shared>> -> memref<32768x16xf32, #tpu.memory_space<vmem_shared>>
        tpu.wait_indirect_dma semaphore(%arg13 : memref<!tpu.dma_semaphore, #tpu.memory_space<semaphore_mem>>) src(%dma_wait3A_651 : memref<32768x16xf32, #tpu.memory_space<vmem_shared>>) dst(%dma_wait3A_645 : memref<128x16xf32, #tpu.memory_space<vmem>>)
        %add3A_652 = arith.constant 2 : i32
        %add3A_653 = arith.addi %add3A_243, %add3A_652 : i32
        %mul3A_654 = arith.constant 2 : i32
        %mul3A_655 = arith.muli %mul3A_654, %add3A_653 : i32
        %dma_wait3A_656 = arith.constant 10 : i32
        %dma_wait3A_657 = arith.constant 0 : i32
        %dma_wait3A_658 = arith.constant 0 : i32
        %dma_wait3A_659 = tpu.memref_slice %arg6[%dma_wait3A_656, %dma_wait3A_657, %dma_wait3A_658] : memref<16x128x16xf32, #tpu.memory_space<vmem>> -> memref<1x128x16xf32, #tpu.memory_space<vmem>>
        %dma_wait3A_660 = tpu.memref_squeeze %dma_wait3A_659 : memref<1x128x16xf32, #tpu.memory_space<vmem>> -> memref<128x16xf32, #tpu.memory_space<vmem>>
        %dma_wait3A_661 = arith.constant 0 : i32
        %dma_wait3A_662 = tpu.memref_slice %arg5[%mul3A_655, %dma_wait3A_661] : memref<128x128xi32, #tpu.memory_space<vmem>> -> memref<1x128xi32, #tpu.memory_space<vmem>>
        %dma_wait3A_663 = tpu.memref_squeeze %dma_wait3A_662 : memref<1x128xi32, #tpu.memory_space<vmem>> -> memref<128xi32, #tpu.memory_space<vmem>>
        %dma_wait3A_664 = arith.constant 0 : i32
        %dma_wait3A_665 = arith.constant 0 : i32
        %dma_wait3A_666 = tpu.memref_slice %arg12[%dma_wait3A_664, %dma_wait3A_665] : memref<32768x16xf32, #tpu.memory_space<vmem_shared>> -> memref<32768x16xf32, #tpu.memory_space<vmem_shared>>
        tpu.wait_indirect_dma semaphore(%arg13 : memref<!tpu.dma_semaphore, #tpu.memory_space<semaphore_mem>>) src(%dma_wait3A_666 : memref<32768x16xf32, #tpu.memory_space<vmem_shared>>) dst(%dma_wait3A_660 : memref<128x16xf32, #tpu.memory_space<vmem>>)
        %add3A_667 = arith.constant 3 : i32
        %add3A_668 = arith.addi %add3A_243, %add3A_667 : i32
        %mul3A_669 = arith.constant 2 : i32
        %mul3A_670 = arith.muli %mul3A_669, %add3A_668 : i32
        %dma_wait3A_671 = arith.constant 11 : i32
        %dma_wait3A_672 = arith.constant 0 : i32
        %dma_wait3A_673 = arith.constant 0 : i32
        %dma_wait3A_674 = tpu.memref_slice %arg6[%dma_wait3A_671, %dma_wait3A_672, %dma_wait3A_673] : memref<16x128x16xf32, #tpu.memory_space<vmem>> -> memref<1x128x16xf32, #tpu.memory_space<vmem>>
        %dma_wait3A_675 = tpu.memref_squeeze %dma_wait3A_674 : memref<1x128x16xf32, #tpu.memory_space<vmem>> -> memref<128x16xf32, #tpu.memory_space<vmem>>
        %dma_wait3A_676 = arith.constant 0 : i32
        %dma_wait3A_677 = tpu.memref_slice %arg5[%mul3A_670, %dma_wait3A_676] : memref<128x128xi32, #tpu.memory_space<vmem>> -> memref<1x128xi32, #tpu.memory_space<vmem>>
        %dma_wait3A_678 = tpu.memref_squeeze %dma_wait3A_677 : memref<1x128xi32, #tpu.memory_space<vmem>> -> memref<128xi32, #tpu.memory_space<vmem>>
        %dma_wait3A_679 = arith.constant 0 : i32
        %dma_wait3A_680 = arith.constant 0 : i32
        %dma_wait3A_681 = tpu.memref_slice %arg12[%dma_wait3A_679, %dma_wait3A_680] : memref<32768x16xf32, #tpu.memory_space<vmem_shared>> -> memref<32768x16xf32, #tpu.memory_space<vmem_shared>>
        tpu.wait_indirect_dma semaphore(%arg13 : memref<!tpu.dma_semaphore, #tpu.memory_space<semaphore_mem>>) src(%dma_wait3A_681 : memref<32768x16xf32, #tpu.memory_space<vmem_shared>>) dst(%dma_wait3A_675 : memref<128x16xf32, #tpu.memory_space<vmem>>)
        %add3A_682 = arith.constant 4 : i32
        %add3A_683 = arith.addi %add3A_243, %add3A_682 : i32
        %mul3A_684 = arith.constant 2 : i32
        %mul3A_685 = arith.muli %mul3A_684, %add3A_683 : i32
        %dma_wait3A_686 = arith.constant 12 : i32
        %dma_wait3A_687 = arith.constant 0 : i32
        %dma_wait3A_688 = arith.constant 0 : i32
        %dma_wait3A_689 = tpu.memref_slice %arg6[%dma_wait3A_686, %dma_wait3A_687, %dma_wait3A_688] : memref<16x128x16xf32, #tpu.memory_space<vmem>> -> memref<1x128x16xf32, #tpu.memory_space<vmem>>
        %dma_wait3A_690 = tpu.memref_squeeze %dma_wait3A_689 : memref<1x128x16xf32, #tpu.memory_space<vmem>> -> memref<128x16xf32, #tpu.memory_space<vmem>>
        %dma_wait3A_691 = arith.constant 0 : i32
        %dma_wait3A_692 = tpu.memref_slice %arg5[%mul3A_685, %dma_wait3A_691] : memref<128x128xi32, #tpu.memory_space<vmem>> -> memref<1x128xi32, #tpu.memory_space<vmem>>
        %dma_wait3A_693 = tpu.memref_squeeze %dma_wait3A_692 : memref<1x128xi32, #tpu.memory_space<vmem>> -> memref<128xi32, #tpu.memory_space<vmem>>
        %dma_wait3A_694 = arith.constant 0 : i32
        %dma_wait3A_695 = arith.constant 0 : i32
        %dma_wait3A_696 = tpu.memref_slice %arg12[%dma_wait3A_694, %dma_wait3A_695] : memref<32768x16xf32, #tpu.memory_space<vmem_shared>> -> memref<32768x16xf32, #tpu.memory_space<vmem_shared>>
        tpu.wait_indirect_dma semaphore(%arg13 : memref<!tpu.dma_semaphore, #tpu.memory_space<semaphore_mem>>) src(%dma_wait3A_696 : memref<32768x16xf32, #tpu.memory_space<vmem_shared>>) dst(%dma_wait3A_690 : memref<128x16xf32, #tpu.memory_space<vmem>>)
        %add3A_697 = arith.constant 5 : i32
        %add3A_698 = arith.addi %add3A_243, %add3A_697 : i32
        %mul3A_699 = arith.constant 2 : i32
        %mul3A_700 = arith.muli %mul3A_699, %add3A_698 : i32
        %dma_wait3A_701 = arith.constant 13 : i32
        %dma_wait3A_702 = arith.constant 0 : i32
        %dma_wait3A_703 = arith.constant 0 : i32
        %dma_wait3A_704 = tpu.memref_slice %arg6[%dma_wait3A_701, %dma_wait3A_702, %dma_wait3A_703] : memref<16x128x16xf32, #tpu.memory_space<vmem>> -> memref<1x128x16xf32, #tpu.memory_space<vmem>>
        %dma_wait3A_705 = tpu.memref_squeeze %dma_wait3A_704 : memref<1x128x16xf32, #tpu.memory_space<vmem>> -> memref<128x16xf32, #tpu.memory_space<vmem>>
        %dma_wait3A_706 = arith.constant 0 : i32
        %dma_wait3A_707 = tpu.memref_slice %arg5[%mul3A_700, %dma_wait3A_706] : memref<128x128xi32, #tpu.memory_space<vmem>> -> memref<1x128xi32, #tpu.memory_space<vmem>>
        %dma_wait3A_708 = tpu.memref_squeeze %dma_wait3A_707 : memref<1x128xi32, #tpu.memory_space<vmem>> -> memref<128xi32, #tpu.memory_space<vmem>>
        %dma_wait3A_709 = arith.constant 0 : i32
        %dma_wait3A_710 = arith.constant 0 : i32
        %dma_wait3A_711 = tpu.memref_slice %arg12[%dma_wait3A_709, %dma_wait3A_710] : memref<32768x16xf32, #tpu.memory_space<vmem_shared>> -> memref<32768x16xf32, #tpu.memory_space<vmem_shared>>
        tpu.wait_indirect_dma semaphore(%arg13 : memref<!tpu.dma_semaphore, #tpu.memory_space<semaphore_mem>>) src(%dma_wait3A_711 : memref<32768x16xf32, #tpu.memory_space<vmem_shared>>) dst(%dma_wait3A_705 : memref<128x16xf32, #tpu.memory_space<vmem>>)
        %add3A_712 = arith.constant 6 : i32
        %add3A_713 = arith.addi %add3A_243, %add3A_712 : i32
        %mul3A_714 = arith.constant 2 : i32
        %mul3A_715 = arith.muli %mul3A_714, %add3A_713 : i32
        %dma_wait3A_716 = arith.constant 14 : i32
        %dma_wait3A_717 = arith.constant 0 : i32
        %dma_wait3A_718 = arith.constant 0 : i32
        %dma_wait3A_719 = tpu.memref_slice %arg6[%dma_wait3A_716, %dma_wait3A_717, %dma_wait3A_718] : memref<16x128x16xf32, #tpu.memory_space<vmem>> -> memref<1x128x16xf32, #tpu.memory_space<vmem>>
        %dma_wait3A_720 = tpu.memref_squeeze %dma_wait3A_719 : memref<1x128x16xf32, #tpu.memory_space<vmem>> -> memref<128x16xf32, #tpu.memory_space<vmem>>
        %dma_wait3A_721 = arith.constant 0 : i32
        %dma_wait3A_722 = tpu.memref_slice %arg5[%mul3A_715, %dma_wait3A_721] : memref<128x128xi32, #tpu.memory_space<vmem>> -> memref<1x128xi32, #tpu.memory_space<vmem>>
        %dma_wait3A_723 = tpu.memref_squeeze %dma_wait3A_722 : memref<1x128xi32, #tpu.memory_space<vmem>> -> memref<128xi32, #tpu.memory_space<vmem>>
        %dma_wait3A_724 = arith.constant 0 : i32
        %dma_wait3A_725 = arith.constant 0 : i32
        %dma_wait3A_726 = tpu.memref_slice %arg12[%dma_wait3A_724, %dma_wait3A_725] : memref<32768x16xf32, #tpu.memory_space<vmem_shared>> -> memref<32768x16xf32, #tpu.memory_space<vmem_shared>>
        tpu.wait_indirect_dma semaphore(%arg13 : memref<!tpu.dma_semaphore, #tpu.memory_space<semaphore_mem>>) src(%dma_wait3A_726 : memref<32768x16xf32, #tpu.memory_space<vmem_shared>>) dst(%dma_wait3A_720 : memref<128x16xf32, #tpu.memory_space<vmem>>)
        %add3A_727 = arith.constant 7 : i32
        %add3A_728 = arith.addi %add3A_243, %add3A_727 : i32
        %mul3A_729 = arith.constant 2 : i32
        %mul3A_730 = arith.muli %mul3A_729, %add3A_728 : i32
        %dma_wait3A_731 = arith.constant 15 : i32
        %dma_wait3A_732 = arith.constant 0 : i32
        %dma_wait3A_733 = arith.constant 0 : i32
        %dma_wait3A_734 = tpu.memref_slice %arg6[%dma_wait3A_731, %dma_wait3A_732, %dma_wait3A_733] : memref<16x128x16xf32, #tpu.memory_space<vmem>> -> memref<1x128x16xf32, #tpu.memory_space<vmem>>
        %dma_wait3A_735 = tpu.memref_squeeze %dma_wait3A_734 : memref<1x128x16xf32, #tpu.memory_space<vmem>> -> memref<128x16xf32, #tpu.memory_space<vmem>>
        %dma_wait3A_736 = arith.constant 0 : i32
        %dma_wait3A_737 = tpu.memref_slice %arg5[%mul3A_730, %dma_wait3A_736] : memref<128x128xi32, #tpu.memory_space<vmem>> -> memref<1x128xi32, #tpu.memory_space<vmem>>
        %dma_wait3A_738 = tpu.memref_squeeze %dma_wait3A_737 : memref<1x128xi32, #tpu.memory_space<vmem>> -> memref<128xi32, #tpu.memory_space<vmem>>
        %dma_wait3A_739 = arith.constant 0 : i32
        %dma_wait3A_740 = arith.constant 0 : i32
        %dma_wait3A_741 = tpu.memref_slice %arg12[%dma_wait3A_739, %dma_wait3A_740] : memref<32768x16xf32, #tpu.memory_space<vmem_shared>> -> memref<32768x16xf32, #tpu.memory_space<vmem_shared>>
        tpu.wait_indirect_dma semaphore(%arg13 : memref<!tpu.dma_semaphore, #tpu.memory_space<semaphore_mem>>) src(%dma_wait3A_741 : memref<32768x16xf32, #tpu.memory_space<vmem_shared>>) dst(%dma_wait3A_735 : memref<128x16xf32, #tpu.memory_space<vmem>>)
        %add3A_742 = arith.constant 0 : i32
        %add3A_743 = arith.addi %mul3A_241, %add3A_742 : i32
        %mul3A_744 = arith.constant 2 : i32
        %mul3A_745 = arith.muli %mul3A_744, %add3A_743 : i32
        %add3A_746 = arith.constant 1 : i32
        %add3A_747 = arith.addi %mul3A_745, %add3A_746 : i32
        %dma_wait3A_748 = arith.constant 0 : i32
        %dma_wait3A_749 = arith.constant 0 : i32
        %dma_wait3A_750 = arith.constant 0 : i32
        %dma_wait3A_751 = tpu.memref_slice %arg6[%dma_wait3A_748, %dma_wait3A_749, %dma_wait3A_750] : memref<16x128x16xf32, #tpu.memory_space<vmem>> -> memref<1x128x16xf32, #tpu.memory_space<vmem>>
        %dma_wait3A_752 = tpu.memref_squeeze %dma_wait3A_751 : memref<1x128x16xf32, #tpu.memory_space<vmem>> -> memref<128x16xf32, #tpu.memory_space<vmem>>
        %dma_wait3A_753 = arith.constant 0 : i32
        %dma_wait3A_754 = tpu.memref_slice %arg5[%add3A_747, %dma_wait3A_753] : memref<128x128xi32, #tpu.memory_space<vmem>> -> memref<1x128xi32, #tpu.memory_space<vmem>>
        %dma_wait3A_755 = tpu.memref_squeeze %dma_wait3A_754 : memref<1x128xi32, #tpu.memory_space<vmem>> -> memref<128xi32, #tpu.memory_space<vmem>>
        %dma_wait3A_756 = arith.constant 0 : i32
        %dma_wait3A_757 = arith.constant 0 : i32
        %dma_wait3A_758 = tpu.memref_slice %arg11[%dma_wait3A_756, %dma_wait3A_757] : memref<32768x16xf32, #tpu.memory_space<vmem_shared>> -> memref<32768x16xf32, #tpu.memory_space<vmem_shared>>
        tpu.wait_indirect_dma semaphore(%arg14 : memref<!tpu.dma_semaphore, #tpu.memory_space<semaphore_mem>>) src(%dma_wait3A_752 : memref<128x16xf32, #tpu.memory_space<vmem>>) dst(%dma_wait3A_758 : memref<32768x16xf32, #tpu.memory_space<vmem_shared>>)
        %add3A_759 = arith.constant 1 : i32
        %add3A_760 = arith.addi %mul3A_241, %add3A_759 : i32
        %mul3A_761 = arith.constant 2 : i32
        %mul3A_762 = arith.muli %mul3A_761, %add3A_760 : i32
        %add3A_763 = arith.constant 1 : i32
        %add3A_764 = arith.addi %mul3A_762, %add3A_763 : i32
        %dma_wait3A_765 = arith.constant 1 : i32
        %dma_wait3A_766 = arith.constant 0 : i32
        %dma_wait3A_767 = arith.constant 0 : i32
        %dma_wait3A_768 = tpu.memref_slice %arg6[%dma_wait3A_765, %dma_wait3A_766, %dma_wait3A_767] : memref<16x128x16xf32, #tpu.memory_space<vmem>> -> memref<1x128x16xf32, #tpu.memory_space<vmem>>
        %dma_wait3A_769 = tpu.memref_squeeze %dma_wait3A_768 : memref<1x128x16xf32, #tpu.memory_space<vmem>> -> memref<128x16xf32, #tpu.memory_space<vmem>>
        %dma_wait3A_770 = arith.constant 0 : i32
        %dma_wait3A_771 = tpu.memref_slice %arg5[%add3A_764, %dma_wait3A_770] : memref<128x128xi32, #tpu.memory_space<vmem>> -> memref<1x128xi32, #tpu.memory_space<vmem>>
        %dma_wait3A_772 = tpu.memref_squeeze %dma_wait3A_771 : memref<1x128xi32, #tpu.memory_space<vmem>> -> memref<128xi32, #tpu.memory_space<vmem>>
        %dma_wait3A_773 = arith.constant 0 : i32
        %dma_wait3A_774 = arith.constant 0 : i32
        %dma_wait3A_775 = tpu.memref_slice %arg11[%dma_wait3A_773, %dma_wait3A_774] : memref<32768x16xf32, #tpu.memory_space<vmem_shared>> -> memref<32768x16xf32, #tpu.memory_space<vmem_shared>>
        tpu.wait_indirect_dma semaphore(%arg14 : memref<!tpu.dma_semaphore, #tpu.memory_space<semaphore_mem>>) src(%dma_wait3A_769 : memref<128x16xf32, #tpu.memory_space<vmem>>) dst(%dma_wait3A_775 : memref<32768x16xf32, #tpu.memory_space<vmem_shared>>)
        %add3A_776 = arith.constant 2 : i32
        %add3A_777 = arith.addi %mul3A_241, %add3A_776 : i32
        %mul3A_778 = arith.constant 2 : i32
        %mul3A_779 = arith.muli %mul3A_778, %add3A_777 : i32
        %add3A_780 = arith.constant 1 : i32
        %add3A_781 = arith.addi %mul3A_779, %add3A_780 : i32
        %dma_wait3A_782 = arith.constant 2 : i32
        %dma_wait3A_783 = arith.constant 0 : i32
        %dma_wait3A_784 = arith.constant 0 : i32
        %dma_wait3A_785 = tpu.memref_slice %arg6[%dma_wait3A_782, %dma_wait3A_783, %dma_wait3A_784] : memref<16x128x16xf32, #tpu.memory_space<vmem>> -> memref<1x128x16xf32, #tpu.memory_space<vmem>>
        %dma_wait3A_786 = tpu.memref_squeeze %dma_wait3A_785 : memref<1x128x16xf32, #tpu.memory_space<vmem>> -> memref<128x16xf32, #tpu.memory_space<vmem>>
        %dma_wait3A_787 = arith.constant 0 : i32
        %dma_wait3A_788 = tpu.memref_slice %arg5[%add3A_781, %dma_wait3A_787] : memref<128x128xi32, #tpu.memory_space<vmem>> -> memref<1x128xi32, #tpu.memory_space<vmem>>
        %dma_wait3A_789 = tpu.memref_squeeze %dma_wait3A_788 : memref<1x128xi32, #tpu.memory_space<vmem>> -> memref<128xi32, #tpu.memory_space<vmem>>
        %dma_wait3A_790 = arith.constant 0 : i32
        %dma_wait3A_791 = arith.constant 0 : i32
        %dma_wait3A_792 = tpu.memref_slice %arg11[%dma_wait3A_790, %dma_wait3A_791] : memref<32768x16xf32, #tpu.memory_space<vmem_shared>> -> memref<32768x16xf32, #tpu.memory_space<vmem_shared>>
        tpu.wait_indirect_dma semaphore(%arg14 : memref<!tpu.dma_semaphore, #tpu.memory_space<semaphore_mem>>) src(%dma_wait3A_786 : memref<128x16xf32, #tpu.memory_space<vmem>>) dst(%dma_wait3A_792 : memref<32768x16xf32, #tpu.memory_space<vmem_shared>>)
        %add3A_793 = arith.constant 3 : i32
        %add3A_794 = arith.addi %mul3A_241, %add3A_793 : i32
        %mul3A_795 = arith.constant 2 : i32
        %mul3A_796 = arith.muli %mul3A_795, %add3A_794 : i32
        %add3A_797 = arith.constant 1 : i32
        %add3A_798 = arith.addi %mul3A_796, %add3A_797 : i32
        %dma_wait3A_799 = arith.constant 3 : i32
        %dma_wait3A_800 = arith.constant 0 : i32
        %dma_wait3A_801 = arith.constant 0 : i32
        %dma_wait3A_802 = tpu.memref_slice %arg6[%dma_wait3A_799, %dma_wait3A_800, %dma_wait3A_801] : memref<16x128x16xf32, #tpu.memory_space<vmem>> -> memref<1x128x16xf32, #tpu.memory_space<vmem>>
        %dma_wait3A_803 = tpu.memref_squeeze %dma_wait3A_802 : memref<1x128x16xf32, #tpu.memory_space<vmem>> -> memref<128x16xf32, #tpu.memory_space<vmem>>
        %dma_wait3A_804 = arith.constant 0 : i32
        %dma_wait3A_805 = tpu.memref_slice %arg5[%add3A_798, %dma_wait3A_804] : memref<128x128xi32, #tpu.memory_space<vmem>> -> memref<1x128xi32, #tpu.memory_space<vmem>>
        %dma_wait3A_806 = tpu.memref_squeeze %dma_wait3A_805 : memref<1x128xi32, #tpu.memory_space<vmem>> -> memref<128xi32, #tpu.memory_space<vmem>>
        %dma_wait3A_807 = arith.constant 0 : i32
        %dma_wait3A_808 = arith.constant 0 : i32
        %dma_wait3A_809 = tpu.memref_slice %arg11[%dma_wait3A_807, %dma_wait3A_808] : memref<32768x16xf32, #tpu.memory_space<vmem_shared>> -> memref<32768x16xf32, #tpu.memory_space<vmem_shared>>
        tpu.wait_indirect_dma semaphore(%arg14 : memref<!tpu.dma_semaphore, #tpu.memory_space<semaphore_mem>>) src(%dma_wait3A_803 : memref<128x16xf32, #tpu.memory_space<vmem>>) dst(%dma_wait3A_809 : memref<32768x16xf32, #tpu.memory_space<vmem_shared>>)
        %add3A_810 = arith.constant 4 : i32
        %add3A_811 = arith.addi %mul3A_241, %add3A_810 : i32
        %mul3A_812 = arith.constant 2 : i32
        %mul3A_813 = arith.muli %mul3A_812, %add3A_811 : i32
        %add3A_814 = arith.constant 1 : i32
        %add3A_815 = arith.addi %mul3A_813, %add3A_814 : i32
        %dma_wait3A_816 = arith.constant 4 : i32
        %dma_wait3A_817 = arith.constant 0 : i32
        %dma_wait3A_818 = arith.constant 0 : i32
        %dma_wait3A_819 = tpu.memref_slice %arg6[%dma_wait3A_816, %dma_wait3A_817, %dma_wait3A_818] : memref<16x128x16xf32, #tpu.memory_space<vmem>> -> memref<1x128x16xf32, #tpu.memory_space<vmem>>
        %dma_wait3A_820 = tpu.memref_squeeze %dma_wait3A_819 : memref<1x128x16xf32, #tpu.memory_space<vmem>> -> memref<128x16xf32, #tpu.memory_space<vmem>>
        %dma_wait3A_821 = arith.constant 0 : i32
        %dma_wait3A_822 = tpu.memref_slice %arg5[%add3A_815, %dma_wait3A_821] : memref<128x128xi32, #tpu.memory_space<vmem>> -> memref<1x128xi32, #tpu.memory_space<vmem>>
        %dma_wait3A_823 = tpu.memref_squeeze %dma_wait3A_822 : memref<1x128xi32, #tpu.memory_space<vmem>> -> memref<128xi32, #tpu.memory_space<vmem>>
        %dma_wait3A_824 = arith.constant 0 : i32
        %dma_wait3A_825 = arith.constant 0 : i32
        %dma_wait3A_826 = tpu.memref_slice %arg11[%dma_wait3A_824, %dma_wait3A_825] : memref<32768x16xf32, #tpu.memory_space<vmem_shared>> -> memref<32768x16xf32, #tpu.memory_space<vmem_shared>>
        tpu.wait_indirect_dma semaphore(%arg14 : memref<!tpu.dma_semaphore, #tpu.memory_space<semaphore_mem>>) src(%dma_wait3A_820 : memref<128x16xf32, #tpu.memory_space<vmem>>) dst(%dma_wait3A_826 : memref<32768x16xf32, #tpu.memory_space<vmem_shared>>)
        %add3A_827 = arith.constant 5 : i32
        %add3A_828 = arith.addi %mul3A_241, %add3A_827 : i32
        %mul3A_829 = arith.constant 2 : i32
        %mul3A_830 = arith.muli %mul3A_829, %add3A_828 : i32
        %add3A_831 = arith.constant 1 : i32
        %add3A_832 = arith.addi %mul3A_830, %add3A_831 : i32
        %dma_wait3A_833 = arith.constant 5 : i32
        %dma_wait3A_834 = arith.constant 0 : i32
        %dma_wait3A_835 = arith.constant 0 : i32
        %dma_wait3A_836 = tpu.memref_slice %arg6[%dma_wait3A_833, %dma_wait3A_834, %dma_wait3A_835] : memref<16x128x16xf32, #tpu.memory_space<vmem>> -> memref<1x128x16xf32, #tpu.memory_space<vmem>>
        %dma_wait3A_837 = tpu.memref_squeeze %dma_wait3A_836 : memref<1x128x16xf32, #tpu.memory_space<vmem>> -> memref<128x16xf32, #tpu.memory_space<vmem>>
        %dma_wait3A_838 = arith.constant 0 : i32
        %dma_wait3A_839 = tpu.memref_slice %arg5[%add3A_832, %dma_wait3A_838] : memref<128x128xi32, #tpu.memory_space<vmem>> -> memref<1x128xi32, #tpu.memory_space<vmem>>
        %dma_wait3A_840 = tpu.memref_squeeze %dma_wait3A_839 : memref<1x128xi32, #tpu.memory_space<vmem>> -> memref<128xi32, #tpu.memory_space<vmem>>
        %dma_wait3A_841 = arith.constant 0 : i32
        %dma_wait3A_842 = arith.constant 0 : i32
        %dma_wait3A_843 = tpu.memref_slice %arg11[%dma_wait3A_841, %dma_wait3A_842] : memref<32768x16xf32, #tpu.memory_space<vmem_shared>> -> memref<32768x16xf32, #tpu.memory_space<vmem_shared>>
        tpu.wait_indirect_dma semaphore(%arg14 : memref<!tpu.dma_semaphore, #tpu.memory_space<semaphore_mem>>) src(%dma_wait3A_837 : memref<128x16xf32, #tpu.memory_space<vmem>>) dst(%dma_wait3A_843 : memref<32768x16xf32, #tpu.memory_space<vmem_shared>>)
        %add3A_844 = arith.constant 6 : i32
        %add3A_845 = arith.addi %mul3A_241, %add3A_844 : i32
        %mul3A_846 = arith.constant 2 : i32
        %mul3A_847 = arith.muli %mul3A_846, %add3A_845 : i32
        %add3A_848 = arith.constant 1 : i32
        %add3A_849 = arith.addi %mul3A_847, %add3A_848 : i32
        %dma_wait3A_850 = arith.constant 6 : i32
        %dma_wait3A_851 = arith.constant 0 : i32
        %dma_wait3A_852 = arith.constant 0 : i32
        %dma_wait3A_853 = tpu.memref_slice %arg6[%dma_wait3A_850, %dma_wait3A_851, %dma_wait3A_852] : memref<16x128x16xf32, #tpu.memory_space<vmem>> -> memref<1x128x16xf32, #tpu.memory_space<vmem>>
        %dma_wait3A_854 = tpu.memref_squeeze %dma_wait3A_853 : memref<1x128x16xf32, #tpu.memory_space<vmem>> -> memref<128x16xf32, #tpu.memory_space<vmem>>
        %dma_wait3A_855 = arith.constant 0 : i32
        %dma_wait3A_856 = tpu.memref_slice %arg5[%add3A_849, %dma_wait3A_855] : memref<128x128xi32, #tpu.memory_space<vmem>> -> memref<1x128xi32, #tpu.memory_space<vmem>>
        %dma_wait3A_857 = tpu.memref_squeeze %dma_wait3A_856 : memref<1x128xi32, #tpu.memory_space<vmem>> -> memref<128xi32, #tpu.memory_space<vmem>>
        %dma_wait3A_858 = arith.constant 0 : i32
        %dma_wait3A_859 = arith.constant 0 : i32
        %dma_wait3A_860 = tpu.memref_slice %arg11[%dma_wait3A_858, %dma_wait3A_859] : memref<32768x16xf32, #tpu.memory_space<vmem_shared>> -> memref<32768x16xf32, #tpu.memory_space<vmem_shared>>
        tpu.wait_indirect_dma semaphore(%arg14 : memref<!tpu.dma_semaphore, #tpu.memory_space<semaphore_mem>>) src(%dma_wait3A_854 : memref<128x16xf32, #tpu.memory_space<vmem>>) dst(%dma_wait3A_860 : memref<32768x16xf32, #tpu.memory_space<vmem_shared>>)
        %add3A_861 = arith.constant 7 : i32
        %add3A_862 = arith.addi %mul3A_241, %add3A_861 : i32
        %mul3A_863 = arith.constant 2 : i32
        %mul3A_864 = arith.muli %mul3A_863, %add3A_862 : i32
        %add3A_865 = arith.constant 1 : i32
        %add3A_866 = arith.addi %mul3A_864, %add3A_865 : i32
        %dma_wait3A_867 = arith.constant 7 : i32
        %dma_wait3A_868 = arith.constant 0 : i32
        %dma_wait3A_869 = arith.constant 0 : i32
        %dma_wait3A_870 = tpu.memref_slice %arg6[%dma_wait3A_867, %dma_wait3A_868, %dma_wait3A_869] : memref<16x128x16xf32, #tpu.memory_space<vmem>> -> memref<1x128x16xf32, #tpu.memory_space<vmem>>
        %dma_wait3A_871 = tpu.memref_squeeze %dma_wait3A_870 : memref<1x128x16xf32, #tpu.memory_space<vmem>> -> memref<128x16xf32, #tpu.memory_space<vmem>>
        %dma_wait3A_872 = arith.constant 0 : i32
        %dma_wait3A_873 = tpu.memref_slice %arg5[%add3A_866, %dma_wait3A_872] : memref<128x128xi32, #tpu.memory_space<vmem>> -> memref<1x128xi32, #tpu.memory_space<vmem>>
        %dma_wait3A_874 = tpu.memref_squeeze %dma_wait3A_873 : memref<1x128xi32, #tpu.memory_space<vmem>> -> memref<128xi32, #tpu.memory_space<vmem>>
        %dma_wait3A_875 = arith.constant 0 : i32
        %dma_wait3A_876 = arith.constant 0 : i32
        %dma_wait3A_877 = tpu.memref_slice %arg11[%dma_wait3A_875, %dma_wait3A_876] : memref<32768x16xf32, #tpu.memory_space<vmem_shared>> -> memref<32768x16xf32, #tpu.memory_space<vmem_shared>>
        tpu.wait_indirect_dma semaphore(%arg14 : memref<!tpu.dma_semaphore, #tpu.memory_space<semaphore_mem>>) src(%dma_wait3A_871 : memref<128x16xf32, #tpu.memory_space<vmem>>) dst(%dma_wait3A_877 : memref<32768x16xf32, #tpu.memory_space<vmem_shared>>)
        %add3A_878 = arith.constant 2 : i32
        %add3A_879 = arith.addi %add3A_239, %add3A_878 : i32
        %lt3A = arith.constant 8 : i32
        %lt3A_880 = arith.cmpi slt, %add3A_879, %lt3A : i32
        %convert_element_type3A_881 = arith.extui %lt3A_880 : i1 to i32
        %cond3A_882 = arith.constant 0 : i32
        %cond3A_883 = arith.cmpi ne, %convert_element_type3A_881, %cond3A_882 : i32
        scf.if %cond3A_883 {
          %add3A_1020 = arith.constant 8 : i32
          %add3A_1021 = arith.addi %add3A_243, %add3A_1020 : i32
          %add3A_1022 = arith.constant 0 : i32
          %add3A_1023 = arith.addi %add3A_1021, %add3A_1022 : i32
          %mul3A_1024 = arith.constant 2 : i32
          %mul3A_1025 = arith.muli %mul3A_1024, %add3A_1023 : i32
          %dma_start3A_1026 = arith.constant 0 : i32
          %dma_start3A_1027 = arith.constant 0 : i32
          %dma_start3A_1028 = arith.constant 0 : i32
          %dma_start3A_1029 = tpu.memref_slice %arg6[%dma_start3A_1026, %dma_start3A_1027, %dma_start3A_1028] : memref<16x128x16xf32, #tpu.memory_space<vmem>> -> memref<1x128x16xf32, #tpu.memory_space<vmem>>
          %dma_start3A_1030 = tpu.memref_squeeze %dma_start3A_1029 : memref<1x128x16xf32, #tpu.memory_space<vmem>> -> memref<128x16xf32, #tpu.memory_space<vmem>>
          %dma_start3A_1031 = arith.constant 0 : i32
          %dma_start3A_1032 = tpu.memref_slice %arg5[%mul3A_1025, %dma_start3A_1031] : memref<128x128xi32, #tpu.memory_space<vmem>> -> memref<1x128xi32, #tpu.memory_space<vmem>>
          %dma_start3A_1033 = tpu.memref_squeeze %dma_start3A_1032 : memref<1x128xi32, #tpu.memory_space<vmem>> -> memref<128xi32, #tpu.memory_space<vmem>>
          %dma_start3A_1034 = arith.constant 0 : i32
          %dma_start3A_1035 = arith.constant 0 : i32
          %dma_start3A_1036 = tpu.memref_slice %arg12[%dma_start3A_1034, %dma_start3A_1035] : memref<32768x16xf32, #tpu.memory_space<vmem_shared>> -> memref<32768x16xf32, #tpu.memory_space<vmem_shared>>
          tpu.enqueue_indirect_dma source(%dma_start3A_1036 : memref<32768x16xf32, #tpu.memory_space<vmem_shared>>) target(%dma_start3A_1030 : memref<128x16xf32, #tpu.memory_space<vmem>>) offsets(%dma_start3A_1033 : memref<128xi32, #tpu.memory_space<vmem>>) semaphore(%arg13 : memref<!tpu.dma_semaphore, #tpu.memory_space<semaphore_mem>>)
          %add3A_1037 = arith.constant 8 : i32
          %add3A_1038 = arith.addi %add3A_243, %add3A_1037 : i32
          %add3A_1039 = arith.constant 1 : i32
          %add3A_1040 = arith.addi %add3A_1038, %add3A_1039 : i32
          %mul3A_1041 = arith.constant 2 : i32
          %mul3A_1042 = arith.muli %mul3A_1041, %add3A_1040 : i32
          %dma_start3A_1043 = arith.constant 1 : i32
          %dma_start3A_1044 = arith.constant 0 : i32
          %dma_start3A_1045 = arith.constant 0 : i32
          %dma_start3A_1046 = tpu.memref_slice %arg6[%dma_start3A_1043, %dma_start3A_1044, %dma_start3A_1045] : memref<16x128x16xf32, #tpu.memory_space<vmem>> -> memref<1x128x16xf32, #tpu.memory_space<vmem>>
          %dma_start3A_1047 = tpu.memref_squeeze %dma_start3A_1046 : memref<1x128x16xf32, #tpu.memory_space<vmem>> -> memref<128x16xf32, #tpu.memory_space<vmem>>
          %dma_start3A_1048 = arith.constant 0 : i32
          %dma_start3A_1049 = tpu.memref_slice %arg5[%mul3A_1042, %dma_start3A_1048] : memref<128x128xi32, #tpu.memory_space<vmem>> -> memref<1x128xi32, #tpu.memory_space<vmem>>
          %dma_start3A_1050 = tpu.memref_squeeze %dma_start3A_1049 : memref<1x128xi32, #tpu.memory_space<vmem>> -> memref<128xi32, #tpu.memory_space<vmem>>
          %dma_start3A_1051 = arith.constant 0 : i32
          %dma_start3A_1052 = arith.constant 0 : i32
          %dma_start3A_1053 = tpu.memref_slice %arg12[%dma_start3A_1051, %dma_start3A_1052] : memref<32768x16xf32, #tpu.memory_space<vmem_shared>> -> memref<32768x16xf32, #tpu.memory_space<vmem_shared>>
          tpu.enqueue_indirect_dma source(%dma_start3A_1053 : memref<32768x16xf32, #tpu.memory_space<vmem_shared>>) target(%dma_start3A_1047 : memref<128x16xf32, #tpu.memory_space<vmem>>) offsets(%dma_start3A_1050 : memref<128xi32, #tpu.memory_space<vmem>>) semaphore(%arg13 : memref<!tpu.dma_semaphore, #tpu.memory_space<semaphore_mem>>)
          %add3A_1054 = arith.constant 8 : i32
          %add3A_1055 = arith.addi %add3A_243, %add3A_1054 : i32
          %add3A_1056 = arith.constant 2 : i32
          %add3A_1057 = arith.addi %add3A_1055, %add3A_1056 : i32
          %mul3A_1058 = arith.constant 2 : i32
          %mul3A_1059 = arith.muli %mul3A_1058, %add3A_1057 : i32
          %dma_start3A_1060 = arith.constant 2 : i32
          %dma_start3A_1061 = arith.constant 0 : i32
          %dma_start3A_1062 = arith.constant 0 : i32
          %dma_start3A_1063 = tpu.memref_slice %arg6[%dma_start3A_1060, %dma_start3A_1061, %dma_start3A_1062] : memref<16x128x16xf32, #tpu.memory_space<vmem>> -> memref<1x128x16xf32, #tpu.memory_space<vmem>>
          %dma_start3A_1064 = tpu.memref_squeeze %dma_start3A_1063 : memref<1x128x16xf32, #tpu.memory_space<vmem>> -> memref<128x16xf32, #tpu.memory_space<vmem>>
          %dma_start3A_1065 = arith.constant 0 : i32
          %dma_start3A_1066 = tpu.memref_slice %arg5[%mul3A_1059, %dma_start3A_1065] : memref<128x128xi32, #tpu.memory_space<vmem>> -> memref<1x128xi32, #tpu.memory_space<vmem>>
          %dma_start3A_1067 = tpu.memref_squeeze %dma_start3A_1066 : memref<1x128xi32, #tpu.memory_space<vmem>> -> memref<128xi32, #tpu.memory_space<vmem>>
          %dma_start3A_1068 = arith.constant 0 : i32
          %dma_start3A_1069 = arith.constant 0 : i32
          %dma_start3A_1070 = tpu.memref_slice %arg12[%dma_start3A_1068, %dma_start3A_1069] : memref<32768x16xf32, #tpu.memory_space<vmem_shared>> -> memref<32768x16xf32, #tpu.memory_space<vmem_shared>>
          tpu.enqueue_indirect_dma source(%dma_start3A_1070 : memref<32768x16xf32, #tpu.memory_space<vmem_shared>>) target(%dma_start3A_1064 : memref<128x16xf32, #tpu.memory_space<vmem>>) offsets(%dma_start3A_1067 : memref<128xi32, #tpu.memory_space<vmem>>) semaphore(%arg13 : memref<!tpu.dma_semaphore, #tpu.memory_space<semaphore_mem>>)
          %add3A_1071 = arith.constant 8 : i32
          %add3A_1072 = arith.addi %add3A_243, %add3A_1071 : i32
          %add3A_1073 = arith.constant 3 : i32
          %add3A_1074 = arith.addi %add3A_1072, %add3A_1073 : i32
          %mul3A_1075 = arith.constant 2 : i32
          %mul3A_1076 = arith.muli %mul3A_1075, %add3A_1074 : i32
          %dma_start3A_1077 = arith.constant 3 : i32
          %dma_start3A_1078 = arith.constant 0 : i32
          %dma_start3A_1079 = arith.constant 0 : i32
          %dma_start3A_1080 = tpu.memref_slice %arg6[%dma_start3A_1077, %dma_start3A_1078, %dma_start3A_1079] : memref<16x128x16xf32, #tpu.memory_space<vmem>> -> memref<1x128x16xf32, #tpu.memory_space<vmem>>
          %dma_start3A_1081 = tpu.memref_squeeze %dma_start3A_1080 : memref<1x128x16xf32, #tpu.memory_space<vmem>> -> memref<128x16xf32, #tpu.memory_space<vmem>>
          %dma_start3A_1082 = arith.constant 0 : i32
          %dma_start3A_1083 = tpu.memref_slice %arg5[%mul3A_1076, %dma_start3A_1082] : memref<128x128xi32, #tpu.memory_space<vmem>> -> memref<1x128xi32, #tpu.memory_space<vmem>>
          %dma_start3A_1084 = tpu.memref_squeeze %dma_start3A_1083 : memref<1x128xi32, #tpu.memory_space<vmem>> -> memref<128xi32, #tpu.memory_space<vmem>>
          %dma_start3A_1085 = arith.constant 0 : i32
          %dma_start3A_1086 = arith.constant 0 : i32
          %dma_start3A_1087 = tpu.memref_slice %arg12[%dma_start3A_1085, %dma_start3A_1086] : memref<32768x16xf32, #tpu.memory_space<vmem_shared>> -> memref<32768x16xf32, #tpu.memory_space<vmem_shared>>
          tpu.enqueue_indirect_dma source(%dma_start3A_1087 : memref<32768x16xf32, #tpu.memory_space<vmem_shared>>) target(%dma_start3A_1081 : memref<128x16xf32, #tpu.memory_space<vmem>>) offsets(%dma_start3A_1084 : memref<128xi32, #tpu.memory_space<vmem>>) semaphore(%arg13 : memref<!tpu.dma_semaphore, #tpu.memory_space<semaphore_mem>>)
          %add3A_1088 = arith.constant 8 : i32
          %add3A_1089 = arith.addi %add3A_243, %add3A_1088 : i32
          %add3A_1090 = arith.constant 4 : i32
          %add3A_1091 = arith.addi %add3A_1089, %add3A_1090 : i32
          %mul3A_1092 = arith.constant 2 : i32
          %mul3A_1093 = arith.muli %mul3A_1092, %add3A_1091 : i32
          %dma_start3A_1094 = arith.constant 4 : i32
          %dma_start3A_1095 = arith.constant 0 : i32
          %dma_start3A_1096 = arith.constant 0 : i32
          %dma_start3A_1097 = tpu.memref_slice %arg6[%dma_start3A_1094, %dma_start3A_1095, %dma_start3A_1096] : memref<16x128x16xf32, #tpu.memory_space<vmem>> -> memref<1x128x16xf32, #tpu.memory_space<vmem>>
          %dma_start3A_1098 = tpu.memref_squeeze %dma_start3A_1097 : memref<1x128x16xf32, #tpu.memory_space<vmem>> -> memref<128x16xf32, #tpu.memory_space<vmem>>
          %dma_start3A_1099 = arith.constant 0 : i32
          %dma_start3A_1100 = tpu.memref_slice %arg5[%mul3A_1093, %dma_start3A_1099] : memref<128x128xi32, #tpu.memory_space<vmem>> -> memref<1x128xi32, #tpu.memory_space<vmem>>
          %dma_start3A_1101 = tpu.memref_squeeze %dma_start3A_1100 : memref<1x128xi32, #tpu.memory_space<vmem>> -> memref<128xi32, #tpu.memory_space<vmem>>
          %dma_start3A_1102 = arith.constant 0 : i32
          %dma_start3A_1103 = arith.constant 0 : i32
          %dma_start3A_1104 = tpu.memref_slice %arg12[%dma_start3A_1102, %dma_start3A_1103] : memref<32768x16xf32, #tpu.memory_space<vmem_shared>> -> memref<32768x16xf32, #tpu.memory_space<vmem_shared>>
          tpu.enqueue_indirect_dma source(%dma_start3A_1104 : memref<32768x16xf32, #tpu.memory_space<vmem_shared>>) target(%dma_start3A_1098 : memref<128x16xf32, #tpu.memory_space<vmem>>) offsets(%dma_start3A_1101 : memref<128xi32, #tpu.memory_space<vmem>>) semaphore(%arg13 : memref<!tpu.dma_semaphore, #tpu.memory_space<semaphore_mem>>)
          %add3A_1105 = arith.constant 8 : i32
          %add3A_1106 = arith.addi %add3A_243, %add3A_1105 : i32
          %add3A_1107 = arith.constant 5 : i32
          %add3A_1108 = arith.addi %add3A_1106, %add3A_1107 : i32
          %mul3A_1109 = arith.constant 2 : i32
          %mul3A_1110 = arith.muli %mul3A_1109, %add3A_1108 : i32
          %dma_start3A_1111 = arith.constant 5 : i32
          %dma_start3A_1112 = arith.constant 0 : i32
          %dma_start3A_1113 = arith.constant 0 : i32
          %dma_start3A_1114 = tpu.memref_slice %arg6[%dma_start3A_1111, %dma_start3A_1112, %dma_start3A_1113] : memref<16x128x16xf32, #tpu.memory_space<vmem>> -> memref<1x128x16xf32, #tpu.memory_space<vmem>>
          %dma_start3A_1115 = tpu.memref_squeeze %dma_start3A_1114 : memref<1x128x16xf32, #tpu.memory_space<vmem>> -> memref<128x16xf32, #tpu.memory_space<vmem>>
          %dma_start3A_1116 = arith.constant 0 : i32
          %dma_start3A_1117 = tpu.memref_slice %arg5[%mul3A_1110, %dma_start3A_1116] : memref<128x128xi32, #tpu.memory_space<vmem>> -> memref<1x128xi32, #tpu.memory_space<vmem>>
          %dma_start3A_1118 = tpu.memref_squeeze %dma_start3A_1117 : memref<1x128xi32, #tpu.memory_space<vmem>> -> memref<128xi32, #tpu.memory_space<vmem>>
          %dma_start3A_1119 = arith.constant 0 : i32
          %dma_start3A_1120 = arith.constant 0 : i32
          %dma_start3A_1121 = tpu.memref_slice %arg12[%dma_start3A_1119, %dma_start3A_1120] : memref<32768x16xf32, #tpu.memory_space<vmem_shared>> -> memref<32768x16xf32, #tpu.memory_space<vmem_shared>>
          tpu.enqueue_indirect_dma source(%dma_start3A_1121 : memref<32768x16xf32, #tpu.memory_space<vmem_shared>>) target(%dma_start3A_1115 : memref<128x16xf32, #tpu.memory_space<vmem>>) offsets(%dma_start3A_1118 : memref<128xi32, #tpu.memory_space<vmem>>) semaphore(%arg13 : memref<!tpu.dma_semaphore, #tpu.memory_space<semaphore_mem>>)
          %add3A_1122 = arith.constant 8 : i32
          %add3A_1123 = arith.addi %add3A_243, %add3A_1122 : i32
          %add3A_1124 = arith.constant 6 : i32
          %add3A_1125 = arith.addi %add3A_1123, %add3A_1124 : i32
          %mul3A_1126 = arith.constant 2 : i32
          %mul3A_1127 = arith.muli %mul3A_1126, %add3A_1125 : i32
          %dma_start3A_1128 = arith.constant 6 : i32
          %dma_start3A_1129 = arith.constant 0 : i32
          %dma_start3A_1130 = arith.constant 0 : i32
          %dma_start3A_1131 = tpu.memref_slice %arg6[%dma_start3A_1128, %dma_start3A_1129, %dma_start3A_1130] : memref<16x128x16xf32, #tpu.memory_space<vmem>> -> memref<1x128x16xf32, #tpu.memory_space<vmem>>
          %dma_start3A_1132 = tpu.memref_squeeze %dma_start3A_1131 : memref<1x128x16xf32, #tpu.memory_space<vmem>> -> memref<128x16xf32, #tpu.memory_space<vmem>>
          %dma_start3A_1133 = arith.constant 0 : i32
          %dma_start3A_1134 = tpu.memref_slice %arg5[%mul3A_1127, %dma_start3A_1133] : memref<128x128xi32, #tpu.memory_space<vmem>> -> memref<1x128xi32, #tpu.memory_space<vmem>>
          %dma_start3A_1135 = tpu.memref_squeeze %dma_start3A_1134 : memref<1x128xi32, #tpu.memory_space<vmem>> -> memref<128xi32, #tpu.memory_space<vmem>>
          %dma_start3A_1136 = arith.constant 0 : i32
          %dma_start3A_1137 = arith.constant 0 : i32
          %dma_start3A_1138 = tpu.memref_slice %arg12[%dma_start3A_1136, %dma_start3A_1137] : memref<32768x16xf32, #tpu.memory_space<vmem_shared>> -> memref<32768x16xf32, #tpu.memory_space<vmem_shared>>
          tpu.enqueue_indirect_dma source(%dma_start3A_1138 : memref<32768x16xf32, #tpu.memory_space<vmem_shared>>) target(%dma_start3A_1132 : memref<128x16xf32, #tpu.memory_space<vmem>>) offsets(%dma_start3A_1135 : memref<128xi32, #tpu.memory_space<vmem>>) semaphore(%arg13 : memref<!tpu.dma_semaphore, #tpu.memory_space<semaphore_mem>>)
          %add3A_1139 = arith.constant 8 : i32
          %add3A_1140 = arith.addi %add3A_243, %add3A_1139 : i32
          %add3A_1141 = arith.constant 7 : i32
          %add3A_1142 = arith.addi %add3A_1140, %add3A_1141 : i32
          %mul3A_1143 = arith.constant 2 : i32
          %mul3A_1144 = arith.muli %mul3A_1143, %add3A_1142 : i32
          %dma_start3A_1145 = arith.constant 7 : i32
          %dma_start3A_1146 = arith.constant 0 : i32
          %dma_start3A_1147 = arith.constant 0 : i32
          %dma_start3A_1148 = tpu.memref_slice %arg6[%dma_start3A_1145, %dma_start3A_1146, %dma_start3A_1147] : memref<16x128x16xf32, #tpu.memory_space<vmem>> -> memref<1x128x16xf32, #tpu.memory_space<vmem>>
          %dma_start3A_1149 = tpu.memref_squeeze %dma_start3A_1148 : memref<1x128x16xf32, #tpu.memory_space<vmem>> -> memref<128x16xf32, #tpu.memory_space<vmem>>
          %dma_start3A_1150 = arith.constant 0 : i32
          %dma_start3A_1151 = tpu.memref_slice %arg5[%mul3A_1144, %dma_start3A_1150] : memref<128x128xi32, #tpu.memory_space<vmem>> -> memref<1x128xi32, #tpu.memory_space<vmem>>
          %dma_start3A_1152 = tpu.memref_squeeze %dma_start3A_1151 : memref<1x128xi32, #tpu.memory_space<vmem>> -> memref<128xi32, #tpu.memory_space<vmem>>
          %dma_start3A_1153 = arith.constant 0 : i32
          %dma_start3A_1154 = arith.constant 0 : i32
          %dma_start3A_1155 = tpu.memref_slice %arg12[%dma_start3A_1153, %dma_start3A_1154] : memref<32768x16xf32, #tpu.memory_space<vmem_shared>> -> memref<32768x16xf32, #tpu.memory_space<vmem_shared>>
          tpu.enqueue_indirect_dma source(%dma_start3A_1155 : memref<32768x16xf32, #tpu.memory_space<vmem_shared>>) target(%dma_start3A_1149 : memref<128x16xf32, #tpu.memory_space<vmem>>) offsets(%dma_start3A_1152 : memref<128xi32, #tpu.memory_space<vmem>>) semaphore(%arg13 : memref<!tpu.dma_semaphore, #tpu.memory_space<semaphore_mem>>)
        } else {
        }
        %add3A_884 = arith.constant 0 : i32
        %add3A_885 = arith.addi %add3A_243, %add3A_884 : i32
        %mul3A_886 = arith.constant 2 : i32
        %mul3A_887 = arith.muli %mul3A_886, %add3A_885 : i32
        %add3A_888 = arith.constant 1 : i32
        %add3A_889 = arith.addi %mul3A_887, %add3A_888 : i32
        %dma_start3A_890 = arith.constant 8 : i32
        %dma_start3A_891 = arith.constant 0 : i32
        %dma_start3A_892 = arith.constant 0 : i32
        %dma_start3A_893 = tpu.memref_slice %arg6[%dma_start3A_890, %dma_start3A_891, %dma_start3A_892] : memref<16x128x16xf32, #tpu.memory_space<vmem>> -> memref<1x128x16xf32, #tpu.memory_space<vmem>>
        %dma_start3A_894 = tpu.memref_squeeze %dma_start3A_893 : memref<1x128x16xf32, #tpu.memory_space<vmem>> -> memref<128x16xf32, #tpu.memory_space<vmem>>
        %dma_start3A_895 = arith.constant 0 : i32
        %dma_start3A_896 = tpu.memref_slice %arg5[%add3A_889, %dma_start3A_895] : memref<128x128xi32, #tpu.memory_space<vmem>> -> memref<1x128xi32, #tpu.memory_space<vmem>>
        %dma_start3A_897 = tpu.memref_squeeze %dma_start3A_896 : memref<1x128xi32, #tpu.memory_space<vmem>> -> memref<128xi32, #tpu.memory_space<vmem>>
        %dma_start3A_898 = arith.constant 0 : i32
        %dma_start3A_899 = arith.constant 0 : i32
        %dma_start3A_900 = tpu.memref_slice %arg11[%dma_start3A_898, %dma_start3A_899] : memref<32768x16xf32, #tpu.memory_space<vmem_shared>> -> memref<32768x16xf32, #tpu.memory_space<vmem_shared>>
        tpu.enqueue_indirect_dma source(%dma_start3A_894 : memref<128x16xf32, #tpu.memory_space<vmem>>) target(%dma_start3A_900 : memref<32768x16xf32, #tpu.memory_space<vmem_shared>>) offsets(%dma_start3A_897 : memref<128xi32, #tpu.memory_space<vmem>>) semaphore(%arg14 : memref<!tpu.dma_semaphore, #tpu.memory_space<semaphore_mem>>) {add = true}
        %add3A_901 = arith.constant 1 : i32
        %add3A_902 = arith.addi %add3A_243, %add3A_901 : i32
        %mul3A_903 = arith.constant 2 : i32
        %mul3A_904 = arith.muli %mul3A_903, %add3A_902 : i32
        %add3A_905 = arith.constant 1 : i32
        %add3A_906 = arith.addi %mul3A_904, %add3A_905 : i32
        %dma_start3A_907 = arith.constant 9 : i32
        %dma_start3A_908 = arith.constant 0 : i32
        %dma_start3A_909 = arith.constant 0 : i32
        %dma_start3A_910 = tpu.memref_slice %arg6[%dma_start3A_907, %dma_start3A_908, %dma_start3A_909] : memref<16x128x16xf32, #tpu.memory_space<vmem>> -> memref<1x128x16xf32, #tpu.memory_space<vmem>>
        %dma_start3A_911 = tpu.memref_squeeze %dma_start3A_910 : memref<1x128x16xf32, #tpu.memory_space<vmem>> -> memref<128x16xf32, #tpu.memory_space<vmem>>
        %dma_start3A_912 = arith.constant 0 : i32
        %dma_start3A_913 = tpu.memref_slice %arg5[%add3A_906, %dma_start3A_912] : memref<128x128xi32, #tpu.memory_space<vmem>> -> memref<1x128xi32, #tpu.memory_space<vmem>>
        %dma_start3A_914 = tpu.memref_squeeze %dma_start3A_913 : memref<1x128xi32, #tpu.memory_space<vmem>> -> memref<128xi32, #tpu.memory_space<vmem>>
        %dma_start3A_915 = arith.constant 0 : i32
        %dma_start3A_916 = arith.constant 0 : i32
        %dma_start3A_917 = tpu.memref_slice %arg11[%dma_start3A_915, %dma_start3A_916] : memref<32768x16xf32, #tpu.memory_space<vmem_shared>> -> memref<32768x16xf32, #tpu.memory_space<vmem_shared>>
        tpu.enqueue_indirect_dma source(%dma_start3A_911 : memref<128x16xf32, #tpu.memory_space<vmem>>) target(%dma_start3A_917 : memref<32768x16xf32, #tpu.memory_space<vmem_shared>>) offsets(%dma_start3A_914 : memref<128xi32, #tpu.memory_space<vmem>>) semaphore(%arg14 : memref<!tpu.dma_semaphore, #tpu.memory_space<semaphore_mem>>) {add = true}
        %add3A_918 = arith.constant 2 : i32
        %add3A_919 = arith.addi %add3A_243, %add3A_918 : i32
        %mul3A_920 = arith.constant 2 : i32
        %mul3A_921 = arith.muli %mul3A_920, %add3A_919 : i32
        %add3A_922 = arith.constant 1 : i32
        %add3A_923 = arith.addi %mul3A_921, %add3A_922 : i32
        %dma_start3A_924 = arith.constant 10 : i32
        %dma_start3A_925 = arith.constant 0 : i32
        %dma_start3A_926 = arith.constant 0 : i32
        %dma_start3A_927 = tpu.memref_slice %arg6[%dma_start3A_924, %dma_start3A_925, %dma_start3A_926] : memref<16x128x16xf32, #tpu.memory_space<vmem>> -> memref<1x128x16xf32, #tpu.memory_space<vmem>>
        %dma_start3A_928 = tpu.memref_squeeze %dma_start3A_927 : memref<1x128x16xf32, #tpu.memory_space<vmem>> -> memref<128x16xf32, #tpu.memory_space<vmem>>
        %dma_start3A_929 = arith.constant 0 : i32
        %dma_start3A_930 = tpu.memref_slice %arg5[%add3A_923, %dma_start3A_929] : memref<128x128xi32, #tpu.memory_space<vmem>> -> memref<1x128xi32, #tpu.memory_space<vmem>>
        %dma_start3A_931 = tpu.memref_squeeze %dma_start3A_930 : memref<1x128xi32, #tpu.memory_space<vmem>> -> memref<128xi32, #tpu.memory_space<vmem>>
        %dma_start3A_932 = arith.constant 0 : i32
        %dma_start3A_933 = arith.constant 0 : i32
        %dma_start3A_934 = tpu.memref_slice %arg11[%dma_start3A_932, %dma_start3A_933] : memref<32768x16xf32, #tpu.memory_space<vmem_shared>> -> memref<32768x16xf32, #tpu.memory_space<vmem_shared>>
        tpu.enqueue_indirect_dma source(%dma_start3A_928 : memref<128x16xf32, #tpu.memory_space<vmem>>) target(%dma_start3A_934 : memref<32768x16xf32, #tpu.memory_space<vmem_shared>>) offsets(%dma_start3A_931 : memref<128xi32, #tpu.memory_space<vmem>>) semaphore(%arg14 : memref<!tpu.dma_semaphore, #tpu.memory_space<semaphore_mem>>) {add = true}
        %add3A_935 = arith.constant 3 : i32
        %add3A_936 = arith.addi %add3A_243, %add3A_935 : i32
        %mul3A_937 = arith.constant 2 : i32
        %mul3A_938 = arith.muli %mul3A_937, %add3A_936 : i32
        %add3A_939 = arith.constant 1 : i32
        %add3A_940 = arith.addi %mul3A_938, %add3A_939 : i32
        %dma_start3A_941 = arith.constant 11 : i32
        %dma_start3A_942 = arith.constant 0 : i32
        %dma_start3A_943 = arith.constant 0 : i32
        %dma_start3A_944 = tpu.memref_slice %arg6[%dma_start3A_941, %dma_start3A_942, %dma_start3A_943] : memref<16x128x16xf32, #tpu.memory_space<vmem>> -> memref<1x128x16xf32, #tpu.memory_space<vmem>>
        %dma_start3A_945 = tpu.memref_squeeze %dma_start3A_944 : memref<1x128x16xf32, #tpu.memory_space<vmem>> -> memref<128x16xf32, #tpu.memory_space<vmem>>
        %dma_start3A_946 = arith.constant 0 : i32
        %dma_start3A_947 = tpu.memref_slice %arg5[%add3A_940, %dma_start3A_946] : memref<128x128xi32, #tpu.memory_space<vmem>> -> memref<1x128xi32, #tpu.memory_space<vmem>>
        %dma_start3A_948 = tpu.memref_squeeze %dma_start3A_947 : memref<1x128xi32, #tpu.memory_space<vmem>> -> memref<128xi32, #tpu.memory_space<vmem>>
        %dma_start3A_949 = arith.constant 0 : i32
        %dma_start3A_950 = arith.constant 0 : i32
        %dma_start3A_951 = tpu.memref_slice %arg11[%dma_start3A_949, %dma_start3A_950] : memref<32768x16xf32, #tpu.memory_space<vmem_shared>> -> memref<32768x16xf32, #tpu.memory_space<vmem_shared>>
        tpu.enqueue_indirect_dma source(%dma_start3A_945 : memref<128x16xf32, #tpu.memory_space<vmem>>) target(%dma_start3A_951 : memref<32768x16xf32, #tpu.memory_space<vmem_shared>>) offsets(%dma_start3A_948 : memref<128xi32, #tpu.memory_space<vmem>>) semaphore(%arg14 : memref<!tpu.dma_semaphore, #tpu.memory_space<semaphore_mem>>) {add = true}
        %add3A_952 = arith.constant 4 : i32
        %add3A_953 = arith.addi %add3A_243, %add3A_952 : i32
        %mul3A_954 = arith.constant 2 : i32
        %mul3A_955 = arith.muli %mul3A_954, %add3A_953 : i32
        %add3A_956 = arith.constant 1 : i32
        %add3A_957 = arith.addi %mul3A_955, %add3A_956 : i32
        %dma_start3A_958 = arith.constant 12 : i32
        %dma_start3A_959 = arith.constant 0 : i32
        %dma_start3A_960 = arith.constant 0 : i32
        %dma_start3A_961 = tpu.memref_slice %arg6[%dma_start3A_958, %dma_start3A_959, %dma_start3A_960] : memref<16x128x16xf32, #tpu.memory_space<vmem>> -> memref<1x128x16xf32, #tpu.memory_space<vmem>>
        %dma_start3A_962 = tpu.memref_squeeze %dma_start3A_961 : memref<1x128x16xf32, #tpu.memory_space<vmem>> -> memref<128x16xf32, #tpu.memory_space<vmem>>
        %dma_start3A_963 = arith.constant 0 : i32
        %dma_start3A_964 = tpu.memref_slice %arg5[%add3A_957, %dma_start3A_963] : memref<128x128xi32, #tpu.memory_space<vmem>> -> memref<1x128xi32, #tpu.memory_space<vmem>>
        %dma_start3A_965 = tpu.memref_squeeze %dma_start3A_964 : memref<1x128xi32, #tpu.memory_space<vmem>> -> memref<128xi32, #tpu.memory_space<vmem>>
        %dma_start3A_966 = arith.constant 0 : i32
        %dma_start3A_967 = arith.constant 0 : i32
        %dma_start3A_968 = tpu.memref_slice %arg11[%dma_start3A_966, %dma_start3A_967] : memref<32768x16xf32, #tpu.memory_space<vmem_shared>> -> memref<32768x16xf32, #tpu.memory_space<vmem_shared>>
        tpu.enqueue_indirect_dma source(%dma_start3A_962 : memref<128x16xf32, #tpu.memory_space<vmem>>) target(%dma_start3A_968 : memref<32768x16xf32, #tpu.memory_space<vmem_shared>>) offsets(%dma_start3A_965 : memref<128xi32, #tpu.memory_space<vmem>>) semaphore(%arg14 : memref<!tpu.dma_semaphore, #tpu.memory_space<semaphore_mem>>) {add = true}
        %add3A_969 = arith.constant 5 : i32
        %add3A_970 = arith.addi %add3A_243, %add3A_969 : i32
        %mul3A_971 = arith.constant 2 : i32
        %mul3A_972 = arith.muli %mul3A_971, %add3A_970 : i32
        %add3A_973 = arith.constant 1 : i32
        %add3A_974 = arith.addi %mul3A_972, %add3A_973 : i32
        %dma_start3A_975 = arith.constant 13 : i32
        %dma_start3A_976 = arith.constant 0 : i32
        %dma_start3A_977 = arith.constant 0 : i32
        %dma_start3A_978 = tpu.memref_slice %arg6[%dma_start3A_975, %dma_start3A_976, %dma_start3A_977] : memref<16x128x16xf32, #tpu.memory_space<vmem>> -> memref<1x128x16xf32, #tpu.memory_space<vmem>>
        %dma_start3A_979 = tpu.memref_squeeze %dma_start3A_978 : memref<1x128x16xf32, #tpu.memory_space<vmem>> -> memref<128x16xf32, #tpu.memory_space<vmem>>
        %dma_start3A_980 = arith.constant 0 : i32
        %dma_start3A_981 = tpu.memref_slice %arg5[%add3A_974, %dma_start3A_980] : memref<128x128xi32, #tpu.memory_space<vmem>> -> memref<1x128xi32, #tpu.memory_space<vmem>>
        %dma_start3A_982 = tpu.memref_squeeze %dma_start3A_981 : memref<1x128xi32, #tpu.memory_space<vmem>> -> memref<128xi32, #tpu.memory_space<vmem>>
        %dma_start3A_983 = arith.constant 0 : i32
        %dma_start3A_984 = arith.constant 0 : i32
        %dma_start3A_985 = tpu.memref_slice %arg11[%dma_start3A_983, %dma_start3A_984] : memref<32768x16xf32, #tpu.memory_space<vmem_shared>> -> memref<32768x16xf32, #tpu.memory_space<vmem_shared>>
        tpu.enqueue_indirect_dma source(%dma_start3A_979 : memref<128x16xf32, #tpu.memory_space<vmem>>) target(%dma_start3A_985 : memref<32768x16xf32, #tpu.memory_space<vmem_shared>>) offsets(%dma_start3A_982 : memref<128xi32, #tpu.memory_space<vmem>>) semaphore(%arg14 : memref<!tpu.dma_semaphore, #tpu.memory_space<semaphore_mem>>) {add = true}
        %add3A_986 = arith.constant 6 : i32
        %add3A_987 = arith.addi %add3A_243, %add3A_986 : i32
        %mul3A_988 = arith.constant 2 : i32
        %mul3A_989 = arith.muli %mul3A_988, %add3A_987 : i32
        %add3A_990 = arith.constant 1 : i32
        %add3A_991 = arith.addi %mul3A_989, %add3A_990 : i32
        %dma_start3A_992 = arith.constant 14 : i32
        %dma_start3A_993 = arith.constant 0 : i32
        %dma_start3A_994 = arith.constant 0 : i32
        %dma_start3A_995 = tpu.memref_slice %arg6[%dma_start3A_992, %dma_start3A_993, %dma_start3A_994] : memref<16x128x16xf32, #tpu.memory_space<vmem>> -> memref<1x128x16xf32, #tpu.memory_space<vmem>>
        %dma_start3A_996 = tpu.memref_squeeze %dma_start3A_995 : memref<1x128x16xf32, #tpu.memory_space<vmem>> -> memref<128x16xf32, #tpu.memory_space<vmem>>
        %dma_start3A_997 = arith.constant 0 : i32
        %dma_start3A_998 = tpu.memref_slice %arg5[%add3A_991, %dma_start3A_997] : memref<128x128xi32, #tpu.memory_space<vmem>> -> memref<1x128xi32, #tpu.memory_space<vmem>>
        %dma_start3A_999 = tpu.memref_squeeze %dma_start3A_998 : memref<1x128xi32, #tpu.memory_space<vmem>> -> memref<128xi32, #tpu.memory_space<vmem>>
        %dma_start3A_1000 = arith.constant 0 : i32
        %dma_start3A_1001 = arith.constant 0 : i32
        %dma_start3A_1002 = tpu.memref_slice %arg11[%dma_start3A_1000, %dma_start3A_1001] : memref<32768x16xf32, #tpu.memory_space<vmem_shared>> -> memref<32768x16xf32, #tpu.memory_space<vmem_shared>>
        tpu.enqueue_indirect_dma source(%dma_start3A_996 : memref<128x16xf32, #tpu.memory_space<vmem>>) target(%dma_start3A_1002 : memref<32768x16xf32, #tpu.memory_space<vmem_shared>>) offsets(%dma_start3A_999 : memref<128xi32, #tpu.memory_space<vmem>>) semaphore(%arg14 : memref<!tpu.dma_semaphore, #tpu.memory_space<semaphore_mem>>) {add = true}
        %add3A_1003 = arith.constant 7 : i32
        %add3A_1004 = arith.addi %add3A_243, %add3A_1003 : i32
        %mul3A_1005 = arith.constant 2 : i32
        %mul3A_1006 = arith.muli %mul3A_1005, %add3A_1004 : i32
        %add3A_1007 = arith.constant 1 : i32
        %add3A_1008 = arith.addi %mul3A_1006, %add3A_1007 : i32
        %dma_start3A_1009 = arith.constant 15 : i32
        %dma_start3A_1010 = arith.constant 0 : i32
        %dma_start3A_1011 = arith.constant 0 : i32
        %dma_start3A_1012 = tpu.memref_slice %arg6[%dma_start3A_1009, %dma_start3A_1010, %dma_start3A_1011] : memref<16x128x16xf32, #tpu.memory_space<vmem>> -> memref<1x128x16xf32, #tpu.memory_space<vmem>>
        %dma_start3A_1013 = tpu.memref_squeeze %dma_start3A_1012 : memref<1x128x16xf32, #tpu.memory_space<vmem>> -> memref<128x16xf32, #tpu.memory_space<vmem>>
        %dma_start3A_1014 = arith.constant 0 : i32
        %dma_start3A_1015 = tpu.memref_slice %arg5[%add3A_1008, %dma_start3A_1014] : memref<128x128xi32, #tpu.memory_space<vmem>> -> memref<1x128xi32, #tpu.memory_space<vmem>>
        %dma_start3A_1016 = tpu.memref_squeeze %dma_start3A_1015 : memref<1x128xi32, #tpu.memory_space<vmem>> -> memref<128xi32, #tpu.memory_space<vmem>>
        %dma_start3A_1017 = arith.constant 0 : i32
        %dma_start3A_1018 = arith.constant 0 : i32
        %dma_start3A_1019 = tpu.memref_slice %arg11[%dma_start3A_1017, %dma_start3A_1018] : memref<32768x16xf32, #tpu.memory_space<vmem_shared>> -> memref<32768x16xf32, #tpu.memory_space<vmem_shared>>
        tpu.enqueue_indirect_dma source(%dma_start3A_1013 : memref<128x16xf32, #tpu.memory_space<vmem>>) target(%dma_start3A_1019 : memref<32768x16xf32, #tpu.memory_space<vmem_shared>>) offsets(%dma_start3A_1016 : memref<128xi32, #tpu.memory_space<vmem>>) semaphore(%arg14 : memref<!tpu.dma_semaphore, #tpu.memory_space<semaphore_mem>>) {add = true}
      }
      %scan3A_139 = arith.constant 4 : i32
      %dma_wait3A = arith.constant 8 : i32
      %dma_wait3A_140 = arith.constant 113 : i32
      %dma_wait3A_141 = arith.constant 0 : i32
      %dma_wait3A_142 = arith.constant 0 : i32
      %dma_wait3A_143 = tpu.memref_slice %arg6[%dma_wait3A, %dma_wait3A_141, %dma_wait3A_142] : memref<16x128x16xf32, #tpu.memory_space<vmem>> -> memref<1x128x16xf32, #tpu.memory_space<vmem>>
      %dma_wait3A_144 = tpu.memref_squeeze %dma_wait3A_143 : memref<1x128x16xf32, #tpu.memory_space<vmem>> -> memref<128x16xf32, #tpu.memory_space<vmem>>
      %dma_wait3A_145 = arith.constant 0 : i32
      %dma_wait3A_146 = tpu.memref_slice %arg5[%dma_wait3A_140, %dma_wait3A_145] : memref<128x128xi32, #tpu.memory_space<vmem>> -> memref<1x128xi32, #tpu.memory_space<vmem>>
      %dma_wait3A_147 = tpu.memref_squeeze %dma_wait3A_146 : memref<1x128xi32, #tpu.memory_space<vmem>> -> memref<128xi32, #tpu.memory_space<vmem>>
      %dma_wait3A_148 = arith.constant 0 : i32
      %dma_wait3A_149 = arith.constant 0 : i32
      %dma_wait3A_150 = tpu.memref_slice %arg11[%dma_wait3A_148, %dma_wait3A_149] : memref<32768x16xf32, #tpu.memory_space<vmem_shared>> -> memref<32768x16xf32, #tpu.memory_space<vmem_shared>>
      tpu.wait_indirect_dma semaphore(%arg14 : memref<!tpu.dma_semaphore, #tpu.memory_space<semaphore_mem>>) src(%dma_wait3A_144 : memref<128x16xf32, #tpu.memory_space<vmem>>) dst(%dma_wait3A_150 : memref<32768x16xf32, #tpu.memory_space<vmem_shared>>)
      %dma_wait3A_151 = arith.constant 9 : i32
      %dma_wait3A_152 = arith.constant 115 : i32
      %dma_wait3A_153 = arith.constant 0 : i32
      %dma_wait3A_154 = arith.constant 0 : i32
      %dma_wait3A_155 = tpu.memref_slice %arg6[%dma_wait3A_151, %dma_wait3A_153, %dma_wait3A_154] : memref<16x128x16xf32, #tpu.memory_space<vmem>> -> memref<1x128x16xf32, #tpu.memory_space<vmem>>
      %dma_wait3A_156 = tpu.memref_squeeze %dma_wait3A_155 : memref<1x128x16xf32, #tpu.memory_space<vmem>> -> memref<128x16xf32, #tpu.memory_space<vmem>>
      %dma_wait3A_157 = arith.constant 0 : i32
      %dma_wait3A_158 = tpu.memref_slice %arg5[%dma_wait3A_152, %dma_wait3A_157] : memref<128x128xi32, #tpu.memory_space<vmem>> -> memref<1x128xi32, #tpu.memory_space<vmem>>
      %dma_wait3A_159 = tpu.memref_squeeze %dma_wait3A_158 : memref<1x128xi32, #tpu.memory_space<vmem>> -> memref<128xi32, #tpu.memory_space<vmem>>
      %dma_wait3A_160 = arith.constant 0 : i32
      %dma_wait3A_161 = arith.constant 0 : i32
      %dma_wait3A_162 = tpu.memref_slice %arg11[%dma_wait3A_160, %dma_wait3A_161] : memref<32768x16xf32, #tpu.memory_space<vmem_shared>> -> memref<32768x16xf32, #tpu.memory_space<vmem_shared>>
      tpu.wait_indirect_dma semaphore(%arg14 : memref<!tpu.dma_semaphore, #tpu.memory_space<semaphore_mem>>) src(%dma_wait3A_156 : memref<128x16xf32, #tpu.memory_space<vmem>>) dst(%dma_wait3A_162 : memref<32768x16xf32, #tpu.memory_space<vmem_shared>>)
      %dma_wait3A_163 = arith.constant 10 : i32
      %dma_wait3A_164 = arith.constant 117 : i32
      %dma_wait3A_165 = arith.constant 0 : i32
      %dma_wait3A_166 = arith.constant 0 : i32
      %dma_wait3A_167 = tpu.memref_slice %arg6[%dma_wait3A_163, %dma_wait3A_165, %dma_wait3A_166] : memref<16x128x16xf32, #tpu.memory_space<vmem>> -> memref<1x128x16xf32, #tpu.memory_space<vmem>>
      %dma_wait3A_168 = tpu.memref_squeeze %dma_wait3A_167 : memref<1x128x16xf32, #tpu.memory_space<vmem>> -> memref<128x16xf32, #tpu.memory_space<vmem>>
      %dma_wait3A_169 = arith.constant 0 : i32
      %dma_wait3A_170 = tpu.memref_slice %arg5[%dma_wait3A_164, %dma_wait3A_169] : memref<128x128xi32, #tpu.memory_space<vmem>> -> memref<1x128xi32, #tpu.memory_space<vmem>>
      %dma_wait3A_171 = tpu.memref_squeeze %dma_wait3A_170 : memref<1x128xi32, #tpu.memory_space<vmem>> -> memref<128xi32, #tpu.memory_space<vmem>>
      %dma_wait3A_172 = arith.constant 0 : i32
      %dma_wait3A_173 = arith.constant 0 : i32
      %dma_wait3A_174 = tpu.memref_slice %arg11[%dma_wait3A_172, %dma_wait3A_173] : memref<32768x16xf32, #tpu.memory_space<vmem_shared>> -> memref<32768x16xf32, #tpu.memory_space<vmem_shared>>
      tpu.wait_indirect_dma semaphore(%arg14 : memref<!tpu.dma_semaphore, #tpu.memory_space<semaphore_mem>>) src(%dma_wait3A_168 : memref<128x16xf32, #tpu.memory_space<vmem>>) dst(%dma_wait3A_174 : memref<32768x16xf32, #tpu.memory_space<vmem_shared>>)
      %dma_wait3A_175 = arith.constant 11 : i32
      %dma_wait3A_176 = arith.constant 119 : i32
      %dma_wait3A_177 = arith.constant 0 : i32
      %dma_wait3A_178 = arith.constant 0 : i32
      %dma_wait3A_179 = tpu.memref_slice %arg6[%dma_wait3A_175, %dma_wait3A_177, %dma_wait3A_178] : memref<16x128x16xf32, #tpu.memory_space<vmem>> -> memref<1x128x16xf32, #tpu.memory_space<vmem>>
      %dma_wait3A_180 = tpu.memref_squeeze %dma_wait3A_179 : memref<1x128x16xf32, #tpu.memory_space<vmem>> -> memref<128x16xf32, #tpu.memory_space<vmem>>
      %dma_wait3A_181 = arith.constant 0 : i32
      %dma_wait3A_182 = tpu.memref_slice %arg5[%dma_wait3A_176, %dma_wait3A_181] : memref<128x128xi32, #tpu.memory_space<vmem>> -> memref<1x128xi32, #tpu.memory_space<vmem>>
      %dma_wait3A_183 = tpu.memref_squeeze %dma_wait3A_182 : memref<1x128xi32, #tpu.memory_space<vmem>> -> memref<128xi32, #tpu.memory_space<vmem>>
      %dma_wait3A_184 = arith.constant 0 : i32
      %dma_wait3A_185 = arith.constant 0 : i32
      %dma_wait3A_186 = tpu.memref_slice %arg11[%dma_wait3A_184, %dma_wait3A_185] : memref<32768x16xf32, #tpu.memory_space<vmem_shared>> -> memref<32768x16xf32, #tpu.memory_space<vmem_shared>>
      tpu.wait_indirect_dma semaphore(%arg14 : memref<!tpu.dma_semaphore, #tpu.memory_space<semaphore_mem>>) src(%dma_wait3A_180 : memref<128x16xf32, #tpu.memory_space<vmem>>) dst(%dma_wait3A_186 : memref<32768x16xf32, #tpu.memory_space<vmem_shared>>)
      %dma_wait3A_187 = arith.constant 12 : i32
      %dma_wait3A_188 = arith.constant 121 : i32
      %dma_wait3A_189 = arith.constant 0 : i32
      %dma_wait3A_190 = arith.constant 0 : i32
      %dma_wait3A_191 = tpu.memref_slice %arg6[%dma_wait3A_187, %dma_wait3A_189, %dma_wait3A_190] : memref<16x128x16xf32, #tpu.memory_space<vmem>> -> memref<1x128x16xf32, #tpu.memory_space<vmem>>
      %dma_wait3A_192 = tpu.memref_squeeze %dma_wait3A_191 : memref<1x128x16xf32, #tpu.memory_space<vmem>> -> memref<128x16xf32, #tpu.memory_space<vmem>>
      %dma_wait3A_193 = arith.constant 0 : i32
      %dma_wait3A_194 = tpu.memref_slice %arg5[%dma_wait3A_188, %dma_wait3A_193] : memref<128x128xi32, #tpu.memory_space<vmem>> -> memref<1x128xi32, #tpu.memory_space<vmem>>
      %dma_wait3A_195 = tpu.memref_squeeze %dma_wait3A_194 : memref<1x128xi32, #tpu.memory_space<vmem>> -> memref<128xi32, #tpu.memory_space<vmem>>
      %dma_wait3A_196 = arith.constant 0 : i32
      %dma_wait3A_197 = arith.constant 0 : i32
      %dma_wait3A_198 = tpu.memref_slice %arg11[%dma_wait3A_196, %dma_wait3A_197] : memref<32768x16xf32, #tpu.memory_space<vmem_shared>> -> memref<32768x16xf32, #tpu.memory_space<vmem_shared>>
      tpu.wait_indirect_dma semaphore(%arg14 : memref<!tpu.dma_semaphore, #tpu.memory_space<semaphore_mem>>) src(%dma_wait3A_192 : memref<128x16xf32, #tpu.memory_space<vmem>>) dst(%dma_wait3A_198 : memref<32768x16xf32, #tpu.memory_space<vmem_shared>>)
      %dma_wait3A_199 = arith.constant 13 : i32
      %dma_wait3A_200 = arith.constant 123 : i32
      %dma_wait3A_201 = arith.constant 0 : i32
      %dma_wait3A_202 = arith.constant 0 : i32
      %dma_wait3A_203 = tpu.memref_slice %arg6[%dma_wait3A_199, %dma_wait3A_201, %dma_wait3A_202] : memref<16x128x16xf32, #tpu.memory_space<vmem>> -> memref<1x128x16xf32, #tpu.memory_space<vmem>>
      %dma_wait3A_204 = tpu.memref_squeeze %dma_wait3A_203 : memref<1x128x16xf32, #tpu.memory_space<vmem>> -> memref<128x16xf32, #tpu.memory_space<vmem>>
      %dma_wait3A_205 = arith.constant 0 : i32
      %dma_wait3A_206 = tpu.memref_slice %arg5[%dma_wait3A_200, %dma_wait3A_205] : memref<128x128xi32, #tpu.memory_space<vmem>> -> memref<1x128xi32, #tpu.memory_space<vmem>>
      %dma_wait3A_207 = tpu.memref_squeeze %dma_wait3A_206 : memref<1x128xi32, #tpu.memory_space<vmem>> -> memref<128xi32, #tpu.memory_space<vmem>>
      %dma_wait3A_208 = arith.constant 0 : i32
      %dma_wait3A_209 = arith.constant 0 : i32
      %dma_wait3A_210 = tpu.memref_slice %arg11[%dma_wait3A_208, %dma_wait3A_209] : memref<32768x16xf32, #tpu.memory_space<vmem_shared>> -> memref<32768x16xf32, #tpu.memory_space<vmem_shared>>
      tpu.wait_indirect_dma semaphore(%arg14 : memref<!tpu.dma_semaphore, #tpu.memory_space<semaphore_mem>>) src(%dma_wait3A_204 : memref<128x16xf32, #tpu.memory_space<vmem>>) dst(%dma_wait3A_210 : memref<32768x16xf32, #tpu.memory_space<vmem_shared>>)
      %dma_wait3A_211 = arith.constant 14 : i32
      %dma_wait3A_212 = arith.constant 125 : i32
      %dma_wait3A_213 = arith.constant 0 : i32
      %dma_wait3A_214 = arith.constant 0 : i32
      %dma_wait3A_215 = tpu.memref_slice %arg6[%dma_wait3A_211, %dma_wait3A_213, %dma_wait3A_214] : memref<16x128x16xf32, #tpu.memory_space<vmem>> -> memref<1x128x16xf32, #tpu.memory_space<vmem>>
      %dma_wait3A_216 = tpu.memref_squeeze %dma_wait3A_215 : memref<1x128x16xf32, #tpu.memory_space<vmem>> -> memref<128x16xf32, #tpu.memory_space<vmem>>
      %dma_wait3A_217 = arith.constant 0 : i32
      %dma_wait3A_218 = tpu.memref_slice %arg5[%dma_wait3A_212, %dma_wait3A_217] : memref<128x128xi32, #tpu.memory_space<vmem>> -> memref<1x128xi32, #tpu.memory_space<vmem>>
      %dma_wait3A_219 = tpu.memref_squeeze %dma_wait3A_218 : memref<1x128xi32, #tpu.memory_space<vmem>> -> memref<128xi32, #tpu.memory_space<vmem>>
      %dma_wait3A_220 = arith.constant 0 : i32
      %dma_wait3A_221 = arith.constant 0 : i32
      %dma_wait3A_222 = tpu.memref_slice %arg11[%dma_wait3A_220, %dma_wait3A_221] : memref<32768x16xf32, #tpu.memory_space<vmem_shared>> -> memref<32768x16xf32, #tpu.memory_space<vmem_shared>>
      tpu.wait_indirect_dma semaphore(%arg14 : memref<!tpu.dma_semaphore, #tpu.memory_space<semaphore_mem>>) src(%dma_wait3A_216 : memref<128x16xf32, #tpu.memory_space<vmem>>) dst(%dma_wait3A_222 : memref<32768x16xf32, #tpu.memory_space<vmem_shared>>)
      %dma_wait3A_223 = arith.constant 15 : i32
      %dma_wait3A_224 = arith.constant 127 : i32
      %dma_wait3A_225 = arith.constant 0 : i32
      %dma_wait3A_226 = arith.constant 0 : i32
      %dma_wait3A_227 = tpu.memref_slice %arg6[%dma_wait3A_223, %dma_wait3A_225, %dma_wait3A_226] : memref<16x128x16xf32, #tpu.memory_space<vmem>> -> memref<1x128x16xf32, #tpu.memory_space<vmem>>
      %dma_wait3A_228 = tpu.memref_squeeze %dma_wait3A_227 : memref<1x128x16xf32, #tpu.memory_space<vmem>> -> memref<128x16xf32, #tpu.memory_space<vmem>>
      %dma_wait3A_229 = arith.constant 0 : i32
      %dma_wait3A_230 = tpu.memref_slice %arg5[%dma_wait3A_224, %dma_wait3A_229] : memref<128x128xi32, #tpu.memory_space<vmem>> -> memref<1x128xi32, #tpu.memory_space<vmem>>
      %dma_wait3A_231 = tpu.memref_squeeze %dma_wait3A_230 : memref<1x128xi32, #tpu.memory_space<vmem>> -> memref<128xi32, #tpu.memory_space<vmem>>
      %dma_wait3A_232 = arith.constant 0 : i32
      %dma_wait3A_233 = arith.constant 0 : i32
      %dma_wait3A_234 = tpu.memref_slice %arg11[%dma_wait3A_232, %dma_wait3A_233] : memref<32768x16xf32, #tpu.memory_space<vmem_shared>> -> memref<32768x16xf32, #tpu.memory_space<vmem_shared>>
      tpu.wait_indirect_dma semaphore(%arg14 : memref<!tpu.dma_semaphore, #tpu.memory_space<semaphore_mem>>) src(%dma_wait3A_228 : memref<128x16xf32, #tpu.memory_space<vmem>>) dst(%dma_wait3A_234 : memref<32768x16xf32, #tpu.memory_space<vmem_shared>>)
    }
    %scan3A_21 = arith.constant 4 : i32
    %barrier3A_22 = arith.constant 0 : index
    tpu.barrier barrier_id(%barrier3A_22)
    %scan3A_23 = arith.constant 0 : i32
    %scan3A_24 = arith.constant 16 : i32
    %scan3A_25 = arith.addi %scan3A_23, %scan3A_24 : i32
    %scan3A_26 = arith.constant 1 : i32
    scf.for %scan3A_28 = %scan3A_23 to %scan3A_25 step %scan3A_26  : i32 {
      %mul3A_29 = arith.constant 1 : i32
      %mul3A_30 = arith.muli %scan3A_28, %mul3A_29 : i32
      %add3A_31 = arith.constant 0 : i32
      %add3A_32 = arith.addi %add3A_31, %mul3A_30 : i32
      %mul3A_33 = arith.constant 128 : i32
      %mul3A_34 = arith.muli %add3A_32, %mul3A_33 : i32
      %add3A_35 = arith.addi %mul3A_6, %mul3A_34 : i32
      "tpu.region"() ({
        %run_scoped3A = tpu.sem_alloc : memref<!tpu.dma_semaphore, #tpu.memory_space<semaphore_mem>>
        %dma_start3A = arith.constant 0 : i32
        %dma_start3A_1063 = tpu.memref_slice %arg11[%add3A_35, %dma_start3A] : memref<32768x16xf32, #tpu.memory_space<vmem_shared>> -> memref<128x16xf32, #tpu.memory_space<vmem_shared>>
        %dma_start3A_1064 = arith.constant 0 : i32
        %dma_start3A_1065 = tpu.memref_slice %arg11[%add3A_35, %dma_start3A_1064] : memref<32768x16xf32, #tpu.memory_space<vmem_shared>> -> memref<128x16xf32, #tpu.memory_space<vmem_shared>>
        tpu.enqueue_dma source(%dma_start3A_1065 : memref<128x16xf32, #tpu.memory_space<vmem_shared>>) target(%arg8 : memref<128x16xf32, #tpu.memory_space<vmem>>) target_semaphore(%run_scoped3A : memref<!tpu.dma_semaphore, #tpu.memory_space<semaphore_mem>>)
        %dma_wait3A = arith.constant 0 : i32
        %dma_wait3A_1066 = tpu.memref_slice %arg11[%add3A_35, %dma_wait3A] : memref<32768x16xf32, #tpu.memory_space<vmem_shared>> -> memref<128x16xf32, #tpu.memory_space<vmem_shared>>
        %dma_wait3A_1067 = arith.constant 0 : i32
        %dma_wait3A_1068 = tpu.memref_slice %arg11[%add3A_35, %dma_wait3A_1067] : memref<32768x16xf32, #tpu.memory_space<vmem_shared>> -> memref<128x16xf32, #tpu.memory_space<vmem_shared>>
        tpu.wait_dma2 semaphore(%run_scoped3A : memref<!tpu.dma_semaphore, #tpu.memory_space<semaphore_mem>>) src(%dma_wait3A_1068 : memref<128x16xf32, #tpu.memory_space<vmem_shared>>) dst(%arg8 : memref<128x16xf32, #tpu.memory_space<vmem>>)
        tpu.yield
      }) : () -> ()
      %get3A = arith.constant 0 : i32
      %get3A_36 = arith.index_cast %get3A : i32 to index
      %get3A_37 = arith.constant 0 : index
      %get3A_38 = tpu.vector_load %arg8[%get3A_36, %get3A_37] {strides = array<i32>} : memref<128x16xf32, #tpu.memory_space<vmem>>, vector<16xf32>,
      %swap3A = arith.constant 0 : i32
      %swap3A_39 = arith.index_cast %swap3A : i32 to index
      %swap3A_40 = arith.constant 0 : index
      %swap3A_41 = tpu.vector_load %arg9[%swap3A_39, %swap3A_40] {strides = array<i32>} : memref<16x128xf32, #tpu.memory_space<vmem>>, vector<16xf32>,
      tpu.vector_store %arg9[%swap3A_39, %swap3A_40], %get3A_38 {strides = array<i32>} : memref<16x128xf32, #tpu.memory_space<vmem>>, vector<16xf32>,
      %get3A_42 = arith.constant 1 : i32
      %get3A_43 = arith.index_cast %get3A_42 : i32 to index
      %get3A_44 = arith.constant 0 : index
      %get3A_45 = tpu.vector_load %arg8[%get3A_43, %get3A_44] {strides = array<i32>} : memref<128x16xf32, #tpu.memory_space<vmem>>, vector<16xf32>,
      %swap3A_46 = arith.constant 0 : i32
      %swap3A_47 = arith.index_cast %swap3A_46 : i32 to index
      %swap3A_48 = arith.constant 16 : index
      %swap3A_49 = tpu.vector_load %arg9[%swap3A_47, %swap3A_48] {strides = array<i32>} : memref<16x128xf32, #tpu.memory_space<vmem>>, vector<16xf32>,
      tpu.vector_store %arg9[%swap3A_47, %swap3A_48], %get3A_45 {strides = array<i32>} : memref<16x128xf32, #tpu.memory_space<vmem>>, vector<16xf32>,
      %get3A_50 = arith.constant 2 : i32
      %get3A_51 = arith.index_cast %get3A_50 : i32 to index
      %get3A_52 = arith.constant 0 : index
      %get3A_53 = tpu.vector_load %arg8[%get3A_51, %get3A_52] {strides = array<i32>} : memref<128x16xf32, #tpu.memory_space<vmem>>, vector<16xf32>,
      %swap3A_54 = arith.constant 0 : i32
      %swap3A_55 = arith.index_cast %swap3A_54 : i32 to index
      %swap3A_56 = arith.constant 32 : index
      %swap3A_57 = tpu.vector_load %arg9[%swap3A_55, %swap3A_56] {strides = array<i32>} : memref<16x128xf32, #tpu.memory_space<vmem>>, vector<16xf32>,
      tpu.vector_store %arg9[%swap3A_55, %swap3A_56], %get3A_53 {strides = array<i32>} : memref<16x128xf32, #tpu.memory_space<vmem>>, vector<16xf32>,
      %get3A_58 = arith.constant 3 : i32
      %get3A_59 = arith.index_cast %get3A_58 : i32 to index
      %get3A_60 = arith.constant 0 : index
      %get3A_61 = tpu.vector_load %arg8[%get3A_59, %get3A_60] {strides = array<i32>} : memref<128x16xf32, #tpu.memory_space<vmem>>, vector<16xf32>,
      %swap3A_62 = arith.constant 0 : i32
      %swap3A_63 = arith.index_cast %swap3A_62 : i32 to index
      %swap3A_64 = arith.constant 48 : index
      %swap3A_65 = tpu.vector_load %arg9[%swap3A_63, %swap3A_64] {strides = array<i32>} : memref<16x128xf32, #tpu.memory_space<vmem>>, vector<16xf32>,
      tpu.vector_store %arg9[%swap3A_63, %swap3A_64], %get3A_61 {strides = array<i32>} : memref<16x128xf32, #tpu.memory_space<vmem>>, vector<16xf32>,
      %get3A_66 = arith.constant 4 : i32
      %get3A_67 = arith.index_cast %get3A_66 : i32 to index
      %get3A_68 = arith.constant 0 : index
      %get3A_69 = tpu.vector_load %arg8[%get3A_67, %get3A_68] {strides = array<i32>} : memref<128x16xf32, #tpu.memory_space<vmem>>, vector<16xf32>,
      %swap3A_70 = arith.constant 0 : i32
      %swap3A_71 = arith.index_cast %swap3A_70 : i32 to index
      %swap3A_72 = arith.constant 64 : index
      %swap3A_73 = tpu.vector_load %arg9[%swap3A_71, %swap3A_72] {strides = array<i32>} : memref<16x128xf32, #tpu.memory_space<vmem>>, vector<16xf32>,
      tpu.vector_store %arg9[%swap3A_71, %swap3A_72], %get3A_69 {strides = array<i32>} : memref<16x128xf32, #tpu.memory_space<vmem>>, vector<16xf32>,
      %get3A_74 = arith.constant 5 : i32
      %get3A_75 = arith.index_cast %get3A_74 : i32 to index
      %get3A_76 = arith.constant 0 : index
      %get3A_77 = tpu.vector_load %arg8[%get3A_75, %get3A_76] {strides = array<i32>} : memref<128x16xf32, #tpu.memory_space<vmem>>, vector<16xf32>,
      %swap3A_78 = arith.constant 0 : i32
      %swap3A_79 = arith.index_cast %swap3A_78 : i32 to index
      %swap3A_80 = arith.constant 80 : index
      %swap3A_81 = tpu.vector_load %arg9[%swap3A_79, %swap3A_80] {strides = array<i32>} : memref<16x128xf32, #tpu.memory_space<vmem>>, vector<16xf32>,
      tpu.vector_store %arg9[%swap3A_79, %swap3A_80], %get3A_77 {strides = array<i32>} : memref<16x128xf32, #tpu.memory_space<vmem>>, vector<16xf32>,
      %get3A_82 = arith.constant 6 : i32
      %get3A_83 = arith.index_cast %get3A_82 : i32 to index
      %get3A_84 = arith.constant 0 : index
      %get3A_85 = tpu.vector_load %arg8[%get3A_83, %get3A_84] {strides = array<i32>} : memref<128x16xf32, #tpu.memory_space<vmem>>, vector<16xf32>,
      %swap3A_86 = arith.constant 0 : i32
      %swap3A_87 = arith.index_cast %swap3A_86 : i32 to index
      %swap3A_88 = arith.constant 96 : index
      %swap3A_89 = tpu.vector_load %arg9[%swap3A_87, %swap3A_88] {strides = array<i32>} : memref<16x128xf32, #tpu.memory_space<vmem>>, vector<16xf32>,
      tpu.vector_store %arg9[%swap3A_87, %swap3A_88], %get3A_85 {strides = array<i32>} : memref<16x128xf32, #tpu.memory_space<vmem>>, vector<16xf32>,
      %get3A_90 = arith.constant 7 : i32
      %get3A_91 = arith.index_cast %get3A_90 : i32 to index
      %get3A_92 = arith.constant 0 : index
      %get3A_93 = tpu.vector_load %arg8[%get3A_91, %get3A_92] {strides = array<i32>} : memref<128x16xf32, #tpu.memory_space<vmem>>, vector<16xf32>,
      %swap3A_94 = arith.constant 0 : i32
      %swap3A_95 = arith.index_cast %swap3A_94 : i32 to index
      %swap3A_96 = arith.constant 112 : index
      %swap3A_97 = tpu.vector_load %arg9[%swap3A_95, %swap3A_96] {strides = array<i32>} : memref<16x128xf32, #tpu.memory_space<vmem>>, vector<16xf32>,
      tpu.vector_store %arg9[%swap3A_95, %swap3A_96], %get3A_93 {strides = array<i32>} : memref<16x128xf32, #tpu.memory_space<vmem>>, vector<16xf32>,
      %get3A_98 = arith.constant 8 : i32
      %get3A_99 = arith.index_cast %get3A_98 : i32 to index
      %get3A_100 = arith.constant 0 : index
      %get3A_101 = tpu.vector_load %arg8[%get3A_99, %get3A_100] {strides = array<i32>} : memref<128x16xf32, #tpu.memory_space<vmem>>, vector<16xf32>,
      %swap3A_102 = arith.constant 1 : i32
      %swap3A_103 = arith.index_cast %swap3A_102 : i32 to index
      %swap3A_104 = arith.constant 0 : index
      %swap3A_105 = tpu.vector_load %arg9[%swap3A_103, %swap3A_104] {strides = array<i32>} : memref<16x128xf32, #tpu.memory_space<vmem>>, vector<16xf32>,
      tpu.vector_store %arg9[%swap3A_103, %swap3A_104], %get3A_101 {strides = array<i32>} : memref<16x128xf32, #tpu.memory_space<vmem>>, vector<16xf32>,
      %get3A_106 = arith.constant 9 : i32
      %get3A_107 = arith.index_cast %get3A_106 : i32 to index
      %get3A_108 = arith.constant 0 : index
      %get3A_109 = tpu.vector_load %arg8[%get3A_107, %get3A_108] {strides = array<i32>} : memref<128x16xf32, #tpu.memory_space<vmem>>, vector<16xf32>,
      %swap3A_110 = arith.constant 1 : i32
      %swap3A_111 = arith.index_cast %swap3A_110 : i32 to index
      %swap3A_112 = arith.constant 16 : index
      %swap3A_113 = tpu.vector_load %arg9[%swap3A_111, %swap3A_112] {strides = array<i32>} : memref<16x128xf32, #tpu.memory_space<vmem>>, vector<16xf32>,
      tpu.vector_store %arg9[%swap3A_111, %swap3A_112], %get3A_109 {strides = array<i32>} : memref<16x128xf32, #tpu.memory_space<vmem>>, vector<16xf32>,
      %get3A_114 = arith.constant 10 : i32
      %get3A_115 = arith.index_cast %get3A_114 : i32 to index
      %get3A_116 = arith.constant 0 : index
      %get3A_117 = tpu.vector_load %arg8[%get3A_115, %get3A_116] {strides = array<i32>} : memref<128x16xf32, #tpu.memory_space<vmem>>, vector<16xf32>,
      %swap3A_118 = arith.constant 1 : i32
      %swap3A_119 = arith.index_cast %swap3A_118 : i32 to index
      %swap3A_120 = arith.constant 32 : index
      %swap3A_121 = tpu.vector_load %arg9[%swap3A_119, %swap3A_120] {strides = array<i32>} : memref<16x128xf32, #tpu.memory_space<vmem>>, vector<16xf32>,
      tpu.vector_store %arg9[%swap3A_119, %swap3A_120], %get3A_117 {strides = array<i32>} : memref<16x128xf32, #tpu.memory_space<vmem>>, vector<16xf32>,
      %get3A_122 = arith.constant 11 : i32
      %get3A_123 = arith.index_cast %get3A_122 : i32 to index
      %get3A_124 = arith.constant 0 : index
      %get3A_125 = tpu.vector_load %arg8[%get3A_123, %get3A_124] {strides = array<i32>} : memref<128x16xf32, #tpu.memory_space<vmem>>, vector<16xf32>,
      %swap3A_126 = arith.constant 1 : i32
      %swap3A_127 = arith.index_cast %swap3A_126 : i32 to index
      %swap3A_128 = arith.constant 48 : index
      %swap3A_129 = tpu.vector_load %arg9[%swap3A_127, %swap3A_128] {strides = array<i32>} : memref<16x128xf32, #tpu.memory_space<vmem>>, vector<16xf32>,
      tpu.vector_store %arg9[%swap3A_127, %swap3A_128], %get3A_125 {strides = array<i32>} : memref<16x128xf32, #tpu.memory_space<vmem>>, vector<16xf32>,
      %get3A_130 = arith.constant 12 : i32
      %get3A_131 = arith.index_cast %get3A_130 : i32 to index
      %get3A_132 = arith.constant 0 : index
      %get3A_133 = tpu.vector_load %arg8[%get3A_131, %get3A_132] {strides = array<i32>} : memref<128x16xf32, #tpu.memory_space<vmem>>, vector<16xf32>,
      %swap3A_134 = arith.constant 1 : i32
      %swap3A_135 = arith.index_cast %swap3A_134 : i32 to index
      %swap3A_136 = arith.constant 64 : index
      %swap3A_137 = tpu.vector_load %arg9[%swap3A_135, %swap3A_136] {strides = array<i32>} : memref<16x128xf32, #tpu.memory_space<vmem>>, vector<16xf32>,
      tpu.vector_store %arg9[%swap3A_135, %swap3A_136], %get3A_133 {strides = array<i32>} : memref<16x128xf32, #tpu.memory_space<vmem>>, vector<16xf32>,
      %get3A_138 = arith.constant 13 : i32
      %get3A_139 = arith.index_cast %get3A_138 : i32 to index
      %get3A_140 = arith.constant 0 : index
      %get3A_141 = tpu.vector_load %arg8[%get3A_139, %get3A_140] {strides = array<i32>} : memref<128x16xf32, #tpu.memory_space<vmem>>, vector<16xf32>,
      %swap3A_142 = arith.constant 1 : i32
      %swap3A_143 = arith.index_cast %swap3A_142 : i32 to index
      %swap3A_144 = arith.constant 80 : index
      %swap3A_145 = tpu.vector_load %arg9[%swap3A_143, %swap3A_144] {strides = array<i32>} : memref<16x128xf32, #tpu.memory_space<vmem>>, vector<16xf32>,
      tpu.vector_store %arg9[%swap3A_143, %swap3A_144], %get3A_141 {strides = array<i32>} : memref<16x128xf32, #tpu.memory_space<vmem>>, vector<16xf32>,
      %get3A_146 = arith.constant 14 : i32
      %get3A_147 = arith.index_cast %get3A_146 : i32 to index
      %get3A_148 = arith.constant 0 : index
      %get3A_149 = tpu.vector_load %arg8[%get3A_147, %get3A_148] {strides = array<i32>} : memref<128x16xf32, #tpu.memory_space<vmem>>, vector<16xf32>,
      %swap3A_150 = arith.constant 1 : i32
      %swap3A_151 = arith.index_cast %swap3A_150 : i32 to index
      %swap3A_152 = arith.constant 96 : index
      %swap3A_153 = tpu.vector_load %arg9[%swap3A_151, %swap3A_152] {strides = array<i32>} : memref<16x128xf32, #tpu.memory_space<vmem>>, vector<16xf32>,
      tpu.vector_store %arg9[%swap3A_151, %swap3A_152], %get3A_149 {strides = array<i32>} : memref<16x128xf32, #tpu.memory_space<vmem>>, vector<16xf32>,
      %get3A_154 = arith.constant 15 : i32
      %get3A_155 = arith.index_cast %get3A_154 : i32 to index
      %get3A_156 = arith.constant 0 : index
      %get3A_157 = tpu.vector_load %arg8[%get3A_155, %get3A_156] {strides = array<i32>} : memref<128x16xf32, #tpu.memory_space<vmem>>, vector<16xf32>,
      %swap3A_158 = arith.constant 1 : i32
      %swap3A_159 = arith.index_cast %swap3A_158 : i32 to index
      %swap3A_160 = arith.constant 112 : index
      %swap3A_161 = tpu.vector_load %arg9[%swap3A_159, %swap3A_160] {strides = array<i32>} : memref<16x128xf32, #tpu.memory_space<vmem>>, vector<16xf32>,
      tpu.vector_store %arg9[%swap3A_159, %swap3A_160], %get3A_157 {strides = array<i32>} : memref<16x128xf32, #tpu.memory_space<vmem>>, vector<16xf32>,
      %get3A_162 = arith.constant 16 : i32
      %get3A_163 = arith.index_cast %get3A_162 : i32 to index
      %get3A_164 = arith.constant 0 : index
      %get3A_165 = tpu.vector_load %arg8[%get3A_163, %get3A_164] {strides = array<i32>} : memref<128x16xf32, #tpu.memory_space<vmem>>, vector<16xf32>,
      %swap3A_166 = arith.constant 2 : i32
      %swap3A_167 = arith.index_cast %swap3A_166 : i32 to index
      %swap3A_168 = arith.constant 0 : index
      %swap3A_169 = tpu.vector_load %arg9[%swap3A_167, %swap3A_168] {strides = array<i32>} : memref<16x128xf32, #tpu.memory_space<vmem>>, vector<16xf32>,
      tpu.vector_store %arg9[%swap3A_167, %swap3A_168], %get3A_165 {strides = array<i32>} : memref<16x128xf32, #tpu.memory_space<vmem>>, vector<16xf32>,
      %get3A_170 = arith.constant 17 : i32
      %get3A_171 = arith.index_cast %get3A_170 : i32 to index
      %get3A_172 = arith.constant 0 : index
      %get3A_173 = tpu.vector_load %arg8[%get3A_171, %get3A_172] {strides = array<i32>} : memref<128x16xf32, #tpu.memory_space<vmem>>, vector<16xf32>,
      %swap3A_174 = arith.constant 2 : i32
      %swap3A_175 = arith.index_cast %swap3A_174 : i32 to index
      %swap3A_176 = arith.constant 16 : index
      %swap3A_177 = tpu.vector_load %arg9[%swap3A_175, %swap3A_176] {strides = array<i32>} : memref<16x128xf32, #tpu.memory_space<vmem>>, vector<16xf32>,
      tpu.vector_store %arg9[%swap3A_175, %swap3A_176], %get3A_173 {strides = array<i32>} : memref<16x128xf32, #tpu.memory_space<vmem>>, vector<16xf32>,
      %get3A_178 = arith.constant 18 : i32
      %get3A_179 = arith.index_cast %get3A_178 : i32 to index
      %get3A_180 = arith.constant 0 : index
      %get3A_181 = tpu.vector_load %arg8[%get3A_179, %get3A_180] {strides = array<i32>} : memref<128x16xf32, #tpu.memory_space<vmem>>, vector<16xf32>,
      %swap3A_182 = arith.constant 2 : i32
      %swap3A_183 = arith.index_cast %swap3A_182 : i32 to index
      %swap3A_184 = arith.constant 32 : index
      %swap3A_185 = tpu.vector_load %arg9[%swap3A_183, %swap3A_184] {strides = array<i32>} : memref<16x128xf32, #tpu.memory_space<vmem>>, vector<16xf32>,
      tpu.vector_store %arg9[%swap3A_183, %swap3A_184], %get3A_181 {strides = array<i32>} : memref<16x128xf32, #tpu.memory_space<vmem>>, vector<16xf32>,
      %get3A_186 = arith.constant 19 : i32
      %get3A_187 = arith.index_cast %get3A_186 : i32 to index
      %get3A_188 = arith.constant 0 : index
      %get3A_189 = tpu.vector_load %arg8[%get3A_187, %get3A_188] {strides = array<i32>} : memref<128x16xf32, #tpu.memory_space<vmem>>, vector<16xf32>,
      %swap3A_190 = arith.constant 2 : i32
      %swap3A_191 = arith.index_cast %swap3A_190 : i32 to index
      %swap3A_192 = arith.constant 48 : index
      %swap3A_193 = tpu.vector_load %arg9[%swap3A_191, %swap3A_192] {strides = array<i32>} : memref<16x128xf32, #tpu.memory_space<vmem>>, vector<16xf32>,
      tpu.vector_store %arg9[%swap3A_191, %swap3A_192], %get3A_189 {strides = array<i32>} : memref<16x128xf32, #tpu.memory_space<vmem>>, vector<16xf32>,
      %get3A_194 = arith.constant 20 : i32
      %get3A_195 = arith.index_cast %get3A_194 : i32 to index
      %get3A_196 = arith.constant 0 : index
      %get3A_197 = tpu.vector_load %arg8[%get3A_195, %get3A_196] {strides = array<i32>} : memref<128x16xf32, #tpu.memory_space<vmem>>, vector<16xf32>,
      %swap3A_198 = arith.constant 2 : i32
      %swap3A_199 = arith.index_cast %swap3A_198 : i32 to index
      %swap3A_200 = arith.constant 64 : index
      %swap3A_201 = tpu.vector_load %arg9[%swap3A_199, %swap3A_200] {strides = array<i32>} : memref<16x128xf32, #tpu.memory_space<vmem>>, vector<16xf32>,
      tpu.vector_store %arg9[%swap3A_199, %swap3A_200], %get3A_197 {strides = array<i32>} : memref<16x128xf32, #tpu.memory_space<vmem>>, vector<16xf32>,
      %get3A_202 = arith.constant 21 : i32
      %get3A_203 = arith.index_cast %get3A_202 : i32 to index
      %get3A_204 = arith.constant 0 : index
      %get3A_205 = tpu.vector_load %arg8[%get3A_203, %get3A_204] {strides = array<i32>} : memref<128x16xf32, #tpu.memory_space<vmem>>, vector<16xf32>,
      %swap3A_206 = arith.constant 2 : i32
      %swap3A_207 = arith.index_cast %swap3A_206 : i32 to index
      %swap3A_208 = arith.constant 80 : index
      %swap3A_209 = tpu.vector_load %arg9[%swap3A_207, %swap3A_208] {strides = array<i32>} : memref<16x128xf32, #tpu.memory_space<vmem>>, vector<16xf32>,
      tpu.vector_store %arg9[%swap3A_207, %swap3A_208], %get3A_205 {strides = array<i32>} : memref<16x128xf32, #tpu.memory_space<vmem>>, vector<16xf32>,
      %get3A_210 = arith.constant 22 : i32
      %get3A_211 = arith.index_cast %get3A_210 : i32 to index
      %get3A_212 = arith.constant 0 : index
      %get3A_213 = tpu.vector_load %arg8[%get3A_211, %get3A_212] {strides = array<i32>} : memref<128x16xf32, #tpu.memory_space<vmem>>, vector<16xf32>,
      %swap3A_214 = arith.constant 2 : i32
      %swap3A_215 = arith.index_cast %swap3A_214 : i32 to index
      %swap3A_216 = arith.constant 96 : index
      %swap3A_217 = tpu.vector_load %arg9[%swap3A_215, %swap3A_216] {strides = array<i32>} : memref<16x128xf32, #tpu.memory_space<vmem>>, vector<16xf32>,
      tpu.vector_store %arg9[%swap3A_215, %swap3A_216], %get3A_213 {strides = array<i32>} : memref<16x128xf32, #tpu.memory_space<vmem>>, vector<16xf32>,
      %get3A_218 = arith.constant 23 : i32
      %get3A_219 = arith.index_cast %get3A_218 : i32 to index
      %get3A_220 = arith.constant 0 : index
      %get3A_221 = tpu.vector_load %arg8[%get3A_219, %get3A_220] {strides = array<i32>} : memref<128x16xf32, #tpu.memory_space<vmem>>, vector<16xf32>,
      %swap3A_222 = arith.constant 2 : i32
      %swap3A_223 = arith.index_cast %swap3A_222 : i32 to index
      %swap3A_224 = arith.constant 112 : index
      %swap3A_225 = tpu.vector_load %arg9[%swap3A_223, %swap3A_224] {strides = array<i32>} : memref<16x128xf32, #tpu.memory_space<vmem>>, vector<16xf32>,
      tpu.vector_store %arg9[%swap3A_223, %swap3A_224], %get3A_221 {strides = array<i32>} : memref<16x128xf32, #tpu.memory_space<vmem>>, vector<16xf32>,
      %get3A_226 = arith.constant 24 : i32
      %get3A_227 = arith.index_cast %get3A_226 : i32 to index
      %get3A_228 = arith.constant 0 : index
      %get3A_229 = tpu.vector_load %arg8[%get3A_227, %get3A_228] {strides = array<i32>} : memref<128x16xf32, #tpu.memory_space<vmem>>, vector<16xf32>,
      %swap3A_230 = arith.constant 3 : i32
      %swap3A_231 = arith.index_cast %swap3A_230 : i32 to index
      %swap3A_232 = arith.constant 0 : index
      %swap3A_233 = tpu.vector_load %arg9[%swap3A_231, %swap3A_232] {strides = array<i32>} : memref<16x128xf32, #tpu.memory_space<vmem>>, vector<16xf32>,
      tpu.vector_store %arg9[%swap3A_231, %swap3A_232], %get3A_229 {strides = array<i32>} : memref<16x128xf32, #tpu.memory_space<vmem>>, vector<16xf32>,
      %get3A_234 = arith.constant 25 : i32
      %get3A_235 = arith.index_cast %get3A_234 : i32 to index
      %get3A_236 = arith.constant 0 : index
      %get3A_237 = tpu.vector_load %arg8[%get3A_235, %get3A_236] {strides = array<i32>} : memref<128x16xf32, #tpu.memory_space<vmem>>, vector<16xf32>,
      %swap3A_238 = arith.constant 3 : i32
      %swap3A_239 = arith.index_cast %swap3A_238 : i32 to index
      %swap3A_240 = arith.constant 16 : index
      %swap3A_241 = tpu.vector_load %arg9[%swap3A_239, %swap3A_240] {strides = array<i32>} : memref<16x128xf32, #tpu.memory_space<vmem>>, vector<16xf32>,
      tpu.vector_store %arg9[%swap3A_239, %swap3A_240], %get3A_237 {strides = array<i32>} : memref<16x128xf32, #tpu.memory_space<vmem>>, vector<16xf32>,
      %get3A_242 = arith.constant 26 : i32
      %get3A_243 = arith.index_cast %get3A_242 : i32 to index
      %get3A_244 = arith.constant 0 : index
      %get3A_245 = tpu.vector_load %arg8[%get3A_243, %get3A_244] {strides = array<i32>} : memref<128x16xf32, #tpu.memory_space<vmem>>, vector<16xf32>,
      %swap3A_246 = arith.constant 3 : i32
      %swap3A_247 = arith.index_cast %swap3A_246 : i32 to index
      %swap3A_248 = arith.constant 32 : index
      %swap3A_249 = tpu.vector_load %arg9[%swap3A_247, %swap3A_248] {strides = array<i32>} : memref<16x128xf32, #tpu.memory_space<vmem>>, vector<16xf32>,
      tpu.vector_store %arg9[%swap3A_247, %swap3A_248], %get3A_245 {strides = array<i32>} : memref<16x128xf32, #tpu.memory_space<vmem>>, vector<16xf32>,
      %get3A_250 = arith.constant 27 : i32
      %get3A_251 = arith.index_cast %get3A_250 : i32 to index
      %get3A_252 = arith.constant 0 : index
      %get3A_253 = tpu.vector_load %arg8[%get3A_251, %get3A_252] {strides = array<i32>} : memref<128x16xf32, #tpu.memory_space<vmem>>, vector<16xf32>,
      %swap3A_254 = arith.constant 3 : i32
      %swap3A_255 = arith.index_cast %swap3A_254 : i32 to index
      %swap3A_256 = arith.constant 48 : index
      %swap3A_257 = tpu.vector_load %arg9[%swap3A_255, %swap3A_256] {strides = array<i32>} : memref<16x128xf32, #tpu.memory_space<vmem>>, vector<16xf32>,
      tpu.vector_store %arg9[%swap3A_255, %swap3A_256], %get3A_253 {strides = array<i32>} : memref<16x128xf32, #tpu.memory_space<vmem>>, vector<16xf32>,
      %get3A_258 = arith.constant 28 : i32
      %get3A_259 = arith.index_cast %get3A_258 : i32 to index
      %get3A_260 = arith.constant 0 : index
      %get3A_261 = tpu.vector_load %arg8[%get3A_259, %get3A_260] {strides = array<i32>} : memref<128x16xf32, #tpu.memory_space<vmem>>, vector<16xf32>,
      %swap3A_262 = arith.constant 3 : i32
      %swap3A_263 = arith.index_cast %swap3A_262 : i32 to index
      %swap3A_264 = arith.constant 64 : index
      %swap3A_265 = tpu.vector_load %arg9[%swap3A_263, %swap3A_264] {strides = array<i32>} : memref<16x128xf32, #tpu.memory_space<vmem>>, vector<16xf32>,
      tpu.vector_store %arg9[%swap3A_263, %swap3A_264], %get3A_261 {strides = array<i32>} : memref<16x128xf32, #tpu.memory_space<vmem>>, vector<16xf32>,
      %get3A_266 = arith.constant 29 : i32
      %get3A_267 = arith.index_cast %get3A_266 : i32 to index
      %get3A_268 = arith.constant 0 : index
      %get3A_269 = tpu.vector_load %arg8[%get3A_267, %get3A_268] {strides = array<i32>} : memref<128x16xf32, #tpu.memory_space<vmem>>, vector<16xf32>,
      %swap3A_270 = arith.constant 3 : i32
      %swap3A_271 = arith.index_cast %swap3A_270 : i32 to index
      %swap3A_272 = arith.constant 80 : index
      %swap3A_273 = tpu.vector_load %arg9[%swap3A_271, %swap3A_272] {strides = array<i32>} : memref<16x128xf32, #tpu.memory_space<vmem>>, vector<16xf32>,
      tpu.vector_store %arg9[%swap3A_271, %swap3A_272], %get3A_269 {strides = array<i32>} : memref<16x128xf32, #tpu.memory_space<vmem>>, vector<16xf32>,
      %get3A_274 = arith.constant 30 : i32
      %get3A_275 = arith.index_cast %get3A_274 : i32 to index
      %get3A_276 = arith.constant 0 : index
      %get3A_277 = tpu.vector_load %arg8[%get3A_275, %get3A_276] {strides = array<i32>} : memref<128x16xf32, #tpu.memory_space<vmem>>, vector<16xf32>,
      %swap3A_278 = arith.constant 3 : i32
      %swap3A_279 = arith.index_cast %swap3A_278 : i32 to index
      %swap3A_280 = arith.constant 96 : index
      %swap3A_281 = tpu.vector_load %arg9[%swap3A_279, %swap3A_280] {strides = array<i32>} : memref<16x128xf32, #tpu.memory_space<vmem>>, vector<16xf32>,
      tpu.vector_store %arg9[%swap3A_279, %swap3A_280], %get3A_277 {strides = array<i32>} : memref<16x128xf32, #tpu.memory_space<vmem>>, vector<16xf32>,
      %get3A_282 = arith.constant 31 : i32
      %get3A_283 = arith.index_cast %get3A_282 : i32 to index
      %get3A_284 = arith.constant 0 : index
      %get3A_285 = tpu.vector_load %arg8[%get3A_283, %get3A_284] {strides = array<i32>} : memref<128x16xf32, #tpu.memory_space<vmem>>, vector<16xf32>,
      %swap3A_286 = arith.constant 3 : i32
      %swap3A_287 = arith.index_cast %swap3A_286 : i32 to index
      %swap3A_288 = arith.constant 112 : index
      %swap3A_289 = tpu.vector_load %arg9[%swap3A_287, %swap3A_288] {strides = array<i32>} : memref<16x128xf32, #tpu.memory_space<vmem>>, vector<16xf32>,
      tpu.vector_store %arg9[%swap3A_287, %swap3A_288], %get3A_285 {strides = array<i32>} : memref<16x128xf32, #tpu.memory_space<vmem>>, vector<16xf32>,
      %get3A_290 = arith.constant 32 : i32
      %get3A_291 = arith.index_cast %get3A_290 : i32 to index
      %get3A_292 = arith.constant 0 : index
      %get3A_293 = tpu.vector_load %arg8[%get3A_291, %get3A_292] {strides = array<i32>} : memref<128x16xf32, #tpu.memory_space<vmem>>, vector<16xf32>,
      %swap3A_294 = arith.constant 4 : i32
      %swap3A_295 = arith.index_cast %swap3A_294 : i32 to index
      %swap3A_296 = arith.constant 0 : index
      %swap3A_297 = tpu.vector_load %arg9[%swap3A_295, %swap3A_296] {strides = array<i32>} : memref<16x128xf32, #tpu.memory_space<vmem>>, vector<16xf32>,
      tpu.vector_store %arg9[%swap3A_295, %swap3A_296], %get3A_293 {strides = array<i32>} : memref<16x128xf32, #tpu.memory_space<vmem>>, vector<16xf32>,
      %get3A_298 = arith.constant 33 : i32
      %get3A_299 = arith.index_cast %get3A_298 : i32 to index
      %get3A_300 = arith.constant 0 : index
      %get3A_301 = tpu.vector_load %arg8[%get3A_299, %get3A_300] {strides = array<i32>} : memref<128x16xf32, #tpu.memory_space<vmem>>, vector<16xf32>,
      %swap3A_302 = arith.constant 4 : i32
      %swap3A_303 = arith.index_cast %swap3A_302 : i32 to index
      %swap3A_304 = arith.constant 16 : index
      %swap3A_305 = tpu.vector_load %arg9[%swap3A_303, %swap3A_304] {strides = array<i32>} : memref<16x128xf32, #tpu.memory_space<vmem>>, vector<16xf32>,
      tpu.vector_store %arg9[%swap3A_303, %swap3A_304], %get3A_301 {strides = array<i32>} : memref<16x128xf32, #tpu.memory_space<vmem>>, vector<16xf32>,
      %get3A_306 = arith.constant 34 : i32
      %get3A_307 = arith.index_cast %get3A_306 : i32 to index
      %get3A_308 = arith.constant 0 : index
      %get3A_309 = tpu.vector_load %arg8[%get3A_307, %get3A_308] {strides = array<i32>} : memref<128x16xf32, #tpu.memory_space<vmem>>, vector<16xf32>,
      %swap3A_310 = arith.constant 4 : i32
      %swap3A_311 = arith.index_cast %swap3A_310 : i32 to index
      %swap3A_312 = arith.constant 32 : index
      %swap3A_313 = tpu.vector_load %arg9[%swap3A_311, %swap3A_312] {strides = array<i32>} : memref<16x128xf32, #tpu.memory_space<vmem>>, vector<16xf32>,
      tpu.vector_store %arg9[%swap3A_311, %swap3A_312], %get3A_309 {strides = array<i32>} : memref<16x128xf32, #tpu.memory_space<vmem>>, vector<16xf32>,
      %get3A_314 = arith.constant 35 : i32
      %get3A_315 = arith.index_cast %get3A_314 : i32 to index
      %get3A_316 = arith.constant 0 : index
      %get3A_317 = tpu.vector_load %arg8[%get3A_315, %get3A_316] {strides = array<i32>} : memref<128x16xf32, #tpu.memory_space<vmem>>, vector<16xf32>,
      %swap3A_318 = arith.constant 4 : i32
      %swap3A_319 = arith.index_cast %swap3A_318 : i32 to index
      %swap3A_320 = arith.constant 48 : index
      %swap3A_321 = tpu.vector_load %arg9[%swap3A_319, %swap3A_320] {strides = array<i32>} : memref<16x128xf32, #tpu.memory_space<vmem>>, vector<16xf32>,
      tpu.vector_store %arg9[%swap3A_319, %swap3A_320], %get3A_317 {strides = array<i32>} : memref<16x128xf32, #tpu.memory_space<vmem>>, vector<16xf32>,
      %get3A_322 = arith.constant 36 : i32
      %get3A_323 = arith.index_cast %get3A_322 : i32 to index
      %get3A_324 = arith.constant 0 : index
      %get3A_325 = tpu.vector_load %arg8[%get3A_323, %get3A_324] {strides = array<i32>} : memref<128x16xf32, #tpu.memory_space<vmem>>, vector<16xf32>,
      %swap3A_326 = arith.constant 4 : i32
      %swap3A_327 = arith.index_cast %swap3A_326 : i32 to index
      %swap3A_328 = arith.constant 64 : index
      %swap3A_329 = tpu.vector_load %arg9[%swap3A_327, %swap3A_328] {strides = array<i32>} : memref<16x128xf32, #tpu.memory_space<vmem>>, vector<16xf32>,
      tpu.vector_store %arg9[%swap3A_327, %swap3A_328], %get3A_325 {strides = array<i32>} : memref<16x128xf32, #tpu.memory_space<vmem>>, vector<16xf32>,
      %get3A_330 = arith.constant 37 : i32
      %get3A_331 = arith.index_cast %get3A_330 : i32 to index
      %get3A_332 = arith.constant 0 : index
      %get3A_333 = tpu.vector_load %arg8[%get3A_331, %get3A_332] {strides = array<i32>} : memref<128x16xf32, #tpu.memory_space<vmem>>, vector<16xf32>,
      %swap3A_334 = arith.constant 4 : i32
      %swap3A_335 = arith.index_cast %swap3A_334 : i32 to index
      %swap3A_336 = arith.constant 80 : index
      %swap3A_337 = tpu.vector_load %arg9[%swap3A_335, %swap3A_336] {strides = array<i32>} : memref<16x128xf32, #tpu.memory_space<vmem>>, vector<16xf32>,
      tpu.vector_store %arg9[%swap3A_335, %swap3A_336], %get3A_333 {strides = array<i32>} : memref<16x128xf32, #tpu.memory_space<vmem>>, vector<16xf32>,
      %get3A_338 = arith.constant 38 : i32
      %get3A_339 = arith.index_cast %get3A_338 : i32 to index
      %get3A_340 = arith.constant 0 : index
      %get3A_341 = tpu.vector_load %arg8[%get3A_339, %get3A_340] {strides = array<i32>} : memref<128x16xf32, #tpu.memory_space<vmem>>, vector<16xf32>,
      %swap3A_342 = arith.constant 4 : i32
      %swap3A_343 = arith.index_cast %swap3A_342 : i32 to index
      %swap3A_344 = arith.constant 96 : index
      %swap3A_345 = tpu.vector_load %arg9[%swap3A_343, %swap3A_344] {strides = array<i32>} : memref<16x128xf32, #tpu.memory_space<vmem>>, vector<16xf32>,
      tpu.vector_store %arg9[%swap3A_343, %swap3A_344], %get3A_341 {strides = array<i32>} : memref<16x128xf32, #tpu.memory_space<vmem>>, vector<16xf32>,
      %get3A_346 = arith.constant 39 : i32
      %get3A_347 = arith.index_cast %get3A_346 : i32 to index
      %get3A_348 = arith.constant 0 : index
      %get3A_349 = tpu.vector_load %arg8[%get3A_347, %get3A_348] {strides = array<i32>} : memref<128x16xf32, #tpu.memory_space<vmem>>, vector<16xf32>,
      %swap3A_350 = arith.constant 4 : i32
      %swap3A_351 = arith.index_cast %swap3A_350 : i32 to index
      %swap3A_352 = arith.constant 112 : index
      %swap3A_353 = tpu.vector_load %arg9[%swap3A_351, %swap3A_352] {strides = array<i32>} : memref<16x128xf32, #tpu.memory_space<vmem>>, vector<16xf32>,
      tpu.vector_store %arg9[%swap3A_351, %swap3A_352], %get3A_349 {strides = array<i32>} : memref<16x128xf32, #tpu.memory_space<vmem>>, vector<16xf32>,
      %get3A_354 = arith.constant 40 : i32
      %get3A_355 = arith.index_cast %get3A_354 : i32 to index
      %get3A_356 = arith.constant 0 : index
      %get3A_357 = tpu.vector_load %arg8[%get3A_355, %get3A_356] {strides = array<i32>} : memref<128x16xf32, #tpu.memory_space<vmem>>, vector<16xf32>,
      %swap3A_358 = arith.constant 5 : i32
      %swap3A_359 = arith.index_cast %swap3A_358 : i32 to index
      %swap3A_360 = arith.constant 0 : index
      %swap3A_361 = tpu.vector_load %arg9[%swap3A_359, %swap3A_360] {strides = array<i32>} : memref<16x128xf32, #tpu.memory_space<vmem>>, vector<16xf32>,
      tpu.vector_store %arg9[%swap3A_359, %swap3A_360], %get3A_357 {strides = array<i32>} : memref<16x128xf32, #tpu.memory_space<vmem>>, vector<16xf32>,
      %get3A_362 = arith.constant 41 : i32
      %get3A_363 = arith.index_cast %get3A_362 : i32 to index
      %get3A_364 = arith.constant 0 : index
      %get3A_365 = tpu.vector_load %arg8[%get3A_363, %get3A_364] {strides = array<i32>} : memref<128x16xf32, #tpu.memory_space<vmem>>, vector<16xf32>,
      %swap3A_366 = arith.constant 5 : i32
      %swap3A_367 = arith.index_cast %swap3A_366 : i32 to index
      %swap3A_368 = arith.constant 16 : index
      %swap3A_369 = tpu.vector_load %arg9[%swap3A_367, %swap3A_368] {strides = array<i32>} : memref<16x128xf32, #tpu.memory_space<vmem>>, vector<16xf32>,
      tpu.vector_store %arg9[%swap3A_367, %swap3A_368], %get3A_365 {strides = array<i32>} : memref<16x128xf32, #tpu.memory_space<vmem>>, vector<16xf32>,
      %get3A_370 = arith.constant 42 : i32
      %get3A_371 = arith.index_cast %get3A_370 : i32 to index
      %get3A_372 = arith.constant 0 : index
      %get3A_373 = tpu.vector_load %arg8[%get3A_371, %get3A_372] {strides = array<i32>} : memref<128x16xf32, #tpu.memory_space<vmem>>, vector<16xf32>,
      %swap3A_374 = arith.constant 5 : i32
      %swap3A_375 = arith.index_cast %swap3A_374 : i32 to index
      %swap3A_376 = arith.constant 32 : index
      %swap3A_377 = tpu.vector_load %arg9[%swap3A_375, %swap3A_376] {strides = array<i32>} : memref<16x128xf32, #tpu.memory_space<vmem>>, vector<16xf32>,
      tpu.vector_store %arg9[%swap3A_375, %swap3A_376], %get3A_373 {strides = array<i32>} : memref<16x128xf32, #tpu.memory_space<vmem>>, vector<16xf32>,
      %get3A_378 = arith.constant 43 : i32
      %get3A_379 = arith.index_cast %get3A_378 : i32 to index
      %get3A_380 = arith.constant 0 : index
      %get3A_381 = tpu.vector_load %arg8[%get3A_379, %get3A_380] {strides = array<i32>} : memref<128x16xf32, #tpu.memory_space<vmem>>, vector<16xf32>,
      %swap3A_382 = arith.constant 5 : i32
      %swap3A_383 = arith.index_cast %swap3A_382 : i32 to index
      %swap3A_384 = arith.constant 48 : index
      %swap3A_385 = tpu.vector_load %arg9[%swap3A_383, %swap3A_384] {strides = array<i32>} : memref<16x128xf32, #tpu.memory_space<vmem>>, vector<16xf32>,
      tpu.vector_store %arg9[%swap3A_383, %swap3A_384], %get3A_381 {strides = array<i32>} : memref<16x128xf32, #tpu.memory_space<vmem>>, vector<16xf32>,
      %get3A_386 = arith.constant 44 : i32
      %get3A_387 = arith.index_cast %get3A_386 : i32 to index
      %get3A_388 = arith.constant 0 : index
      %get3A_389 = tpu.vector_load %arg8[%get3A_387, %get3A_388] {strides = array<i32>} : memref<128x16xf32, #tpu.memory_space<vmem>>, vector<16xf32>,
      %swap3A_390 = arith.constant 5 : i32
      %swap3A_391 = arith.index_cast %swap3A_390 : i32 to index
      %swap3A_392 = arith.constant 64 : index
      %swap3A_393 = tpu.vector_load %arg9[%swap3A_391, %swap3A_392] {strides = array<i32>} : memref<16x128xf32, #tpu.memory_space<vmem>>, vector<16xf32>,
      tpu.vector_store %arg9[%swap3A_391, %swap3A_392], %get3A_389 {strides = array<i32>} : memref<16x128xf32, #tpu.memory_space<vmem>>, vector<16xf32>,
      %get3A_394 = arith.constant 45 : i32
      %get3A_395 = arith.index_cast %get3A_394 : i32 to index
      %get3A_396 = arith.constant 0 : index
      %get3A_397 = tpu.vector_load %arg8[%get3A_395, %get3A_396] {strides = array<i32>} : memref<128x16xf32, #tpu.memory_space<vmem>>, vector<16xf32>,
      %swap3A_398 = arith.constant 5 : i32
      %swap3A_399 = arith.index_cast %swap3A_398 : i32 to index
      %swap3A_400 = arith.constant 80 : index
      %swap3A_401 = tpu.vector_load %arg9[%swap3A_399, %swap3A_400] {strides = array<i32>} : memref<16x128xf32, #tpu.memory_space<vmem>>, vector<16xf32>,
      tpu.vector_store %arg9[%swap3A_399, %swap3A_400], %get3A_397 {strides = array<i32>} : memref<16x128xf32, #tpu.memory_space<vmem>>, vector<16xf32>,
      %get3A_402 = arith.constant 46 : i32
      %get3A_403 = arith.index_cast %get3A_402 : i32 to index
      %get3A_404 = arith.constant 0 : index
      %get3A_405 = tpu.vector_load %arg8[%get3A_403, %get3A_404] {strides = array<i32>} : memref<128x16xf32, #tpu.memory_space<vmem>>, vector<16xf32>,
      %swap3A_406 = arith.constant 5 : i32
      %swap3A_407 = arith.index_cast %swap3A_406 : i32 to index
      %swap3A_408 = arith.constant 96 : index
      %swap3A_409 = tpu.vector_load %arg9[%swap3A_407, %swap3A_408] {strides = array<i32>} : memref<16x128xf32, #tpu.memory_space<vmem>>, vector<16xf32>,
      tpu.vector_store %arg9[%swap3A_407, %swap3A_408], %get3A_405 {strides = array<i32>} : memref<16x128xf32, #tpu.memory_space<vmem>>, vector<16xf32>,
      %get3A_410 = arith.constant 47 : i32
      %get3A_411 = arith.index_cast %get3A_410 : i32 to index
      %get3A_412 = arith.constant 0 : index
      %get3A_413 = tpu.vector_load %arg8[%get3A_411, %get3A_412] {strides = array<i32>} : memref<128x16xf32, #tpu.memory_space<vmem>>, vector<16xf32>,
      %swap3A_414 = arith.constant 5 : i32
      %swap3A_415 = arith.index_cast %swap3A_414 : i32 to index
      %swap3A_416 = arith.constant 112 : index
      %swap3A_417 = tpu.vector_load %arg9[%swap3A_415, %swap3A_416] {strides = array<i32>} : memref<16x128xf32, #tpu.memory_space<vmem>>, vector<16xf32>,
      tpu.vector_store %arg9[%swap3A_415, %swap3A_416], %get3A_413 {strides = array<i32>} : memref<16x128xf32, #tpu.memory_space<vmem>>, vector<16xf32>,
      %get3A_418 = arith.constant 48 : i32
      %get3A_419 = arith.index_cast %get3A_418 : i32 to index
      %get3A_420 = arith.constant 0 : index
      %get3A_421 = tpu.vector_load %arg8[%get3A_419, %get3A_420] {strides = array<i32>} : memref<128x16xf32, #tpu.memory_space<vmem>>, vector<16xf32>,
      %swap3A_422 = arith.constant 6 : i32
      %swap3A_423 = arith.index_cast %swap3A_422 : i32 to index
      %swap3A_424 = arith.constant 0 : index
      %swap3A_425 = tpu.vector_load %arg9[%swap3A_423, %swap3A_424] {strides = array<i32>} : memref<16x128xf32, #tpu.memory_space<vmem>>, vector<16xf32>,
      tpu.vector_store %arg9[%swap3A_423, %swap3A_424], %get3A_421 {strides = array<i32>} : memref<16x128xf32, #tpu.memory_space<vmem>>, vector<16xf32>,
      %get3A_426 = arith.constant 49 : i32
      %get3A_427 = arith.index_cast %get3A_426 : i32 to index
      %get3A_428 = arith.constant 0 : index
      %get3A_429 = tpu.vector_load %arg8[%get3A_427, %get3A_428] {strides = array<i32>} : memref<128x16xf32, #tpu.memory_space<vmem>>, vector<16xf32>,
      %swap3A_430 = arith.constant 6 : i32
      %swap3A_431 = arith.index_cast %swap3A_430 : i32 to index
      %swap3A_432 = arith.constant 16 : index
      %swap3A_433 = tpu.vector_load %arg9[%swap3A_431, %swap3A_432] {strides = array<i32>} : memref<16x128xf32, #tpu.memory_space<vmem>>, vector<16xf32>,
      tpu.vector_store %arg9[%swap3A_431, %swap3A_432], %get3A_429 {strides = array<i32>} : memref<16x128xf32, #tpu.memory_space<vmem>>, vector<16xf32>,
      %get3A_434 = arith.constant 50 : i32
      %get3A_435 = arith.index_cast %get3A_434 : i32 to index
      %get3A_436 = arith.constant 0 : index
      %get3A_437 = tpu.vector_load %arg8[%get3A_435, %get3A_436] {strides = array<i32>} : memref<128x16xf32, #tpu.memory_space<vmem>>, vector<16xf32>,
      %swap3A_438 = arith.constant 6 : i32
      %swap3A_439 = arith.index_cast %swap3A_438 : i32 to index
      %swap3A_440 = arith.constant 32 : index
      %swap3A_441 = tpu.vector_load %arg9[%swap3A_439, %swap3A_440] {strides = array<i32>} : memref<16x128xf32, #tpu.memory_space<vmem>>, vector<16xf32>,
      tpu.vector_store %arg9[%swap3A_439, %swap3A_440], %get3A_437 {strides = array<i32>} : memref<16x128xf32, #tpu.memory_space<vmem>>, vector<16xf32>,
      %get3A_442 = arith.constant 51 : i32
      %get3A_443 = arith.index_cast %get3A_442 : i32 to index
      %get3A_444 = arith.constant 0 : index
      %get3A_445 = tpu.vector_load %arg8[%get3A_443, %get3A_444] {strides = array<i32>} : memref<128x16xf32, #tpu.memory_space<vmem>>, vector<16xf32>,
      %swap3A_446 = arith.constant 6 : i32
      %swap3A_447 = arith.index_cast %swap3A_446 : i32 to index
      %swap3A_448 = arith.constant 48 : index
      %swap3A_449 = tpu.vector_load %arg9[%swap3A_447, %swap3A_448] {strides = array<i32>} : memref<16x128xf32, #tpu.memory_space<vmem>>, vector<16xf32>,
      tpu.vector_store %arg9[%swap3A_447, %swap3A_448], %get3A_445 {strides = array<i32>} : memref<16x128xf32, #tpu.memory_space<vmem>>, vector<16xf32>,
      %get3A_450 = arith.constant 52 : i32
      %get3A_451 = arith.index_cast %get3A_450 : i32 to index
      %get3A_452 = arith.constant 0 : index
      %get3A_453 = tpu.vector_load %arg8[%get3A_451, %get3A_452] {strides = array<i32>} : memref<128x16xf32, #tpu.memory_space<vmem>>, vector<16xf32>,
      %swap3A_454 = arith.constant 6 : i32
      %swap3A_455 = arith.index_cast %swap3A_454 : i32 to index
      %swap3A_456 = arith.constant 64 : index
      %swap3A_457 = tpu.vector_load %arg9[%swap3A_455, %swap3A_456] {strides = array<i32>} : memref<16x128xf32, #tpu.memory_space<vmem>>, vector<16xf32>,
      tpu.vector_store %arg9[%swap3A_455, %swap3A_456], %get3A_453 {strides = array<i32>} : memref<16x128xf32, #tpu.memory_space<vmem>>, vector<16xf32>,
      %get3A_458 = arith.constant 53 : i32
      %get3A_459 = arith.index_cast %get3A_458 : i32 to index
      %get3A_460 = arith.constant 0 : index
      %get3A_461 = tpu.vector_load %arg8[%get3A_459, %get3A_460] {strides = array<i32>} : memref<128x16xf32, #tpu.memory_space<vmem>>, vector<16xf32>,
      %swap3A_462 = arith.constant 6 : i32
      %swap3A_463 = arith.index_cast %swap3A_462 : i32 to index
      %swap3A_464 = arith.constant 80 : index
      %swap3A_465 = tpu.vector_load %arg9[%swap3A_463, %swap3A_464] {strides = array<i32>} : memref<16x128xf32, #tpu.memory_space<vmem>>, vector<16xf32>,
      tpu.vector_store %arg9[%swap3A_463, %swap3A_464], %get3A_461 {strides = array<i32>} : memref<16x128xf32, #tpu.memory_space<vmem>>, vector<16xf32>,
      %get3A_466 = arith.constant 54 : i32
      %get3A_467 = arith.index_cast %get3A_466 : i32 to index
      %get3A_468 = arith.constant 0 : index
      %get3A_469 = tpu.vector_load %arg8[%get3A_467, %get3A_468] {strides = array<i32>} : memref<128x16xf32, #tpu.memory_space<vmem>>, vector<16xf32>,
      %swap3A_470 = arith.constant 6 : i32
      %swap3A_471 = arith.index_cast %swap3A_470 : i32 to index
      %swap3A_472 = arith.constant 96 : index
      %swap3A_473 = tpu.vector_load %arg9[%swap3A_471, %swap3A_472] {strides = array<i32>} : memref<16x128xf32, #tpu.memory_space<vmem>>, vector<16xf32>,
      tpu.vector_store %arg9[%swap3A_471, %swap3A_472], %get3A_469 {strides = array<i32>} : memref<16x128xf32, #tpu.memory_space<vmem>>, vector<16xf32>,
      %get3A_474 = arith.constant 55 : i32
      %get3A_475 = arith.index_cast %get3A_474 : i32 to index
      %get3A_476 = arith.constant 0 : index
      %get3A_477 = tpu.vector_load %arg8[%get3A_475, %get3A_476] {strides = array<i32>} : memref<128x16xf32, #tpu.memory_space<vmem>>, vector<16xf32>,
      %swap3A_478 = arith.constant 6 : i32
      %swap3A_479 = arith.index_cast %swap3A_478 : i32 to index
      %swap3A_480 = arith.constant 112 : index
      %swap3A_481 = tpu.vector_load %arg9[%swap3A_479, %swap3A_480] {strides = array<i32>} : memref<16x128xf32, #tpu.memory_space<vmem>>, vector<16xf32>,
      tpu.vector_store %arg9[%swap3A_479, %swap3A_480], %get3A_477 {strides = array<i32>} : memref<16x128xf32, #tpu.memory_space<vmem>>, vector<16xf32>,
      %get3A_482 = arith.constant 56 : i32
      %get3A_483 = arith.index_cast %get3A_482 : i32 to index
      %get3A_484 = arith.constant 0 : index
      %get3A_485 = tpu.vector_load %arg8[%get3A_483, %get3A_484] {strides = array<i32>} : memref<128x16xf32, #tpu.memory_space<vmem>>, vector<16xf32>,
      %swap3A_486 = arith.constant 7 : i32
      %swap3A_487 = arith.index_cast %swap3A_486 : i32 to index
      %swap3A_488 = arith.constant 0 : index
      %swap3A_489 = tpu.vector_load %arg9[%swap3A_487, %swap3A_488] {strides = array<i32>} : memref<16x128xf32, #tpu.memory_space<vmem>>, vector<16xf32>,
      tpu.vector_store %arg9[%swap3A_487, %swap3A_488], %get3A_485 {strides = array<i32>} : memref<16x128xf32, #tpu.memory_space<vmem>>, vector<16xf32>,
      %get3A_490 = arith.constant 57 : i32
      %get3A_491 = arith.index_cast %get3A_490 : i32 to index
      %get3A_492 = arith.constant 0 : index
      %get3A_493 = tpu.vector_load %arg8[%get3A_491, %get3A_492] {strides = array<i32>} : memref<128x16xf32, #tpu.memory_space<vmem>>, vector<16xf32>,
      %swap3A_494 = arith.constant 7 : i32
      %swap3A_495 = arith.index_cast %swap3A_494 : i32 to index
      %swap3A_496 = arith.constant 16 : index
      %swap3A_497 = tpu.vector_load %arg9[%swap3A_495, %swap3A_496] {strides = array<i32>} : memref<16x128xf32, #tpu.memory_space<vmem>>, vector<16xf32>,
      tpu.vector_store %arg9[%swap3A_495, %swap3A_496], %get3A_493 {strides = array<i32>} : memref<16x128xf32, #tpu.memory_space<vmem>>, vector<16xf32>,
      %get3A_498 = arith.constant 58 : i32
      %get3A_499 = arith.index_cast %get3A_498 : i32 to index
      %get3A_500 = arith.constant 0 : index
      %get3A_501 = tpu.vector_load %arg8[%get3A_499, %get3A_500] {strides = array<i32>} : memref<128x16xf32, #tpu.memory_space<vmem>>, vector<16xf32>,
      %swap3A_502 = arith.constant 7 : i32
      %swap3A_503 = arith.index_cast %swap3A_502 : i32 to index
      %swap3A_504 = arith.constant 32 : index
      %swap3A_505 = tpu.vector_load %arg9[%swap3A_503, %swap3A_504] {strides = array<i32>} : memref<16x128xf32, #tpu.memory_space<vmem>>, vector<16xf32>,
      tpu.vector_store %arg9[%swap3A_503, %swap3A_504], %get3A_501 {strides = array<i32>} : memref<16x128xf32, #tpu.memory_space<vmem>>, vector<16xf32>,
      %get3A_506 = arith.constant 59 : i32
      %get3A_507 = arith.index_cast %get3A_506 : i32 to index
      %get3A_508 = arith.constant 0 : index
      %get3A_509 = tpu.vector_load %arg8[%get3A_507, %get3A_508] {strides = array<i32>} : memref<128x16xf32, #tpu.memory_space<vmem>>, vector<16xf32>,
      %swap3A_510 = arith.constant 7 : i32
      %swap3A_511 = arith.index_cast %swap3A_510 : i32 to index
      %swap3A_512 = arith.constant 48 : index
      %swap3A_513 = tpu.vector_load %arg9[%swap3A_511, %swap3A_512] {strides = array<i32>} : memref<16x128xf32, #tpu.memory_space<vmem>>, vector<16xf32>,
      tpu.vector_store %arg9[%swap3A_511, %swap3A_512], %get3A_509 {strides = array<i32>} : memref<16x128xf32, #tpu.memory_space<vmem>>, vector<16xf32>,
      %get3A_514 = arith.constant 60 : i32
      %get3A_515 = arith.index_cast %get3A_514 : i32 to index
      %get3A_516 = arith.constant 0 : index
      %get3A_517 = tpu.vector_load %arg8[%get3A_515, %get3A_516] {strides = array<i32>} : memref<128x16xf32, #tpu.memory_space<vmem>>, vector<16xf32>,
      %swap3A_518 = arith.constant 7 : i32
      %swap3A_519 = arith.index_cast %swap3A_518 : i32 to index
      %swap3A_520 = arith.constant 64 : index
      %swap3A_521 = tpu.vector_load %arg9[%swap3A_519, %swap3A_520] {strides = array<i32>} : memref<16x128xf32, #tpu.memory_space<vmem>>, vector<16xf32>,
      tpu.vector_store %arg9[%swap3A_519, %swap3A_520], %get3A_517 {strides = array<i32>} : memref<16x128xf32, #tpu.memory_space<vmem>>, vector<16xf32>,
      %get3A_522 = arith.constant 61 : i32
      %get3A_523 = arith.index_cast %get3A_522 : i32 to index
      %get3A_524 = arith.constant 0 : index
      %get3A_525 = tpu.vector_load %arg8[%get3A_523, %get3A_524] {strides = array<i32>} : memref<128x16xf32, #tpu.memory_space<vmem>>, vector<16xf32>,
      %swap3A_526 = arith.constant 7 : i32
      %swap3A_527 = arith.index_cast %swap3A_526 : i32 to index
      %swap3A_528 = arith.constant 80 : index
      %swap3A_529 = tpu.vector_load %arg9[%swap3A_527, %swap3A_528] {strides = array<i32>} : memref<16x128xf32, #tpu.memory_space<vmem>>, vector<16xf32>,
      tpu.vector_store %arg9[%swap3A_527, %swap3A_528], %get3A_525 {strides = array<i32>} : memref<16x128xf32, #tpu.memory_space<vmem>>, vector<16xf32>,
      %get3A_530 = arith.constant 62 : i32
      %get3A_531 = arith.index_cast %get3A_530 : i32 to index
      %get3A_532 = arith.constant 0 : index
      %get3A_533 = tpu.vector_load %arg8[%get3A_531, %get3A_532] {strides = array<i32>} : memref<128x16xf32, #tpu.memory_space<vmem>>, vector<16xf32>,
      %swap3A_534 = arith.constant 7 : i32
      %swap3A_535 = arith.index_cast %swap3A_534 : i32 to index
      %swap3A_536 = arith.constant 96 : index
      %swap3A_537 = tpu.vector_load %arg9[%swap3A_535, %swap3A_536] {strides = array<i32>} : memref<16x128xf32, #tpu.memory_space<vmem>>, vector<16xf32>,
      tpu.vector_store %arg9[%swap3A_535, %swap3A_536], %get3A_533 {strides = array<i32>} : memref<16x128xf32, #tpu.memory_space<vmem>>, vector<16xf32>,
      %get3A_538 = arith.constant 63 : i32
      %get3A_539 = arith.index_cast %get3A_538 : i32 to index
      %get3A_540 = arith.constant 0 : index
      %get3A_541 = tpu.vector_load %arg8[%get3A_539, %get3A_540] {strides = array<i32>} : memref<128x16xf32, #tpu.memory_space<vmem>>, vector<16xf32>,
      %swap3A_542 = arith.constant 7 : i32
      %swap3A_543 = arith.index_cast %swap3A_542 : i32 to index
      %swap3A_544 = arith.constant 112 : index
      %swap3A_545 = tpu.vector_load %arg9[%swap3A_543, %swap3A_544] {strides = array<i32>} : memref<16x128xf32, #tpu.memory_space<vmem>>, vector<16xf32>,
      tpu.vector_store %arg9[%swap3A_543, %swap3A_544], %get3A_541 {strides = array<i32>} : memref<16x128xf32, #tpu.memory_space<vmem>>, vector<16xf32>,
      %get3A_546 = arith.constant 64 : i32
      %get3A_547 = arith.index_cast %get3A_546 : i32 to index
      %get3A_548 = arith.constant 0 : index
      %get3A_549 = tpu.vector_load %arg8[%get3A_547, %get3A_548] {strides = array<i32>} : memref<128x16xf32, #tpu.memory_space<vmem>>, vector<16xf32>,
      %swap3A_550 = arith.constant 8 : i32
      %swap3A_551 = arith.index_cast %swap3A_550 : i32 to index
      %swap3A_552 = arith.constant 0 : index
      %swap3A_553 = tpu.vector_load %arg9[%swap3A_551, %swap3A_552] {strides = array<i32>} : memref<16x128xf32, #tpu.memory_space<vmem>>, vector<16xf32>,
      tpu.vector_store %arg9[%swap3A_551, %swap3A_552], %get3A_549 {strides = array<i32>} : memref<16x128xf32, #tpu.memory_space<vmem>>, vector<16xf32>,
      %get3A_554 = arith.constant 65 : i32
      %get3A_555 = arith.index_cast %get3A_554 : i32 to index
      %get3A_556 = arith.constant 0 : index
      %get3A_557 = tpu.vector_load %arg8[%get3A_555, %get3A_556] {strides = array<i32>} : memref<128x16xf32, #tpu.memory_space<vmem>>, vector<16xf32>,
      %swap3A_558 = arith.constant 8 : i32
      %swap3A_559 = arith.index_cast %swap3A_558 : i32 to index
      %swap3A_560 = arith.constant 16 : index
      %swap3A_561 = tpu.vector_load %arg9[%swap3A_559, %swap3A_560] {strides = array<i32>} : memref<16x128xf32, #tpu.memory_space<vmem>>, vector<16xf32>,
      tpu.vector_store %arg9[%swap3A_559, %swap3A_560], %get3A_557 {strides = array<i32>} : memref<16x128xf32, #tpu.memory_space<vmem>>, vector<16xf32>,
      %get3A_562 = arith.constant 66 : i32
      %get3A_563 = arith.index_cast %get3A_562 : i32 to index
      %get3A_564 = arith.constant 0 : index
      %get3A_565 = tpu.vector_load %arg8[%get3A_563, %get3A_564] {strides = array<i32>} : memref<128x16xf32, #tpu.memory_space<vmem>>, vector<16xf32>,
      %swap3A_566 = arith.constant 8 : i32
      %swap3A_567 = arith.index_cast %swap3A_566 : i32 to index
      %swap3A_568 = arith.constant 32 : index
      %swap3A_569 = tpu.vector_load %arg9[%swap3A_567, %swap3A_568] {strides = array<i32>} : memref<16x128xf32, #tpu.memory_space<vmem>>, vector<16xf32>,
      tpu.vector_store %arg9[%swap3A_567, %swap3A_568], %get3A_565 {strides = array<i32>} : memref<16x128xf32, #tpu.memory_space<vmem>>, vector<16xf32>,
      %get3A_570 = arith.constant 67 : i32
      %get3A_571 = arith.index_cast %get3A_570 : i32 to index
      %get3A_572 = arith.constant 0 : index
      %get3A_573 = tpu.vector_load %arg8[%get3A_571, %get3A_572] {strides = array<i32>} : memref<128x16xf32, #tpu.memory_space<vmem>>, vector<16xf32>,
      %swap3A_574 = arith.constant 8 : i32
      %swap3A_575 = arith.index_cast %swap3A_574 : i32 to index
      %swap3A_576 = arith.constant 48 : index
      %swap3A_577 = tpu.vector_load %arg9[%swap3A_575, %swap3A_576] {strides = array<i32>} : memref<16x128xf32, #tpu.memory_space<vmem>>, vector<16xf32>,
      tpu.vector_store %arg9[%swap3A_575, %swap3A_576], %get3A_573 {strides = array<i32>} : memref<16x128xf32, #tpu.memory_space<vmem>>, vector<16xf32>,
      %get3A_578 = arith.constant 68 : i32
      %get3A_579 = arith.index_cast %get3A_578 : i32 to index
      %get3A_580 = arith.constant 0 : index
      %get3A_581 = tpu.vector_load %arg8[%get3A_579, %get3A_580] {strides = array<i32>} : memref<128x16xf32, #tpu.memory_space<vmem>>, vector<16xf32>,
      %swap3A_582 = arith.constant 8 : i32
      %swap3A_583 = arith.index_cast %swap3A_582 : i32 to index
      %swap3A_584 = arith.constant 64 : index
      %swap3A_585 = tpu.vector_load %arg9[%swap3A_583, %swap3A_584] {strides = array<i32>} : memref<16x128xf32, #tpu.memory_space<vmem>>, vector<16xf32>,
      tpu.vector_store %arg9[%swap3A_583, %swap3A_584], %get3A_581 {strides = array<i32>} : memref<16x128xf32, #tpu.memory_space<vmem>>, vector<16xf32>,
      %get3A_586 = arith.constant 69 : i32
      %get3A_587 = arith.index_cast %get3A_586 : i32 to index
      %get3A_588 = arith.constant 0 : index
      %get3A_589 = tpu.vector_load %arg8[%get3A_587, %get3A_588] {strides = array<i32>} : memref<128x16xf32, #tpu.memory_space<vmem>>, vector<16xf32>,
      %swap3A_590 = arith.constant 8 : i32
      %swap3A_591 = arith.index_cast %swap3A_590 : i32 to index
      %swap3A_592 = arith.constant 80 : index
      %swap3A_593 = tpu.vector_load %arg9[%swap3A_591, %swap3A_592] {strides = array<i32>} : memref<16x128xf32, #tpu.memory_space<vmem>>, vector<16xf32>,
      tpu.vector_store %arg9[%swap3A_591, %swap3A_592], %get3A_589 {strides = array<i32>} : memref<16x128xf32, #tpu.memory_space<vmem>>, vector<16xf32>,
      %get3A_594 = arith.constant 70 : i32
      %get3A_595 = arith.index_cast %get3A_594 : i32 to index
      %get3A_596 = arith.constant 0 : index
      %get3A_597 = tpu.vector_load %arg8[%get3A_595, %get3A_596] {strides = array<i32>} : memref<128x16xf32, #tpu.memory_space<vmem>>, vector<16xf32>,
      %swap3A_598 = arith.constant 8 : i32
      %swap3A_599 = arith.index_cast %swap3A_598 : i32 to index
      %swap3A_600 = arith.constant 96 : index
      %swap3A_601 = tpu.vector_load %arg9[%swap3A_599, %swap3A_600] {strides = array<i32>} : memref<16x128xf32, #tpu.memory_space<vmem>>, vector<16xf32>,
      tpu.vector_store %arg9[%swap3A_599, %swap3A_600], %get3A_597 {strides = array<i32>} : memref<16x128xf32, #tpu.memory_space<vmem>>, vector<16xf32>,
      %get3A_602 = arith.constant 71 : i32
      %get3A_603 = arith.index_cast %get3A_602 : i32 to index
      %get3A_604 = arith.constant 0 : index
      %get3A_605 = tpu.vector_load %arg8[%get3A_603, %get3A_604] {strides = array<i32>} : memref<128x16xf32, #tpu.memory_space<vmem>>, vector<16xf32>,
      %swap3A_606 = arith.constant 8 : i32
      %swap3A_607 = arith.index_cast %swap3A_606 : i32 to index
      %swap3A_608 = arith.constant 112 : index
      %swap3A_609 = tpu.vector_load %arg9[%swap3A_607, %swap3A_608] {strides = array<i32>} : memref<16x128xf32, #tpu.memory_space<vmem>>, vector<16xf32>,
      tpu.vector_store %arg9[%swap3A_607, %swap3A_608], %get3A_605 {strides = array<i32>} : memref<16x128xf32, #tpu.memory_space<vmem>>, vector<16xf32>,
      %get3A_610 = arith.constant 72 : i32
      %get3A_611 = arith.index_cast %get3A_610 : i32 to index
      %get3A_612 = arith.constant 0 : index
      %get3A_613 = tpu.vector_load %arg8[%get3A_611, %get3A_612] {strides = array<i32>} : memref<128x16xf32, #tpu.memory_space<vmem>>, vector<16xf32>,
      %swap3A_614 = arith.constant 9 : i32
      %swap3A_615 = arith.index_cast %swap3A_614 : i32 to index
      %swap3A_616 = arith.constant 0 : index
      %swap3A_617 = tpu.vector_load %arg9[%swap3A_615, %swap3A_616] {strides = array<i32>} : memref<16x128xf32, #tpu.memory_space<vmem>>, vector<16xf32>,
      tpu.vector_store %arg9[%swap3A_615, %swap3A_616], %get3A_613 {strides = array<i32>} : memref<16x128xf32, #tpu.memory_space<vmem>>, vector<16xf32>,
      %get3A_618 = arith.constant 73 : i32
      %get3A_619 = arith.index_cast %get3A_618 : i32 to index
      %get3A_620 = arith.constant 0 : index
      %get3A_621 = tpu.vector_load %arg8[%get3A_619, %get3A_620] {strides = array<i32>} : memref<128x16xf32, #tpu.memory_space<vmem>>, vector<16xf32>,
      %swap3A_622 = arith.constant 9 : i32
      %swap3A_623 = arith.index_cast %swap3A_622 : i32 to index
      %swap3A_624 = arith.constant 16 : index
      %swap3A_625 = tpu.vector_load %arg9[%swap3A_623, %swap3A_624] {strides = array<i32>} : memref<16x128xf32, #tpu.memory_space<vmem>>, vector<16xf32>,
      tpu.vector_store %arg9[%swap3A_623, %swap3A_624], %get3A_621 {strides = array<i32>} : memref<16x128xf32, #tpu.memory_space<vmem>>, vector<16xf32>,
      %get3A_626 = arith.constant 74 : i32
      %get3A_627 = arith.index_cast %get3A_626 : i32 to index
      %get3A_628 = arith.constant 0 : index
      %get3A_629 = tpu.vector_load %arg8[%get3A_627, %get3A_628] {strides = array<i32>} : memref<128x16xf32, #tpu.memory_space<vmem>>, vector<16xf32>,
      %swap3A_630 = arith.constant 9 : i32
      %swap3A_631 = arith.index_cast %swap3A_630 : i32 to index
      %swap3A_632 = arith.constant 32 : index
      %swap3A_633 = tpu.vector_load %arg9[%swap3A_631, %swap3A_632] {strides = array<i32>} : memref<16x128xf32, #tpu.memory_space<vmem>>, vector<16xf32>,
      tpu.vector_store %arg9[%swap3A_631, %swap3A_632], %get3A_629 {strides = array<i32>} : memref<16x128xf32, #tpu.memory_space<vmem>>, vector<16xf32>,
      %get3A_634 = arith.constant 75 : i32
      %get3A_635 = arith.index_cast %get3A_634 : i32 to index
      %get3A_636 = arith.constant 0 : index
      %get3A_637 = tpu.vector_load %arg8[%get3A_635, %get3A_636] {strides = array<i32>} : memref<128x16xf32, #tpu.memory_space<vmem>>, vector<16xf32>,
      %swap3A_638 = arith.constant 9 : i32
      %swap3A_639 = arith.index_cast %swap3A_638 : i32 to index
      %swap3A_640 = arith.constant 48 : index
      %swap3A_641 = tpu.vector_load %arg9[%swap3A_639, %swap3A_640] {strides = array<i32>} : memref<16x128xf32, #tpu.memory_space<vmem>>, vector<16xf32>,
      tpu.vector_store %arg9[%swap3A_639, %swap3A_640], %get3A_637 {strides = array<i32>} : memref<16x128xf32, #tpu.memory_space<vmem>>, vector<16xf32>,
      %get3A_642 = arith.constant 76 : i32
      %get3A_643 = arith.index_cast %get3A_642 : i32 to index
      %get3A_644 = arith.constant 0 : index
      %get3A_645 = tpu.vector_load %arg8[%get3A_643, %get3A_644] {strides = array<i32>} : memref<128x16xf32, #tpu.memory_space<vmem>>, vector<16xf32>,
      %swap3A_646 = arith.constant 9 : i32
      %swap3A_647 = arith.index_cast %swap3A_646 : i32 to index
      %swap3A_648 = arith.constant 64 : index
      %swap3A_649 = tpu.vector_load %arg9[%swap3A_647, %swap3A_648] {strides = array<i32>} : memref<16x128xf32, #tpu.memory_space<vmem>>, vector<16xf32>,
      tpu.vector_store %arg9[%swap3A_647, %swap3A_648], %get3A_645 {strides = array<i32>} : memref<16x128xf32, #tpu.memory_space<vmem>>, vector<16xf32>,
      %get3A_650 = arith.constant 77 : i32
      %get3A_651 = arith.index_cast %get3A_650 : i32 to index
      %get3A_652 = arith.constant 0 : index
      %get3A_653 = tpu.vector_load %arg8[%get3A_651, %get3A_652] {strides = array<i32>} : memref<128x16xf32, #tpu.memory_space<vmem>>, vector<16xf32>,
      %swap3A_654 = arith.constant 9 : i32
      %swap3A_655 = arith.index_cast %swap3A_654 : i32 to index
      %swap3A_656 = arith.constant 80 : index
      %swap3A_657 = tpu.vector_load %arg9[%swap3A_655, %swap3A_656] {strides = array<i32>} : memref<16x128xf32, #tpu.memory_space<vmem>>, vector<16xf32>,
      tpu.vector_store %arg9[%swap3A_655, %swap3A_656], %get3A_653 {strides = array<i32>} : memref<16x128xf32, #tpu.memory_space<vmem>>, vector<16xf32>,
      %get3A_658 = arith.constant 78 : i32
      %get3A_659 = arith.index_cast %get3A_658 : i32 to index
      %get3A_660 = arith.constant 0 : index
      %get3A_661 = tpu.vector_load %arg8[%get3A_659, %get3A_660] {strides = array<i32>} : memref<128x16xf32, #tpu.memory_space<vmem>>, vector<16xf32>,
      %swap3A_662 = arith.constant 9 : i32
      %swap3A_663 = arith.index_cast %swap3A_662 : i32 to index
      %swap3A_664 = arith.constant 96 : index
      %swap3A_665 = tpu.vector_load %arg9[%swap3A_663, %swap3A_664] {strides = array<i32>} : memref<16x128xf32, #tpu.memory_space<vmem>>, vector<16xf32>,
      tpu.vector_store %arg9[%swap3A_663, %swap3A_664], %get3A_661 {strides = array<i32>} : memref<16x128xf32, #tpu.memory_space<vmem>>, vector<16xf32>,
      %get3A_666 = arith.constant 79 : i32
      %get3A_667 = arith.index_cast %get3A_666 : i32 to index
      %get3A_668 = arith.constant 0 : index
      %get3A_669 = tpu.vector_load %arg8[%get3A_667, %get3A_668] {strides = array<i32>} : memref<128x16xf32, #tpu.memory_space<vmem>>, vector<16xf32>,
      %swap3A_670 = arith.constant 9 : i32
      %swap3A_671 = arith.index_cast %swap3A_670 : i32 to index
      %swap3A_672 = arith.constant 112 : index
      %swap3A_673 = tpu.vector_load %arg9[%swap3A_671, %swap3A_672] {strides = array<i32>} : memref<16x128xf32, #tpu.memory_space<vmem>>, vector<16xf32>,
      tpu.vector_store %arg9[%swap3A_671, %swap3A_672], %get3A_669 {strides = array<i32>} : memref<16x128xf32, #tpu.memory_space<vmem>>, vector<16xf32>,
      %get3A_674 = arith.constant 80 : i32
      %get3A_675 = arith.index_cast %get3A_674 : i32 to index
      %get3A_676 = arith.constant 0 : index
      %get3A_677 = tpu.vector_load %arg8[%get3A_675, %get3A_676] {strides = array<i32>} : memref<128x16xf32, #tpu.memory_space<vmem>>, vector<16xf32>,
      %swap3A_678 = arith.constant 10 : i32
      %swap3A_679 = arith.index_cast %swap3A_678 : i32 to index
      %swap3A_680 = arith.constant 0 : index
      %swap3A_681 = tpu.vector_load %arg9[%swap3A_679, %swap3A_680] {strides = array<i32>} : memref<16x128xf32, #tpu.memory_space<vmem>>, vector<16xf32>,
      tpu.vector_store %arg9[%swap3A_679, %swap3A_680], %get3A_677 {strides = array<i32>} : memref<16x128xf32, #tpu.memory_space<vmem>>, vector<16xf32>,
      %get3A_682 = arith.constant 81 : i32
      %get3A_683 = arith.index_cast %get3A_682 : i32 to index
      %get3A_684 = arith.constant 0 : index
      %get3A_685 = tpu.vector_load %arg8[%get3A_683, %get3A_684] {strides = array<i32>} : memref<128x16xf32, #tpu.memory_space<vmem>>, vector<16xf32>,
      %swap3A_686 = arith.constant 10 : i32
      %swap3A_687 = arith.index_cast %swap3A_686 : i32 to index
      %swap3A_688 = arith.constant 16 : index
      %swap3A_689 = tpu.vector_load %arg9[%swap3A_687, %swap3A_688] {strides = array<i32>} : memref<16x128xf32, #tpu.memory_space<vmem>>, vector<16xf32>,
      tpu.vector_store %arg9[%swap3A_687, %swap3A_688], %get3A_685 {strides = array<i32>} : memref<16x128xf32, #tpu.memory_space<vmem>>, vector<16xf32>,
      %get3A_690 = arith.constant 82 : i32
      %get3A_691 = arith.index_cast %get3A_690 : i32 to index
      %get3A_692 = arith.constant 0 : index
      %get3A_693 = tpu.vector_load %arg8[%get3A_691, %get3A_692] {strides = array<i32>} : memref<128x16xf32, #tpu.memory_space<vmem>>, vector<16xf32>,
      %swap3A_694 = arith.constant 10 : i32
      %swap3A_695 = arith.index_cast %swap3A_694 : i32 to index
      %swap3A_696 = arith.constant 32 : index
      %swap3A_697 = tpu.vector_load %arg9[%swap3A_695, %swap3A_696] {strides = array<i32>} : memref<16x128xf32, #tpu.memory_space<vmem>>, vector<16xf32>,
      tpu.vector_store %arg9[%swap3A_695, %swap3A_696], %get3A_693 {strides = array<i32>} : memref<16x128xf32, #tpu.memory_space<vmem>>, vector<16xf32>,
      %get3A_698 = arith.constant 83 : i32
      %get3A_699 = arith.index_cast %get3A_698 : i32 to index
      %get3A_700 = arith.constant 0 : index
      %get3A_701 = tpu.vector_load %arg8[%get3A_699, %get3A_700] {strides = array<i32>} : memref<128x16xf32, #tpu.memory_space<vmem>>, vector<16xf32>,
      %swap3A_702 = arith.constant 10 : i32
      %swap3A_703 = arith.index_cast %swap3A_702 : i32 to index
      %swap3A_704 = arith.constant 48 : index
      %swap3A_705 = tpu.vector_load %arg9[%swap3A_703, %swap3A_704] {strides = array<i32>} : memref<16x128xf32, #tpu.memory_space<vmem>>, vector<16xf32>,
      tpu.vector_store %arg9[%swap3A_703, %swap3A_704], %get3A_701 {strides = array<i32>} : memref<16x128xf32, #tpu.memory_space<vmem>>, vector<16xf32>,
      %get3A_706 = arith.constant 84 : i32
      %get3A_707 = arith.index_cast %get3A_706 : i32 to index
      %get3A_708 = arith.constant 0 : index
      %get3A_709 = tpu.vector_load %arg8[%get3A_707, %get3A_708] {strides = array<i32>} : memref<128x16xf32, #tpu.memory_space<vmem>>, vector<16xf32>,
      %swap3A_710 = arith.constant 10 : i32
      %swap3A_711 = arith.index_cast %swap3A_710 : i32 to index
      %swap3A_712 = arith.constant 64 : index
      %swap3A_713 = tpu.vector_load %arg9[%swap3A_711, %swap3A_712] {strides = array<i32>} : memref<16x128xf32, #tpu.memory_space<vmem>>, vector<16xf32>,
      tpu.vector_store %arg9[%swap3A_711, %swap3A_712], %get3A_709 {strides = array<i32>} : memref<16x128xf32, #tpu.memory_space<vmem>>, vector<16xf32>,
      %get3A_714 = arith.constant 85 : i32
      %get3A_715 = arith.index_cast %get3A_714 : i32 to index
      %get3A_716 = arith.constant 0 : index
      %get3A_717 = tpu.vector_load %arg8[%get3A_715, %get3A_716] {strides = array<i32>} : memref<128x16xf32, #tpu.memory_space<vmem>>, vector<16xf32>,
      %swap3A_718 = arith.constant 10 : i32
      %swap3A_719 = arith.index_cast %swap3A_718 : i32 to index
      %swap3A_720 = arith.constant 80 : index
      %swap3A_721 = tpu.vector_load %arg9[%swap3A_719, %swap3A_720] {strides = array<i32>} : memref<16x128xf32, #tpu.memory_space<vmem>>, vector<16xf32>,
      tpu.vector_store %arg9[%swap3A_719, %swap3A_720], %get3A_717 {strides = array<i32>} : memref<16x128xf32, #tpu.memory_space<vmem>>, vector<16xf32>,
      %get3A_722 = arith.constant 86 : i32
      %get3A_723 = arith.index_cast %get3A_722 : i32 to index
      %get3A_724 = arith.constant 0 : index
      %get3A_725 = tpu.vector_load %arg8[%get3A_723, %get3A_724] {strides = array<i32>} : memref<128x16xf32, #tpu.memory_space<vmem>>, vector<16xf32>,
      %swap3A_726 = arith.constant 10 : i32
      %swap3A_727 = arith.index_cast %swap3A_726 : i32 to index
      %swap3A_728 = arith.constant 96 : index
      %swap3A_729 = tpu.vector_load %arg9[%swap3A_727, %swap3A_728] {strides = array<i32>} : memref<16x128xf32, #tpu.memory_space<vmem>>, vector<16xf32>,
      tpu.vector_store %arg9[%swap3A_727, %swap3A_728], %get3A_725 {strides = array<i32>} : memref<16x128xf32, #tpu.memory_space<vmem>>, vector<16xf32>,
      %get3A_730 = arith.constant 87 : i32
      %get3A_731 = arith.index_cast %get3A_730 : i32 to index
      %get3A_732 = arith.constant 0 : index
      %get3A_733 = tpu.vector_load %arg8[%get3A_731, %get3A_732] {strides = array<i32>} : memref<128x16xf32, #tpu.memory_space<vmem>>, vector<16xf32>,
      %swap3A_734 = arith.constant 10 : i32
      %swap3A_735 = arith.index_cast %swap3A_734 : i32 to index
      %swap3A_736 = arith.constant 112 : index
      %swap3A_737 = tpu.vector_load %arg9[%swap3A_735, %swap3A_736] {strides = array<i32>} : memref<16x128xf32, #tpu.memory_space<vmem>>, vector<16xf32>,
      tpu.vector_store %arg9[%swap3A_735, %swap3A_736], %get3A_733 {strides = array<i32>} : memref<16x128xf32, #tpu.memory_space<vmem>>, vector<16xf32>,
      %get3A_738 = arith.constant 88 : i32
      %get3A_739 = arith.index_cast %get3A_738 : i32 to index
      %get3A_740 = arith.constant 0 : index
      %get3A_741 = tpu.vector_load %arg8[%get3A_739, %get3A_740] {strides = array<i32>} : memref<128x16xf32, #tpu.memory_space<vmem>>, vector<16xf32>,
      %swap3A_742 = arith.constant 11 : i32
      %swap3A_743 = arith.index_cast %swap3A_742 : i32 to index
      %swap3A_744 = arith.constant 0 : index
      %swap3A_745 = tpu.vector_load %arg9[%swap3A_743, %swap3A_744] {strides = array<i32>} : memref<16x128xf32, #tpu.memory_space<vmem>>, vector<16xf32>,
      tpu.vector_store %arg9[%swap3A_743, %swap3A_744], %get3A_741 {strides = array<i32>} : memref<16x128xf32, #tpu.memory_space<vmem>>, vector<16xf32>,
      %get3A_746 = arith.constant 89 : i32
      %get3A_747 = arith.index_cast %get3A_746 : i32 to index
      %get3A_748 = arith.constant 0 : index
      %get3A_749 = tpu.vector_load %arg8[%get3A_747, %get3A_748] {strides = array<i32>} : memref<128x16xf32, #tpu.memory_space<vmem>>, vector<16xf32>,
      %swap3A_750 = arith.constant 11 : i32
      %swap3A_751 = arith.index_cast %swap3A_750 : i32 to index
      %swap3A_752 = arith.constant 16 : index
      %swap3A_753 = tpu.vector_load %arg9[%swap3A_751, %swap3A_752] {strides = array<i32>} : memref<16x128xf32, #tpu.memory_space<vmem>>, vector<16xf32>,
      tpu.vector_store %arg9[%swap3A_751, %swap3A_752], %get3A_749 {strides = array<i32>} : memref<16x128xf32, #tpu.memory_space<vmem>>, vector<16xf32>,
      %get3A_754 = arith.constant 90 : i32
      %get3A_755 = arith.index_cast %get3A_754 : i32 to index
      %get3A_756 = arith.constant 0 : index
      %get3A_757 = tpu.vector_load %arg8[%get3A_755, %get3A_756] {strides = array<i32>} : memref<128x16xf32, #tpu.memory_space<vmem>>, vector<16xf32>,
      %swap3A_758 = arith.constant 11 : i32
      %swap3A_759 = arith.index_cast %swap3A_758 : i32 to index
      %swap3A_760 = arith.constant 32 : index
      %swap3A_761 = tpu.vector_load %arg9[%swap3A_759, %swap3A_760] {strides = array<i32>} : memref<16x128xf32, #tpu.memory_space<vmem>>, vector<16xf32>,
      tpu.vector_store %arg9[%swap3A_759, %swap3A_760], %get3A_757 {strides = array<i32>} : memref<16x128xf32, #tpu.memory_space<vmem>>, vector<16xf32>,
      %get3A_762 = arith.constant 91 : i32
      %get3A_763 = arith.index_cast %get3A_762 : i32 to index
      %get3A_764 = arith.constant 0 : index
      %get3A_765 = tpu.vector_load %arg8[%get3A_763, %get3A_764] {strides = array<i32>} : memref<128x16xf32, #tpu.memory_space<vmem>>, vector<16xf32>,
      %swap3A_766 = arith.constant 11 : i32
      %swap3A_767 = arith.index_cast %swap3A_766 : i32 to index
      %swap3A_768 = arith.constant 48 : index
      %swap3A_769 = tpu.vector_load %arg9[%swap3A_767, %swap3A_768] {strides = array<i32>} : memref<16x128xf32, #tpu.memory_space<vmem>>, vector<16xf32>,
      tpu.vector_store %arg9[%swap3A_767, %swap3A_768], %get3A_765 {strides = array<i32>} : memref<16x128xf32, #tpu.memory_space<vmem>>, vector<16xf32>,
      %get3A_770 = arith.constant 92 : i32
      %get3A_771 = arith.index_cast %get3A_770 : i32 to index
      %get3A_772 = arith.constant 0 : index
      %get3A_773 = tpu.vector_load %arg8[%get3A_771, %get3A_772] {strides = array<i32>} : memref<128x16xf32, #tpu.memory_space<vmem>>, vector<16xf32>,
      %swap3A_774 = arith.constant 11 : i32
      %swap3A_775 = arith.index_cast %swap3A_774 : i32 to index
      %swap3A_776 = arith.constant 64 : index
      %swap3A_777 = tpu.vector_load %arg9[%swap3A_775, %swap3A_776] {strides = array<i32>} : memref<16x128xf32, #tpu.memory_space<vmem>>, vector<16xf32>,
      tpu.vector_store %arg9[%swap3A_775, %swap3A_776], %get3A_773 {strides = array<i32>} : memref<16x128xf32, #tpu.memory_space<vmem>>, vector<16xf32>,
      %get3A_778 = arith.constant 93 : i32
      %get3A_779 = arith.index_cast %get3A_778 : i32 to index
      %get3A_780 = arith.constant 0 : index
      %get3A_781 = tpu.vector_load %arg8[%get3A_779, %get3A_780] {strides = array<i32>} : memref<128x16xf32, #tpu.memory_space<vmem>>, vector<16xf32>,
      %swap3A_782 = arith.constant 11 : i32
      %swap3A_783 = arith.index_cast %swap3A_782 : i32 to index
      %swap3A_784 = arith.constant 80 : index
      %swap3A_785 = tpu.vector_load %arg9[%swap3A_783, %swap3A_784] {strides = array<i32>} : memref<16x128xf32, #tpu.memory_space<vmem>>, vector<16xf32>,
      tpu.vector_store %arg9[%swap3A_783, %swap3A_784], %get3A_781 {strides = array<i32>} : memref<16x128xf32, #tpu.memory_space<vmem>>, vector<16xf32>,
      %get3A_786 = arith.constant 94 : i32
      %get3A_787 = arith.index_cast %get3A_786 : i32 to index
      %get3A_788 = arith.constant 0 : index
      %get3A_789 = tpu.vector_load %arg8[%get3A_787, %get3A_788] {strides = array<i32>} : memref<128x16xf32, #tpu.memory_space<vmem>>, vector<16xf32>,
      %swap3A_790 = arith.constant 11 : i32
      %swap3A_791 = arith.index_cast %swap3A_790 : i32 to index
      %swap3A_792 = arith.constant 96 : index
      %swap3A_793 = tpu.vector_load %arg9[%swap3A_791, %swap3A_792] {strides = array<i32>} : memref<16x128xf32, #tpu.memory_space<vmem>>, vector<16xf32>,
      tpu.vector_store %arg9[%swap3A_791, %swap3A_792], %get3A_789 {strides = array<i32>} : memref<16x128xf32, #tpu.memory_space<vmem>>, vector<16xf32>,
      %get3A_794 = arith.constant 95 : i32
      %get3A_795 = arith.index_cast %get3A_794 : i32 to index
      %get3A_796 = arith.constant 0 : index
      %get3A_797 = tpu.vector_load %arg8[%get3A_795, %get3A_796] {strides = array<i32>} : memref<128x16xf32, #tpu.memory_space<vmem>>, vector<16xf32>,
      %swap3A_798 = arith.constant 11 : i32
      %swap3A_799 = arith.index_cast %swap3A_798 : i32 to index
      %swap3A_800 = arith.constant 112 : index
      %swap3A_801 = tpu.vector_load %arg9[%swap3A_799, %swap3A_800] {strides = array<i32>} : memref<16x128xf32, #tpu.memory_space<vmem>>, vector<16xf32>,
      tpu.vector_store %arg9[%swap3A_799, %swap3A_800], %get3A_797 {strides = array<i32>} : memref<16x128xf32, #tpu.memory_space<vmem>>, vector<16xf32>,
      %get3A_802 = arith.constant 96 : i32
      %get3A_803 = arith.index_cast %get3A_802 : i32 to index
      %get3A_804 = arith.constant 0 : index
      %get3A_805 = tpu.vector_load %arg8[%get3A_803, %get3A_804] {strides = array<i32>} : memref<128x16xf32, #tpu.memory_space<vmem>>, vector<16xf32>,
      %swap3A_806 = arith.constant 12 : i32
      %swap3A_807 = arith.index_cast %swap3A_806 : i32 to index
      %swap3A_808 = arith.constant 0 : index
      %swap3A_809 = tpu.vector_load %arg9[%swap3A_807, %swap3A_808] {strides = array<i32>} : memref<16x128xf32, #tpu.memory_space<vmem>>, vector<16xf32>,
      tpu.vector_store %arg9[%swap3A_807, %swap3A_808], %get3A_805 {strides = array<i32>} : memref<16x128xf32, #tpu.memory_space<vmem>>, vector<16xf32>,
      %get3A_810 = arith.constant 97 : i32
      %get3A_811 = arith.index_cast %get3A_810 : i32 to index
      %get3A_812 = arith.constant 0 : index
      %get3A_813 = tpu.vector_load %arg8[%get3A_811, %get3A_812] {strides = array<i32>} : memref<128x16xf32, #tpu.memory_space<vmem>>, vector<16xf32>,
      %swap3A_814 = arith.constant 12 : i32
      %swap3A_815 = arith.index_cast %swap3A_814 : i32 to index
      %swap3A_816 = arith.constant 16 : index
      %swap3A_817 = tpu.vector_load %arg9[%swap3A_815, %swap3A_816] {strides = array<i32>} : memref<16x128xf32, #tpu.memory_space<vmem>>, vector<16xf32>,
      tpu.vector_store %arg9[%swap3A_815, %swap3A_816], %get3A_813 {strides = array<i32>} : memref<16x128xf32, #tpu.memory_space<vmem>>, vector<16xf32>,
      %get3A_818 = arith.constant 98 : i32
      %get3A_819 = arith.index_cast %get3A_818 : i32 to index
      %get3A_820 = arith.constant 0 : index
      %get3A_821 = tpu.vector_load %arg8[%get3A_819, %get3A_820] {strides = array<i32>} : memref<128x16xf32, #tpu.memory_space<vmem>>, vector<16xf32>,
      %swap3A_822 = arith.constant 12 : i32
      %swap3A_823 = arith.index_cast %swap3A_822 : i32 to index
      %swap3A_824 = arith.constant 32 : index
      %swap3A_825 = tpu.vector_load %arg9[%swap3A_823, %swap3A_824] {strides = array<i32>} : memref<16x128xf32, #tpu.memory_space<vmem>>, vector<16xf32>,
      tpu.vector_store %arg9[%swap3A_823, %swap3A_824], %get3A_821 {strides = array<i32>} : memref<16x128xf32, #tpu.memory_space<vmem>>, vector<16xf32>,
      %get3A_826 = arith.constant 99 : i32
      %get3A_827 = arith.index_cast %get3A_826 : i32 to index
      %get3A_828 = arith.constant 0 : index
      %get3A_829 = tpu.vector_load %arg8[%get3A_827, %get3A_828] {strides = array<i32>} : memref<128x16xf32, #tpu.memory_space<vmem>>, vector<16xf32>,
      %swap3A_830 = arith.constant 12 : i32
      %swap3A_831 = arith.index_cast %swap3A_830 : i32 to index
      %swap3A_832 = arith.constant 48 : index
      %swap3A_833 = tpu.vector_load %arg9[%swap3A_831, %swap3A_832] {strides = array<i32>} : memref<16x128xf32, #tpu.memory_space<vmem>>, vector<16xf32>,
      tpu.vector_store %arg9[%swap3A_831, %swap3A_832], %get3A_829 {strides = array<i32>} : memref<16x128xf32, #tpu.memory_space<vmem>>, vector<16xf32>,
      %get3A_834 = arith.constant 100 : i32
      %get3A_835 = arith.index_cast %get3A_834 : i32 to index
      %get3A_836 = arith.constant 0 : index
      %get3A_837 = tpu.vector_load %arg8[%get3A_835, %get3A_836] {strides = array<i32>} : memref<128x16xf32, #tpu.memory_space<vmem>>, vector<16xf32>,
      %swap3A_838 = arith.constant 12 : i32
      %swap3A_839 = arith.index_cast %swap3A_838 : i32 to index
      %swap3A_840 = arith.constant 64 : index
      %swap3A_841 = tpu.vector_load %arg9[%swap3A_839, %swap3A_840] {strides = array<i32>} : memref<16x128xf32, #tpu.memory_space<vmem>>, vector<16xf32>,
      tpu.vector_store %arg9[%swap3A_839, %swap3A_840], %get3A_837 {strides = array<i32>} : memref<16x128xf32, #tpu.memory_space<vmem>>, vector<16xf32>,
      %get3A_842 = arith.constant 101 : i32
      %get3A_843 = arith.index_cast %get3A_842 : i32 to index
      %get3A_844 = arith.constant 0 : index
      %get3A_845 = tpu.vector_load %arg8[%get3A_843, %get3A_844] {strides = array<i32>} : memref<128x16xf32, #tpu.memory_space<vmem>>, vector<16xf32>,
      %swap3A_846 = arith.constant 12 : i32
      %swap3A_847 = arith.index_cast %swap3A_846 : i32 to index
      %swap3A_848 = arith.constant 80 : index
      %swap3A_849 = tpu.vector_load %arg9[%swap3A_847, %swap3A_848] {strides = array<i32>} : memref<16x128xf32, #tpu.memory_space<vmem>>, vector<16xf32>,
      tpu.vector_store %arg9[%swap3A_847, %swap3A_848], %get3A_845 {strides = array<i32>} : memref<16x128xf32, #tpu.memory_space<vmem>>, vector<16xf32>,
      %get3A_850 = arith.constant 102 : i32
      %get3A_851 = arith.index_cast %get3A_850 : i32 to index
      %get3A_852 = arith.constant 0 : index
      %get3A_853 = tpu.vector_load %arg8[%get3A_851, %get3A_852] {strides = array<i32>} : memref<128x16xf32, #tpu.memory_space<vmem>>, vector<16xf32>,
      %swap3A_854 = arith.constant 12 : i32
      %swap3A_855 = arith.index_cast %swap3A_854 : i32 to index
      %swap3A_856 = arith.constant 96 : index
      %swap3A_857 = tpu.vector_load %arg9[%swap3A_855, %swap3A_856] {strides = array<i32>} : memref<16x128xf32, #tpu.memory_space<vmem>>, vector<16xf32>,
      tpu.vector_store %arg9[%swap3A_855, %swap3A_856], %get3A_853 {strides = array<i32>} : memref<16x128xf32, #tpu.memory_space<vmem>>, vector<16xf32>,
      %get3A_858 = arith.constant 103 : i32
      %get3A_859 = arith.index_cast %get3A_858 : i32 to index
      %get3A_860 = arith.constant 0 : index
      %get3A_861 = tpu.vector_load %arg8[%get3A_859, %get3A_860] {strides = array<i32>} : memref<128x16xf32, #tpu.memory_space<vmem>>, vector<16xf32>,
      %swap3A_862 = arith.constant 12 : i32
      %swap3A_863 = arith.index_cast %swap3A_862 : i32 to index
      %swap3A_864 = arith.constant 112 : index
      %swap3A_865 = tpu.vector_load %arg9[%swap3A_863, %swap3A_864] {strides = array<i32>} : memref<16x128xf32, #tpu.memory_space<vmem>>, vector<16xf32>,
      tpu.vector_store %arg9[%swap3A_863, %swap3A_864], %get3A_861 {strides = array<i32>} : memref<16x128xf32, #tpu.memory_space<vmem>>, vector<16xf32>,
      %get3A_866 = arith.constant 104 : i32
      %get3A_867 = arith.index_cast %get3A_866 : i32 to index
      %get3A_868 = arith.constant 0 : index
      %get3A_869 = tpu.vector_load %arg8[%get3A_867, %get3A_868] {strides = array<i32>} : memref<128x16xf32, #tpu.memory_space<vmem>>, vector<16xf32>,
      %swap3A_870 = arith.constant 13 : i32
      %swap3A_871 = arith.index_cast %swap3A_870 : i32 to index
      %swap3A_872 = arith.constant 0 : index
      %swap3A_873 = tpu.vector_load %arg9[%swap3A_871, %swap3A_872] {strides = array<i32>} : memref<16x128xf32, #tpu.memory_space<vmem>>, vector<16xf32>,
      tpu.vector_store %arg9[%swap3A_871, %swap3A_872], %get3A_869 {strides = array<i32>} : memref<16x128xf32, #tpu.memory_space<vmem>>, vector<16xf32>,
      %get3A_874 = arith.constant 105 : i32
      %get3A_875 = arith.index_cast %get3A_874 : i32 to index
      %get3A_876 = arith.constant 0 : index
      %get3A_877 = tpu.vector_load %arg8[%get3A_875, %get3A_876] {strides = array<i32>} : memref<128x16xf32, #tpu.memory_space<vmem>>, vector<16xf32>,
      %swap3A_878 = arith.constant 13 : i32
      %swap3A_879 = arith.index_cast %swap3A_878 : i32 to index
      %swap3A_880 = arith.constant 16 : index
      %swap3A_881 = tpu.vector_load %arg9[%swap3A_879, %swap3A_880] {strides = array<i32>} : memref<16x128xf32, #tpu.memory_space<vmem>>, vector<16xf32>,
      tpu.vector_store %arg9[%swap3A_879, %swap3A_880], %get3A_877 {strides = array<i32>} : memref<16x128xf32, #tpu.memory_space<vmem>>, vector<16xf32>,
      %get3A_882 = arith.constant 106 : i32
      %get3A_883 = arith.index_cast %get3A_882 : i32 to index
      %get3A_884 = arith.constant 0 : index
      %get3A_885 = tpu.vector_load %arg8[%get3A_883, %get3A_884] {strides = array<i32>} : memref<128x16xf32, #tpu.memory_space<vmem>>, vector<16xf32>,
      %swap3A_886 = arith.constant 13 : i32
      %swap3A_887 = arith.index_cast %swap3A_886 : i32 to index
      %swap3A_888 = arith.constant 32 : index
      %swap3A_889 = tpu.vector_load %arg9[%swap3A_887, %swap3A_888] {strides = array<i32>} : memref<16x128xf32, #tpu.memory_space<vmem>>, vector<16xf32>,
      tpu.vector_store %arg9[%swap3A_887, %swap3A_888], %get3A_885 {strides = array<i32>} : memref<16x128xf32, #tpu.memory_space<vmem>>, vector<16xf32>,
      %get3A_890 = arith.constant 107 : i32
      %get3A_891 = arith.index_cast %get3A_890 : i32 to index
      %get3A_892 = arith.constant 0 : index
      %get3A_893 = tpu.vector_load %arg8[%get3A_891, %get3A_892] {strides = array<i32>} : memref<128x16xf32, #tpu.memory_space<vmem>>, vector<16xf32>,
      %swap3A_894 = arith.constant 13 : i32
      %swap3A_895 = arith.index_cast %swap3A_894 : i32 to index
      %swap3A_896 = arith.constant 48 : index
      %swap3A_897 = tpu.vector_load %arg9[%swap3A_895, %swap3A_896] {strides = array<i32>} : memref<16x128xf32, #tpu.memory_space<vmem>>, vector<16xf32>,
      tpu.vector_store %arg9[%swap3A_895, %swap3A_896], %get3A_893 {strides = array<i32>} : memref<16x128xf32, #tpu.memory_space<vmem>>, vector<16xf32>,
      %get3A_898 = arith.constant 108 : i32
      %get3A_899 = arith.index_cast %get3A_898 : i32 to index
      %get3A_900 = arith.constant 0 : index
      %get3A_901 = tpu.vector_load %arg8[%get3A_899, %get3A_900] {strides = array<i32>} : memref<128x16xf32, #tpu.memory_space<vmem>>, vector<16xf32>,
      %swap3A_902 = arith.constant 13 : i32
      %swap3A_903 = arith.index_cast %swap3A_902 : i32 to index
      %swap3A_904 = arith.constant 64 : index
      %swap3A_905 = tpu.vector_load %arg9[%swap3A_903, %swap3A_904] {strides = array<i32>} : memref<16x128xf32, #tpu.memory_space<vmem>>, vector<16xf32>,
      tpu.vector_store %arg9[%swap3A_903, %swap3A_904], %get3A_901 {strides = array<i32>} : memref<16x128xf32, #tpu.memory_space<vmem>>, vector<16xf32>,
      %get3A_906 = arith.constant 109 : i32
      %get3A_907 = arith.index_cast %get3A_906 : i32 to index
      %get3A_908 = arith.constant 0 : index
      %get3A_909 = tpu.vector_load %arg8[%get3A_907, %get3A_908] {strides = array<i32>} : memref<128x16xf32, #tpu.memory_space<vmem>>, vector<16xf32>,
      %swap3A_910 = arith.constant 13 : i32
      %swap3A_911 = arith.index_cast %swap3A_910 : i32 to index
      %swap3A_912 = arith.constant 80 : index
      %swap3A_913 = tpu.vector_load %arg9[%swap3A_911, %swap3A_912] {strides = array<i32>} : memref<16x128xf32, #tpu.memory_space<vmem>>, vector<16xf32>,
      tpu.vector_store %arg9[%swap3A_911, %swap3A_912], %get3A_909 {strides = array<i32>} : memref<16x128xf32, #tpu.memory_space<vmem>>, vector<16xf32>,
      %get3A_914 = arith.constant 110 : i32
      %get3A_915 = arith.index_cast %get3A_914 : i32 to index
      %get3A_916 = arith.constant 0 : index
      %get3A_917 = tpu.vector_load %arg8[%get3A_915, %get3A_916] {strides = array<i32>} : memref<128x16xf32, #tpu.memory_space<vmem>>, vector<16xf32>,
      %swap3A_918 = arith.constant 13 : i32
      %swap3A_919 = arith.index_cast %swap3A_918 : i32 to index
      %swap3A_920 = arith.constant 96 : index
      %swap3A_921 = tpu.vector_load %arg9[%swap3A_919, %swap3A_920] {strides = array<i32>} : memref<16x128xf32, #tpu.memory_space<vmem>>, vector<16xf32>,
      tpu.vector_store %arg9[%swap3A_919, %swap3A_920], %get3A_917 {strides = array<i32>} : memref<16x128xf32, #tpu.memory_space<vmem>>, vector<16xf32>,
      %get3A_922 = arith.constant 111 : i32
      %get3A_923 = arith.index_cast %get3A_922 : i32 to index
      %get3A_924 = arith.constant 0 : index
      %get3A_925 = tpu.vector_load %arg8[%get3A_923, %get3A_924] {strides = array<i32>} : memref<128x16xf32, #tpu.memory_space<vmem>>, vector<16xf32>,
      %swap3A_926 = arith.constant 13 : i32
      %swap3A_927 = arith.index_cast %swap3A_926 : i32 to index
      %swap3A_928 = arith.constant 112 : index
      %swap3A_929 = tpu.vector_load %arg9[%swap3A_927, %swap3A_928] {strides = array<i32>} : memref<16x128xf32, #tpu.memory_space<vmem>>, vector<16xf32>,
      tpu.vector_store %arg9[%swap3A_927, %swap3A_928], %get3A_925 {strides = array<i32>} : memref<16x128xf32, #tpu.memory_space<vmem>>, vector<16xf32>,
      %get3A_930 = arith.constant 112 : i32
      %get3A_931 = arith.index_cast %get3A_930 : i32 to index
      %get3A_932 = arith.constant 0 : index
      %get3A_933 = tpu.vector_load %arg8[%get3A_931, %get3A_932] {strides = array<i32>} : memref<128x16xf32, #tpu.memory_space<vmem>>, vector<16xf32>,
      %swap3A_934 = arith.constant 14 : i32
      %swap3A_935 = arith.index_cast %swap3A_934 : i32 to index
      %swap3A_936 = arith.constant 0 : index
      %swap3A_937 = tpu.vector_load %arg9[%swap3A_935, %swap3A_936] {strides = array<i32>} : memref<16x128xf32, #tpu.memory_space<vmem>>, vector<16xf32>,
      tpu.vector_store %arg9[%swap3A_935, %swap3A_936], %get3A_933 {strides = array<i32>} : memref<16x128xf32, #tpu.memory_space<vmem>>, vector<16xf32>,
      %get3A_938 = arith.constant 113 : i32
      %get3A_939 = arith.index_cast %get3A_938 : i32 to index
      %get3A_940 = arith.constant 0 : index
      %get3A_941 = tpu.vector_load %arg8[%get3A_939, %get3A_940] {strides = array<i32>} : memref<128x16xf32, #tpu.memory_space<vmem>>, vector<16xf32>,
      %swap3A_942 = arith.constant 14 : i32
      %swap3A_943 = arith.index_cast %swap3A_942 : i32 to index
      %swap3A_944 = arith.constant 16 : index
      %swap3A_945 = tpu.vector_load %arg9[%swap3A_943, %swap3A_944] {strides = array<i32>} : memref<16x128xf32, #tpu.memory_space<vmem>>, vector<16xf32>,
      tpu.vector_store %arg9[%swap3A_943, %swap3A_944], %get3A_941 {strides = array<i32>} : memref<16x128xf32, #tpu.memory_space<vmem>>, vector<16xf32>,
      %get3A_946 = arith.constant 114 : i32
      %get3A_947 = arith.index_cast %get3A_946 : i32 to index
      %get3A_948 = arith.constant 0 : index
      %get3A_949 = tpu.vector_load %arg8[%get3A_947, %get3A_948] {strides = array<i32>} : memref<128x16xf32, #tpu.memory_space<vmem>>, vector<16xf32>,
      %swap3A_950 = arith.constant 14 : i32
      %swap3A_951 = arith.index_cast %swap3A_950 : i32 to index
      %swap3A_952 = arith.constant 32 : index
      %swap3A_953 = tpu.vector_load %arg9[%swap3A_951, %swap3A_952] {strides = array<i32>} : memref<16x128xf32, #tpu.memory_space<vmem>>, vector<16xf32>,
      tpu.vector_store %arg9[%swap3A_951, %swap3A_952], %get3A_949 {strides = array<i32>} : memref<16x128xf32, #tpu.memory_space<vmem>>, vector<16xf32>,
      %get3A_954 = arith.constant 115 : i32
      %get3A_955 = arith.index_cast %get3A_954 : i32 to index
      %get3A_956 = arith.constant 0 : index
      %get3A_957 = tpu.vector_load %arg8[%get3A_955, %get3A_956] {strides = array<i32>} : memref<128x16xf32, #tpu.memory_space<vmem>>, vector<16xf32>,
      %swap3A_958 = arith.constant 14 : i32
      %swap3A_959 = arith.index_cast %swap3A_958 : i32 to index
      %swap3A_960 = arith.constant 48 : index
      %swap3A_961 = tpu.vector_load %arg9[%swap3A_959, %swap3A_960] {strides = array<i32>} : memref<16x128xf32, #tpu.memory_space<vmem>>, vector<16xf32>,
      tpu.vector_store %arg9[%swap3A_959, %swap3A_960], %get3A_957 {strides = array<i32>} : memref<16x128xf32, #tpu.memory_space<vmem>>, vector<16xf32>,
      %get3A_962 = arith.constant 116 : i32
      %get3A_963 = arith.index_cast %get3A_962 : i32 to index
      %get3A_964 = arith.constant 0 : index
      %get3A_965 = tpu.vector_load %arg8[%get3A_963, %get3A_964] {strides = array<i32>} : memref<128x16xf32, #tpu.memory_space<vmem>>, vector<16xf32>,
      %swap3A_966 = arith.constant 14 : i32
      %swap3A_967 = arith.index_cast %swap3A_966 : i32 to index
      %swap3A_968 = arith.constant 64 : index
      %swap3A_969 = tpu.vector_load %arg9[%swap3A_967, %swap3A_968] {strides = array<i32>} : memref<16x128xf32, #tpu.memory_space<vmem>>, vector<16xf32>,
      tpu.vector_store %arg9[%swap3A_967, %swap3A_968], %get3A_965 {strides = array<i32>} : memref<16x128xf32, #tpu.memory_space<vmem>>, vector<16xf32>,
      %get3A_970 = arith.constant 117 : i32
      %get3A_971 = arith.index_cast %get3A_970 : i32 to index
      %get3A_972 = arith.constant 0 : index
      %get3A_973 = tpu.vector_load %arg8[%get3A_971, %get3A_972] {strides = array<i32>} : memref<128x16xf32, #tpu.memory_space<vmem>>, vector<16xf32>,
      %swap3A_974 = arith.constant 14 : i32
      %swap3A_975 = arith.index_cast %swap3A_974 : i32 to index
      %swap3A_976 = arith.constant 80 : index
      %swap3A_977 = tpu.vector_load %arg9[%swap3A_975, %swap3A_976] {strides = array<i32>} : memref<16x128xf32, #tpu.memory_space<vmem>>, vector<16xf32>,
      tpu.vector_store %arg9[%swap3A_975, %swap3A_976], %get3A_973 {strides = array<i32>} : memref<16x128xf32, #tpu.memory_space<vmem>>, vector<16xf32>,
      %get3A_978 = arith.constant 118 : i32
      %get3A_979 = arith.index_cast %get3A_978 : i32 to index
      %get3A_980 = arith.constant 0 : index
      %get3A_981 = tpu.vector_load %arg8[%get3A_979, %get3A_980] {strides = array<i32>} : memref<128x16xf32, #tpu.memory_space<vmem>>, vector<16xf32>,
      %swap3A_982 = arith.constant 14 : i32
      %swap3A_983 = arith.index_cast %swap3A_982 : i32 to index
      %swap3A_984 = arith.constant 96 : index
      %swap3A_985 = tpu.vector_load %arg9[%swap3A_983, %swap3A_984] {strides = array<i32>} : memref<16x128xf32, #tpu.memory_space<vmem>>, vector<16xf32>,
      tpu.vector_store %arg9[%swap3A_983, %swap3A_984], %get3A_981 {strides = array<i32>} : memref<16x128xf32, #tpu.memory_space<vmem>>, vector<16xf32>,
      %get3A_986 = arith.constant 119 : i32
      %get3A_987 = arith.index_cast %get3A_986 : i32 to index
      %get3A_988 = arith.constant 0 : index
      %get3A_989 = tpu.vector_load %arg8[%get3A_987, %get3A_988] {strides = array<i32>} : memref<128x16xf32, #tpu.memory_space<vmem>>, vector<16xf32>,
      %swap3A_990 = arith.constant 14 : i32
      %swap3A_991 = arith.index_cast %swap3A_990 : i32 to index
      %swap3A_992 = arith.constant 112 : index
      %swap3A_993 = tpu.vector_load %arg9[%swap3A_991, %swap3A_992] {strides = array<i32>} : memref<16x128xf32, #tpu.memory_space<vmem>>, vector<16xf32>,
      tpu.vector_store %arg9[%swap3A_991, %swap3A_992], %get3A_989 {strides = array<i32>} : memref<16x128xf32, #tpu.memory_space<vmem>>, vector<16xf32>,
      %get3A_994 = arith.constant 120 : i32
      %get3A_995 = arith.index_cast %get3A_994 : i32 to index
      %get3A_996 = arith.constant 0 : index
      %get3A_997 = tpu.vector_load %arg8[%get3A_995, %get3A_996] {strides = array<i32>} : memref<128x16xf32, #tpu.memory_space<vmem>>, vector<16xf32>,
      %swap3A_998 = arith.constant 15 : i32
      %swap3A_999 = arith.index_cast %swap3A_998 : i32 to index
      %swap3A_1000 = arith.constant 0 : index
      %swap3A_1001 = tpu.vector_load %arg9[%swap3A_999, %swap3A_1000] {strides = array<i32>} : memref<16x128xf32, #tpu.memory_space<vmem>>, vector<16xf32>,
      tpu.vector_store %arg9[%swap3A_999, %swap3A_1000], %get3A_997 {strides = array<i32>} : memref<16x128xf32, #tpu.memory_space<vmem>>, vector<16xf32>,
      %get3A_1002 = arith.constant 121 : i32
      %get3A_1003 = arith.index_cast %get3A_1002 : i32 to index
      %get3A_1004 = arith.constant 0 : index
      %get3A_1005 = tpu.vector_load %arg8[%get3A_1003, %get3A_1004] {strides = array<i32>} : memref<128x16xf32, #tpu.memory_space<vmem>>, vector<16xf32>,
      %swap3A_1006 = arith.constant 15 : i32
      %swap3A_1007 = arith.index_cast %swap3A_1006 : i32 to index
      %swap3A_1008 = arith.constant 16 : index
      %swap3A_1009 = tpu.vector_load %arg9[%swap3A_1007, %swap3A_1008] {strides = array<i32>} : memref<16x128xf32, #tpu.memory_space<vmem>>, vector<16xf32>,
      tpu.vector_store %arg9[%swap3A_1007, %swap3A_1008], %get3A_1005 {strides = array<i32>} : memref<16x128xf32, #tpu.memory_space<vmem>>, vector<16xf32>,
      %get3A_1010 = arith.constant 122 : i32
      %get3A_1011 = arith.index_cast %get3A_1010 : i32 to index
      %get3A_1012 = arith.constant 0 : index
      %get3A_1013 = tpu.vector_load %arg8[%get3A_1011, %get3A_1012] {strides = array<i32>} : memref<128x16xf32, #tpu.memory_space<vmem>>, vector<16xf32>,
      %swap3A_1014 = arith.constant 15 : i32
      %swap3A_1015 = arith.index_cast %swap3A_1014 : i32 to index
      %swap3A_1016 = arith.constant 32 : index
      %swap3A_1017 = tpu.vector_load %arg9[%swap3A_1015, %swap3A_1016] {strides = array<i32>} : memref<16x128xf32, #tpu.memory_space<vmem>>, vector<16xf32>,
      tpu.vector_store %arg9[%swap3A_1015, %swap3A_1016], %get3A_1013 {strides = array<i32>} : memref<16x128xf32, #tpu.memory_space<vmem>>, vector<16xf32>,
      %get3A_1018 = arith.constant 123 : i32
      %get3A_1019 = arith.index_cast %get3A_1018 : i32 to index
      %get3A_1020 = arith.constant 0 : index
      %get3A_1021 = tpu.vector_load %arg8[%get3A_1019, %get3A_1020] {strides = array<i32>} : memref<128x16xf32, #tpu.memory_space<vmem>>, vector<16xf32>,
      %swap3A_1022 = arith.constant 15 : i32
      %swap3A_1023 = arith.index_cast %swap3A_1022 : i32 to index
      %swap3A_1024 = arith.constant 48 : index
      %swap3A_1025 = tpu.vector_load %arg9[%swap3A_1023, %swap3A_1024] {strides = array<i32>} : memref<16x128xf32, #tpu.memory_space<vmem>>, vector<16xf32>,
      tpu.vector_store %arg9[%swap3A_1023, %swap3A_1024], %get3A_1021 {strides = array<i32>} : memref<16x128xf32, #tpu.memory_space<vmem>>, vector<16xf32>,
      %get3A_1026 = arith.constant 124 : i32
      %get3A_1027 = arith.index_cast %get3A_1026 : i32 to index
      %get3A_1028 = arith.constant 0 : index
      %get3A_1029 = tpu.vector_load %arg8[%get3A_1027, %get3A_1028] {strides = array<i32>} : memref<128x16xf32, #tpu.memory_space<vmem>>, vector<16xf32>,
      %swap3A_1030 = arith.constant 15 : i32
      %swap3A_1031 = arith.index_cast %swap3A_1030 : i32 to index
      %swap3A_1032 = arith.constant 64 : index
      %swap3A_1033 = tpu.vector_load %arg9[%swap3A_1031, %swap3A_1032] {strides = array<i32>} : memref<16x128xf32, #tpu.memory_space<vmem>>, vector<16xf32>,
      tpu.vector_store %arg9[%swap3A_1031, %swap3A_1032], %get3A_1029 {strides = array<i32>} : memref<16x128xf32, #tpu.memory_space<vmem>>, vector<16xf32>,
      %get3A_1034 = arith.constant 125 : i32
      %get3A_1035 = arith.index_cast %get3A_1034 : i32 to index
      %get3A_1036 = arith.constant 0 : index
      %get3A_1037 = tpu.vector_load %arg8[%get3A_1035, %get3A_1036] {strides = array<i32>} : memref<128x16xf32, #tpu.memory_space<vmem>>, vector<16xf32>,
      %swap3A_1038 = arith.constant 15 : i32
      %swap3A_1039 = arith.index_cast %swap3A_1038 : i32 to index
      %swap3A_1040 = arith.constant 80 : index
      %swap3A_1041 = tpu.vector_load %arg9[%swap3A_1039, %swap3A_1040] {strides = array<i32>} : memref<16x128xf32, #tpu.memory_space<vmem>>, vector<16xf32>,
      tpu.vector_store %arg9[%swap3A_1039, %swap3A_1040], %get3A_1037 {strides = array<i32>} : memref<16x128xf32, #tpu.memory_space<vmem>>, vector<16xf32>,
      %get3A_1042 = arith.constant 126 : i32
      %get3A_1043 = arith.index_cast %get3A_1042 : i32 to index
      %get3A_1044 = arith.constant 0 : index
      %get3A_1045 = tpu.vector_load %arg8[%get3A_1043, %get3A_1044] {strides = array<i32>} : memref<128x16xf32, #tpu.memory_space<vmem>>, vector<16xf32>,
      %swap3A_1046 = arith.constant 15 : i32
      %swap3A_1047 = arith.index_cast %swap3A_1046 : i32 to index
      %swap3A_1048 = arith.constant 96 : index
      %swap3A_1049 = tpu.vector_load %arg9[%swap3A_1047, %swap3A_1048] {strides = array<i32>} : memref<16x128xf32, #tpu.memory_space<vmem>>, vector<16xf32>,
      tpu.vector_store %arg9[%swap3A_1047, %swap3A_1048], %get3A_1045 {strides = array<i32>} : memref<16x128xf32, #tpu.memory_space<vmem>>, vector<16xf32>,
      %get3A_1050 = arith.constant 127 : i32
      %get3A_1051 = arith.index_cast %get3A_1050 : i32 to index
      %get3A_1052 = arith.constant 0 : index
      %get3A_1053 = tpu.vector_load %arg8[%get3A_1051, %get3A_1052] {strides = array<i32>} : memref<128x16xf32, #tpu.memory_space<vmem>>, vector<16xf32>,
      %swap3A_1054 = arith.constant 15 : i32
      %swap3A_1055 = arith.index_cast %swap3A_1054 : i32 to index
      %swap3A_1056 = arith.constant 112 : index
      %swap3A_1057 = tpu.vector_load %arg9[%swap3A_1055, %swap3A_1056] {strides = array<i32>} : memref<16x128xf32, #tpu.memory_space<vmem>>, vector<16xf32>,
      tpu.vector_store %arg9[%swap3A_1055, %swap3A_1056], %get3A_1053 {strides = array<i32>} : memref<16x128xf32, #tpu.memory_space<vmem>>, vector<16xf32>,
      %mul3A_1058 = arith.constant 256 : i32
      %mul3A_1059 = arith.muli %arg1, %mul3A_1058 : i32
      %mul3A_1060 = arith.constant 16 : i32
      %mul3A_1061 = arith.muli %add3A_32, %mul3A_1060 : i32
      %add3A_1062 = arith.addi %mul3A_1059, %mul3A_1061 : i32
      "tpu.region"() ({
        %run_scoped3A = tpu.sem_alloc : memref<!tpu.dma_semaphore, #tpu.memory_space<semaphore_mem>>
        %dma_start3A = arith.constant 0 : i32
        %dma_start3A_1063 = tpu.memref_slice %arg4[%arg0, %add3A_1062, %dma_start3A] : memref<2x4096x128xf32, #tpu.memory_space<hbm>> -> memref<1x16x128xf32, #tpu.memory_space<hbm>>
        %dma_start3A_1064 = tpu.memref_squeeze %dma_start3A_1063 : memref<1x16x128xf32, #tpu.memory_space<hbm>> -> memref<16x128xf32, #tpu.memory_space<hbm>>
        %dma_start3A_1065 = arith.constant 0 : i32
        %dma_start3A_1066 = tpu.memref_slice %arg4[%arg0, %add3A_1062, %dma_start3A_1065] : memref<2x4096x128xf32, #tpu.memory_space<hbm>> -> memref<1x16x128xf32, #tpu.memory_space<hbm>>
        %dma_start3A_1067 = tpu.memref_squeeze %dma_start3A_1066 : memref<1x16x128xf32, #tpu.memory_space<hbm>> -> memref<16x128xf32, #tpu.memory_space<hbm>>
        tpu.enqueue_dma source(%arg9 : memref<16x128xf32, #tpu.memory_space<vmem>>) target(%dma_start3A_1067 : memref<16x128xf32, #tpu.memory_space<hbm>>) target_semaphore(%run_scoped3A : memref<!tpu.dma_semaphore, #tpu.memory_space<semaphore_mem>>)
        %dma_wait3A = arith.constant 0 : i32
        %dma_wait3A_1068 = tpu.memref_slice %arg4[%arg0, %add3A_1062, %dma_wait3A] : memref<2x4096x128xf32, #tpu.memory_space<hbm>> -> memref<1x16x128xf32, #tpu.memory_space<hbm>>
        %dma_wait3A_1069 = tpu.memref_squeeze %dma_wait3A_1068 : memref<1x16x128xf32, #tpu.memory_space<hbm>> -> memref<16x128xf32, #tpu.memory_space<hbm>>
        %dma_wait3A_1070 = arith.constant 0 : i32
        %dma_wait3A_1071 = tpu.memref_slice %arg4[%arg0, %add3A_1062, %dma_wait3A_1070] : memref<2x4096x128xf32, #tpu.memory_space<hbm>> -> memref<1x16x128xf32, #tpu.memory_space<hbm>>
        %dma_wait3A_1072 = tpu.memref_squeeze %dma_wait3A_1071 : memref<1x16x128xf32, #tpu.memory_space<hbm>> -> memref<16x128xf32, #tpu.memory_space<hbm>>
        tpu.wait_dma2 semaphore(%run_scoped3A : memref<!tpu.dma_semaphore, #tpu.memory_space<semaphore_mem>>) src(%arg9 : memref<16x128xf32, #tpu.memory_space<vmem>>) dst(%dma_wait3A_1072 : memref<16x128xf32, #tpu.memory_space<hbm>>)
        tpu.yield
      }) : () -> ()
    }
    %scan3A_27 = arith.constant 16 : i32
    return
  }
}

module attributes {stable_mosaic.version = 14 : i64} {
  func.func @body(%arg0: i32, %arg1: memref<2x512x512xf32, #tpu.memory_space<vmem>>, %arg2: memref<2x512x512xf32, #tpu.memory_space<vmem>>, %arg3: memref<2x512x16xf32, #tpu.memory_space<vmem>>, %arg4: memref<16x32xf32, #tpu.memory_space<vmem>>, %arg5: memref<16x32xf32, #tpu.memory_space<vmem>>, %arg6: memref<2x1x32xf32, #tpu.memory_space<vmem>>) attributes {dimension_semantics = [#tpu.dimension_semantics<arbitrary>], iteration_bounds = array<i64: 32>, scalar_prefetch = 0 : i64, scratch_operands = 0 : i64, tpu.core_type = #tpu.core_type<tc>, window_params = [{transform_indices = @transform_0, window_bounds = array<i64: 2, 512, 512>}, {transform_indices = @transform_1, window_bounds = array<i64: 2, 512, 512>}, {transform_indices = @transform_2, window_bounds = array<i64: 2, 512, 16>}, {pipeline_mode = #tpu.pipeline_mode<synchronous>, transform_indices = @transform_3, window_bounds = array<i64: 16, 32>}, {pipeline_mode = #tpu.pipeline_mode<synchronous>, transform_indices = @transform_4, window_bounds = array<i64: 16, 32>}, {transform_indices = @transform_5, window_bounds = array<i64: 2, 1, 32>}]} {
    %get3A = arith.constant 0 : index
    %get3A_0 = arith.constant 0 : index
    %get3A_1 = arith.constant 0 : index
    %get3A_2 = vector.load %arg3[%get3A, %get3A_0, %get3A_1] : memref<2x512x16xf32, #tpu.memory_space<vmem>>, vector<1x512x16xf32>
    %get3A_3 = vector.shape_cast %get3A_2 : vector<1x512x16xf32> to vector<512x16xf32>
    %get3A_4 = arith.constant 0 : index
    %get3A_5 = arith.constant 0 : index
    %get3A_6 = vector.load %arg4[%get3A_4, %get3A_5] : memref<16x32xf32, #tpu.memory_space<vmem>>, vector<16x32xf32>
    %dot_general3A = arith.constant dense<0.000000e+00> : vector<512x32xf32>
    %dot_general3A_7 = tpu.matmul %get3A_3, %get3A_6, %dot_general3A {dimension_numbers = #tpu.dot_dimension_numbers<[1], [0], [0], [1], [0, 0, 1, 1], [], []>, transpose_lhs_hint = false} : vector<512x16xf32>, vector<16x32xf32>, vector<512x32xf32> -> vector<512x32xf32>
    %convert_element_type3A = arith.truncf %dot_general3A_7 : vector<512x32xf32> to vector<512x32xbf16>
    %get3A_8 = arith.constant 0 : index
    %get3A_9 = arith.constant 0 : index
    %get3A_10 = vector.load %arg5[%get3A_8, %get3A_9] : memref<16x32xf32, #tpu.memory_space<vmem>>, vector<16x32xf32>
    %dot_general3A_11 = arith.constant dense<0.000000e+00> : vector<512x32xf32>
    %dot_general3A_12 = tpu.matmul %get3A_3, %get3A_10, %dot_general3A_11 {dimension_numbers = #tpu.dot_dimension_numbers<[1], [0], [0], [1], [0, 0, 1, 1], [], []>, transpose_lhs_hint = false} : vector<512x16xf32>, vector<16x32xf32>, vector<512x32xf32> -> vector<512x32xf32>
    %convert_element_type3A_13 = arith.truncf %dot_general3A_12 : vector<512x32xf32> to vector<512x32xbf16>
    %get3A_14 = arith.constant 0 : index
    %get3A_15 = arith.constant 0 : index
    %get3A_16 = arith.constant 0 : index
    %get3A_17 = vector.load %arg1[%get3A_14, %get3A_15, %get3A_16] : memref<2x512x512xf32, #tpu.memory_space<vmem>>, vector<1x512x512xf32>
    %get3A_18 = vector.shape_cast %get3A_17 : vector<1x512x512xf32> to vector<512x512xf32>
    %convert_element_type3A_19 = arith.truncf %get3A_18 : vector<512x512xf32> to vector<512x512xbf16>
    %dot_general3A_20 = arith.constant dense<0.000000e+00> : vector<512x32xf32>
    %dot_general3A_21 = tpu.matmul %convert_element_type3A_19, %convert_element_type3A, %dot_general3A_20 {dimension_numbers = #tpu.dot_dimension_numbers<[1], [0], [0], [1], [0, 0, 1, 1], [], []>, transpose_lhs_hint = false} : vector<512x512xbf16>, vector<512x32xbf16>, vector<512x32xf32> -> vector<512x32xf32>
    %max3A = arith.constant 0.000000e+00 : f32
    %max3A_22 = vector.broadcast %max3A : f32 to vector<512x32xf32>
    %max3A_23 = arith.maximumf %dot_general3A_21, %max3A_22 : vector<512x32xf32>
    %get3A_24 = arith.constant 0 : index
    %get3A_25 = arith.constant 0 : index
    %get3A_26 = arith.constant 0 : index
    %get3A_27 = vector.load %arg2[%get3A_24, %get3A_25, %get3A_26] : memref<2x512x512xf32, #tpu.memory_space<vmem>>, vector<1x512x512xf32>
    %get3A_28 = vector.shape_cast %get3A_27 : vector<1x512x512xf32> to vector<512x512xf32>
    %convert_element_type3A_29 = arith.truncf %get3A_28 : vector<512x512xf32> to vector<512x512xbf16>
    %dot_general3A_30 = arith.constant dense<0.000000e+00> : vector<512x32xf32>
    %dot_general3A_31 = tpu.matmul %convert_element_type3A_29, %convert_element_type3A_13, %dot_general3A_30 {dimension_numbers = #tpu.dot_dimension_numbers<[1], [0], [0], [1], [0, 0, 1, 1], [], []>, transpose_lhs_hint = false} : vector<512x512xbf16>, vector<512x32xbf16>, vector<512x32xf32> -> vector<512x32xf32>
    %max3A_32 = arith.constant 0.000000e+00 : f32
    %max3A_33 = vector.broadcast %max3A_32 : f32 to vector<512x32xf32>
    %max3A_34 = arith.maximumf %dot_general3A_31, %max3A_33 : vector<512x32xf32>
    %add3A = arith.addf %max3A_23, %max3A_34 : vector<512x32xf32>
    %reduce_sum3A = arith.constant dense<0.000000e+00> : vector<32xf32>
    %reduce_sum3A_35 = vector.multi_reduction <add>, %add3A, %reduce_sum3A [0] : vector<512x32xf32> to vector<32xf32>
    %swap3A = arith.constant 0 : index
    %swap3A_36 = arith.constant 0 : index
    %swap3A_37 = arith.constant 0 : index
    %swap3A_38 = vector.load %arg6[%swap3A, %swap3A_36, %swap3A_37] : memref<2x1x32xf32, #tpu.memory_space<vmem>>, vector<1x1x32xf32>
    %swap3A_39 = vector.shape_cast %swap3A_38 : vector<1x1x32xf32> to vector<32xf32>
    %swap3A_40 = vector.shape_cast %reduce_sum3A_35 : vector<32xf32> to vector<1x1x32xf32>
    tpu.vector_store %arg6[%swap3A, %swap3A_36, %swap3A_37], %swap3A_40 {strides = array<i32>} : memref<2x1x32xf32, #tpu.memory_space<vmem>>, vector<1x1x32xf32>,
    %get3A_41 = arith.constant 1 : index
    %get3A_42 = arith.constant 0 : index
    %get3A_43 = arith.constant 0 : index
    %get3A_44 = vector.load %arg3[%get3A_41, %get3A_42, %get3A_43] : memref<2x512x16xf32, #tpu.memory_space<vmem>>, vector<1x512x16xf32>
    %get3A_45 = vector.shape_cast %get3A_44 : vector<1x512x16xf32> to vector<512x16xf32>
    %get3A_46 = arith.constant 0 : index
    %get3A_47 = arith.constant 0 : index
    %get3A_48 = vector.load %arg4[%get3A_46, %get3A_47] : memref<16x32xf32, #tpu.memory_space<vmem>>, vector<16x32xf32>
    %dot_general3A_49 = arith.constant dense<0.000000e+00> : vector<512x32xf32>
    %dot_general3A_50 = tpu.matmul %get3A_45, %get3A_48, %dot_general3A_49 {dimension_numbers = #tpu.dot_dimension_numbers<[1], [0], [0], [1], [0, 0, 1, 1], [], []>, transpose_lhs_hint = false} : vector<512x16xf32>, vector<16x32xf32>, vector<512x32xf32> -> vector<512x32xf32>
    %convert_element_type3A_51 = arith.truncf %dot_general3A_50 : vector<512x32xf32> to vector<512x32xbf16>
    %get3A_52 = arith.constant 0 : index
    %get3A_53 = arith.constant 0 : index
    %get3A_54 = vector.load %arg5[%get3A_52, %get3A_53] : memref<16x32xf32, #tpu.memory_space<vmem>>, vector<16x32xf32>
    %dot_general3A_55 = arith.constant dense<0.000000e+00> : vector<512x32xf32>
    %dot_general3A_56 = tpu.matmul %get3A_45, %get3A_54, %dot_general3A_55 {dimension_numbers = #tpu.dot_dimension_numbers<[1], [0], [0], [1], [0, 0, 1, 1], [], []>, transpose_lhs_hint = false} : vector<512x16xf32>, vector<16x32xf32>, vector<512x32xf32> -> vector<512x32xf32>
    %convert_element_type3A_57 = arith.truncf %dot_general3A_56 : vector<512x32xf32> to vector<512x32xbf16>
    %get3A_58 = arith.constant 1 : index
    %get3A_59 = arith.constant 0 : index
    %get3A_60 = arith.constant 0 : index
    %get3A_61 = vector.load %arg1[%get3A_58, %get3A_59, %get3A_60] : memref<2x512x512xf32, #tpu.memory_space<vmem>>, vector<1x512x512xf32>
    %get3A_62 = vector.shape_cast %get3A_61 : vector<1x512x512xf32> to vector<512x512xf32>
    %convert_element_type3A_63 = arith.truncf %get3A_62 : vector<512x512xf32> to vector<512x512xbf16>
    %dot_general3A_64 = arith.constant dense<0.000000e+00> : vector<512x32xf32>
    %dot_general3A_65 = tpu.matmul %convert_element_type3A_63, %convert_element_type3A_51, %dot_general3A_64 {dimension_numbers = #tpu.dot_dimension_numbers<[1], [0], [0], [1], [0, 0, 1, 1], [], []>, transpose_lhs_hint = false} : vector<512x512xbf16>, vector<512x32xbf16>, vector<512x32xf32> -> vector<512x32xf32>
    %max3A_66 = arith.constant 0.000000e+00 : f32
    %max3A_67 = vector.broadcast %max3A_66 : f32 to vector<512x32xf32>
    %max3A_68 = arith.maximumf %dot_general3A_65, %max3A_67 : vector<512x32xf32>
    %get3A_69 = arith.constant 1 : index
    %get3A_70 = arith.constant 0 : index
    %get3A_71 = arith.constant 0 : index
    %get3A_72 = vector.load %arg2[%get3A_69, %get3A_70, %get3A_71] : memref<2x512x512xf32, #tpu.memory_space<vmem>>, vector<1x512x512xf32>
    %get3A_73 = vector.shape_cast %get3A_72 : vector<1x512x512xf32> to vector<512x512xf32>
    %convert_element_type3A_74 = arith.truncf %get3A_73 : vector<512x512xf32> to vector<512x512xbf16>
    %dot_general3A_75 = arith.constant dense<0.000000e+00> : vector<512x32xf32>
    %dot_general3A_76 = tpu.matmul %convert_element_type3A_74, %convert_element_type3A_57, %dot_general3A_75 {dimension_numbers = #tpu.dot_dimension_numbers<[1], [0], [0], [1], [0, 0, 1, 1], [], []>, transpose_lhs_hint = false} : vector<512x512xbf16>, vector<512x32xbf16>, vector<512x32xf32> -> vector<512x32xf32>
    %max3A_77 = arith.constant 0.000000e+00 : f32
    %max3A_78 = vector.broadcast %max3A_77 : f32 to vector<512x32xf32>
    %max3A_79 = arith.maximumf %dot_general3A_76, %max3A_78 : vector<512x32xf32>
    %add3A_80 = arith.addf %max3A_68, %max3A_79 : vector<512x32xf32>
    %reduce_sum3A_81 = arith.constant dense<0.000000e+00> : vector<32xf32>
    %reduce_sum3A_82 = vector.multi_reduction <add>, %add3A_80, %reduce_sum3A_81 [0] : vector<512x32xf32> to vector<32xf32>
    %swap3A_83 = arith.constant 1 : index
    %swap3A_84 = arith.constant 0 : index
    %swap3A_85 = arith.constant 0 : index
    %swap3A_86 = vector.load %arg6[%swap3A_83, %swap3A_84, %swap3A_85] : memref<2x1x32xf32, #tpu.memory_space<vmem>>, vector<1x1x32xf32>
    %swap3A_87 = vector.shape_cast %swap3A_86 : vector<1x1x32xf32> to vector<32xf32>
    %swap3A_88 = vector.shape_cast %reduce_sum3A_82 : vector<32xf32> to vector<1x1x32xf32>
    tpu.vector_store %arg6[%swap3A_83, %swap3A_84, %swap3A_85], %swap3A_88 {strides = array<i32>} : memref<2x1x32xf32, #tpu.memory_space<vmem>>, vector<1x1x32xf32>,
    return
  }
  func.func @transform_0(%arg0: i32) -> (i32, i32, i32) {
    %c0_i32 = arith.constant 0 : i32
    %c0_i32_0 = arith.constant 0 : i32
    %c0_i32_1 = arith.constant 0 : i32
    return %arg0, %c0_i32, %c0_i32_0 : i32, i32, i32
  }
  func.func @transform_1(%arg0: i32) -> (i32, i32, i32) {
    %c0_i32 = arith.constant 0 : i32
    %c0_i32_0 = arith.constant 0 : i32
    %c0_i32_1 = arith.constant 0 : i32
    return %arg0, %c0_i32, %c0_i32_0 : i32, i32, i32
  }
  func.func @transform_2(%arg0: i32) -> (i32, i32, i32) {
    %c0_i32 = arith.constant 0 : i32
    %c0_i32_0 = arith.constant 0 : i32
    %c0_i32_1 = arith.constant 0 : i32
    return %arg0, %c0_i32, %c0_i32_0 : i32, i32, i32
  }
  func.func @transform_3(%arg0: i32) -> (i32, i32) {
    %c0_i32 = arith.constant 0 : i32
    %c0_i32_0 = arith.constant 0 : i32
    %c0_i32_1 = arith.constant 0 : i32
    return %c0_i32, %c0_i32_0 : i32, i32
  }
  func.func @transform_4(%arg0: i32) -> (i32, i32) {
    %c0_i32 = arith.constant 0 : i32
    %c0_i32_0 = arith.constant 0 : i32
    %c0_i32_1 = arith.constant 0 : i32
    return %c0_i32, %c0_i32_0 : i32, i32
  }
  func.func @transform_5(%arg0: i32) -> (i32, i32, i32) {
    %c0_i32 = arith.constant 0 : i32
    %c0_i32_0 = arith.constant 0 : i32
    %c0_i32_1 = arith.constant 0 : i32
    return %arg0, %c0_i32, %c0_i32_0 : i32, i32, i32
  }
}

module attributes {stable_mosaic.version = 14 : i64} {
  func.func @body(%arg0: i32, %arg1: memref<2x512x128xf32, #tpu.memory_space<vmem>>, %arg2: memref<8x1x32xf32, #tpu.memory_space<vmem>>, %arg3: memref<128x256xf32, #tpu.memory_space<vmem>>, %arg4: memref<32x16xf32, #tpu.memory_space<vmem>>, %arg5: memref<1x16xf32, #tpu.memory_space<vmem>>, %arg6: memref<8x16xf32, #tpu.memory_space<vmem>>) attributes {dimension_semantics = [#tpu.dimension_semantics<arbitrary>], iteration_bounds = array<i64: 8>, scalar_prefetch = 0 : i64, scratch_operands = 0 : i64, tpu.core_type = #tpu.core_type<tc>, window_params = [{transform_indices = @transform_0, window_bounds = array<i64: 2, 512, 128>}, {transform_indices = @transform_1, window_bounds = array<i64: 8, 1, 32>}, {pipeline_mode = #tpu.pipeline_mode<synchronous>, transform_indices = @transform_2, window_bounds = array<i64: 128, 256>}, {pipeline_mode = #tpu.pipeline_mode<synchronous>, transform_indices = @transform_3, window_bounds = array<i64: 32, 16>}, {pipeline_mode = #tpu.pipeline_mode<synchronous>, transform_indices = @transform_4, window_bounds = array<i64: 1, 16>}, {transform_indices = @transform_5, window_bounds = array<i64: 8, 16>}]} {
    %get3A = arith.constant 0 : index
    %get3A_0 = arith.constant 0 : index
    %get3A_1 = arith.constant 0 : index
    %get3A_2 = vector.load %arg1[%get3A, %get3A_0, %get3A_1] : memref<2x512x128xf32, #tpu.memory_space<vmem>>, vector<1x512x128xf32>
    %get3A_3 = vector.shape_cast %get3A_2 : vector<1x512x128xf32> to vector<512x128xf32>
    %get3A_4 = arith.constant 1 : index
    %get3A_5 = arith.constant 0 : index
    %get3A_6 = arith.constant 0 : index
    %get3A_7 = vector.load %arg1[%get3A_4, %get3A_5, %get3A_6] : memref<2x512x128xf32, #tpu.memory_space<vmem>>, vector<1x512x128xf32>
    %get3A_8 = vector.shape_cast %get3A_7 : vector<1x512x128xf32> to vector<512x128xf32>
    %add3A = arith.addf %get3A_3, %get3A_8 : vector<512x128xf32>
    %get3A_9 = arith.constant 0 : index
    %get3A_10 = arith.constant 0 : index
    %get3A_11 = vector.load %arg3[%get3A_9, %get3A_10] : memref<128x256xf32, #tpu.memory_space<vmem>>, vector<128x256xf32>
    %dot_general3A = arith.constant dense<0.000000e+00> : vector<512x256xf32>
    %dot_general3A_12 = tpu.matmul %add3A, %get3A_11, %dot_general3A {dimension_numbers = #tpu.dot_dimension_numbers<[1], [0], [0], [1], [0, 0, 1, 1], [], []>, transpose_lhs_hint = false} : vector<512x128xf32>, vector<128x256xf32>, vector<512x256xf32> -> vector<512x256xf32>
    %max3A = arith.constant 0.000000e+00 : f32
    %max3A_13 = vector.broadcast %max3A : f32 to vector<512x256xf32>
    %max3A_14 = arith.maximumf %dot_general3A_12, %max3A_13 : vector<512x256xf32>
    %slice3A = vector.extract_strided_slice %max3A_14 {offsets = [0, 0], sizes = [64, 256], strides = [1, 1]} : vector<512x256xf32> to vector<64x256xf32>
    %reduce_sum3A = arith.constant dense<0.000000e+00> : vector<256xf32>
    %reduce_sum3A_15 = vector.multi_reduction <add>, %slice3A, %reduce_sum3A [0] : vector<64x256xf32> to vector<256xf32>
    %slice3A_16 = vector.extract_strided_slice %reduce_sum3A_15 {offsets = [0], sizes = [32], strides = [1]} : vector<256xf32> to vector<32xf32>
    %slice3A_17 = vector.extract_strided_slice %reduce_sum3A_15 {offsets = [32], sizes = [32], strides = [1]} : vector<256xf32> to vector<32xf32>
    %add3A_18 = arith.addf %slice3A_16, %slice3A_17 : vector<32xf32>
    %slice3A_19 = vector.extract_strided_slice %reduce_sum3A_15 {offsets = [64], sizes = [32], strides = [1]} : vector<256xf32> to vector<32xf32>
    %add3A_20 = arith.addf %add3A_18, %slice3A_19 : vector<32xf32>
    %slice3A_21 = vector.extract_strided_slice %reduce_sum3A_15 {offsets = [96], sizes = [32], strides = [1]} : vector<256xf32> to vector<32xf32>
    %add3A_22 = arith.addf %add3A_20, %slice3A_21 : vector<32xf32>
    %slice3A_23 = vector.extract_strided_slice %reduce_sum3A_15 {offsets = [128], sizes = [32], strides = [1]} : vector<256xf32> to vector<32xf32>
    %add3A_24 = arith.addf %add3A_22, %slice3A_23 : vector<32xf32>
    %slice3A_25 = vector.extract_strided_slice %reduce_sum3A_15 {offsets = [160], sizes = [32], strides = [1]} : vector<256xf32> to vector<32xf32>
    %add3A_26 = arith.addf %add3A_24, %slice3A_25 : vector<32xf32>
    %slice3A_27 = vector.extract_strided_slice %reduce_sum3A_15 {offsets = [192], sizes = [32], strides = [1]} : vector<256xf32> to vector<32xf32>
    %add3A_28 = arith.addf %add3A_26, %slice3A_27 : vector<32xf32>
    %slice3A_29 = vector.extract_strided_slice %reduce_sum3A_15 {offsets = [224], sizes = [32], strides = [1]} : vector<256xf32> to vector<32xf32>
    %add3A_30 = arith.addf %add3A_28, %slice3A_29 : vector<32xf32>
    %reshape3A = vector.shape_cast %add3A_30 : vector<32xf32> to vector<1x32xf32>
    %slice3A_31 = vector.extract_strided_slice %max3A_14 {offsets = [64, 0], sizes = [64, 256], strides = [1, 1]} : vector<512x256xf32> to vector<64x256xf32>
    %reduce_sum3A_32 = arith.constant dense<0.000000e+00> : vector<256xf32>
    %reduce_sum3A_33 = vector.multi_reduction <add>, %slice3A_31, %reduce_sum3A_32 [0] : vector<64x256xf32> to vector<256xf32>
    %slice3A_34 = vector.extract_strided_slice %reduce_sum3A_33 {offsets = [0], sizes = [32], strides = [1]} : vector<256xf32> to vector<32xf32>
    %slice3A_35 = vector.extract_strided_slice %reduce_sum3A_33 {offsets = [32], sizes = [32], strides = [1]} : vector<256xf32> to vector<32xf32>
    %add3A_36 = arith.addf %slice3A_34, %slice3A_35 : vector<32xf32>
    %slice3A_37 = vector.extract_strided_slice %reduce_sum3A_33 {offsets = [64], sizes = [32], strides = [1]} : vector<256xf32> to vector<32xf32>
    %add3A_38 = arith.addf %add3A_36, %slice3A_37 : vector<32xf32>
    %slice3A_39 = vector.extract_strided_slice %reduce_sum3A_33 {offsets = [96], sizes = [32], strides = [1]} : vector<256xf32> to vector<32xf32>
    %add3A_40 = arith.addf %add3A_38, %slice3A_39 : vector<32xf32>
    %slice3A_41 = vector.extract_strided_slice %reduce_sum3A_33 {offsets = [128], sizes = [32], strides = [1]} : vector<256xf32> to vector<32xf32>
    %add3A_42 = arith.addf %add3A_40, %slice3A_41 : vector<32xf32>
    %slice3A_43 = vector.extract_strided_slice %reduce_sum3A_33 {offsets = [160], sizes = [32], strides = [1]} : vector<256xf32> to vector<32xf32>
    %add3A_44 = arith.addf %add3A_42, %slice3A_43 : vector<32xf32>
    %slice3A_45 = vector.extract_strided_slice %reduce_sum3A_33 {offsets = [192], sizes = [32], strides = [1]} : vector<256xf32> to vector<32xf32>
    %add3A_46 = arith.addf %add3A_44, %slice3A_45 : vector<32xf32>
    %slice3A_47 = vector.extract_strided_slice %reduce_sum3A_33 {offsets = [224], sizes = [32], strides = [1]} : vector<256xf32> to vector<32xf32>
    %add3A_48 = arith.addf %add3A_46, %slice3A_47 : vector<32xf32>
    %reshape3A_49 = vector.shape_cast %add3A_48 : vector<32xf32> to vector<1x32xf32>
    %slice3A_50 = vector.extract_strided_slice %max3A_14 {offsets = [128, 0], sizes = [64, 256], strides = [1, 1]} : vector<512x256xf32> to vector<64x256xf32>
    %reduce_sum3A_51 = arith.constant dense<0.000000e+00> : vector<256xf32>
    %reduce_sum3A_52 = vector.multi_reduction <add>, %slice3A_50, %reduce_sum3A_51 [0] : vector<64x256xf32> to vector<256xf32>
    %slice3A_53 = vector.extract_strided_slice %reduce_sum3A_52 {offsets = [0], sizes = [32], strides = [1]} : vector<256xf32> to vector<32xf32>
    %slice3A_54 = vector.extract_strided_slice %reduce_sum3A_52 {offsets = [32], sizes = [32], strides = [1]} : vector<256xf32> to vector<32xf32>
    %add3A_55 = arith.addf %slice3A_53, %slice3A_54 : vector<32xf32>
    %slice3A_56 = vector.extract_strided_slice %reduce_sum3A_52 {offsets = [64], sizes = [32], strides = [1]} : vector<256xf32> to vector<32xf32>
    %add3A_57 = arith.addf %add3A_55, %slice3A_56 : vector<32xf32>
    %slice3A_58 = vector.extract_strided_slice %reduce_sum3A_52 {offsets = [96], sizes = [32], strides = [1]} : vector<256xf32> to vector<32xf32>
    %add3A_59 = arith.addf %add3A_57, %slice3A_58 : vector<32xf32>
    %slice3A_60 = vector.extract_strided_slice %reduce_sum3A_52 {offsets = [128], sizes = [32], strides = [1]} : vector<256xf32> to vector<32xf32>
    %add3A_61 = arith.addf %add3A_59, %slice3A_60 : vector<32xf32>
    %slice3A_62 = vector.extract_strided_slice %reduce_sum3A_52 {offsets = [160], sizes = [32], strides = [1]} : vector<256xf32> to vector<32xf32>
    %add3A_63 = arith.addf %add3A_61, %slice3A_62 : vector<32xf32>
    %slice3A_64 = vector.extract_strided_slice %reduce_sum3A_52 {offsets = [192], sizes = [32], strides = [1]} : vector<256xf32> to vector<32xf32>
    %add3A_65 = arith.addf %add3A_63, %slice3A_64 : vector<32xf32>
    %slice3A_66 = vector.extract_strided_slice %reduce_sum3A_52 {offsets = [224], sizes = [32], strides = [1]} : vector<256xf32> to vector<32xf32>
    %add3A_67 = arith.addf %add3A_65, %slice3A_66 : vector<32xf32>
    %reshape3A_68 = vector.shape_cast %add3A_67 : vector<32xf32> to vector<1x32xf32>
    %slice3A_69 = vector.extract_strided_slice %max3A_14 {offsets = [192, 0], sizes = [64, 256], strides = [1, 1]} : vector<512x256xf32> to vector<64x256xf32>
    %reduce_sum3A_70 = arith.constant dense<0.000000e+00> : vector<256xf32>
    %reduce_sum3A_71 = vector.multi_reduction <add>, %slice3A_69, %reduce_sum3A_70 [0] : vector<64x256xf32> to vector<256xf32>
    %slice3A_72 = vector.extract_strided_slice %reduce_sum3A_71 {offsets = [0], sizes = [32], strides = [1]} : vector<256xf32> to vector<32xf32>
    %slice3A_73 = vector.extract_strided_slice %reduce_sum3A_71 {offsets = [32], sizes = [32], strides = [1]} : vector<256xf32> to vector<32xf32>
    %add3A_74 = arith.addf %slice3A_72, %slice3A_73 : vector<32xf32>
    %slice3A_75 = vector.extract_strided_slice %reduce_sum3A_71 {offsets = [64], sizes = [32], strides = [1]} : vector<256xf32> to vector<32xf32>
    %add3A_76 = arith.addf %add3A_74, %slice3A_75 : vector<32xf32>
    %slice3A_77 = vector.extract_strided_slice %reduce_sum3A_71 {offsets = [96], sizes = [32], strides = [1]} : vector<256xf32> to vector<32xf32>
    %add3A_78 = arith.addf %add3A_76, %slice3A_77 : vector<32xf32>
    %slice3A_79 = vector.extract_strided_slice %reduce_sum3A_71 {offsets = [128], sizes = [32], strides = [1]} : vector<256xf32> to vector<32xf32>
    %add3A_80 = arith.addf %add3A_78, %slice3A_79 : vector<32xf32>
    %slice3A_81 = vector.extract_strided_slice %reduce_sum3A_71 {offsets = [160], sizes = [32], strides = [1]} : vector<256xf32> to vector<32xf32>
    %add3A_82 = arith.addf %add3A_80, %slice3A_81 : vector<32xf32>
    %slice3A_83 = vector.extract_strided_slice %reduce_sum3A_71 {offsets = [192], sizes = [32], strides = [1]} : vector<256xf32> to vector<32xf32>
    %add3A_84 = arith.addf %add3A_82, %slice3A_83 : vector<32xf32>
    %slice3A_85 = vector.extract_strided_slice %reduce_sum3A_71 {offsets = [224], sizes = [32], strides = [1]} : vector<256xf32> to vector<32xf32>
    %add3A_86 = arith.addf %add3A_84, %slice3A_85 : vector<32xf32>
    %reshape3A_87 = vector.shape_cast %add3A_86 : vector<32xf32> to vector<1x32xf32>
    %slice3A_88 = vector.extract_strided_slice %max3A_14 {offsets = [256, 0], sizes = [64, 256], strides = [1, 1]} : vector<512x256xf32> to vector<64x256xf32>
    %reduce_sum3A_89 = arith.constant dense<0.000000e+00> : vector<256xf32>
    %reduce_sum3A_90 = vector.multi_reduction <add>, %slice3A_88, %reduce_sum3A_89 [0] : vector<64x256xf32> to vector<256xf32>
    %slice3A_91 = vector.extract_strided_slice %reduce_sum3A_90 {offsets = [0], sizes = [32], strides = [1]} : vector<256xf32> to vector<32xf32>
    %slice3A_92 = vector.extract_strided_slice %reduce_sum3A_90 {offsets = [32], sizes = [32], strides = [1]} : vector<256xf32> to vector<32xf32>
    %add3A_93 = arith.addf %slice3A_91, %slice3A_92 : vector<32xf32>
    %slice3A_94 = vector.extract_strided_slice %reduce_sum3A_90 {offsets = [64], sizes = [32], strides = [1]} : vector<256xf32> to vector<32xf32>
    %add3A_95 = arith.addf %add3A_93, %slice3A_94 : vector<32xf32>
    %slice3A_96 = vector.extract_strided_slice %reduce_sum3A_90 {offsets = [96], sizes = [32], strides = [1]} : vector<256xf32> to vector<32xf32>
    %add3A_97 = arith.addf %add3A_95, %slice3A_96 : vector<32xf32>
    %slice3A_98 = vector.extract_strided_slice %reduce_sum3A_90 {offsets = [128], sizes = [32], strides = [1]} : vector<256xf32> to vector<32xf32>
    %add3A_99 = arith.addf %add3A_97, %slice3A_98 : vector<32xf32>
    %slice3A_100 = vector.extract_strided_slice %reduce_sum3A_90 {offsets = [160], sizes = [32], strides = [1]} : vector<256xf32> to vector<32xf32>
    %add3A_101 = arith.addf %add3A_99, %slice3A_100 : vector<32xf32>
    %slice3A_102 = vector.extract_strided_slice %reduce_sum3A_90 {offsets = [192], sizes = [32], strides = [1]} : vector<256xf32> to vector<32xf32>
    %add3A_103 = arith.addf %add3A_101, %slice3A_102 : vector<32xf32>
    %slice3A_104 = vector.extract_strided_slice %reduce_sum3A_90 {offsets = [224], sizes = [32], strides = [1]} : vector<256xf32> to vector<32xf32>
    %add3A_105 = arith.addf %add3A_103, %slice3A_104 : vector<32xf32>
    %reshape3A_106 = vector.shape_cast %add3A_105 : vector<32xf32> to vector<1x32xf32>
    %slice3A_107 = vector.extract_strided_slice %max3A_14 {offsets = [320, 0], sizes = [64, 256], strides = [1, 1]} : vector<512x256xf32> to vector<64x256xf32>
    %reduce_sum3A_108 = arith.constant dense<0.000000e+00> : vector<256xf32>
    %reduce_sum3A_109 = vector.multi_reduction <add>, %slice3A_107, %reduce_sum3A_108 [0] : vector<64x256xf32> to vector<256xf32>
    %slice3A_110 = vector.extract_strided_slice %reduce_sum3A_109 {offsets = [0], sizes = [32], strides = [1]} : vector<256xf32> to vector<32xf32>
    %slice3A_111 = vector.extract_strided_slice %reduce_sum3A_109 {offsets = [32], sizes = [32], strides = [1]} : vector<256xf32> to vector<32xf32>
    %add3A_112 = arith.addf %slice3A_110, %slice3A_111 : vector<32xf32>
    %slice3A_113 = vector.extract_strided_slice %reduce_sum3A_109 {offsets = [64], sizes = [32], strides = [1]} : vector<256xf32> to vector<32xf32>
    %add3A_114 = arith.addf %add3A_112, %slice3A_113 : vector<32xf32>
    %slice3A_115 = vector.extract_strided_slice %reduce_sum3A_109 {offsets = [96], sizes = [32], strides = [1]} : vector<256xf32> to vector<32xf32>
    %add3A_116 = arith.addf %add3A_114, %slice3A_115 : vector<32xf32>
    %slice3A_117 = vector.extract_strided_slice %reduce_sum3A_109 {offsets = [128], sizes = [32], strides = [1]} : vector<256xf32> to vector<32xf32>
    %add3A_118 = arith.addf %add3A_116, %slice3A_117 : vector<32xf32>
    %slice3A_119 = vector.extract_strided_slice %reduce_sum3A_109 {offsets = [160], sizes = [32], strides = [1]} : vector<256xf32> to vector<32xf32>
    %add3A_120 = arith.addf %add3A_118, %slice3A_119 : vector<32xf32>
    %slice3A_121 = vector.extract_strided_slice %reduce_sum3A_109 {offsets = [192], sizes = [32], strides = [1]} : vector<256xf32> to vector<32xf32>
    %add3A_122 = arith.addf %add3A_120, %slice3A_121 : vector<32xf32>
    %slice3A_123 = vector.extract_strided_slice %reduce_sum3A_109 {offsets = [224], sizes = [32], strides = [1]} : vector<256xf32> to vector<32xf32>
    %add3A_124 = arith.addf %add3A_122, %slice3A_123 : vector<32xf32>
    %reshape3A_125 = vector.shape_cast %add3A_124 : vector<32xf32> to vector<1x32xf32>
    %slice3A_126 = vector.extract_strided_slice %max3A_14 {offsets = [384, 0], sizes = [64, 256], strides = [1, 1]} : vector<512x256xf32> to vector<64x256xf32>
    %reduce_sum3A_127 = arith.constant dense<0.000000e+00> : vector<256xf32>
    %reduce_sum3A_128 = vector.multi_reduction <add>, %slice3A_126, %reduce_sum3A_127 [0] : vector<64x256xf32> to vector<256xf32>
    %slice3A_129 = vector.extract_strided_slice %reduce_sum3A_128 {offsets = [0], sizes = [32], strides = [1]} : vector<256xf32> to vector<32xf32>
    %slice3A_130 = vector.extract_strided_slice %reduce_sum3A_128 {offsets = [32], sizes = [32], strides = [1]} : vector<256xf32> to vector<32xf32>
    %add3A_131 = arith.addf %slice3A_129, %slice3A_130 : vector<32xf32>
    %slice3A_132 = vector.extract_strided_slice %reduce_sum3A_128 {offsets = [64], sizes = [32], strides = [1]} : vector<256xf32> to vector<32xf32>
    %add3A_133 = arith.addf %add3A_131, %slice3A_132 : vector<32xf32>
    %slice3A_134 = vector.extract_strided_slice %reduce_sum3A_128 {offsets = [96], sizes = [32], strides = [1]} : vector<256xf32> to vector<32xf32>
    %add3A_135 = arith.addf %add3A_133, %slice3A_134 : vector<32xf32>
    %slice3A_136 = vector.extract_strided_slice %reduce_sum3A_128 {offsets = [128], sizes = [32], strides = [1]} : vector<256xf32> to vector<32xf32>
    %add3A_137 = arith.addf %add3A_135, %slice3A_136 : vector<32xf32>
    %slice3A_138 = vector.extract_strided_slice %reduce_sum3A_128 {offsets = [160], sizes = [32], strides = [1]} : vector<256xf32> to vector<32xf32>
    %add3A_139 = arith.addf %add3A_137, %slice3A_138 : vector<32xf32>
    %slice3A_140 = vector.extract_strided_slice %reduce_sum3A_128 {offsets = [192], sizes = [32], strides = [1]} : vector<256xf32> to vector<32xf32>
    %add3A_141 = arith.addf %add3A_139, %slice3A_140 : vector<32xf32>
    %slice3A_142 = vector.extract_strided_slice %reduce_sum3A_128 {offsets = [224], sizes = [32], strides = [1]} : vector<256xf32> to vector<32xf32>
    %add3A_143 = arith.addf %add3A_141, %slice3A_142 : vector<32xf32>
    %reshape3A_144 = vector.shape_cast %add3A_143 : vector<32xf32> to vector<1x32xf32>
    %slice3A_145 = vector.extract_strided_slice %max3A_14 {offsets = [448, 0], sizes = [64, 256], strides = [1, 1]} : vector<512x256xf32> to vector<64x256xf32>
    %reduce_sum3A_146 = arith.constant dense<0.000000e+00> : vector<256xf32>
    %reduce_sum3A_147 = vector.multi_reduction <add>, %slice3A_145, %reduce_sum3A_146 [0] : vector<64x256xf32> to vector<256xf32>
    %slice3A_148 = vector.extract_strided_slice %reduce_sum3A_147 {offsets = [0], sizes = [32], strides = [1]} : vector<256xf32> to vector<32xf32>
    %slice3A_149 = vector.extract_strided_slice %reduce_sum3A_147 {offsets = [32], sizes = [32], strides = [1]} : vector<256xf32> to vector<32xf32>
    %add3A_150 = arith.addf %slice3A_148, %slice3A_149 : vector<32xf32>
    %slice3A_151 = vector.extract_strided_slice %reduce_sum3A_147 {offsets = [64], sizes = [32], strides = [1]} : vector<256xf32> to vector<32xf32>
    %add3A_152 = arith.addf %add3A_150, %slice3A_151 : vector<32xf32>
    %slice3A_153 = vector.extract_strided_slice %reduce_sum3A_147 {offsets = [96], sizes = [32], strides = [1]} : vector<256xf32> to vector<32xf32>
    %add3A_154 = arith.addf %add3A_152, %slice3A_153 : vector<32xf32>
    %slice3A_155 = vector.extract_strided_slice %reduce_sum3A_147 {offsets = [128], sizes = [32], strides = [1]} : vector<256xf32> to vector<32xf32>
    %add3A_156 = arith.addf %add3A_154, %slice3A_155 : vector<32xf32>
    %slice3A_157 = vector.extract_strided_slice %reduce_sum3A_147 {offsets = [160], sizes = [32], strides = [1]} : vector<256xf32> to vector<32xf32>
    %add3A_158 = arith.addf %add3A_156, %slice3A_157 : vector<32xf32>
    %slice3A_159 = vector.extract_strided_slice %reduce_sum3A_147 {offsets = [192], sizes = [32], strides = [1]} : vector<256xf32> to vector<32xf32>
    %add3A_160 = arith.addf %add3A_158, %slice3A_159 : vector<32xf32>
    %slice3A_161 = vector.extract_strided_slice %reduce_sum3A_147 {offsets = [224], sizes = [32], strides = [1]} : vector<256xf32> to vector<32xf32>
    %add3A_162 = arith.addf %add3A_160, %slice3A_161 : vector<32xf32>
    %reshape3A_163 = vector.shape_cast %add3A_162 : vector<32xf32> to vector<1x32xf32>
    %concatenate3A = tpu.concatenate %reshape3A, %reshape3A_49, %reshape3A_68, %reshape3A_87, %reshape3A_106, %reshape3A_125, %reshape3A_144, %reshape3A_163 in 0 : vector<1x32xf32>, vector<1x32xf32>, vector<1x32xf32>, vector<1x32xf32>, vector<1x32xf32>, vector<1x32xf32>, vector<1x32xf32>, vector<1x32xf32> -> vector<8x32xf32>
    %get3A_164 = arith.constant 0 : index
    %get3A_165 = arith.constant 0 : index
    %get3A_166 = arith.constant 0 : index
    %get3A_167 = vector.load %arg2[%get3A_164, %get3A_165, %get3A_166] : memref<8x1x32xf32, #tpu.memory_space<vmem>>, vector<8x1x32xf32>
    %get3A_168 = vector.shape_cast %get3A_167 : vector<8x1x32xf32> to vector<8x32xf32>
    %add3A_169 = arith.addf %concatenate3A, %get3A_168 : vector<8x32xf32>
    %mul3A = arith.constant 0.001953125 : f32
    %mul3A_170 = vector.broadcast %mul3A : f32 to vector<8x32xf32>
    %mul3A_171 = arith.mulf %add3A_169, %mul3A_170 : vector<8x32xf32>
    %get3A_172 = arith.constant 0 : index
    %get3A_173 = arith.constant 0 : index
    %get3A_174 = vector.load %arg4[%get3A_172, %get3A_173] : memref<32x16xf32, #tpu.memory_space<vmem>>, vector<32x16xf32>
    %dot_general3A_175 = arith.constant dense<0.000000e+00> : vector<8x16xf32>
    %dot_general3A_176 = tpu.matmul %mul3A_171, %get3A_174, %dot_general3A_175 {dimension_numbers = #tpu.dot_dimension_numbers<[1], [0], [0], [1], [0, 0, 1, 1], [], []>, transpose_lhs_hint = false} : vector<8x32xf32>, vector<32x16xf32>, vector<8x16xf32> -> vector<8x16xf32>
    %get3A_177 = arith.constant 0 : index
    %get3A_178 = arith.constant 0 : index
    %get3A_179 = vector.load %arg5[%get3A_177, %get3A_178] : memref<1x16xf32, #tpu.memory_space<vmem>>, vector<1x16xf32>
    %add3A_180 = vector.broadcast %get3A_179 : vector<1x16xf32> to vector<8x16xf32>
    %add3A_181 = arith.addf %dot_general3A_176, %add3A_180 : vector<8x16xf32>
    %reduce_max3A = arith.constant dense<0xFF800000> : vector<8xf32>
    %reduce_max3A_182 = vector.multi_reduction <maximumf>, %add3A_181, %reduce_max3A [1] : vector<8x16xf32> to vector<8xf32>
    %broadcast_in_dim3A = vector.shape_cast %reduce_max3A_182 : vector<8xf32> to vector<8x1xf32>
    %sub3A = vector.broadcast %broadcast_in_dim3A : vector<8x1xf32> to vector<8x16xf32>
    %sub3A_183 = arith.subf %add3A_181, %sub3A : vector<8x16xf32>
    %exp3A = math.exp %sub3A_183 : vector<8x16xf32>
    %reduce_sum3A_184 = arith.constant dense<0.000000e+00> : vector<8xf32>
    %reduce_sum3A_185 = vector.multi_reduction <add>, %exp3A, %reduce_sum3A_184 [1] : vector<8x16xf32> to vector<8xf32>
    %broadcast_in_dim3A_186 = vector.shape_cast %reduce_sum3A_185 : vector<8xf32> to vector<8x1xf32>
    %div3A = vector.broadcast %broadcast_in_dim3A_186 : vector<8x1xf32> to vector<8x16xf32>
    %div3A_187 = arith.divf %exp3A, %div3A : vector<8x16xf32>
    %swap3A = arith.constant 0 : index
    %swap3A_188 = arith.constant 0 : index
    %swap3A_189 = vector.load %arg6[%swap3A, %swap3A_188] : memref<8x16xf32, #tpu.memory_space<vmem>>, vector<8x16xf32>
    tpu.vector_store %arg6[%swap3A, %swap3A_188], %div3A_187 {strides = array<i32>} : memref<8x16xf32, #tpu.memory_space<vmem>>, vector<8x16xf32>,
    return
  }
  func.func @transform_0(%arg0: i32) -> (i32, i32, i32) {
    %c0_i32 = arith.constant 0 : i32
    %c0_i32_0 = arith.constant 0 : i32
    %c0_i32_1 = arith.constant 0 : i32
    return %c0_i32, %arg0, %c0_i32_0 : i32, i32, i32
  }
  func.func @transform_1(%arg0: i32) -> (i32, i32, i32) {
    %c0_i32 = arith.constant 0 : i32
    %c0_i32_0 = arith.constant 0 : i32
    %c0_i32_1 = arith.constant 0 : i32
    return %arg0, %c0_i32, %c0_i32_0 : i32, i32, i32
  }
  func.func @transform_2(%arg0: i32) -> (i32, i32) {
    %c0_i32 = arith.constant 0 : i32
    %c0_i32_0 = arith.constant 0 : i32
    %c0_i32_1 = arith.constant 0 : i32
    return %c0_i32, %c0_i32_0 : i32, i32
  }
  func.func @transform_3(%arg0: i32) -> (i32, i32) {
    %c0_i32 = arith.constant 0 : i32
    %c0_i32_0 = arith.constant 0 : i32
    %c0_i32_1 = arith.constant 0 : i32
    return %c0_i32, %c0_i32_0 : i32, i32
  }
  func.func @transform_4(%arg0: i32) -> (i32, i32) {
    %c0_i32 = arith.constant 0 : i32
    %c0_i32_0 = arith.constant 0 : i32
    %c0_i32_1 = arith.constant 0 : i32
    return %c0_i32, %c0_i32_0 : i32, i32
  }
  func.func @transform_5(%arg0: i32) -> (i32, i32) {
    %c0_i32 = arith.constant 0 : i32
    %c0_i32_0 = arith.constant 0 : i32
    return %arg0, %c0_i32 : i32, i32
  }
}

</mosaic_0001>

<sc_bundles>
// kernel: kernel.5.cloned.1.call-start
scs
__scs_entry_jumppad:
0x0: {  	(pc) =	sbr.rel $0x88, $3  }
0x1: {  	(tag) =	ssettag $0x0;
	lr =	simm.s32 $0x1  }
0x2: {  	[smem:$0x3F98] =	sst lr;
	_ =	strace $0xD0000000  }
0x3: {  	_ = 	snop  }
0x4: {  	_ = 	snop  }
0x5: {  	_ = 	snop  }
0x6: {  	_ = 	snop  }
0x7: {  	_ = 	snop  }
__scs_overlays_trampoline_lowered:
0x8: {  	[smem:$0x3FA7] =	sst s0  }
0x9: {  	[smem:$0x3FA8] =	sst s1  }
0xa: {  	[smem:$0x3FA9] =	sst s2  }
0xb: {  	[smem:$0x3FAA] =	sst s3  }
0xc: {  	[smem:$0x3FAB] =	sst s4  }
0xd: {  	[smem:$0x3FAC] =	sst s5  }
0xe: {  	[smem:$0x3FAD] =	sst s6  }
0xf: {  	[smem:$0x3FAE] =	sst s7  }
0x10: {  	[smem:$0x3FAF] =	sst s8  }
0x11: {  	[smem:$0x3FB0] =	sst s9;
	s0 =	simm.s32 @!p0 $0x0  }
0x12: {  	s1 =	sld [smem:$0x3F96];
	s0 =	simm.s32 @p0 $0x1  }
0x13: {  	[smem:$0x3FB1] =	sst s0;
	s0 =	simm.s32 @!p1 $0x0  }
0x14: {  	s2 =	sld [smem:$0x3F95];
	s0 =	simm.s32 @p1 $0x1  }
0x15: {  	[smem:$0x3FB2] =	sst s0;
	s0 =	simm.s32 @!p2 $0x0  }
0x16: {  	s3 =	sld [smem:$0x3FDB];
	s0 =	simm.s32 @p2 $0x1  }
0x17: {  	s4 =	simm.s32 $0x1BF5;
	[smem:$0x3FB4] =	sst s0  }
0x18: {  	s0 =	sld [smem:$0x3F97];
	_ =	swait.ge [sflag:s4], $0x0  }
0x19: {  	s7 =	sld [smem:$0x3F98]  }
0x1a: {  	s8 =	sadd.s32 $0xFFFFE003, lr  }
0x1b: {  	s9 =	sadd.s32 $0xFFFFFEF7, lr;
	s5 =	simm.s32 $0xFFFFFFFF;
	p2 =	slt.u32 s8, $0xFFFFF086  }
0x1c: {  	p1 =	slt.u32 s9, $0xF7A;
	s5 =	simm.s32 @!p2 $0x0  }
0x1d: {  	s5 =	simm.s32 @p1 $0x1;
	p0 =	seq.s32 s7, s2  }
0x1e: {  	s7 =	smul.u32 @!p0 $0xF7A, s2;
	p2 =	seq.s32 @!p0 s5, $0x0  }
0x1f: {  	s9 =	smul.u32 $0xF7A, s1;
	s8 =	simm.s32 @!p0 $0x1BF5;
	p2 =	por !p2, p0  }
0x20: {  	[sflag:s8] =	ssyncset.s32 @!p0 $0xFFFFF086;
	s6 =	sadd.s32 @!p0 s3, s7;
	s7 =	simm.s32 @!p0 $0x108  }
0x21: {  	s3 =	sadd.s32 s3, s9;
	s6 =	sadd.s32 @!p0 $0x88, s6;
	s7 =	simm.s32 @p2 $0x1082  }
0x22: {  	[simem:s7], [sflag:s8] =	dma.local @!p0 [hbm:s6], $0xF7A  }
0x23: {  	s9 =	sor.u32 $0xD0000000, s2;
	s6 =	simm.s32 $0x108;
	_ =	swait.ge @!p0 [sflag:s8], $0x0  }
0x24: {  	s3 =	sadd.s32 $0x88, s3;
	s6 =	simm.s32 @!p1 $0x1082;
	[sflag:s4] =	ssyncset.s32 $0xFFFFF086  }
0x25: {  	[simem:s6], [sflag:s4] =	dma.local [hbm:s3], $0xF7A  }
0x26: {  	[smem:$0x3F98] =	sst s1;
	(tag) =	ssettag s2;
	_ =	strace s9  }
0x27: {  	s1 =	sld [smem:$0x3FA8]  }
0x28: {  	s2 =	sld [smem:$0x3FA9]  }
0x29: {  	s4 =	sld [smem:$0x3FAB]  }
0x2a: {  	p0 =	seq.s32 s5, $0x0;
	s5 =	sld [smem:$0x3FAC]  }
0x2b: {  	s6 =	sld [smem:$0x3FAD]  }
0x2c: {  	s7 =	sld [smem:$0x3FAE]  }
0x2d: {  	s3 =	simm.s32 $0x108;
	s8 =	sld [smem:$0x3FAF]  }
0x2e: {  	s3 =	simm.s32 @!p0 $0x1082;
	s9 =	sld [smem:$0x3FB0]  }
0x2f: {  	lr =	sadd.s32 s0, s3;
	s0 =	sld [smem:$0x3FA7]  }
0x30: {  	s3 =	sld [smem:$0x3FAA]  }
0x31: {  	[smem:$0x3FB3] =	sst s10  }
0x32: {  	s10 =	sld [smem:$0x3FB1];
	_ =	sdelay $0x3  }
0x33: {  	p0 =	seq.s32 s10, $0x1;
	s10 =	sld [smem:$0x3FB3];
	_ =	sdelay $0x3  }
0x34: {  	[smem:$0x3FB3] =	sst s10  }
0x35: {  	s10 =	sld [smem:$0x3FB2];
	_ =	sdelay $0x3  }
0x36: {  	p1 =	seq.s32 s10, $0x1;
	s10 =	sld [smem:$0x3FB3];
	_ =	sdelay $0x3  }
0x37: {  	[smem:$0x3FB3] =	sst s10  }
0x38: {  	s10 =	sld [smem:$0x3FB4]  }
0x39: {  	_ = 	snop;
	(pc) =	sbr.ind lr, $3  }
0x3a: {  	_ = 	snop  }
0x3b: {  	_ = 	snop  }
0x3c: {  	p2 =	seq.s32 s10, $0x1;
	s10 =	sld [smem:$0x3FB3]  }
0x3d: {  	_ =	shalt  }
0x3e: {  	_ =	shalt  }
0x3f: {  	_ =	shalt  }
0x40: {  	_ =	shalt  }
0x41: {  	_ =	shalt  }
0x42: {  	_ =	shalt  }
0x43: {  	_ =	shalt  }
0x44: {  	_ =	shalt  }
0x45: {  	_ =	shalt  }
0x46: {  	_ =	shalt  }
0x47: {  	_ =	shalt  }
0x48: {  	_ =	shalt  }
0x49: {  	_ =	shalt  }
0x4a: {  	_ =	shalt  }
0x4b: {  	_ =	shalt  }
0x4c: {  	_ =	shalt  }
0x4d: {  	_ =	shalt  }
0x4e: {  	_ =	shalt  }
0x4f: {  	_ =	shalt  }
0x50: {  	_ =	shalt  }
0x51: {  	_ =	shalt  }
0x52: {  	_ =	shalt  }
0x53: {  	_ =	shalt  }
0x54: {  	_ =	shalt  }
0x55: {  	_ =	shalt  }
0x56: {  	_ =	shalt  }
0x57: {  	_ =	shalt  }
0x58: {  	_ =	shalt  }
0x59: {  	_ =	shalt  }
0x5a: {  	_ =	shalt  }
0x5b: {  	_ =	shalt  }
0x5c: {  	_ =	shalt  }
0x5d: {  	_ =	shalt  }
0x5e: {  	_ =	shalt  }
0x5f: {  	_ =	shalt  }
0x60: {  	_ =	shalt  }
0x61: {  	_ =	shalt  }
0x62: {  	_ =	shalt  }
0x63: {  	_ =	shalt  }
0x64: {  	_ =	shalt  }
0x65: {  	_ =	shalt  }
0x66: {  	_ =	shalt  }
0x67: {  	_ =	shalt  }
0x68: {  	_ =	shalt  }
0x69: {  	_ =	shalt  }
0x6a: {  	_ =	shalt  }
0x6b: {  	_ =	shalt  }
0x6c: {  	_ =	shalt  }
0x6d: {  	_ =	shalt  }
0x6e: {  	_ =	shalt  }
0x6f: {  	_ =	shalt  }
0x70: {  	_ =	shalt  }
0x71: {  	_ =	shalt  }
0x72: {  	_ =	shalt  }
0x73: {  	_ =	shalt  }
0x74: {  	_ =	shalt  }
0x75: {  	_ =	shalt  }
0x76: {  	_ =	shalt  }
0x77: {  	_ =	shalt  }
0x78: {  	_ =	shalt  }
0x79: {  	_ =	shalt  }
0x7a: {  	_ =	shalt  }
0x7b: {  	_ =	shalt  }
0x7c: {  	_ =	shalt  }
0x7d: {  	_ =	shalt  }
0x7e: {  	_ =	shalt  }
0x7f: {  	_ =	shalt  }
0x80: {  	_ =	shalt  }
0x81: {  	_ =	shalt  }
0x82: {  	_ =	shalt  }
0x83: {  	_ =	shalt  }
0x84: {  	_ =	shalt  }
0x85: {  	_ =	shalt  }
0x86: {  	_ =	shalt  }
0x87: {  	_ =	shalt  }
.Lfunc_end0:
.L_simem_size_0:
called_computation_lowered:
.L_overlay_start_0:
0x88: {  	s2 =	sld [smem:$0x3FD9]  }
0x89: {  	s3 =	sld [smem:$0x3FFE];
	_ =	sdelay $0x1  }
0x8a: {  	s1 =	srdreg.scid  }
0x8b: {  	s0 =	sand.u32 $0x1, s1  }
0x8c: {  	s17 =	sshll.u32 s0, $0xA;
	s2 =	sadd.s32 s3, s2  }
0x8d: {  	s2 =	sadd.s32 s2, s17  }
0x8e: {  	[smem:$0x3FBF] =	sst s2  }
0x8f: {  	_ = 	snop  }
0x90: {  	s2 =	sld [smem:$0x3FC8];
	(tm) =	ssettm $0x1  }
0x91: {  	s18 =	sld [smem:$0x3FFB];
	_ =	sdelay $0x3  }
0x92: {  	_ =	strace s18  }
0x93: {  	s3 =	sld [smem:$0x3FFC];
	_ =	sdelay $0x3  }
0x94: {  	_ =	strace s3  }
0x95: {  	s3 =	sld [smem:$0x3FFD];
	_ =	sdelay $0x3  }
0x96: {  	_ =	strace s3  }
0x97: {  	_ =	strace $0x8FFFFFFF  }
0x98: {  	s19 =	sld [smem:$0x3FDB];
	_ =	sdelay $0x1  }
0x99: {  	s4 =	simm.s32 $_scs_section_size  }
0x9a: {  	s5 =	simm.s32 $_size__tile_overlayer_lowered;
	s6 =	simm.s32 $_tile_overlayer_lowered  }
0x9b: {  	s22 =	simm.s32 $0x1BFF;
	s21 =	sshll.u32 s6, $0x1;
	s3 =	sadd.s32 s4, s19  }
0x9c: {  	s7 =	simm.s32 $0x0;
	s20 =	sshll.u32 s5, $0x1;
	s5 =	sadd.s32 s21, s3  }
0x9d: {  	[timem:s7], [sflag:s22] =	dma.local [hbm:s5], s20  }
0x9e: {  	_ =	swait.ge [sflag:s22], s20  }
0x9f: {  	s4 =	ssub.s32 $0x0, s20;
	[sflag:s22] =	ssyncset.done $0x0  }
0xa0: {  	[sflag:s22] =	ssyncadd.s32 s4;
	_ =	sdelay $0x1  }
0xa1: {  	s23 =	simm.s32 $0x1B8B  }
0xa2: {  	_ =	swait.ge [sflag:s23], $0x1  }
0xa3: {  	[sflag:s23] =	ssyncset.done $0x0  }
0xa4: {  	s25 =	simm.s32 $0x1B8E;
	s24 =	sld [smem:$0x3FFE];
	[sflag:s23] =	ssyncadd.s32 $0xFFFFFFFF  }
0xa5: {  	s26 =	simm.s32 $execute0_lowered;
	[smem:$0x3FD2] =	sst s25  }
0xa6: {  	s5 =	sshll.u32 s26, $0x1;
	_ =	strace $0x80000046;
	[dreg:$0x1] =	wrdreg $0xFFFFFFFF  }
0xa7: {  	s28 =	simm.s32 $_size_execute0_lowered;
	s3 =	sadd.s32 s3, s5;
	[dreg:$0x0] =	wrdreg $0x0  }
0xa8: {  	s5 =	sshll.u32 s28, $0x1;
	[dreg:$0x2] =	wrdreg s3  }
0xa9: {  	[dreg:$0x3] =	wrdreg s5  }
0xaa: {  	[dreg:$0x4] =	wrdreg $0xC0  }
0xab: {  	_ =	task [dreg:s7], $0x5FFFF  }
0xac: {  	[dreg:$0x1] =	wrdreg $0xFFFFFFFF  }
0xad: {  	[dreg:$0x0] =	wrdreg $0x60  }
0xae: {  	[dreg:$0x2] =	wrdreg s24  }
0xaf: {  	[dreg:$0x3] =	wrdreg s2  }
0xb0: {  	[dreg:$0x4] =	wrdreg $0xF8000  }
0xb1: {  	[dreg:$0x5] =	wrdreg $0x178000  }
0xb2: {  	[dreg:$0x6] =	wrdreg $0x9  }
0xb3: {  	_ =	task.clear_ibuf [dreg:s7], $0x7FFFF;
	_ =	strace $0x90000046  }
0xb4: {  	s29 =	simm.s32 $0x9;
	_ =	strace $0x80000048  }
0xb5: {  	_ =	swait.ge [sflag:s29], $0x1  }
0xb6: {  	[sflag:s29] =	ssyncadd.s32 $0xFFFFFFFF  }
0xb7: {  	_ =	strace $0x90000048  }
0xb8: {  	_ =	sfence  }
0xb9: {  	s30 =	sld [smem:$0x0];
	_ =	sdelay $0x2  }
0xba: {  	s31 =	sshll.u32 s1, $0xD;
	s1 =	sshrl.u32 s1, $0x2  }
0xbb: {  	s3 =	sand.u32 $0x4000, s31;
	s1 =	sadd.s32 s1, s30  }
0xbc: {  	s0 =	sor.u32 s3, s0;
	s1 =	sshll.u32 s1, $0x11  }
0xbd: {  	s0 =	sor.u32 s1, s0  }
0xbe: {  	s0 =	sadd.s32 $0x8F2B, s0  }
0xbf: {  	[sflag:s0] =	ssyncadd.remote.s32 $0x1  }
0xc0: {  	_ =	sfence.sel $0xFFFF  }
0xc1: {  	[dreg:$0x0] =	wrdreg $0xFFFFFFFF;
	(pc) =	sbr.abs _section_cstart, $3  }
0xc2: {  	[dreg:$0x1] =	wrdreg $0xFFFFFFFF  }
0xc3: {  	_ =	task.clear_ibuf [dreg:s7], $0x2FFFF;
	_ =	strace $0x9FFFFFFF  }
0xc4: {  	(tm) =	ssettm $0x7FFFFFFF  }
0xc5: {  	_ =	shalt  }
tec
execute0_lowered:
.L_overlay_start_1:
0x0: {  	(tag) =	ssettag $0x1  }
0x1: {  	s0 =	rddreg [dreg:$0x0];
	v0 =	vlaneseq.u32  }
0x2: {  	s3 =	rddreg [dreg:$0x1];
	v0 =	vmul.u32 $0x10, v0  }
0x3: {  	s1 =	rddreg [dreg:$0x2];
	s5 =	simm.s32 $0x0  }
0x4: {  	[smem:$0x7FF] =	sst s5;
	v6 =	vor.u32 $0x5, v0  }
0x5: {  	s2 =	rddreg [dreg:$0x3];
	_ =	strace $0x80000047;
	v3 =	vor.u32 $0x1, v0;
	[tilespmem:$0x1FC30] =	vst v6  }
0x6: {  	v4 =	vor.u32 $0x2, v0;
	[tilespmem:$0x1FC40] =	vst v3  }
0x7: {  	v5 =	vor.u32 $0x3, v0;
	[tilespmem:$0x1FC50] =	vst v4  }
0x8: {  	v7 =	vor.u32 $0x6, v0;
	[tilespmem:$0x1FC60] =	vst v5  }
0x9: {  	v8 =	vor.u32 $0x7, v0;
	[tilespmem:$0x1FC70] =	vst v7  }
0xa: {  	v9 =	vor.u32 $0x8, v0;
	[tilespmem:$0x1FC80] =	vst v8  }
0xb: {  	v10 =	vor.u32 $0x9, v0;
	[tilespmem:$0x1FC90] =	vst v9  }
0xc: {  	v11 =	vor.u32 $0xA, v0;
	[tilespmem:$0x1FCA0] =	vst v10  }
0xd: {  	v12 =	vor.u32 $0xB, v0;
	[tilespmem:$0x1FCB0] =	vst v11  }
0xe: {  	v13 =	vor.u32 $0xC, v0;
	[tilespmem:$0x1FCC0] =	vst v12  }
0xf: {  	v14 =	vor.u32 $0xD, v0;
	[tilespmem:$0x1FCD0] =	vst v13  }
0x10: {  	v15 =	vor.u32 $0xE, v0;
	[tilespmem:$0x1FCE0] =	vst v14  }
0x11: {  	v16 =	vor.u32 $0xF, v0;
	[tilespmem:$0x1FCF0] =	vst v15  }
0x12: {  	v17 =	vor.u32 $0x100, v0;
	[tilespmem:$0x1FD00] =	vst v16  }
0x13: {  	v18 =	vor.u32 $0x101, v0;
	[tilespmem:$0x1FD10] =	vst v17  }
0x14: {  	v19 =	vor.u32 $0x102, v0;
	[tilespmem:$0x1FD20] =	vst v18  }
0x15: {  	v20 =	vor.u32 $0x103, v0;
	[tilespmem:$0x1FD30] =	vst v19  }
0x16: {  	v21 =	vor.u32 $0x104, v0;
	[tilespmem:$0x1FD40] =	vst v20  }
0x17: {  	v22 =	vor.u32 $0x105, v0;
	[tilespmem:$0x1FD50] =	vst v21  }
0x18: {  	v23 =	vor.u32 $0x106, v0;
	[tilespmem:$0x1FD60] =	vst v22  }
0x19: {  	v24 =	vor.u32 $0x107, v0;
	[tilespmem:$0x1FD70] =	vst v23  }
0x1a: {  	v25 =	vor.u32 $0x108, v0;
	[tilespmem:$0x1FD80] =	vst v24  }
0x1b: {  	v26 =	vor.u32 $0x109, v0;
	[tilespmem:$0x1FD90] =	vst v25  }
0x1c: {  	v27 =	vor.u32 $0x10A, v0;
	[tilespmem:$0x1FDA0] =	vst v26  }
0x1d: {  	v28 =	vor.u32 $0x10B, v0;
	[tilespmem:$0x1FDB0] =	vst v27  }
0x1e: {  	v29 =	vor.u32 $0x10C, v0;
	[tilespmem:$0x1FDC0] =	vst v28  }
0x1f: {  	v30 =	vor.u32 $0x10D, v0;
	[tilespmem:$0x1FDD0] =	vst v29  }
0x20: {  	v31 =	vor.u32 $0x10E, v0;
	[tilespmem:$0x1FDE0] =	vst v30  }
0x21: {  	v32 =	vor.u32 $0x10F, v0;
	[tilespmem:$0x1FDF0] =	vst v31  }
0x22: {  	v33 =	vor.u32 $0x200, v0;
	[tilespmem:$0x1FE00] =	vst v32  }
0x23: {  	v34 =	vor.u32 $0x201, v0;
	[tilespmem:$0x1FE10] =	vst v33  }
0x24: {  	v35 =	vor.u32 $0x202, v0;
	[tilespmem:$0x1FE20] =	vst v34  }
0x25: {  	v36 =	vor.u32 $0x203, v0;
	[tilespmem:$0x1FE30] =	vst v35  }
0x26: {  	s4 =	srdreg.scid;
	s7 =	stileid.u32;
	v37 =	vor.u32 $0x204, v0;
	[tilespmem:$0x1FE40] =	vst v36  }
0x27: {  	s4 =	sand.u32 $0x1, s4;
	s8 =	sshll.u32 s7, $0xF;
	s25 =	sshll.u32 s7, $0xD;
	v38 =	vor.u32 $0x205, v0;
	[tilespmem:$0x1FE50] =	vst v37  }
0x28: {  	s15 =	sadd.s32 s8, s1;
	s26 =	sshll.u32 s4, $0x11;
	s3 =	sadd.s32 s3, s25;
	v39 =	vor.u32 $0x206, v0;
	[tilespmem:$0x1FE60] =	vst v38  }
0x29: {  	s3 =	sadd.s32 s26, s3;
	v40 =	vor.u32 $0x207, v0;
	[dreg:$0x5] =	wrdreg s15;
	[tilespmem:$0x1FE70] =	vst v39  }
0x2a: {  	s9 =	sadd.s32 $0x800, s15;
	v41 =	vor.u32 $0x208, v0;
	[dreg:$0x7] =	wrdreg s3;
	[tilespmem:$0x1FE80] =	vst v40  }
0x2b: {  	s10 =	sadd.s32 $0x1000, s15;
	v42 =	vor.u32 $0x209, v0;
	[dreg:$0x9] =	wrdreg s9;
	[tilespmem:$0x1FE90] =	vst v41  }
0x2c: {  	s11 =	sadd.s32 $0x1800, s15;
	v43 =	vor.u32 $0x20A, v0;
	[dreg:$0xa] =	wrdreg s10;
	[tilespmem:$0x1FEA0] =	vst v42  }
0x2d: {  	s12 =	sadd.s32 $0x2000, s15;
	v44 =	vor.u32 $0x20B, v0;
	[dreg:$0xb] =	wrdreg s11;
	[tilespmem:$0x1FEB0] =	vst v43  }
0x2e: {  	s28 =	simm.s32 $0x3;
	s13 =	sadd.s32 $0x2800, s15;
	v45 =	vor.u32 $0x20C, v0;
	[dreg:$0xc] =	wrdreg s12;
	[tilespmem:$0x1FEC0] =	vst v44  }
0x2f: {  	s30 =	simm.s32 $0xC800;
	s14 =	sadd.s32 $0x3000, s15;
	v46 =	vor.u32 $0x20D, v0;
	[dreg:$0xd] =	wrdreg s13;
	[tilespmem:$0x1FED0] =	vst v45  }
0x30: {  	s31 =	simm.s32 $0x80;
	s16 =	sadd.s32 $0x3800, s15;
	v47 =	vor.u32 $0x20E, v0;
	[dreg:$0xe] =	wrdreg s14;
	[tilespmem:$0x1FEE0] =	vst v46  }
0x31: {  	s29 =	simm.s32 $0xB000;
	s17 =	sadd.s32 $0x4000, s15;
	v48 =	vor.u32 $0x20F, v0;
	[dreg:$0xf] =	wrdreg s16;
	[tilespmem:$0x1FEF0] =	vst v47  }
0x32: {  	s23 =	sshll.u32 s7, $0xC;
	s18 =	sadd.s32 $0x4800, s15;
	v49 =	vor.u32 $0x300, v0;
	[dreg:$0x10] =	wrdreg s17;
	[tilespmem:$0x1FF00] =	vst v48  }
0x33: {  	s6 =	ssub.s32 $0x2, s4;
	s19 =	sadd.s32 $0x5000, s15;
	v50 =	vor.u32 $0x301, v0;
	[dreg:$0x11] =	wrdreg s18;
	[tilespmem:$0x1FF10] =	vst v49  }
0x34: {  	s0 =	sadd.s32 s23, s0;
	s20 =	sadd.s32 $0x5800, s15;
	v51 =	vor.u32 $0x302, v0;
	[dreg:$0x12] =	wrdreg s19;
	[tilespmem:$0x1FF20] =	vst v50  }
0x35: {  	s24 =	sshrl.u32 s6, $0x1;
	s21 =	sadd.s32 $0x6000, s15;
	v52 =	vor.u32 $0x303, v0;
	[dreg:$0x13] =	wrdreg s20;
	[tilespmem:$0x1FF30] =	vst v51  }
0x36: {  	s25 =	sadd.s32 $0x1200, s0;
	s22 =	sadd.s32 $0x6800, s15;
	v53 =	vor.u32 $0x304, v0;
	[dreg:$0x14] =	wrdreg s21;
	[tilespmem:$0x1FF40] =	vst v52  }
0x37: {  	s23 =	sadd.s32 $0x7000, s15;
	s26 =	sadd.s32 s8, s2;
	v54 =	vor.u32 $0x305, v0;
	[dreg:$0x15] =	wrdreg s22;
	[tilespmem:$0x1FF50] =	vst v53  }
0x38: {  	s8 =	simm.s32 $0x4800;
	v55 =	vor.u32 $0x306, v0;
	s5 =	ssub.s32 s6, s24;
	[dreg:$0x16] =	wrdreg s23;
	[tilespmem:$0x1FF60] =	vst v54  }
0x39: {  	v56 =	vor.u32 $0x307, v0;
	s6 =	sshll.u32 s4, $0x10;
	s24 =	sadd.s32 $0x7800, s15;
	[dreg:$0x18] =	wrdreg s26;
	[tilespmem:$0x1FF70] =	vst v55  }
0x3a: {  	v57 =	vor.u32 $0x308, v0;
	s10 =	simm.s32 $0x5000;
	s12 =	simm.s32 $0x5800;
	s14 =	simm.s32 $0x6000;
	[tilespmem:$0x1FF80] =	vst v56  }
0x3b: {  	v58 =	vor.u32 $0x309, v0;
	s16 =	simm.s32 $0x6800;
	s18 =	simm.s32 $0x7000;
	s20 =	simm.s32 $0x7800;
	[tilespmem:$0x1FF90] =	vst v57  }
0x3c: {  	v59 =	vor.u32 $0x30A, v0;
	s21 =	simm.s32 $0x1;
	s22 =	simm.s32 $0x8000;
	s23 =	simm.s32 $0x8800;
	[tilespmem:$0x1FFA0] =	vst v58  }
0x3d: {  	v60 =	vor.u32 $0x30B, v0;
	s26 =	simm.s32 $0xA000;
	s4 =	simm.s32 $0xA800;
	s3 =	simm.s32 $0xB800;
	[tilespmem:$0x1FFB0] =	vst v59  }
0x3e: {  	v61 =	vor.u32 $0x30C, v0;
	s9 =	simm.s32 $0x2;
	[dreg:$0x6] =	wrdreg s25;
	[tilespmem:$0x1FFC0] =	vst v60;
	s7 =	smax.u32 s5, $0x1  }
0x3f: {  	v62 =	vor.u32 $0x30D, v0;
	[tilespmem:$0x1FFD0] =	vst v61;
	s0 =	sadd.s32 s6, s0;
	[dreg:$0x17] =	wrdreg s24;
	s24 =	simm.s32 $0x9000  }
0x40: {  	v63 =	vor.u32 $0x30E, v0;
	[tilespmem:$0x1FFE0] =	vst v62;
	s5 =	simm.s32 $0x9800;
	[dreg:$0x8] =	wrdreg s7;
	s17 =	sadd.s32 $0x11200, s0  }
0x41: {  	v1 =	vimm.f32 $0.0e+00;
	v2 =	vor.u32 $0x4, v0;
	[tilespmem:$0x1FFF0] =	vst v63;
	s0 =	simm.s32 $0x4000;
	s7 =	simm.s32 $0x0;
	[dreg:$0x19] =	wrdreg s17  }
.LBB2_1:
0x42: {  	[dreg:$0x1a] =	wrdreg s7;
	s11 =	simm.s32 $0x40;
	s13 =	simm.s32 $0x0  }
.LBB2_2:
0x43: {  	p0 =	sne.s32 s11, $0x1FC0;
	[tilespmem:s13+$0xC000] =	vst v1;
	s13 =	smov.u32 s11;
	s11 =	sadd.s32 $0x40, s11  }
.Ltmp0:
0x44: {  	(pc) =	sbr.rel @p0 .LBB2_2-.Ltmp0, $2  }
0x45: {  	_ =	sdelay $0x2  }
0x46: {  	s13 =	sshra.s32 s13, $0x2  }
0x47: {  	[tilespmem:s13+$0xC000] =	vst v1;
	s7 =	simm.s32 $0xC000  }
0x48: {  	[spmem:s15] =	stream.linear.scatter [tilespmem:s7], [sflag:$0x3], $0x800, $0x38;
	[tilespmem:$0x1F800] =	vst v63  }
0x49: {  	_ =	swait.ge [sflag:s28], $0x800  }
0x4a: {  	[sflag:s28] =	ssyncset.done $0x0  }
0x4b: {  	s6 =	rddreg [dreg:$0x9];
	[sflag:s28] =	ssyncadd.s32 $0xFFFFF800  }
0x4c: {  	[spmem:s6] =	stream.linear.scatter [tilespmem:s7], [sflag:$0x3], $0x800, $0x38;
	[tilespmem:$0x1F800] =	vst v63  }
0x4d: {  	_ =	swait.ge [sflag:s28], $0x800  }
0x4e: {  	[sflag:s28] =	ssyncset.done $0x0  }
0x4f: {  	s13 =	rddreg [dreg:$0xa];
	[sflag:s28] =	ssyncadd.s32 $0xFFFFF800  }
0x50: {  	[spmem:s13] =	stream.linear.scatter [tilespmem:s7], [sflag:$0x3], $0x800, $0x38;
	[tilespmem:$0x1F800] =	vst v63  }
0x51: {  	_ =	swait.ge [sflag:s28], $0x800  }
0x52: {  	[sflag:s28] =	ssyncset.done $0x0  }
0x53: {  	s15 =	rddreg [dreg:$0xb];
	[sflag:s28] =	ssyncadd.s32 $0xFFFFF800  }
0x54: {  	[spmem:s15] =	stream.linear.scatter [tilespmem:s7], [sflag:$0x3], $0x800, $0x38;
	[tilespmem:$0x1F800] =	vst v63  }
0x55: {  	_ =	swait.ge [sflag:s28], $0x800  }
0x56: {  	[sflag:s28] =	ssyncset.done $0x0  }
0x57: {  	s17 =	rddreg [dreg:$0xc];
	[sflag:s28] =	ssyncadd.s32 $0xFFFFF800  }
0x58: {  	[spmem:s17] =	stream.linear.scatter [tilespmem:s7], [sflag:$0x3], $0x800, $0x38;
	[tilespmem:$0x1F800] =	vst v63  }
0x59: {  	_ =	swait.ge [sflag:s28], $0x800  }
0x5a: {  	[sflag:s28] =	ssyncset.done $0x0  }
0x5b: {  	s19 =	rddreg [dreg:$0xd];
	[sflag:s28] =	ssyncadd.s32 $0xFFFFF800  }
0x5c: {  	[spmem:s19] =	stream.linear.scatter [tilespmem:s7], [sflag:$0x3], $0x800, $0x38;
	[tilespmem:$0x1F800] =	vst v63  }
0x5d: {  	_ =	swait.ge [sflag:s28], $0x800  }
0x5e: {  	[sflag:s28] =	ssyncset.done $0x0  }
0x5f: {  	s11 =	rddreg [dreg:$0xe];
	[sflag:s28] =	ssyncadd.s32 $0xFFFFF800  }
0x60: {  	[spmem:s11] =	stream.linear.scatter [tilespmem:s7], [sflag:$0x3], $0x800, $0x38;
	[tilespmem:$0x1F800] =	vst v63  }
0x61: {  	_ =	swait.ge [sflag:s28], $0x800  }
0x62: {  	[sflag:s28] =	ssyncset.done $0x0  }
0x63: {  	s13 =	rddreg [dreg:$0xf];
	[sflag:s28] =	ssyncadd.s32 $0xFFFFF800  }
0x64: {  	[spmem:s13] =	stream.linear.scatter [tilespmem:s7], [sflag:$0x3], $0x800, $0x38;
	[tilespmem:$0x1F800] =	vst v63  }
0x65: {  	_ =	swait.ge [sflag:s28], $0x800  }
0x66: {  	[sflag:s28] =	ssyncset.done $0x0  }
0x67: {  	s15 =	rddreg [dreg:$0x10];
	[sflag:s28] =	ssyncadd.s32 $0xFFFFF800  }
0x68: {  	[spmem:s15] =	stream.linear.scatter [tilespmem:s7], [sflag:$0x3], $0x800, $0x38;
	[tilespmem:$0x1F800] =	vst v63  }
0x69: {  	_ =	swait.ge [sflag:s28], $0x800  }
0x6a: {  	[sflag:s28] =	ssyncset.done $0x0  }
0x6b: {  	s17 =	rddreg [dreg:$0x11];
	[sflag:s28] =	ssyncadd.s32 $0xFFFFF800  }
0x6c: {  	[spmem:s17] =	stream.linear.scatter [tilespmem:s7], [sflag:$0x3], $0x800, $0x38;
	[tilespmem:$0x1F800] =	vst v63  }
0x6d: {  	_ =	swait.ge [sflag:s28], $0x800  }
0x6e: {  	[sflag:s28] =	ssyncset.done $0x0  }
0x6f: {  	s19 =	rddreg [dreg:$0x12];
	[sflag:s28] =	ssyncadd.s32 $0xFFFFF800  }
0x70: {  	[spmem:s19] =	stream.linear.scatter [tilespmem:s7], [sflag:$0x3], $0x800, $0x38;
	[tilespmem:$0x1F800] =	vst v63  }
0x71: {  	_ =	swait.ge [sflag:s28], $0x800  }
0x72: {  	[sflag:s28] =	ssyncset.done $0x0  }
0x73: {  	s11 =	rddreg [dreg:$0x13];
	[sflag:s28] =	ssyncadd.s32 $0xFFFFF800  }
0x74: {  	[spmem:s11] =	stream.linear.scatter [tilespmem:s7], [sflag:$0x3], $0x800, $0x38;
	[tilespmem:$0x1F800] =	vst v63  }
0x75: {  	_ =	swait.ge [sflag:s28], $0x800  }
0x76: {  	[sflag:s28] =	ssyncset.done $0x0  }
0x77: {  	s13 =	rddreg [dreg:$0x14];
	[sflag:s28] =	ssyncadd.s32 $0xFFFFF800  }
0x78: {  	[spmem:s13] =	stream.linear.scatter [tilespmem:s7], [sflag:$0x3], $0x800, $0x38;
	[tilespmem:$0x1F800] =	vst v63  }
0x79: {  	_ =	swait.ge [sflag:s28], $0x800  }
0x7a: {  	[sflag:s28] =	ssyncset.done $0x0  }
0x7b: {  	s15 =	rddreg [dreg:$0x15];
	[sflag:s28] =	ssyncadd.s32 $0xFFFFF800  }
0x7c: {  	[spmem:s15] =	stream.linear.scatter [tilespmem:s7], [sflag:$0x3], $0x800, $0x38;
	[tilespmem:$0x1F800] =	vst v63  }
0x7d: {  	_ =	swait.ge [sflag:s28], $0x800  }
0x7e: {  	[sflag:s28] =	ssyncset.done $0x0  }
0x7f: {  	s17 =	rddreg [dreg:$0x16];
	[sflag:s28] =	ssyncadd.s32 $0xFFFFF800  }
0x80: {  	[spmem:s17] =	stream.linear.scatter [tilespmem:s7], [sflag:$0x3], $0x800, $0x38;
	[tilespmem:$0x1F800] =	vst v63  }
0x81: {  	_ =	swait.ge [sflag:s28], $0x800  }
0x82: {  	[sflag:s28] =	ssyncset.done $0x0  }
0x83: {  	s19 =	rddreg [dreg:$0x17];
	[sflag:s28] =	ssyncadd.s32 $0xFFFFF800  }
0x84: {  	[spmem:s19] =	stream.linear.scatter [tilespmem:s7], [sflag:$0x3], $0x800, $0x38;
	[tilespmem:$0x1F800] =	vst v63  }
0x85: {  	_ =	swait.ge [sflag:s28], $0x800  }
0x86: {  	s13 =	simm.s32 $0x0;
	s17 =	simm.s32 $0x0;
	[sflag:s28] =	ssyncset.done $0x0  }
0x87: {  	s7 =	simm.s32 $0xD800;
	s15 =	rddreg [dreg:$0x18];
	[sflag:s28] =	ssyncadd.s32 $0xFFFFF800  }
.LBB2_4:
0x88: {  	s11 =	sshll.u32 s17, $0xA  }
0x89: {  	s11 =	sadd.s32 s11, s25  }
0x8a: {  	[tilespmem:s7], [sflag:$0x3] =	stream.linear.gather [hbm4b:s11+s13], $0x2000, $0x38;
	[tilespmem:$0x1F800] =	vst v63  }
0x8b: {  	_ =	swait.ge [sflag:s28], $0x2000  }
0x8c: {  	v8 =	vld [tilespmem:$0x1FC70]  }
0x8d: {  	v9 =	vld [tilespmem:$0x1FC80]  }
0x8e: {  	v10 =	vld [tilespmem:$0x1FC90]  }
0x8f: {  	v11 =	vld [tilespmem:$0x1FCA0]  }
0x90: {  	v12 =	vld [tilespmem:$0x1FCB0]  }
0x91: {  	v13 =	vld [tilespmem:$0x1FCC0]  }
0x92: {  	v14 =	vld [tilespmem:$0x1FCD0]  }
0x93: {  	v15 =	vld [tilespmem:$0x1FCE0]  }
0x94: {  	v16 =	vld [tilespmem:$0x1FCF0]  }
0x95: {  	v17 =	vld [tilespmem:$0x1FD00]  }
0x96: {  	v18 =	vld [tilespmem:$0x1FD10]  }
0x97: {  	v19 =	vld [tilespmem:$0x1FD20]  }
0x98: {  	v20 =	vld [tilespmem:$0x1FD30]  }
0x99: {  	v21 =	vld [tilespmem:$0x1FD40]  }
0x9a: {  	v22 =	vld [tilespmem:$0x1FD50]  }
0x9b: {  	v23 =	vld [tilespmem:$0x1FD60]  }
0x9c: {  	v24 =	vld [tilespmem:$0x1FD70]  }
0x9d: {  	v25 =	vld [tilespmem:$0x1FD80]  }
0x9e: {  	v26 =	vld [tilespmem:$0x1FD90]  }
0x9f: {  	v27 =	vld [tilespmem:$0x1FDA0]  }
0xa0: {  	v28 =	vld [tilespmem:$0x1FDB0]  }
0xa1: {  	v29 =	vld [tilespmem:$0x1FDC0]  }
0xa2: {  	v30 =	vld [tilespmem:$0x1FDD0]  }
0xa3: {  	v31 =	vld [tilespmem:$0x1FDE0]  }
0xa4: {  	v32 =	vld [tilespmem:$0x1FDF0]  }
0xa5: {  	v33 =	vld [tilespmem:$0x1FE00]  }
0xa6: {  	v34 =	vld [tilespmem:$0x1FE10]  }
0xa7: {  	v35 =	vld [tilespmem:$0x1FE20]  }
0xa8: {  	v36 =	vld [tilespmem:$0x1FE30]  }
0xa9: {  	v37 =	vld [tilespmem:$0x1FE40]  }
0xaa: {  	v38 =	vld [tilespmem:$0x1FE50]  }
0xab: {  	v39 =	vld [tilespmem:$0x1FE60]  }
0xac: {  	v40 =	vld [tilespmem:$0x1FE70]  }
0xad: {  	v41 =	vld [tilespmem:$0x1FE80]  }
0xae: {  	v42 =	vld [tilespmem:$0x1FE90]  }
0xaf: {  	v43 =	vld [tilespmem:$0x1FEA0]  }
0xb0: {  	v44 =	vld [tilespmem:$0x1FEB0]  }
0xb1: {  	v45 =	vld [tilespmem:$0x1FEC0]  }
0xb2: {  	v46 =	vld [tilespmem:$0x1FED0]  }
0xb3: {  	v47 =	vld [tilespmem:$0x1FEE0]  }
0xb4: {  	v48 =	vld [tilespmem:$0x1FEF0]  }
0xb5: {  	v49 =	vld [tilespmem:$0x1FF00]  }
0xb6: {  	v50 =	vld [tilespmem:$0x1FF10]  }
0xb7: {  	v51 =	vld [tilespmem:$0x1FF20]  }
0xb8: {  	v52 =	vld [tilespmem:$0x1FF30]  }
0xb9: {  	v53 =	vld [tilespmem:$0x1FF40]  }
0xba: {  	v54 =	vld [tilespmem:$0x1FF50]  }
0xbb: {  	v55 =	vld [tilespmem:$0x1FF60]  }
0xbc: {  	v56 =	vld [tilespmem:$0x1FF70]  }
0xbd: {  	v57 =	vld [tilespmem:$0x1FF80]  }
0xbe: {  	v58 =	vld [tilespmem:$0x1FF90]  }
0xbf: {  	v59 =	vld [tilespmem:$0x1FFA0]  }
0xc0: {  	v60 =	vld [tilespmem:$0x1FFB0]  }
0xc1: {  	v61 =	vld [tilespmem:$0x1FFC0]  }
0xc2: {  	v62 =	vld [tilespmem:$0x1FFD0]  }
0xc3: {  	v63 =	vld [tilespmem:$0x1FFE0]  }
0xc4: {  	v3 =	vld [tilespmem:$0x1FFF0]  }
0xc5: {  	v4 =	vld [tilespmem:$0x1FC40]  }
0xc6: {  	[sflag:s28] =	ssyncset.done $0x0;
	v5 =	vld [tilespmem:$0x1FC50]  }
0xc7: {  	s19 =	simm.s32 $0xE800;
	s11 =	simm.s32 $0x0;
	v7 =	vld [tilespmem:$0x1FC60];
	[sflag:s28] =	ssyncadd.s32 $0xFFFFE000  }
.LBB2_5:
0xc8: {  	v1 =	vld [tilespmem:s19+$0xFFFFF000];
	_ =	sdelay $0x4  }
0xc9: {  	[tilespmem:v0+s30+$0x0] =	vst.idx.msk $0xffff, v1  }
0xca: {  	v1 =	vld [tilespmem:s19+$0xFFFFF200];
	_ =	sdelay $0x4  }
0xcb: {  	[tilespmem:v4+s30+$0x0] =	vst.idx.msk $0xffff, v1  }
0xcc: {  	v1 =	vld [tilespmem:s19+$0xFFFFF400];
	_ =	sdelay $0x4  }
0xcd: {  	[tilespmem:v5+s30+$0x0] =	vst.idx.msk $0xffff, v1  }
0xce: {  	v1 =	vld [tilespmem:s19+$0xFFFFF600];
	_ =	sdelay $0x4  }
0xcf: {  	[tilespmem:v7+s30+$0x0] =	vst.idx.msk $0xffff, v1  }
0xd0: {  	v1 =	vld [tilespmem:s19+$0xFFFFF800];
	_ =	sdelay $0x2  }
0xd1: {  	v6 =	vld [tilespmem:$0x1FC30];
	_ =	sdelay $0x1  }
0xd2: {  	[tilespmem:v2+s30+$0x0] =	vst.idx.msk $0xffff, v1  }
0xd3: {  	v1 =	vld [tilespmem:s19+$0xFFFFFA00];
	_ =	sdelay $0x4  }
0xd4: {  	[tilespmem:v6+s30+$0x0] =	vst.idx.msk $0xffff, v1  }
0xd5: {  	v1 =	vld [tilespmem:s19+$0xFFFFFC00];
	_ =	sdelay $0x4  }
0xd6: {  	[tilespmem:v8+s30+$0x0] =	vst.idx.msk $0xffff, v1  }
0xd7: {  	v1 =	vld [tilespmem:s19+$0xFFFFFE00];
	_ =	sdelay $0x4  }
0xd8: {  	[tilespmem:v9+s30+$0x0] =	vst.idx.msk $0xffff, v1  }
0xd9: {  	v1 =	vld [tilespmem:s19+$0x0];
	_ =	sdelay $0x4  }
0xda: {  	[tilespmem:v10+s30+$0x0] =	vst.idx.msk $0xffff, v1  }
0xdb: {  	v1 =	vld [tilespmem:s19+$0x200];
	_ =	sdelay $0x4  }
0xdc: {  	[tilespmem:v11+s30+$0x0] =	vst.idx.msk $0xffff, v1  }
0xdd: {  	v1 =	vld [tilespmem:s19+$0x400];
	_ =	sdelay $0x4  }
0xde: {  	[tilespmem:v12+s30+$0x0] =	vst.idx.msk $0xffff, v1  }
0xdf: {  	v1 =	vld [tilespmem:s19+$0x600];
	_ =	sdelay $0x4  }
0xe0: {  	[tilespmem:v13+s30+$0x0] =	vst.idx.msk $0xffff, v1  }
0xe1: {  	v1 =	vld [tilespmem:s19+$0x800];
	_ =	sdelay $0x4  }
0xe2: {  	[tilespmem:v14+s30+$0x0] =	vst.idx.msk $0xffff, v1  }
0xe3: {  	v1 =	vld [tilespmem:s19+$0xA00];
	_ =	sdelay $0x4  }
0xe4: {  	[tilespmem:v15+s30+$0x0] =	vst.idx.msk $0xffff, v1  }
0xe5: {  	v1 =	vld [tilespmem:s19+$0xC00];
	_ =	sdelay $0x4  }
0xe6: {  	[tilespmem:v16+s30+$0x0] =	vst.idx.msk $0xffff, v1  }
0xe7: {  	v1 =	vld [tilespmem:s19+$0xE00];
	_ =	sdelay $0x4  }
0xe8: {  	[tilespmem:v17+s30+$0x0] =	vst.idx.msk $0xffff, v1  }
0xe9: {  	v1 =	vld [tilespmem:s19+$0xFFFFF010];
	_ =	sdelay $0x4  }
0xea: {  	[tilespmem:v18+s30+$0x0] =	vst.idx.msk $0xffff, v1  }
0xeb: {  	v1 =	vld [tilespmem:s19+$0xFFFFF210];
	_ =	sdelay $0x4  }
0xec: {  	[tilespmem:v19+s30+$0x0] =	vst.idx.msk $0xffff, v1  }
0xed: {  	v1 =	vld [tilespmem:s19+$0xFFFFF410];
	_ =	sdelay $0x4  }
0xee: {  	[tilespmem:v20+s30+$0x0] =	vst.idx.msk $0xffff, v1  }
0xef: {  	v1 =	vld [tilespmem:s19+$0xFFFFF610];
	_ =	sdelay $0x4  }
0xf0: {  	[tilespmem:v21+s30+$0x0] =	vst.idx.msk $0xffff, v1  }
0xf1: {  	v1 =	vld [tilespmem:s19+$0xFFFFF810];
	_ =	sdelay $0x4  }
0xf2: {  	[tilespmem:v22+s30+$0x0] =	vst.idx.msk $0xffff, v1  }
0xf3: {  	v1 =	vld [tilespmem:s19+$0xFFFFFA10];
	_ =	sdelay $0x4  }
0xf4: {  	[tilespmem:v23+s30+$0x0] =	vst.idx.msk $0xffff, v1  }
0xf5: {  	v1 =	vld [tilespmem:s19+$0xFFFFFC10];
	_ =	sdelay $0x4  }
0xf6: {  	[tilespmem:v24+s30+$0x0] =	vst.idx.msk $0xffff, v1  }
0xf7: {  	v1 =	vld [tilespmem:s19+$0xFFFFFE10];
	_ =	sdelay $0x4  }
0xf8: {  	[tilespmem:v25+s30+$0x0] =	vst.idx.msk $0xffff, v1  }
0xf9: {  	v1 =	vld [tilespmem:s19+$0x10];
	_ =	sdelay $0x4  }
0xfa: {  	[tilespmem:v26+s30+$0x0] =	vst.idx.msk $0xffff, v1  }
0xfb: {  	v1 =	vld [tilespmem:s19+$0x210];
	_ =	sdelay $0x4  }
0xfc: {  	[tilespmem:v27+s30+$0x0] =	vst.idx.msk $0xffff, v1  }
0xfd: {  	v1 =	vld [tilespmem:s19+$0x410];
	_ =	sdelay $0x4  }
0xfe: {  	[tilespmem:v28+s30+$0x0] =	vst.idx.msk $0xffff, v1  }
0xff: {  	v1 =	vld [tilespmem:s19+$0x610];
	_ =	sdelay $0x4  }
0x100: {  	[tilespmem:v29+s30+$0x0] =	vst.idx.msk $0xffff, v1  }
0x101: {  	v1 =	vld [tilespmem:s19+$0x810];
	_ =	sdelay $0x4  }
0x102: {  	[tilespmem:v30+s30+$0x0] =	vst.idx.msk $0xffff, v1  }
0x103: {  	v1 =	vld [tilespmem:s19+$0xA10];
	_ =	sdelay $0x4  }
0x104: {  	[tilespmem:v31+s30+$0x0] =	vst.idx.msk $0xffff, v1  }
0x105: {  	v1 =	vld [tilespmem:s19+$0xC10];
	_ =	sdelay $0x4  }
0x106: {  	[tilespmem:v32+s30+$0x0] =	vst.idx.msk $0xffff, v1  }
0x107: {  	v1 =	vld [tilespmem:s19+$0xE10];
	_ =	sdelay $0x4  }
0x108: {  	[tilespmem:v33+s30+$0x0] =	vst.idx.msk $0xffff, v1  }
0x109: {  	v1 =	vld [tilespmem:s19+$0xFFFFF020];
	_ =	sdelay $0x4  }
0x10a: {  	[tilespmem:v34+s30+$0x0] =	vst.idx.msk $0xffff, v1  }
0x10b: {  	v1 =	vld [tilespmem:s19+$0xFFFFF220];
	_ =	sdelay $0x4  }
0x10c: {  	[tilespmem:v35+s30+$0x0] =	vst.idx.msk $0xffff, v1  }
0x10d: {  	v1 =	vld [tilespmem:s19+$0xFFFFF420];
	_ =	sdelay $0x4  }
0x10e: {  	[tilespmem:v36+s30+$0x0] =	vst.idx.msk $0xffff, v1  }
0x10f: {  	v1 =	vld [tilespmem:s19+$0xFFFFF620];
	_ =	sdelay $0x4  }
0x110: {  	[tilespmem:v37+s30+$0x0] =	vst.idx.msk $0xffff, v1  }
0x111: {  	v1 =	vld [tilespmem:s19+$0xFFFFF820];
	_ =	sdelay $0x4  }
0x112: {  	[tilespmem:v38+s30+$0x0] =	vst.idx.msk $0xffff, v1  }
0x113: {  	v1 =	vld [tilespmem:s19+$0xFFFFFA20];
	_ =	sdelay $0x4  }
0x114: {  	[tilespmem:v39+s30+$0x0] =	vst.idx.msk $0xffff, v1  }
0x115: {  	v1 =	vld [tilespmem:s19+$0xFFFFFC20];
	_ =	sdelay $0x4  }
0x116: {  	[tilespmem:v40+s30+$0x0] =	vst.idx.msk $0xffff, v1  }
0x117: {  	v1 =	vld [tilespmem:s19+$0xFFFFFE20];
	_ =	sdelay $0x4  }
0x118: {  	[tilespmem:v41+s30+$0x0] =	vst.idx.msk $0xffff, v1  }
0x119: {  	v1 =	vld [tilespmem:s19+$0x20];
	_ =	sdelay $0x4  }
0x11a: {  	[tilespmem:v42+s30+$0x0] =	vst.idx.msk $0xffff, v1  }
0x11b: {  	v1 =	vld [tilespmem:s19+$0x220];
	_ =	sdelay $0x4  }
0x11c: {  	[tilespmem:v43+s30+$0x0] =	vst.idx.msk $0xffff, v1  }
0x11d: {  	v1 =	vld [tilespmem:s19+$0x420];
	_ =	sdelay $0x4  }
0x11e: {  	[tilespmem:v44+s30+$0x0] =	vst.idx.msk $0xffff, v1  }
0x11f: {  	v1 =	vld [tilespmem:s19+$0x620];
	_ =	sdelay $0x4  }
0x120: {  	[tilespmem:v45+s30+$0x0] =	vst.idx.msk $0xffff, v1  }
0x121: {  	v1 =	vld [tilespmem:s19+$0x820];
	_ =	sdelay $0x4  }
0x122: {  	[tilespmem:v46+s30+$0x0] =	vst.idx.msk $0xffff, v1  }
0x123: {  	v1 =	vld [tilespmem:s19+$0xA20];
	_ =	sdelay $0x4  }
0x124: {  	[tilespmem:v47+s30+$0x0] =	vst.idx.msk $0xffff, v1  }
0x125: {  	v1 =	vld [tilespmem:s19+$0xC20];
	_ =	sdelay $0x4  }
0x126: {  	[tilespmem:v48+s30+$0x0] =	vst.idx.msk $0xffff, v1  }
0x127: {  	v1 =	vld [tilespmem:s19+$0xE20];
	_ =	sdelay $0x4  }
0x128: {  	[tilespmem:v49+s30+$0x0] =	vst.idx.msk $0xffff, v1  }
0x129: {  	v1 =	vld [tilespmem:s19+$0xFFFFF030];
	_ =	sdelay $0x4  }
0x12a: {  	[tilespmem:v50+s30+$0x0] =	vst.idx.msk $0xffff, v1  }
0x12b: {  	v1 =	vld [tilespmem:s19+$0xFFFFF230];
	_ =	sdelay $0x4  }
0x12c: {  	[tilespmem:v51+s30+$0x0] =	vst.idx.msk $0xffff, v1  }
0x12d: {  	v1 =	vld [tilespmem:s19+$0xFFFFF430];
	_ =	sdelay $0x4  }
0x12e: {  	[tilespmem:v52+s30+$0x0] =	vst.idx.msk $0xffff, v1  }
0x12f: {  	v1 =	vld [tilespmem:s19+$0xFFFFF630];
	_ =	sdelay $0x4  }
0x130: {  	[tilespmem:v53+s30+$0x0] =	vst.idx.msk $0xffff, v1  }
0x131: {  	v1 =	vld [tilespmem:s19+$0xFFFFF830];
	_ =	sdelay $0x4  }
0x132: {  	[tilespmem:v54+s30+$0x0] =	vst.idx.msk $0xffff, v1  }
0x133: {  	v1 =	vld [tilespmem:s19+$0xFFFFFA30];
	_ =	sdelay $0x4  }
0x134: {  	[tilespmem:v55+s30+$0x0] =	vst.idx.msk $0xffff, v1  }
0x135: {  	v1 =	vld [tilespmem:s19+$0xFFFFFC30];
	_ =	sdelay $0x4  }
0x136: {  	[tilespmem:v56+s30+$0x0] =	vst.idx.msk $0xffff, v1  }
0x137: {  	v1 =	vld [tilespmem:s19+$0xFFFFFE30];
	_ =	sdelay $0x4  }
0x138: {  	[tilespmem:v57+s30+$0x0] =	vst.idx.msk $0xffff, v1  }
0x139: {  	v1 =	vld [tilespmem:s19+$0x30];
	_ =	sdelay $0x4  }
0x13a: {  	[tilespmem:v58+s30+$0x0] =	vst.idx.msk $0xffff, v1  }
0x13b: {  	v1 =	vld [tilespmem:s19+$0x230];
	_ =	sdelay $0x4  }
0x13c: {  	[tilespmem:v59+s30+$0x0] =	vst.idx.msk $0xffff, v1  }
0x13d: {  	v1 =	vld [tilespmem:s19+$0x430];
	_ =	sdelay $0x4  }
0x13e: {  	[tilespmem:v60+s30+$0x0] =	vst.idx.msk $0xffff, v1  }
0x13f: {  	v1 =	vld [tilespmem:s19+$0x630];
	_ =	sdelay $0x4  }
0x140: {  	[tilespmem:v61+s30+$0x0] =	vst.idx.msk $0xffff, v1  }
0x141: {  	v1 =	vld [tilespmem:s19+$0x830];
	_ =	sdelay $0x4  }
0x142: {  	[tilespmem:v62+s30+$0x0] =	vst.idx.msk $0xffff, v1  }
0x143: {  	v1 =	vld [tilespmem:s19+$0xA30];
	_ =	sdelay $0x4  }
0x144: {  	[tilespmem:v63+s30+$0x0] =	vst.idx.msk $0xffff, v1  }
0x145: {  	v1 =	vld [tilespmem:s19+$0xC30];
	_ =	sdelay $0x4  }
0x146: {  	[tilespmem:v3+s30+$0x0] =	vst.idx.msk $0xffff, v1  }
0x147: {  	v6 =	vmov v2;
	v2 =	vor.u32 $0x30F, v0;
	v1 =	vld [tilespmem:s19+$0xE30];
	_ =	sdelay $0x4  }
0x148: {  	[tilespmem:v2+s30+$0x0] =	vst.idx.msk $0xffff, v1  }
0x149: {  	v2 =	vor.u32 $0x400, v0;
	v1 =	vld [tilespmem:s19+$0xFFFFF040];
	_ =	sdelay $0x4  }
0x14a: {  	[tilespmem:v2+s30+$0x0] =	vst.idx.msk $0xffff, v1  }
0x14b: {  	v2 =	vor.u32 $0x401, v0;
	v1 =	vld [tilespmem:s19+$0xFFFFF240];
	_ =	sdelay $0x4  }
0x14c: {  	[tilespmem:v2+s30+$0x0] =	vst.idx.msk $0xffff, v1  }
0x14d: {  	v2 =	vor.u32 $0x402, v0;
	v1 =	vld [tilespmem:s19+$0xFFFFF440];
	_ =	sdelay $0x4  }
0x14e: {  	[tilespmem:v2+s30+$0x0] =	vst.idx.msk $0xffff, v1  }
0x14f: {  	v2 =	vor.u32 $0x403, v0;
	v1 =	vld [tilespmem:s19+$0xFFFFF640];
	_ =	sdelay $0x4  }
0x150: {  	[tilespmem:v2+s30+$0x0] =	vst.idx.msk $0xffff, v1  }
0x151: {  	v2 =	vor.u32 $0x404, v0;
	v1 =	vld [tilespmem:s19+$0xFFFFF840];
	_ =	sdelay $0x4  }
0x152: {  	[tilespmem:v2+s30+$0x0] =	vst.idx.msk $0xffff, v1  }
0x153: {  	v2 =	vor.u32 $0x405, v0;
	v1 =	vld [tilespmem:s19+$0xFFFFFA40];
	_ =	sdelay $0x4  }
0x154: {  	[tilespmem:v2+s30+$0x0] =	vst.idx.msk $0xffff, v1  }
0x155: {  	v2 =	vor.u32 $0x406, v0;
	v1 =	vld [tilespmem:s19+$0xFFFFFC40];
	_ =	sdelay $0x4  }
0x156: {  	[tilespmem:v2+s30+$0x0] =	vst.idx.msk $0xffff, v1  }
0x157: {  	v2 =	vor.u32 $0x407, v0;
	v1 =	vld [tilespmem:s19+$0xFFFFFE40];
	_ =	sdelay $0x4  }
0x158: {  	[tilespmem:v2+s30+$0x0] =	vst.idx.msk $0xffff, v1  }
0x159: {  	v2 =	vor.u32 $0x408, v0;
	v1 =	vld [tilespmem:s19+$0x40];
	_ =	sdelay $0x4  }
0x15a: {  	[tilespmem:v2+s30+$0x0] =	vst.idx.msk $0xffff, v1  }
0x15b: {  	v2 =	vor.u32 $0x409, v0;
	v1 =	vld [tilespmem:s19+$0x240];
	_ =	sdelay $0x4  }
0x15c: {  	[tilespmem:v2+s30+$0x0] =	vst.idx.msk $0xffff, v1  }
0x15d: {  	v2 =	vor.u32 $0x40A, v0;
	v1 =	vld [tilespmem:s19+$0x440];
	_ =	sdelay $0x4  }
0x15e: {  	[tilespmem:v2+s30+$0x0] =	vst.idx.msk $0xffff, v1  }
0x15f: {  	v2 =	vor.u32 $0x40B, v0;
	v1 =	vld [tilespmem:s19+$0x640];
	_ =	sdelay $0x4  }
0x160: {  	[tilespmem:v2+s30+$0x0] =	vst.idx.msk $0xffff, v1  }
0x161: {  	v2 =	vor.u32 $0x40C, v0;
	v1 =	vld [tilespmem:s19+$0x840];
	_ =	sdelay $0x4  }
0x162: {  	[tilespmem:v2+s30+$0x0] =	vst.idx.msk $0xffff, v1  }
0x163: {  	v2 =	vor.u32 $0x40D, v0;
	v1 =	vld [tilespmem:s19+$0xA40];
	_ =	sdelay $0x4  }
0x164: {  	[tilespmem:v2+s30+$0x0] =	vst.idx.msk $0xffff, v1  }
0x165: {  	v2 =	vor.u32 $0x40E, v0;
	v1 =	vld [tilespmem:s19+$0xC40];
	_ =	sdelay $0x4  }
0x166: {  	[tilespmem:v2+s30+$0x0] =	vst.idx.msk $0xffff, v1  }
0x167: {  	v2 =	vor.u32 $0x40F, v0;
	v1 =	vld [tilespmem:s19+$0xE40];
	_ =	sdelay $0x4  }
0x168: {  	[tilespmem:v2+s30+$0x0] =	vst.idx.msk $0xffff, v1  }
0x169: {  	v2 =	vor.u32 $0x500, v0;
	v1 =	vld [tilespmem:s19+$0xFFFFF050];
	_ =	sdelay $0x4  }
0x16a: {  	[tilespmem:v2+s30+$0x0] =	vst.idx.msk $0xffff, v1  }
0x16b: {  	v2 =	vor.u32 $0x501, v0;
	v1 =	vld [tilespmem:s19+$0xFFFFF250];
	_ =	sdelay $0x4  }
0x16c: {  	[tilespmem:v2+s30+$0x0] =	vst.idx.msk $0xffff, v1  }
0x16d: {  	v2 =	vor.u32 $0x502, v0;
	v1 =	vld [tilespmem:s19+$0xFFFFF450];
	_ =	sdelay $0x4  }
0x16e: {  	[tilespmem:v2+s30+$0x0] =	vst.idx.msk $0xffff, v1  }
0x16f: {  	v2 =	vor.u32 $0x503, v0;
	v1 =	vld [tilespmem:s19+$0xFFFFF650];
	_ =	sdelay $0x4  }
0x170: {  	[tilespmem:v2+s30+$0x0] =	vst.idx.msk $0xffff, v1  }
0x171: {  	v2 =	vor.u32 $0x504, v0;
	v1 =	vld [tilespmem:s19+$0xFFFFF850];
	_ =	sdelay $0x4  }
0x172: {  	[tilespmem:v2+s30+$0x0] =	vst.idx.msk $0xffff, v1  }
0x173: {  	v2 =	vor.u32 $0x505, v0;
	v1 =	vld [tilespmem:s19+$0xFFFFFA50];
	_ =	sdelay $0x4  }
0x174: {  	[tilespmem:v2+s30+$0x0] =	vst.idx.msk $0xffff, v1  }
0x175: {  	v2 =	vor.u32 $0x506, v0;
	v1 =	vld [tilespmem:s19+$0xFFFFFC50];
	_ =	sdelay $0x4  }
0x176: {  	[tilespmem:v2+s30+$0x0] =	vst.idx.msk $0xffff, v1  }
0x177: {  	v2 =	vor.u32 $0x507, v0;
	v1 =	vld [tilespmem:s19+$0xFFFFFE50];
	_ =	sdelay $0x4  }
0x178: {  	[tilespmem:v2+s30+$0x0] =	vst.idx.msk $0xffff, v1  }
0x179: {  	v2 =	vor.u32 $0x508, v0;
	v1 =	vld [tilespmem:s19+$0x50];
	_ =	sdelay $0x4  }
0x17a: {  	[tilespmem:v2+s30+$0x0] =	vst.idx.msk $0xffff, v1  }
0x17b: {  	v2 =	vor.u32 $0x509, v0;
	v1 =	vld [tilespmem:s19+$0x250];
	_ =	sdelay $0x4  }
0x17c: {  	[tilespmem:v2+s30+$0x0] =	vst.idx.msk $0xffff, v1  }
0x17d: {  	v2 =	vor.u32 $0x50A, v0;
	v1 =	vld [tilespmem:s19+$0x450];
	_ =	sdelay $0x4  }
0x17e: {  	[tilespmem:v2+s30+$0x0] =	vst.idx.msk $0xffff, v1  }
0x17f: {  	v2 =	vor.u32 $0x50B, v0;
	v1 =	vld [tilespmem:s19+$0x650];
	_ =	sdelay $0x4  }
0x180: {  	[tilespmem:v2+s30+$0x0] =	vst.idx.msk $0xffff, v1  }
0x181: {  	v2 =	vor.u32 $0x50C, v0;
	v1 =	vld [tilespmem:s19+$0x850];
	_ =	sdelay $0x4  }
0x182: {  	[tilespmem:v2+s30+$0x0] =	vst.idx.msk $0xffff, v1  }
0x183: {  	v2 =	vor.u32 $0x50D, v0;
	v1 =	vld [tilespmem:s19+$0xA50];
	_ =	sdelay $0x4  }
0x184: {  	[tilespmem:v2+s30+$0x0] =	vst.idx.msk $0xffff, v1  }
0x185: {  	v2 =	vor.u32 $0x50E, v0;
	v1 =	vld [tilespmem:s19+$0xC50];
	_ =	sdelay $0x4  }
0x186: {  	[tilespmem:v2+s30+$0x0] =	vst.idx.msk $0xffff, v1  }
0x187: {  	v2 =	vor.u32 $0x50F, v0;
	v1 =	vld [tilespmem:s19+$0xE50];
	_ =	sdelay $0x4  }
0x188: {  	[tilespmem:v2+s30+$0x0] =	vst.idx.msk $0xffff, v1  }
0x189: {  	v2 =	vor.u32 $0x600, v0;
	v1 =	vld [tilespmem:s19+$0xFFFFF060];
	_ =	sdelay $0x4  }
0x18a: {  	[tilespmem:v2+s30+$0x0] =	vst.idx.msk $0xffff, v1  }
0x18b: {  	v2 =	vor.u32 $0x601, v0;
	v1 =	vld [tilespmem:s19+$0xFFFFF260];
	_ =	sdelay $0x4  }
0x18c: {  	[tilespmem:v2+s30+$0x0] =	vst.idx.msk $0xffff, v1  }
0x18d: {  	v2 =	vor.u32 $0x602, v0;
	v1 =	vld [tilespmem:s19+$0xFFFFF460];
	_ =	sdelay $0x4  }
0x18e: {  	[tilespmem:v2+s30+$0x0] =	vst.idx.msk $0xffff, v1  }
0x18f: {  	v2 =	vor.u32 $0x603, v0;
	v1 =	vld [tilespmem:s19+$0xFFFFF660];
	_ =	sdelay $0x4  }
0x190: {  	[tilespmem:v2+s30+$0x0] =	vst.idx.msk $0xffff, v1  }
0x191: {  	v2 =	vor.u32 $0x604, v0;
	v1 =	vld [tilespmem:s19+$0xFFFFF860];
	_ =	sdelay $0x4  }
0x192: {  	[tilespmem:v2+s30+$0x0] =	vst.idx.msk $0xffff, v1  }
0x193: {  	v2 =	vor.u32 $0x605, v0;
	v1 =	vld [tilespmem:s19+$0xFFFFFA60];
	_ =	sdelay $0x4  }
0x194: {  	[tilespmem:v2+s30+$0x0] =	vst.idx.msk $0xffff, v1  }
0x195: {  	v2 =	vor.u32 $0x606, v0;
	v1 =	vld [tilespmem:s19+$0xFFFFFC60];
	_ =	sdelay $0x4  }
0x196: {  	[tilespmem:v2+s30+$0x0] =	vst.idx.msk $0xffff, v1  }
0x197: {  	v2 =	vor.u32 $0x607, v0;
	v1 =	vld [tilespmem:s19+$0xFFFFFE60];
	_ =	sdelay $0x4  }
0x198: {  	[tilespmem:v2+s30+$0x0] =	vst.idx.msk $0xffff, v1  }
0x199: {  	v2 =	vor.u32 $0x608, v0;
	v1 =	vld [tilespmem:s19+$0x60];
	_ =	sdelay $0x4  }
0x19a: {  	[tilespmem:v2+s30+$0x0] =	vst.idx.msk $0xffff, v1  }
0x19b: {  	v2 =	vor.u32 $0x609, v0;
	v1 =	vld [tilespmem:s19+$0x260];
	_ =	sdelay $0x4  }
0x19c: {  	[tilespmem:v2+s30+$0x0] =	vst.idx.msk $0xffff, v1  }
0x19d: {  	v2 =	vor.u32 $0x60A, v0;
	v1 =	vld [tilespmem:s19+$0x460];
	_ =	sdelay $0x4  }
0x19e: {  	[tilespmem:v2+s30+$0x0] =	vst.idx.msk $0xffff, v1  }
0x19f: {  	v2 =	vor.u32 $0x60B, v0;
	v1 =	vld [tilespmem:s19+$0x660];
	_ =	sdelay $0x4  }
0x1a0: {  	[tilespmem:v2+s30+$0x0] =	vst.idx.msk $0xffff, v1  }
0x1a1: {  	v2 =	vor.u32 $0x60C, v0;
	v1 =	vld [tilespmem:s19+$0x860];
	_ =	sdelay $0x4  }
0x1a2: {  	[tilespmem:v2+s30+$0x0] =	vst.idx.msk $0xffff, v1  }
0x1a3: {  	v2 =	vor.u32 $0x60D, v0;
	v1 =	vld [tilespmem:s19+$0xA60];
	_ =	sdelay $0x4  }
0x1a4: {  	[tilespmem:v2+s30+$0x0] =	vst.idx.msk $0xffff, v1  }
0x1a5: {  	v2 =	vor.u32 $0x60E, v0;
	v1 =	vld [tilespmem:s19+$0xC60];
	_ =	sdelay $0x4  }
0x1a6: {  	[tilespmem:v2+s30+$0x0] =	vst.idx.msk $0xffff, v1  }
0x1a7: {  	v2 =	vor.u32 $0x60F, v0;
	v1 =	vld [tilespmem:s19+$0xE60];
	_ =	sdelay $0x4  }
0x1a8: {  	[tilespmem:v2+s30+$0x0] =	vst.idx.msk $0xffff, v1  }
0x1a9: {  	v2 =	vor.u32 $0x700, v0;
	v1 =	vld [tilespmem:s19+$0xFFFFF070];
	_ =	sdelay $0x4  }
0x1aa: {  	[tilespmem:v2+s30+$0x0] =	vst.idx.msk $0xffff, v1  }
0x1ab: {  	v2 =	vor.u32 $0x701, v0;
	v1 =	vld [tilespmem:s19+$0xFFFFF270];
	_ =	sdelay $0x4  }
0x1ac: {  	[tilespmem:v2+s30+$0x0] =	vst.idx.msk $0xffff, v1  }
0x1ad: {  	v2 =	vor.u32 $0x702, v0;
	v1 =	vld [tilespmem:s19+$0xFFFFF470];
	_ =	sdelay $0x4  }
0x1ae: {  	[tilespmem:v2+s30+$0x0] =	vst.idx.msk $0xffff, v1  }
0x1af: {  	v2 =	vor.u32 $0x703, v0;
	v1 =	vld [tilespmem:s19+$0xFFFFF670];
	_ =	sdelay $0x4  }
0x1b0: {  	[tilespmem:v2+s30+$0x0] =	vst.idx.msk $0xffff, v1  }
0x1b1: {  	v2 =	vor.u32 $0x704, v0;
	v1 =	vld [tilespmem:s19+$0xFFFFF870];
	_ =	sdelay $0x4  }
0x1b2: {  	[tilespmem:v2+s30+$0x0] =	vst.idx.msk $0xffff, v1  }
0x1b3: {  	v2 =	vor.u32 $0x705, v0;
	v1 =	vld [tilespmem:s19+$0xFFFFFA70];
	_ =	sdelay $0x4  }
0x1b4: {  	[tilespmem:v2+s30+$0x0] =	vst.idx.msk $0xffff, v1  }
0x1b5: {  	v2 =	vor.u32 $0x706, v0;
	v1 =	vld [tilespmem:s19+$0xFFFFFC70];
	_ =	sdelay $0x4  }
0x1b6: {  	[tilespmem:v2+s30+$0x0] =	vst.idx.msk $0xffff, v1  }
0x1b7: {  	v2 =	vor.u32 $0x707, v0;
	v1 =	vld [tilespmem:s19+$0xFFFFFE70];
	_ =	sdelay $0x4  }
0x1b8: {  	[tilespmem:v2+s30+$0x0] =	vst.idx.msk $0xffff, v1  }
0x1b9: {  	v2 =	vor.u32 $0x708, v0;
	v1 =	vld [tilespmem:s19+$0x70];
	_ =	sdelay $0x4  }
0x1ba: {  	[tilespmem:v2+s30+$0x0] =	vst.idx.msk $0xffff, v1  }
0x1bb: {  	v2 =	vor.u32 $0x709, v0;
	v1 =	vld [tilespmem:s19+$0x270];
	_ =	sdelay $0x4  }
0x1bc: {  	[tilespmem:v2+s30+$0x0] =	vst.idx.msk $0xffff, v1  }
0x1bd: {  	v2 =	vor.u32 $0x70A, v0;
	v1 =	vld [tilespmem:s19+$0x470];
	_ =	sdelay $0x4  }
0x1be: {  	[tilespmem:v2+s30+$0x0] =	vst.idx.msk $0xffff, v1  }
0x1bf: {  	v2 =	vor.u32 $0x70B, v0;
	v1 =	vld [tilespmem:s19+$0x670];
	_ =	sdelay $0x4  }
0x1c0: {  	[tilespmem:v2+s30+$0x0] =	vst.idx.msk $0xffff, v1  }
0x1c1: {  	v2 =	vor.u32 $0x70C, v0;
	v1 =	vld [tilespmem:s19+$0x870];
	_ =	sdelay $0x4  }
0x1c2: {  	[tilespmem:v2+s30+$0x0] =	vst.idx.msk $0xffff, v1  }
0x1c3: {  	v2 =	vor.u32 $0x70D, v0;
	v1 =	vld [tilespmem:s19+$0xA70];
	_ =	sdelay $0x4  }
0x1c4: {  	[tilespmem:v2+s30+$0x0] =	vst.idx.msk $0xffff, v1  }
0x1c5: {  	v2 =	vor.u32 $0x70E, v0;
	v1 =	vld [tilespmem:s19+$0xC70];
	_ =	sdelay $0x4  }
0x1c6: {  	[tilespmem:v2+s30+$0x0] =	vst.idx.msk $0xffff, v1  }
0x1c7: {  	v2 =	vor.u32 $0x70F, v0;
	v1 =	vld [tilespmem:s19+$0xE70];
	_ =	sdelay $0x3  }
0x1c8: {  	s6 =	sshra.s32 s11, $0x2;
	p0 =	sne.s32 s11, $0x6000  }
.Ltmp1:
0x1c9: {  	s6 =	sadd.s32 s6, s15;
	[tilespmem:v2+s30+$0x0] =	vst.idx.msk $0xffff, v1;
	(pc) =	sbr.rel @p0 .LBB2_5-.Ltmp1, $4  }
0x1ca: {  	[spmem:s6] =	stream.linear.scatter [tilespmem:s30], [sflag:$0x3], $0x800, $0x38;
	[tilespmem:$0x1F800] =	vst v63  }
0x1cb: {  	_ =	swait.ge [sflag:s28], $0x800  }
0x1cc: {  	[sflag:s28] =	ssyncset.done $0x0  }
0x1cd: {  	s11 =	sadd.s32 $0x2000, s11;
	s19 =	sadd.s32 $0x80, s19;
	v2 =	vmov v6;
	[sflag:s28] =	ssyncadd.s32 $0xFFFFF800  }
0x1ce: {  	s17 =	sadd.s32 $0x1, s17  }
0x1cf: {  	p0 =	sne.s32 s17, $0x4  }
.Ltmp2:
0x1d0: {  	_ = 	snop;
	(pc) =	sbr.rel @p0 .LBB2_4-.Ltmp2, $2  }
0x1d1: {  	_ =	sdelay $0x2  }
0x1d2: {  	s15 =	sadd.s32 $0x2000, s15  }
0x1d3: {  	[bflag:$0x0] =	sbarrier.arrive $0xFFFF;
	s6 =	simm.s32 $0x0  }
.LBB2_8:
0x1d4: {  	s25 =	sshll.u32 s6, $0xB;
	s7 =	rddreg [dreg:$0x7]  }
0x1d5: {  	[dreg:$0x1b] =	wrdreg s6;
	s11 =	simm.s32 $0x0;
	s6 =	sadd.s32 s25, s7  }
0x1d6: {  	[tilespmem:s11], [sflag:$0x3] =	stream.linear.gather [hbm4b:s6+s11], $0x4000, $0x38;
	[tilespmem:$0x1F800] =	vst v63  }
0x1d7: {  	_ =	swait.ge [sflag:s28], $0x4000  }
0x1d8: {  	[sflag:s28] =	ssyncset.done $0x0  }
0x1d9: {  	[sflag:s28] =	ssyncadd.s32 $0xFFFFC000  }
0x1da: {  	[tilespmem:s0], [sflag:$0x1] =	stream.indirect.gather [spmem:s2], $0x10, s11, s31, $0xb8;
	[tilespmem:$0x1F800] =	vst v63  }
0x1db: {  	s13 =	simm.s32 $0x100  }
0x1dc: {  	[tilespmem:s8], [sflag:$0x1] =	stream.indirect.gather [spmem:s2], $0x10, s13, s31, $0xb8;
	[tilespmem:$0x1F800] =	vst v63  }
0x1dd: {  	s15 =	simm.s32 $0x200  }
0x1de: {  	[tilespmem:s10], [sflag:$0x1] =	stream.indirect.gather [spmem:s2], $0x10, s15, s31, $0xb8;
	[tilespmem:$0x1F800] =	vst v63  }
0x1df: {  	s17 =	simm.s32 $0x300  }
0x1e0: {  	[tilespmem:s12], [sflag:$0x1] =	stream.indirect.gather [spmem:s2], $0x10, s17, s31, $0xb8;
	[tilespmem:$0x1F800] =	vst v63  }
0x1e1: {  	s19 =	simm.s32 $0x400  }
0x1e2: {  	[tilespmem:s14], [sflag:$0x1] =	stream.indirect.gather [spmem:s2], $0x10, s19, s31, $0xb8;
	[tilespmem:$0x1F800] =	vst v63  }
0x1e3: {  	s25 =	simm.s32 $0x500  }
0x1e4: {  	[tilespmem:s16], [sflag:$0x1] =	stream.indirect.gather [spmem:s2], $0x10, s25, s31, $0xb8;
	[tilespmem:$0x1F800] =	vst v63  }
0x1e5: {  	s28 =	simm.s32 $0x600  }
0x1e6: {  	[tilespmem:s18], [sflag:$0x1] =	stream.indirect.gather [spmem:s2], $0x10, s28, s31, $0xb8;
	[tilespmem:$0x1F800] =	vst v63  }
0x1e7: {  	s7 =	simm.s32 $0x700  }
0x1e8: {  	[tilespmem:s20], [sflag:$0x1] =	stream.indirect.gather [spmem:s2], $0x10, s7, s31, $0xb8;
	[tilespmem:$0x1F800] =	vst v63  }
0x1e9: {  	_ =	swait.ge [sflag:s21], $0x800  }
0x1ea: {  	[sflag:s21] =	ssyncset.done $0x0  }
0x1eb: {  	[sflag:s21] =	ssyncadd.s32 $0xFFFFF800  }
0x1ec: {  	_ =	swait.ge [sflag:s21], $0x800  }
0x1ed: {  	[sflag:s21] =	ssyncset.done $0x0  }
0x1ee: {  	[sflag:s21] =	ssyncadd.s32 $0xFFFFF800  }
0x1ef: {  	_ =	swait.ge [sflag:s21], $0x800  }
0x1f0: {  	[sflag:s21] =	ssyncset.done $0x0  }
0x1f1: {  	[sflag:s21] =	ssyncadd.s32 $0xFFFFF800  }
0x1f2: {  	_ =	swait.ge [sflag:s21], $0x800  }
0x1f3: {  	[sflag:s21] =	ssyncset.done $0x0  }
0x1f4: {  	[sflag:s21] =	ssyncadd.s32 $0xFFFFF800  }
0x1f5: {  	_ =	swait.ge [sflag:s21], $0x800  }
0x1f6: {  	[sflag:s21] =	ssyncset.done $0x0  }
0x1f7: {  	[sflag:s21] =	ssyncadd.s32 $0xFFFFF800  }
0x1f8: {  	_ =	swait.ge [sflag:s21], $0x800  }
0x1f9: {  	[sflag:s21] =	ssyncset.done $0x0  }
0x1fa: {  	[sflag:s21] =	ssyncadd.s32 $0xFFFFF800  }
0x1fb: {  	_ =	swait.ge [sflag:s21], $0x800  }
0x1fc: {  	[sflag:s21] =	ssyncset.done $0x0  }
0x1fd: {  	[sflag:s21] =	ssyncadd.s32 $0xFFFFF800  }
0x1fe: {  	_ =	swait.ge [sflag:s21], $0x800  }
0x1ff: {  	p0 =	por $0x1, $0x1;
	[sflag:s21] =	ssyncset.done $0x0  }
0x200: {  	s6 =	simm.s32 @!p0 $0x2;
	[sflag:s21] =	ssyncadd.s32 $0xFFFFF800  }
0x201: {  	_ =	swait.ge @!p0 [sflag:s6], $0x800  }
0x202: {  	[sflag:s6] =	ssyncset.done @!p0 $0x0  }
0x203: {  	[sflag:s6] =	ssyncadd.s32 @!p0 $0xFFFFF800  }
0x204: {  	_ =	swait.ge @!p0 [sflag:s6], $0x800  }
0x205: {  	[sflag:s6] =	ssyncset.done @!p0 $0x0  }
0x206: {  	[sflag:s6] =	ssyncadd.s32 @!p0 $0xFFFFF800  }
0x207: {  	_ =	swait.ge @!p0 [sflag:s6], $0x800  }
0x208: {  	[sflag:s6] =	ssyncset.done @!p0 $0x0  }
0x209: {  	[sflag:s6] =	ssyncadd.s32 @!p0 $0xFFFFF800  }
0x20a: {  	_ =	swait.ge @!p0 [sflag:s6], $0x800  }
0x20b: {  	[sflag:s6] =	ssyncset.done @!p0 $0x0  }
0x20c: {  	[sflag:s6] =	ssyncadd.s32 @!p0 $0xFFFFF800  }
0x20d: {  	_ =	swait.ge @!p0 [sflag:s6], $0x800  }
0x20e: {  	[sflag:s6] =	ssyncset.done @!p0 $0x0  }
0x20f: {  	[sflag:s6] =	ssyncadd.s32 @!p0 $0xFFFFF800  }
0x210: {  	_ =	swait.ge @!p0 [sflag:s6], $0x800  }
0x211: {  	[sflag:s6] =	ssyncset.done @!p0 $0x0  }
0x212: {  	[sflag:s6] =	ssyncadd.s32 @!p0 $0xFFFFF800  }
0x213: {  	_ =	swait.ge @!p0 [sflag:s6], $0x800  }
0x214: {  	[sflag:s6] =	ssyncset.done @!p0 $0x0  }
0x215: {  	[sflag:s6] =	ssyncadd.s32 @!p0 $0xFFFFF800  }
0x216: {  	_ =	swait.ge @!p0 [sflag:s6], $0x800  }
0x217: {  	[sflag:s6] =	ssyncset.done @!p0 $0x0  }
0x218: {  	s11 =	simm.s32 $0x800;
	[sflag:s6] =	ssyncadd.s32 @!p0 $0xFFFFF800  }
0x219: {  	[tilespmem:s22], [sflag:$0x1] =	stream.indirect.gather [spmem:s2], $0x10, s11, s31, $0xb8;
	[tilespmem:$0x1F800] =	vst v63  }
0x21a: {  	s13 =	simm.s32 $0x900  }
0x21b: {  	[tilespmem:s23], [sflag:$0x1] =	stream.indirect.gather [spmem:s2], $0x10, s13, s31, $0xb8;
	[tilespmem:$0x1F800] =	vst v63  }
0x21c: {  	s15 =	simm.s32 $0xA00  }
0x21d: {  	[tilespmem:s24], [sflag:$0x1] =	stream.indirect.gather [spmem:s2], $0x10, s15, s31, $0xb8;
	[tilespmem:$0x1F800] =	vst v63  }
0x21e: {  	s17 =	simm.s32 $0xB00  }
0x21f: {  	[tilespmem:s5], [sflag:$0x1] =	stream.indirect.gather [spmem:s2], $0x10, s17, s31, $0xb8;
	[tilespmem:$0x1F800] =	vst v63  }
0x220: {  	s19 =	simm.s32 $0xC00  }
0x221: {  	[tilespmem:s26], [sflag:$0x1] =	stream.indirect.gather [spmem:s2], $0x10, s19, s31, $0xb8;
	[tilespmem:$0x1F800] =	vst v63  }
0x222: {  	s25 =	simm.s32 $0xD00  }
0x223: {  	[tilespmem:s4], [sflag:$0x1] =	stream.indirect.gather [spmem:s2], $0x10, s25, s31, $0xb8;
	[tilespmem:$0x1F800] =	vst v63  }
0x224: {  	s28 =	simm.s32 $0xE00  }
0x225: {  	[tilespmem:s29], [sflag:$0x1] =	stream.indirect.gather [spmem:s2], $0x10, s28, s31, $0xb8;
	[tilespmem:$0x1F800] =	vst v63  }
0x226: {  	s7 =	simm.s32 $0xF00  }
0x227: {  	[tilespmem:s3], [sflag:$0x1] =	stream.indirect.gather [spmem:s2], $0x10, s7, s31, $0xb8;
	[tilespmem:$0x1F800] =	vst v63  }
0x228: {  	s11 =	simm.s32 $0x80  }
0x229: {  	[spmem:s1] =	stream.indirect.scatter.add.f32 [tilespmem:s0], [sflag:$0x2], $0x10, s11, s31, $0xb8;
	[tilespmem:$0x1F800] =	vst v63  }
0x22a: {  	s13 =	simm.s32 $0x180  }
0x22b: {  	[spmem:s1] =	stream.indirect.scatter.add.f32 [tilespmem:s8], [sflag:$0x2], $0x10, s13, s31, $0xb8;
	[tilespmem:$0x1F800] =	vst v63  }
0x22c: {  	s15 =	simm.s32 $0x280  }
0x22d: {  	[spmem:s1] =	stream.indirect.scatter.add.f32 [tilespmem:s10], [sflag:$0x2], $0x10, s15, s31, $0xb8;
	[tilespmem:$0x1F800] =	vst v63  }
0x22e: {  	s17 =	simm.s32 $0x380  }
0x22f: {  	[spmem:s1] =	stream.indirect.scatter.add.f32 [tilespmem:s12], [sflag:$0x2], $0x10, s17, s31, $0xb8;
	[tilespmem:$0x1F800] =	vst v63  }
0x230: {  	s19 =	simm.s32 $0x480  }
0x231: {  	[spmem:s1] =	stream.indirect.scatter.add.f32 [tilespmem:s14], [sflag:$0x2], $0x10, s19, s31, $0xb8;
	[tilespmem:$0x1F800] =	vst v63  }
0x232: {  	s25 =	simm.s32 $0x580  }
0x233: {  	[spmem:s1] =	stream.indirect.scatter.add.f32 [tilespmem:s16], [sflag:$0x2], $0x10, s25, s31, $0xb8;
	[tilespmem:$0x1F800] =	vst v63  }
0x234: {  	s28 =	simm.s32 $0x680  }
0x235: {  	[spmem:s1] =	stream.indirect.scatter.add.f32 [tilespmem:s18], [sflag:$0x2], $0x10, s28, s31, $0xb8;
	[tilespmem:$0x1F800] =	vst v63  }
0x236: {  	s7 =	simm.s32 $0x780  }
0x237: {  	[spmem:s1] =	stream.indirect.scatter.add.f32 [tilespmem:s20], [sflag:$0x2], $0x10, s7, s31, $0xb8;
	[tilespmem:$0x1F800] =	vst v63  }
0x238: {  	_ =	swait.ge [sflag:s21], $0x800  }
0x239: {  	[sflag:s21] =	ssyncset.done $0x0  }
0x23a: {  	[sflag:s21] =	ssyncadd.s32 $0xFFFFF800  }
0x23b: {  	_ =	swait.ge [sflag:s21], $0x800  }
0x23c: {  	[sflag:s21] =	ssyncset.done $0x0  }
0x23d: {  	[sflag:s21] =	ssyncadd.s32 $0xFFFFF800  }
0x23e: {  	_ =	swait.ge [sflag:s21], $0x800  }
0x23f: {  	[sflag:s21] =	ssyncset.done $0x0  }
0x240: {  	[sflag:s21] =	ssyncadd.s32 $0xFFFFF800  }
0x241: {  	_ =	swait.ge [sflag:s21], $0x800  }
0x242: {  	[sflag:s21] =	ssyncset.done $0x0  }
0x243: {  	[sflag:s21] =	ssyncadd.s32 $0xFFFFF800  }
0x244: {  	_ =	swait.ge [sflag:s21], $0x800  }
0x245: {  	[sflag:s21] =	ssyncset.done $0x0  }
0x246: {  	[sflag:s21] =	ssyncadd.s32 $0xFFFFF800  }
0x247: {  	_ =	swait.ge [sflag:s21], $0x800  }
0x248: {  	[sflag:s21] =	ssyncset.done $0x0  }
0x249: {  	[sflag:s21] =	ssyncadd.s32 $0xFFFFF800  }
0x24a: {  	_ =	swait.ge [sflag:s21], $0x800  }
0x24b: {  	[sflag:s21] =	ssyncset.done $0x0  }
0x24c: {  	[sflag:s21] =	ssyncadd.s32 $0xFFFFF800  }
0x24d: {  	_ =	swait.ge [sflag:s21], $0x800  }
0x24e: {  	[sflag:s21] =	ssyncset.done $0x0  }
0x24f: {  	[sflag:s21] =	ssyncadd.s32 $0xFFFFF800  }
0x250: {  	_ =	swait.ge [sflag:s9], $0x800  }
0x251: {  	[sflag:s9] =	ssyncset.done $0x0  }
0x252: {  	[sflag:s9] =	ssyncadd.s32 $0xFFFFF800  }
0x253: {  	_ =	swait.ge [sflag:s9], $0x800  }
0x254: {  	[sflag:s9] =	ssyncset.done $0x0  }
0x255: {  	[sflag:s9] =	ssyncadd.s32 $0xFFFFF800  }
0x256: {  	_ =	swait.ge [sflag:s9], $0x800  }
0x257: {  	[sflag:s9] =	ssyncset.done $0x0  }
0x258: {  	[sflag:s9] =	ssyncadd.s32 $0xFFFFF800  }
0x259: {  	_ =	swait.ge [sflag:s9], $0x800  }
0x25a: {  	[sflag:s9] =	ssyncset.done $0x0  }
0x25b: {  	[sflag:s9] =	ssyncadd.s32 $0xFFFFF800  }
0x25c: {  	_ =	swait.ge [sflag:s9], $0x800  }
0x25d: {  	[sflag:s9] =	ssyncset.done $0x0  }
0x25e: {  	[sflag:s9] =	ssyncadd.s32 $0xFFFFF800  }
0x25f: {  	_ =	swait.ge [sflag:s9], $0x800  }
0x260: {  	[sflag:s9] =	ssyncset.done $0x0  }
0x261: {  	[sflag:s9] =	ssyncadd.s32 $0xFFFFF800  }
0x262: {  	_ =	swait.ge [sflag:s9], $0x800  }
0x263: {  	[sflag:s9] =	ssyncset.done $0x0  }
0x264: {  	[sflag:s9] =	ssyncadd.s32 $0xFFFFF800  }
0x265: {  	p0 =	por $0x0, $0x0;
	_ =	swait.ge [sflag:s9], $0x800  }
0x266: {  	s6 =	simm.s32 @!p0 $0x4000;
	[sflag:s9] =	ssyncset.done $0x0  }
0x267: {  	s11 =	simm.s32 @!p0 $0x1000;
	s17 =	simm.s32 @!p0 $0x80;
	[sflag:s9] =	ssyncadd.s32 $0xFFFFF800  }
0x268: {  	[tilespmem:s6], [sflag:$0x1] =	stream.indirect.gather @!p0 [spmem:s2], $0x10, s11, s17, $0xb8;
	[tilespmem:$0x1F800] =	vst v63  }
0x269: {  	s6 =	simm.s32 @!p0 $0x1100;
	s11 =	simm.s32 @!p0 $0x4800  }
0x26a: {  	[tilespmem:s11], [sflag:$0x1] =	stream.indirect.gather @!p0 [spmem:s2], $0x10, s6, s17, $0xb8;
	[tilespmem:$0x1F800] =	vst v63  }
0x26b: {  	s6 =	simm.s32 @!p0 $0x1200;
	s11 =	simm.s32 @!p0 $0x5000  }
0x26c: {  	[tilespmem:s11], [sflag:$0x1] =	stream.indirect.gather @!p0 [spmem:s2], $0x10, s6, s17, $0xb8;
	[tilespmem:$0x1F800] =	vst v63  }
0x26d: {  	s6 =	simm.s32 @!p0 $0x1300;
	s11 =	simm.s32 @!p0 $0x5800  }
0x26e: {  	[tilespmem:s11], [sflag:$0x1] =	stream.indirect.gather @!p0 [spmem:s2], $0x10, s6, s17, $0xb8;
	[tilespmem:$0x1F800] =	vst v63  }
0x26f: {  	s6 =	simm.s32 @!p0 $0x1400;
	s11 =	simm.s32 @!p0 $0x6000  }
0x270: {  	[tilespmem:s11], [sflag:$0x1] =	stream.indirect.gather @!p0 [spmem:s2], $0x10, s6, s17, $0xb8;
	[tilespmem:$0x1F800] =	vst v63  }
0x271: {  	s6 =	simm.s32 @!p0 $0x1500;
	s11 =	simm.s32 @!p0 $0x6800  }
0x272: {  	[tilespmem:s11], [sflag:$0x1] =	stream.indirect.gather @!p0 [spmem:s2], $0x10, s6, s17, $0xb8;
	[tilespmem:$0x1F800] =	vst v63  }
0x273: {  	s6 =	simm.s32 @!p0 $0x1600;
	s11 =	simm.s32 @!p0 $0x7000  }
0x274: {  	[tilespmem:s11], [sflag:$0x1] =	stream.indirect.gather @!p0 [spmem:s2], $0x10, s6, s17, $0xb8;
	[tilespmem:$0x1F800] =	vst v63  }
0x275: {  	s6 =	simm.s32 @!p0 $0x1700;
	s11 =	simm.s32 @!p0 $0x7800  }
0x276: {  	[tilespmem:s11], [sflag:$0x1] =	stream.indirect.gather @!p0 [spmem:s2], $0x10, s6, s17, $0xb8;
	[tilespmem:$0x1F800] =	vst v63  }
0x277: {  	s11 =	simm.s32 $0x880  }
0x278: {  	[spmem:s1] =	stream.indirect.scatter.add.f32 [tilespmem:s22], [sflag:$0x2], $0x10, s11, s31, $0xb8;
	[tilespmem:$0x1F800] =	vst v63  }
0x279: {  	s13 =	simm.s32 $0x980  }
0x27a: {  	[spmem:s1] =	stream.indirect.scatter.add.f32 [tilespmem:s23], [sflag:$0x2], $0x10, s13, s31, $0xb8;
	[tilespmem:$0x1F800] =	vst v63  }
0x27b: {  	s15 =	simm.s32 $0xA80  }
0x27c: {  	[spmem:s1] =	stream.indirect.scatter.add.f32 [tilespmem:s24], [sflag:$0x2], $0x10, s15, s31, $0xb8;
	[tilespmem:$0x1F800] =	vst v63  }
0x27d: {  	s17 =	simm.s32 $0xB80  }
0x27e: {  	[spmem:s1] =	stream.indirect.scatter.add.f32 [tilespmem:s5], [sflag:$0x2], $0x10, s17, s31, $0xb8;
	[tilespmem:$0x1F800] =	vst v63  }
0x27f: {  	s19 =	simm.s32 $0xC80  }
0x280: {  	[spmem:s1] =	stream.indirect.scatter.add.f32 [tilespmem:s26], [sflag:$0x2], $0x10, s19, s31, $0xb8;
	[tilespmem:$0x1F800] =	vst v63  }
0x281: {  	s25 =	simm.s32 $0xD80  }
0x282: {  	[spmem:s1] =	stream.indirect.scatter.add.f32 [tilespmem:s4], [sflag:$0x2], $0x10, s25, s31, $0xb8;
	[tilespmem:$0x1F800] =	vst v63  }
0x283: {  	s28 =	simm.s32 $0xE80;
	s11 =	simm.s32 $0xF80;
	s17 =	simm.s32 $0x4000  }
0x284: {  	[spmem:s1] =	stream.indirect.scatter.add.f32 [tilespmem:s29], [sflag:$0x2], $0x10, s28, s31, $0xb8;
	[tilespmem:$0x1F800] =	vst v63  }
.LBB2_9:
0x285: {  	[spmem:s1] =	stream.indirect.scatter.add.f32 [tilespmem:s3], [sflag:$0x2], $0x10, s11, s31, $0xb8;
	[tilespmem:$0x1F800] =	vst v63  }
0x286: {  	s11 =	smov.u32 s17;
	s17 =	sadd.s32 $0x4000, s17;
	_ =	swait.ge [sflag:s21], $0x800  }
0x287: {  	p0 =	sne.s32 s17, $0x10000;
	[sflag:s21] =	ssyncset.done $0x0  }
0x288: {  	[sflag:s21] =	ssyncadd.s32 $0xFFFFF800  }
0x289: {  	_ =	swait.ge [sflag:s21], $0x800  }
0x28a: {  	[sflag:s21] =	ssyncset.done $0x0  }
0x28b: {  	[sflag:s21] =	ssyncadd.s32 $0xFFFFF800  }
0x28c: {  	_ =	swait.ge [sflag:s21], $0x800  }
0x28d: {  	[sflag:s21] =	ssyncset.done $0x0  }
0x28e: {  	[sflag:s21] =	ssyncadd.s32 $0xFFFFF800  }
0x28f: {  	_ =	swait.ge [sflag:s21], $0x800  }
0x290: {  	[sflag:s21] =	ssyncset.done $0x0  }
0x291: {  	[sflag:s21] =	ssyncadd.s32 $0xFFFFF800  }
0x292: {  	_ =	swait.ge [sflag:s21], $0x800  }
0x293: {  	[sflag:s21] =	ssyncset.done $0x0  }
0x294: {  	[sflag:s21] =	ssyncadd.s32 $0xFFFFF800  }
0x295: {  	_ =	swait.ge [sflag:s21], $0x800  }
0x296: {  	[sflag:s21] =	ssyncset.done $0x0  }
0x297: {  	[sflag:s21] =	ssyncadd.s32 $0xFFFFF800  }
0x298: {  	_ =	swait.ge [sflag:s21], $0x800  }
0x299: {  	[sflag:s21] =	ssyncset.done $0x0  }
0x29a: {  	[sflag:s21] =	ssyncadd.s32 $0xFFFFF800  }
0x29b: {  	_ =	swait.ge [sflag:s21], $0x800  }
0x29c: {  	p1 =	seq.s32 s11, $0x0;
	[sflag:s21] =	ssyncset.done $0x0  }
0x29d: {  	s6 =	simm.s32 @!p1 $0x2;
	[sflag:s21] =	ssyncadd.s32 $0xFFFFF800  }
0x29e: {  	_ =	swait.ge @!p1 [sflag:s6], $0x800  }
0x29f: {  	[sflag:s6] =	ssyncset.done @!p1 $0x0  }
0x2a0: {  	[sflag:s6] =	ssyncadd.s32 @!p1 $0xFFFFF800  }
0x2a1: {  	_ =	swait.ge @!p1 [sflag:s6], $0x800  }
0x2a2: {  	[sflag:s6] =	ssyncset.done @!p1 $0x0  }
0x2a3: {  	[sflag:s6] =	ssyncadd.s32 @!p1 $0xFFFFF800  }
0x2a4: {  	_ =	swait.ge @!p1 [sflag:s6], $0x800  }
0x2a5: {  	[sflag:s6] =	ssyncset.done @!p1 $0x0  }
0x2a6: {  	[sflag:s6] =	ssyncadd.s32 @!p1 $0xFFFFF800  }
0x2a7: {  	_ =	swait.ge @!p1 [sflag:s6], $0x800  }
0x2a8: {  	[sflag:s6] =	ssyncset.done @!p1 $0x0  }
0x2a9: {  	[sflag:s6] =	ssyncadd.s32 @!p1 $0xFFFFF800  }
0x2aa: {  	_ =	swait.ge @!p1 [sflag:s6], $0x800  }
0x2ab: {  	[sflag:s6] =	ssyncset.done @!p1 $0x0  }
0x2ac: {  	[sflag:s6] =	ssyncadd.s32 @!p1 $0xFFFFF800  }
0x2ad: {  	_ =	swait.ge @!p1 [sflag:s6], $0x800  }
0x2ae: {  	[sflag:s6] =	ssyncset.done @!p1 $0x0  }
0x2af: {  	[sflag:s6] =	ssyncadd.s32 @!p1 $0xFFFFF800  }
0x2b0: {  	_ =	swait.ge @!p1 [sflag:s6], $0x800  }
0x2b1: {  	[sflag:s6] =	ssyncset.done @!p1 $0x0  }
0x2b2: {  	[sflag:s6] =	ssyncadd.s32 @!p1 $0xFFFFF800  }
0x2b3: {  	_ =	swait.ge @!p1 [sflag:s6], $0x800  }
0x2b4: {  	s19 =	sshra.s32 s11, $0x2;
	[sflag:s6] =	ssyncset.done @!p1 $0x0  }
0x2b5: {  	[sflag:s6] =	ssyncadd.s32 @!p1 $0xFFFFF800;
	s6 =	sadd.s32 $0x800, s19  }
0x2b6: {  	[tilespmem:s22], [sflag:$0x1] =	stream.indirect.gather [spmem:s2], $0x10, s6, s31, $0xb8;
	[tilespmem:$0x1F800] =	vst v63  }
0x2b7: {  	s6 =	sadd.s32 $0x900, s19  }
0x2b8: {  	[tilespmem:s23], [sflag:$0x1] =	stream.indirect.gather [spmem:s2], $0x10, s6, s31, $0xb8;
	[tilespmem:$0x1F800] =	vst v63  }
0x2b9: {  	s6 =	sadd.s32 $0xA00, s19  }
0x2ba: {  	[tilespmem:s24], [sflag:$0x1] =	stream.indirect.gather [spmem:s2], $0x10, s6, s31, $0xb8;
	[tilespmem:$0x1F800] =	vst v63  }
0x2bb: {  	s6 =	sadd.s32 $0xB00, s19  }
0x2bc: {  	[tilespmem:s5], [sflag:$0x1] =	stream.indirect.gather [spmem:s2], $0x10, s6, s31, $0xb8;
	[tilespmem:$0x1F800] =	vst v63  }
0x2bd: {  	s6 =	sadd.s32 $0xC00, s19  }
0x2be: {  	[tilespmem:s26], [sflag:$0x1] =	stream.indirect.gather [spmem:s2], $0x10, s6, s31, $0xb8;
	[tilespmem:$0x1F800] =	vst v63  }
0x2bf: {  	s6 =	sadd.s32 $0xD00, s19  }
0x2c0: {  	[tilespmem:s4], [sflag:$0x1] =	stream.indirect.gather [spmem:s2], $0x10, s6, s31, $0xb8;
	[tilespmem:$0x1F800] =	vst v63  }
0x2c1: {  	s6 =	sadd.s32 $0xE00, s19  }
0x2c2: {  	[tilespmem:s29], [sflag:$0x1] =	stream.indirect.gather [spmem:s2], $0x10, s6, s31, $0xb8;
	[tilespmem:$0x1F800] =	vst v63  }
0x2c3: {  	s6 =	sadd.s32 $0xF00, s19  }
0x2c4: {  	[tilespmem:s3], [sflag:$0x1] =	stream.indirect.gather [spmem:s2], $0x10, s6, s31, $0xb8;
	[tilespmem:$0x1F800] =	vst v63  }
0x2c5: {  	s6 =	sadd.s32 $0x80, s19  }
0x2c6: {  	[spmem:s1] =	stream.indirect.scatter.add.f32 [tilespmem:s0], [sflag:$0x2], $0x10, s6, s31, $0xb8;
	[tilespmem:$0x1F800] =	vst v63  }
0x2c7: {  	s6 =	sadd.s32 $0x180, s19  }
0x2c8: {  	[spmem:s1] =	stream.indirect.scatter.add.f32 [tilespmem:s8], [sflag:$0x2], $0x10, s6, s31, $0xb8;
	[tilespmem:$0x1F800] =	vst v63  }
0x2c9: {  	s6 =	sadd.s32 $0x280, s19  }
0x2ca: {  	[spmem:s1] =	stream.indirect.scatter.add.f32 [tilespmem:s10], [sflag:$0x2], $0x10, s6, s31, $0xb8;
	[tilespmem:$0x1F800] =	vst v63  }
0x2cb: {  	s6 =	sadd.s32 $0x380, s19  }
0x2cc: {  	[spmem:s1] =	stream.indirect.scatter.add.f32 [tilespmem:s12], [sflag:$0x2], $0x10, s6, s31, $0xb8;
	[tilespmem:$0x1F800] =	vst v63  }
0x2cd: {  	s6 =	sadd.s32 $0x480, s19  }
0x2ce: {  	[spmem:s1] =	stream.indirect.scatter.add.f32 [tilespmem:s14], [sflag:$0x2], $0x10, s6, s31, $0xb8;
	[tilespmem:$0x1F800] =	vst v63  }
0x2cf: {  	s6 =	sadd.s32 $0x580, s19  }
0x2d0: {  	[spmem:s1] =	stream.indirect.scatter.add.f32 [tilespmem:s16], [sflag:$0x2], $0x10, s6, s31, $0xb8;
	[tilespmem:$0x1F800] =	vst v63  }
0x2d1: {  	s6 =	sadd.s32 $0x680, s19  }
0x2d2: {  	[spmem:s1] =	stream.indirect.scatter.add.f32 [tilespmem:s18], [sflag:$0x2], $0x10, s6, s31, $0xb8;
	[tilespmem:$0x1F800] =	vst v63  }
0x2d3: {  	s6 =	sadd.s32 $0x780, s19  }
0x2d4: {  	[spmem:s1] =	stream.indirect.scatter.add.f32 [tilespmem:s20], [sflag:$0x2], $0x10, s6, s31, $0xb8;
	[tilespmem:$0x1F800] =	vst v63  }
0x2d5: {  	_ =	swait.ge [sflag:s21], $0x800  }
0x2d6: {  	[sflag:s21] =	ssyncset.done $0x0  }
0x2d7: {  	[sflag:s21] =	ssyncadd.s32 $0xFFFFF800  }
0x2d8: {  	_ =	swait.ge [sflag:s21], $0x800  }
0x2d9: {  	[sflag:s21] =	ssyncset.done $0x0  }
0x2da: {  	[sflag:s21] =	ssyncadd.s32 $0xFFFFF800  }
0x2db: {  	_ =	swait.ge [sflag:s21], $0x800  }
0x2dc: {  	[sflag:s21] =	ssyncset.done $0x0  }
0x2dd: {  	[sflag:s21] =	ssyncadd.s32 $0xFFFFF800  }
0x2de: {  	_ =	swait.ge [sflag:s21], $0x800  }
0x2df: {  	[sflag:s21] =	ssyncset.done $0x0  }
0x2e0: {  	[sflag:s21] =	ssyncadd.s32 $0xFFFFF800  }
0x2e1: {  	_ =	swait.ge [sflag:s21], $0x800  }
0x2e2: {  	[sflag:s21] =	ssyncset.done $0x0  }
0x2e3: {  	[sflag:s21] =	ssyncadd.s32 $0xFFFFF800  }
0x2e4: {  	_ =	swait.ge [sflag:s21], $0x800  }
0x2e5: {  	[sflag:s21] =	ssyncset.done $0x0  }
0x2e6: {  	[sflag:s21] =	ssyncadd.s32 $0xFFFFF800  }
0x2e7: {  	_ =	swait.ge [sflag:s21], $0x800  }
0x2e8: {  	[sflag:s21] =	ssyncset.done $0x0  }
0x2e9: {  	[sflag:s21] =	ssyncadd.s32 $0xFFFFF800  }
0x2ea: {  	_ =	swait.ge [sflag:s21], $0x800  }
0x2eb: {  	[sflag:s21] =	ssyncset.done $0x0  }
0x2ec: {  	[sflag:s21] =	ssyncadd.s32 $0xFFFFF800  }
0x2ed: {  	_ =	swait.ge [sflag:s9], $0x800  }
0x2ee: {  	[sflag:s9] =	ssyncset.done $0x0  }
0x2ef: {  	[sflag:s9] =	ssyncadd.s32 $0xFFFFF800  }
0x2f0: {  	_ =	swait.ge [sflag:s9], $0x800  }
0x2f1: {  	[sflag:s9] =	ssyncset.done $0x0  }
0x2f2: {  	[sflag:s9] =	ssyncadd.s32 $0xFFFFF800  }
0x2f3: {  	_ =	swait.ge [sflag:s9], $0x800  }
0x2f4: {  	[sflag:s9] =	ssyncset.done $0x0  }
0x2f5: {  	[sflag:s9] =	ssyncadd.s32 $0xFFFFF800  }
0x2f6: {  	_ =	swait.ge [sflag:s9], $0x800  }
0x2f7: {  	[sflag:s9] =	ssyncset.done $0x0  }
0x2f8: {  	[sflag:s9] =	ssyncadd.s32 $0xFFFFF800  }
0x2f9: {  	_ =	swait.ge [sflag:s9], $0x800  }
0x2fa: {  	[sflag:s9] =	ssyncset.done $0x0  }
0x2fb: {  	[sflag:s9] =	ssyncadd.s32 $0xFFFFF800  }
0x2fc: {  	_ =	swait.ge [sflag:s9], $0x800  }
0x2fd: {  	[sflag:s9] =	ssyncset.done $0x0  }
0x2fe: {  	[sflag:s9] =	ssyncadd.s32 $0xFFFFF800  }
0x2ff: {  	_ =	swait.ge [sflag:s9], $0x800  }
0x300: {  	[sflag:s9] =	ssyncset.done $0x0  }
0x301: {  	[sflag:s9] =	ssyncadd.s32 $0xFFFFF800  }
0x302: {  	p1 =	seq.s32 s11, $0xC000;
	_ =	swait.ge [sflag:s9], $0x800  }
0x303: {  	s6 =	sshra.s32 @!p1 s11, $0x2;
	s11 =	simm.s32 @!p1 $0x4000;
	[sflag:s9] =	ssyncset.done $0x0  }
0x304: {  	s25 =	simm.s32 @!p1 $0x80;
	s7 =	sadd.s32 @!p1 $0x1000, s6;
	[sflag:s9] =	ssyncadd.s32 $0xFFFFF800  }
0x305: {  	[tilespmem:s11], [sflag:$0x1] =	stream.indirect.gather @!p1 [spmem:s2], $0x10, s7, s25, $0xb8;
	[tilespmem:$0x1F800] =	vst v63  }
0x306: {  	s13 =	sadd.s32 @!p1 $0x1200, s6;
	s7 =	sadd.s32 @!p1 $0x1100, s6;
	s11 =	simm.s32 @!p1 $0x4800  }
0x307: {  	[tilespmem:s11], [sflag:$0x1] =	stream.indirect.gather @!p1 [spmem:s2], $0x10, s7, s25, $0xb8;
	[tilespmem:$0x1F800] =	vst v63  }
0x308: {  	s15 =	sadd.s32 @!p1 $0x1400, s6;
	s7 =	simm.s32 @!p1 $0x5000;
	s11 =	sadd.s32 @!p1 $0x1300, s6  }
0x309: {  	[tilespmem:s7], [sflag:$0x1] =	stream.indirect.gather @!p1 [spmem:s2], $0x10, s13, s25, $0xb8;
	[tilespmem:$0x1F800] =	vst v63  }
0x30a: {  	s28 =	sadd.s32 @!p1 $0x1600, s6;
	s7 =	simm.s32 @!p1 $0x5800;
	s13 =	sadd.s32 @!p1 $0x1500, s6  }
0x30b: {  	[tilespmem:s7], [sflag:$0x1] =	stream.indirect.gather @!p1 [spmem:s2], $0x10, s11, s25, $0xb8;
	[tilespmem:$0x1F800] =	vst v63  }
0x30c: {  	s6 =	sadd.s32 @!p1 $0x1700, s6;
	s7 =	simm.s32 @!p1 $0x6000  }
0x30d: {  	[tilespmem:s7], [sflag:$0x1] =	stream.indirect.gather @!p1 [spmem:s2], $0x10, s15, s25, $0xb8;
	[tilespmem:$0x1F800] =	vst v63  }
0x30e: {  	s7 =	simm.s32 @!p1 $0x6800  }
0x30f: {  	[tilespmem:s7], [sflag:$0x1] =	stream.indirect.gather @!p1 [spmem:s2], $0x10, s13, s25, $0xb8;
	[tilespmem:$0x1F800] =	vst v63  }
0x310: {  	s7 =	simm.s32 @!p1 $0x7000  }
0x311: {  	[tilespmem:s7], [sflag:$0x1] =	stream.indirect.gather @!p1 [spmem:s2], $0x10, s28, s25, $0xb8;
	[tilespmem:$0x1F800] =	vst v63  }
0x312: {  	s7 =	simm.s32 @!p1 $0x7800  }
0x313: {  	[tilespmem:s7], [sflag:$0x1] =	stream.indirect.gather @!p1 [spmem:s2], $0x10, s6, s25, $0xb8;
	[tilespmem:$0x1F800] =	vst v63  }
0x314: {  	s6 =	sadd.s32 $0x880, s19  }
0x315: {  	[spmem:s1] =	stream.indirect.scatter.add.f32 [tilespmem:s22], [sflag:$0x2], $0x10, s6, s31, $0xb8;
	[tilespmem:$0x1F800] =	vst v63  }
0x316: {  	s6 =	sadd.s32 $0x980, s19  }
0x317: {  	[spmem:s1] =	stream.indirect.scatter.add.f32 [tilespmem:s23], [sflag:$0x2], $0x10, s6, s31, $0xb8;
	[tilespmem:$0x1F800] =	vst v63  }
0x318: {  	s6 =	sadd.s32 $0xA80, s19  }
0x319: {  	[spmem:s1] =	stream.indirect.scatter.add.f32 [tilespmem:s24], [sflag:$0x2], $0x10, s6, s31, $0xb8;
	[tilespmem:$0x1F800] =	vst v63  }
0x31a: {  	s6 =	sadd.s32 $0xB80, s19  }
0x31b: {  	[spmem:s1] =	stream.indirect.scatter.add.f32 [tilespmem:s5], [sflag:$0x2], $0x10, s6, s31, $0xb8;
	[tilespmem:$0x1F800] =	vst v63  }
0x31c: {  	s6 =	sadd.s32 $0xC80, s19  }
0x31d: {  	[spmem:s1] =	stream.indirect.scatter.add.f32 [tilespmem:s26], [sflag:$0x2], $0x10, s6, s31, $0xb8;
	[tilespmem:$0x1F800] =	vst v63  }
.Ltmp3:
0x31e: {  	s6 =	sadd.s32 $0xD80, s19;
	(pc) =	sbr.rel @p0 .LBB2_9-.Ltmp3, $4  }
0x31f: {  	[spmem:s1] =	stream.indirect.scatter.add.f32 [tilespmem:s4], [sflag:$0x2], $0x10, s6, s31, $0xb8;
	[tilespmem:$0x1F800] =	vst v63  }
0x320: {  	s6 =	sadd.s32 $0xE80, s19  }
0x321: {  	[spmem:s1] =	stream.indirect.scatter.add.f32 [tilespmem:s29], [sflag:$0x2], $0x10, s6, s31, $0xb8;
	[tilespmem:$0x1F800] =	vst v63  }
0x322: {  	s11 =	sadd.s32 $0xF80, s19  }
0x323: {  	[spmem:s1] =	stream.indirect.scatter.add.f32 [tilespmem:s3], [sflag:$0x2], $0x10, s11, s31, $0xb8;
	[tilespmem:$0x1F800] =	vst v63  }
0x324: {  	_ =	swait.ge [sflag:s9], $0x800  }
0x325: {  	[sflag:s9] =	ssyncset.done $0x0  }
0x326: {  	[sflag:s9] =	ssyncadd.s32 $0xFFFFF800  }
0x327: {  	_ =	swait.ge [sflag:s9], $0x800  }
0x328: {  	[sflag:s9] =	ssyncset.done $0x0  }
0x329: {  	[sflag:s9] =	ssyncadd.s32 $0xFFFFF800  }
0x32a: {  	_ =	swait.ge [sflag:s9], $0x800  }
0x32b: {  	[sflag:s9] =	ssyncset.done $0x0  }
0x32c: {  	[sflag:s9] =	ssyncadd.s32 $0xFFFFF800  }
0x32d: {  	_ =	swait.ge [sflag:s9], $0x800  }
0x32e: {  	[sflag:s9] =	ssyncset.done $0x0  }
0x32f: {  	[sflag:s9] =	ssyncadd.s32 $0xFFFFF800  }
0x330: {  	_ =	swait.ge [sflag:s9], $0x800  }
0x331: {  	[sflag:s9] =	ssyncset.done $0x0  }
0x332: {  	[sflag:s9] =	ssyncadd.s32 $0xFFFFF800  }
0x333: {  	_ =	swait.ge [sflag:s9], $0x800  }
0x334: {  	[sflag:s9] =	ssyncset.done $0x0  }
0x335: {  	[sflag:s9] =	ssyncadd.s32 $0xFFFFF800  }
0x336: {  	_ =	swait.ge [sflag:s9], $0x800  }
0x337: {  	[sflag:s9] =	ssyncset.done $0x0  }
0x338: {  	[sflag:s9] =	ssyncadd.s32 $0xFFFFF800  }
0x339: {  	_ =	swait.ge [sflag:s9], $0x800  }
0x33a: {  	s6 =	rddreg [dreg:$0x1b]  }
0x33b: {  	s6 =	sadd.s32 $0x1, s6  }
0x33c: {  	p0 =	sne.s32 s6, $0x4  }
.Ltmp4:
0x33d: {  	_ = 	snop;
	(pc) =	sbr.rel @p0 .LBB2_8-.Ltmp4, $3  }
0x33e: {  	_ =	sdelay $0x1  }
0x33f: {  	[sflag:s9] =	ssyncset.done $0x0  }
0x340: {  	s28 =	simm.s32 $0x3;
	[sflag:s9] =	ssyncadd.s32 $0xFFFFF800  }
0x341: {  	[bflag:$0x0] =	sbarrier.arrive $0xFFFF  }
0x342: {  	s11 =	simm.s32 $0x0;
	s7 =	simm.s32 $0x0;
	s15 =	rddreg [dreg:$0x5]  }
0x343: {  	s19 =	simm.s32 $0xD000;
	s17 =	rddreg [dreg:$0x19];
	s13 =	smov.u32 s15  }
.LBB2_12:
0x344: {  	[tilespmem:s30], [sflag:$0x3] =	stream.linear.gather [spmem:s13], $0x800, $0x38;
	[tilespmem:$0x1F800] =	vst v63  }
0x345: {  	_ =	swait.ge [sflag:s28], $0x800  }
0x346: {  	[sflag:s28] =	ssyncset.done $0x0  }
0x347: {  	[sflag:s28] =	ssyncadd.s32 $0xFFFFF800  }
0x348: {  	v1 =	vld [tilespmem:$0xC800]  }
0x349: {  	v2 =	vld [tilespmem:$0xC810]  }
0x34a: {  	v3 =	vld [tilespmem:$0xC820]  }
0x34b: {  	v4 =	vld [tilespmem:$0xC830]  }
0x34c: {  	v5 =	vld [tilespmem:$0xC840]  }
0x34d: {  	[tilespmem:$0xD000] =	vst v1;
	v1 =	vld [tilespmem:$0xC850]  }
0x34e: {  	[tilespmem:$0xD010] =	vst v2;
	v2 =	vld [tilespmem:$0xC860]  }
0x34f: {  	[tilespmem:$0xD020] =	vst v3;
	v3 =	vld [tilespmem:$0xC870]  }
0x350: {  	[tilespmem:$0xD030] =	vst v4;
	v4 =	vld [tilespmem:$0xC880]  }
0x351: {  	[tilespmem:$0xD040] =	vst v5;
	v5 =	vld [tilespmem:$0xC890]  }
0x352: {  	[tilespmem:$0xD050] =	vst v1;
	v1 =	vld [tilespmem:$0xC8A0]  }
0x353: {  	[tilespmem:$0xD060] =	vst v2;
	v2 =	vld [tilespmem:$0xC8B0]  }
0x354: {  	[tilespmem:$0xD070] =	vst v3;
	v3 =	vld [tilespmem:$0xC8C0]  }
0x355: {  	[tilespmem:$0xD080] =	vst v4;
	v4 =	vld [tilespmem:$0xC8D0]  }
0x356: {  	[tilespmem:$0xD090] =	vst v5;
	v5 =	vld [tilespmem:$0xC8E0]  }
0x357: {  	[tilespmem:$0xD0A0] =	vst v1;
	v1 =	vld [tilespmem:$0xC8F0]  }
0x358: {  	[tilespmem:$0xD0B0] =	vst v2;
	v2 =	vld [tilespmem:$0xC900]  }
0x359: {  	[tilespmem:$0xD0C0] =	vst v3;
	v3 =	vld [tilespmem:$0xC910]  }
0x35a: {  	[tilespmem:$0xD0D0] =	vst v4;
	v4 =	vld [tilespmem:$0xC920]  }
0x35b: {  	[tilespmem:$0xD0E0] =	vst v5;
	v5 =	vld [tilespmem:$0xC930]  }
0x35c: {  	[tilespmem:$0xD0F0] =	vst v1;
	v1 =	vld [tilespmem:$0xC940]  }
0x35d: {  	[tilespmem:$0xD100] =	vst v2;
	v2 =	vld [tilespmem:$0xC950]  }
0x35e: {  	[tilespmem:$0xD110] =	vst v3;
	v3 =	vld [tilespmem:$0xC960]  }
0x35f: {  	[tilespmem:$0xD120] =	vst v4;
	v4 =	vld [tilespmem:$0xC970]  }
0x360: {  	[tilespmem:$0xD130] =	vst v5;
	v5 =	vld [tilespmem:$0xC980]  }
0x361: {  	[tilespmem:$0xD140] =	vst v1;
	v1 =	vld [tilespmem:$0xC990]  }
0x362: {  	[tilespmem:$0xD150] =	vst v2;
	v2 =	vld [tilespmem:$0xC9A0]  }
0x363: {  	[tilespmem:$0xD160] =	vst v3;
	v3 =	vld [tilespmem:$0xC9B0]  }
0x364: {  	[tilespmem:$0xD170] =	vst v4;
	v4 =	vld [tilespmem:$0xC9C0]  }
0x365: {  	[tilespmem:$0xD180] =	vst v5;
	v5 =	vld [tilespmem:$0xC9D0]  }
0x366: {  	[tilespmem:$0xD190] =	vst v1;
	v1 =	vld [tilespmem:$0xC9E0]  }
0x367: {  	[tilespmem:$0xD1A0] =	vst v2;
	v2 =	vld [tilespmem:$0xC9F0]  }
0x368: {  	[tilespmem:$0xD1B0] =	vst v3;
	v3 =	vld [tilespmem:$0xCA00]  }
0x369: {  	[tilespmem:$0xD1C0] =	vst v4;
	v4 =	vld [tilespmem:$0xCA10]  }
0x36a: {  	[tilespmem:$0xD1D0] =	vst v5;
	v5 =	vld [tilespmem:$0xCA20]  }
0x36b: {  	[tilespmem:$0xD1E0] =	vst v1;
	v1 =	vld [tilespmem:$0xCA30]  }
0x36c: {  	[tilespmem:$0xD1F0] =	vst v2;
	v2 =	vld [tilespmem:$0xCA40]  }
0x36d: {  	[tilespmem:$0xD200] =	vst v3;
	v3 =	vld [tilespmem:$0xCA50]  }
0x36e: {  	[tilespmem:$0xD210] =	vst v4;
	v4 =	vld [tilespmem:$0xCA60]  }
0x36f: {  	[tilespmem:$0xD220] =	vst v5;
	v5 =	vld [tilespmem:$0xCA70]  }
0x370: {  	[tilespmem:$0xD230] =	vst v1;
	v1 =	vld [tilespmem:$0xCA80]  }
0x371: {  	[tilespmem:$0xD240] =	vst v2;
	v2 =	vld [tilespmem:$0xCA90]  }
0x372: {  	[tilespmem:$0xD250] =	vst v3;
	v3 =	vld [tilespmem:$0xCAA0]  }
0x373: {  	[tilespmem:$0xD260] =	vst v4;
	v4 =	vld [tilespmem:$0xCAB0]  }
0x374: {  	[tilespmem:$0xD270] =	vst v5;
	v5 =	vld [tilespmem:$0xCAC0]  }
0x375: {  	[tilespmem:$0xD280] =	vst v1;
	v1 =	vld [tilespmem:$0xCAD0]  }
0x376: {  	[tilespmem:$0xD290] =	vst v2;
	v2 =	vld [tilespmem:$0xCAE0]  }
0x377: {  	[tilespmem:$0xD2A0] =	vst v3;
	v3 =	vld [tilespmem:$0xCAF0]  }
0x378: {  	[tilespmem:$0xD2B0] =	vst v4;
	v4 =	vld [tilespmem:$0xCB00]  }
0x379: {  	[tilespmem:$0xD2C0] =	vst v5;
	v5 =	vld [tilespmem:$0xCB10]  }
0x37a: {  	[tilespmem:$0xD2D0] =	vst v1;
	v1 =	vld [tilespmem:$0xCB20]  }
0x37b: {  	[tilespmem:$0xD2E0] =	vst v2;
	v2 =	vld [tilespmem:$0xCB30]  }
0x37c: {  	[tilespmem:$0xD2F0] =	vst v3;
	v3 =	vld [tilespmem:$0xCB40]  }
0x37d: {  	[tilespmem:$0xD300] =	vst v4;
	v4 =	vld [tilespmem:$0xCB50]  }
0x37e: {  	[tilespmem:$0xD310] =	vst v5;
	v5 =	vld [tilespmem:$0xCB60]  }
0x37f: {  	[tilespmem:$0xD320] =	vst v1;
	v1 =	vld [tilespmem:$0xCB70]  }
0x380: {  	[tilespmem:$0xD330] =	vst v2;
	v2 =	vld [tilespmem:$0xCB80]  }
0x381: {  	[tilespmem:$0xD340] =	vst v3;
	v3 =	vld [tilespmem:$0xCB90]  }
0x382: {  	[tilespmem:$0xD350] =	vst v4;
	v4 =	vld [tilespmem:$0xCBA0]  }
0x383: {  	[tilespmem:$0xD360] =	vst v5;
	v5 =	vld [tilespmem:$0xCBB0]  }
0x384: {  	[tilespmem:$0xD370] =	vst v1;
	v1 =	vld [tilespmem:$0xCBC0]  }
0x385: {  	[tilespmem:$0xD380] =	vst v2;
	v2 =	vld [tilespmem:$0xCBD0]  }
0x386: {  	[tilespmem:$0xD390] =	vst v3;
	v3 =	vld [tilespmem:$0xCBE0]  }
0x387: {  	[tilespmem:$0xD3A0] =	vst v4;
	v4 =	vld [tilespmem:$0xCBF0]  }
0x388: {  	[tilespmem:$0xD3B0] =	vst v5;
	v5 =	vld [tilespmem:$0xCC00]  }
0x389: {  	[tilespmem:$0xD3C0] =	vst v1;
	v1 =	vld [tilespmem:$0xCC10]  }
0x38a: {  	[tilespmem:$0xD3D0] =	vst v2;
	v2 =	vld [tilespmem:$0xCC20]  }
0x38b: {  	[tilespmem:$0xD3E0] =	vst v3;
	v3 =	vld [tilespmem:$0xCC30]  }
0x38c: {  	[tilespmem:$0xD3F0] =	vst v4;
	v4 =	vld [tilespmem:$0xCC40]  }
0x38d: {  	[tilespmem:$0xD400] =	vst v5;
	v5 =	vld [tilespmem:$0xCC50]  }
0x38e: {  	[tilespmem:$0xD410] =	vst v1;
	v1 =	vld [tilespmem:$0xCC60]  }
0x38f: {  	[tilespmem:$0xD420] =	vst v2;
	v2 =	vld [tilespmem:$0xCC70]  }
0x390: {  	[tilespmem:$0xD430] =	vst v3;
	v3 =	vld [tilespmem:$0xCC80]  }
0x391: {  	[tilespmem:$0xD440] =	vst v4;
	v4 =	vld [tilespmem:$0xCC90]  }
0x392: {  	[tilespmem:$0xD450] =	vst v5;
	v5 =	vld [tilespmem:$0xCCA0]  }
0x393: {  	[tilespmem:$0xD460] =	vst v1;
	v1 =	vld [tilespmem:$0xCCB0]  }
0x394: {  	[tilespmem:$0xD470] =	vst v2;
	v2 =	vld [tilespmem:$0xCCC0]  }
0x395: {  	[tilespmem:$0xD480] =	vst v3;
	v3 =	vld [tilespmem:$0xCCD0]  }
0x396: {  	[tilespmem:$0xD490] =	vst v4;
	v4 =	vld [tilespmem:$0xCCE0]  }
0x397: {  	[tilespmem:$0xD4A0] =	vst v5;
	v5 =	vld [tilespmem:$0xCCF0]  }
0x398: {  	[tilespmem:$0xD4B0] =	vst v1;
	v1 =	vld [tilespmem:$0xCD00]  }
0x399: {  	[tilespmem:$0xD4C0] =	vst v2;
	v2 =	vld [tilespmem:$0xCD10]  }
0x39a: {  	[tilespmem:$0xD4D0] =	vst v3;
	v3 =	vld [tilespmem:$0xCD20]  }
0x39b: {  	[tilespmem:$0xD4E0] =	vst v4;
	v4 =	vld [tilespmem:$0xCD30]  }
0x39c: {  	[tilespmem:$0xD4F0] =	vst v5;
	v5 =	vld [tilespmem:$0xCD40]  }
0x39d: {  	[tilespmem:$0xD500] =	vst v1;
	v1 =	vld [tilespmem:$0xCD50]  }
0x39e: {  	[tilespmem:$0xD510] =	vst v2;
	v2 =	vld [tilespmem:$0xCD60]  }
0x39f: {  	[tilespmem:$0xD520] =	vst v3;
	v3 =	vld [tilespmem:$0xCD70]  }
0x3a0: {  	[tilespmem:$0xD530] =	vst v4;
	v4 =	vld [tilespmem:$0xCD80]  }
0x3a1: {  	[tilespmem:$0xD540] =	vst v5;
	v5 =	vld [tilespmem:$0xCD90]  }
0x3a2: {  	[tilespmem:$0xD550] =	vst v1;
	v1 =	vld [tilespmem:$0xCDA0]  }
0x3a3: {  	[tilespmem:$0xD560] =	vst v2;
	v2 =	vld [tilespmem:$0xCDB0]  }
0x3a4: {  	[tilespmem:$0xD570] =	vst v3;
	v3 =	vld [tilespmem:$0xCDC0]  }
0x3a5: {  	[tilespmem:$0xD580] =	vst v4;
	v4 =	vld [tilespmem:$0xCDD0]  }
0x3a6: {  	[tilespmem:$0xD590] =	vst v5;
	v5 =	vld [tilespmem:$0xCDE0]  }
0x3a7: {  	[tilespmem:$0xD5A0] =	vst v1;
	v1 =	vld [tilespmem:$0xCDF0]  }
0x3a8: {  	[tilespmem:$0xD5B0] =	vst v2;
	v2 =	vld [tilespmem:$0xCE00]  }
0x3a9: {  	[tilespmem:$0xD5C0] =	vst v3;
	v3 =	vld [tilespmem:$0xCE10]  }
0x3aa: {  	[tilespmem:$0xD5D0] =	vst v4;
	v4 =	vld [tilespmem:$0xCE20]  }
0x3ab: {  	[tilespmem:$0xD5E0] =	vst v5;
	v5 =	vld [tilespmem:$0xCE30]  }
0x3ac: {  	[tilespmem:$0xD5F0] =	vst v1;
	v1 =	vld [tilespmem:$0xCE40]  }
0x3ad: {  	[tilespmem:$0xD600] =	vst v2;
	v2 =	vld [tilespmem:$0xCE50]  }
0x3ae: {  	[tilespmem:$0xD610] =	vst v3;
	v3 =	vld [tilespmem:$0xCE60]  }
0x3af: {  	[tilespmem:$0xD620] =	vst v4;
	v4 =	vld [tilespmem:$0xCE70]  }
0x3b0: {  	[tilespmem:$0xD630] =	vst v5;
	v5 =	vld [tilespmem:$0xCE80]  }
0x3b1: {  	[tilespmem:$0xD640] =	vst v1;
	v1 =	vld [tilespmem:$0xCE90]  }
0x3b2: {  	[tilespmem:$0xD650] =	vst v2;
	v2 =	vld [tilespmem:$0xCEA0]  }
0x3b3: {  	[tilespmem:$0xD660] =	vst v3;
	v3 =	vld [tilespmem:$0xCEB0]  }
0x3b4: {  	[tilespmem:$0xD670] =	vst v4;
	v4 =	vld [tilespmem:$0xCEC0]  }
0x3b5: {  	[tilespmem:$0xD680] =	vst v5;
	v5 =	vld [tilespmem:$0xCED0]  }
0x3b6: {  	[tilespmem:$0xD690] =	vst v1;
	v1 =	vld [tilespmem:$0xCEE0]  }
0x3b7: {  	[tilespmem:$0xD6A0] =	vst v2;
	v2 =	vld [tilespmem:$0xCEF0]  }
0x3b8: {  	[tilespmem:$0xD6B0] =	vst v3;
	v3 =	vld [tilespmem:$0xCF00]  }
0x3b9: {  	[tilespmem:$0xD6C0] =	vst v4;
	v4 =	vld [tilespmem:$0xCF10]  }
0x3ba: {  	[tilespmem:$0xD6D0] =	vst v5;
	v5 =	vld [tilespmem:$0xCF20]  }
0x3bb: {  	[tilespmem:$0xD6E0] =	vst v1;
	v1 =	vld [tilespmem:$0xCF30]  }
0x3bc: {  	[tilespmem:$0xD6F0] =	vst v2;
	v2 =	vld [tilespmem:$0xCF40]  }
0x3bd: {  	[tilespmem:$0xD700] =	vst v3;
	v3 =	vld [tilespmem:$0xCF50]  }
0x3be: {  	[tilespmem:$0xD710] =	vst v4;
	v4 =	vld [tilespmem:$0xCF60]  }
0x3bf: {  	[tilespmem:$0xD720] =	vst v5;
	v5 =	vld [tilespmem:$0xCF70]  }
0x3c0: {  	[tilespmem:$0xD730] =	vst v1;
	v1 =	vld [tilespmem:$0xCF80]  }
0x3c1: {  	[tilespmem:$0xD740] =	vst v2;
	v2 =	vld [tilespmem:$0xCF90]  }
0x3c2: {  	[tilespmem:$0xD750] =	vst v3;
	v3 =	vld [tilespmem:$0xCFA0]  }
0x3c3: {  	[tilespmem:$0xD760] =	vst v4;
	v4 =	vld [tilespmem:$0xCFB0]  }
0x3c4: {  	[tilespmem:$0xD770] =	vst v5;
	v5 =	vld [tilespmem:$0xCFC0]  }
0x3c5: {  	[tilespmem:$0xD780] =	vst v1;
	v1 =	vld [tilespmem:$0xCFD0]  }
0x3c6: {  	[tilespmem:$0xD790] =	vst v2;
	v2 =	vld [tilespmem:$0xCFE0]  }
0x3c7: {  	[tilespmem:$0xD7A0] =	vst v3;
	v3 =	vld [tilespmem:$0xCFF0]  }
0x3c8: {  	[tilespmem:$0xD7B0] =	vst v4  }
0x3c9: {  	[tilespmem:$0xD7C0] =	vst v5  }
0x3ca: {  	[tilespmem:$0xD7D0] =	vst v1  }
0x3cb: {  	p0 =	sne.s32 s11, $0xF00;
	[tilespmem:$0xD7E0] =	vst v2  }
.Ltmp5:
0x3cc: {  	s6 =	sadd.s32 s11, s17;
	[tilespmem:$0xD7F0] =	vst v3;
	(pc) =	sbr.rel @p0 .LBB2_12-.Ltmp5, $4  }
0x3cd: {  	[hbm4b:s6+s7] =	stream.linear.scatter [tilespmem:s19], [sflag:$0x3], $0x800, $0x38;
	[tilespmem:$0x1F800] =	vst v63  }
0x3ce: {  	_ =	swait.ge [sflag:s28], $0x800  }
0x3cf: {  	[sflag:s28] =	ssyncset.done $0x0  }
0x3d0: {  	s13 =	sadd.s32 $0x800, s13;
	s11 =	sadd.s32 $0x100, s11;
	[sflag:s28] =	ssyncadd.s32 $0xFFFFF800  }
0x3d1: {  	s7 =	rddreg [dreg:$0x1a]  }
0x3d2: {  	s6 =	rddreg [dreg:$0x8];
	s7 =	sadd.s32 $0x1, s7  }
0x3d3: {  	p0 =	sne.s32 s7, s6  }
.Ltmp6:
0x3d4: {  	_ = 	snop;
	(pc) =	sbr.rel @p0 .LBB2_1-.Ltmp6, $2  }
0x3d5: {  	_ =	sdelay $0x2  }
0x3d6: {  	v1 =	vimm.f32 $0.0e+00;
	v2 =	vmov v6;
	s25 =	rddreg [dreg:$0x6]  }
0x3d7: {  	_ =	sfence.sel $0x180000  }
0x3d8: {  	[bflag:$0x0] =	sbarrier.arrive $0xFFFF  }
0x3d9: {  	_ =	strace $0x90000047  }
0x3da: {  	s0 =	stileid.u32;
	[bflag:$0x2] =	sbarrier.arrive $0xFFFF  }
0x3db: {  	p0 =	sne.s32 s0, $0x0;
	s0 =	rddreg [dreg:$0x4]  }
0x3dc: {  	s0 =	sadd.s32 @!p0 $0x100000, s0  }
0x3dd: {  	[sflag:s0] =	ssyncadd.tile.s32 @!p0 $0x1;
	_ =	shalt  }
.Lfunc_end2:
_tile_overlayer_lowered:
.L_overlay_start_2:
0x3de: {  	(tag) =	ssettag $0x2  }
0x3df: {  	s0 =	rddreg [dreg:$0x0];
	s2 =	stileid.u32  }
0x3e0: {  	s1 =	rddreg [dreg:$0x1];
	p0 =	sne.s32 s2, $0x0  }
0x3e1: {  	s3 =	rddreg [dreg:$0x2];
	[bflag:$0x3] =	sbarrier.arrive $0xFFFF;
	s2 =	simm.s32 @!p0 $0x1C03  }
0x3e2: {  	[timem:s3], [sflag:s2] =	dma.local @!p0 [hbm:s0], s1  }
0x3e3: {  	s0 =	simm.s32 @!p0 $0x3  }
0x3e4: {  	_ =	swait.ge @!p0 [sflag:s0], s1  }
0x3e5: {  	s1 =	ssub.s32 @!p0 $0x0, s1;
	[sflag:s0] =	ssyncset.done @!p0 $0x0  }
0x3e6: {  	[sflag:s0] =	ssyncadd.s32 @!p0 s1  }
0x3e7: {  	[bflag:$0x3] =	sbarrier.arrive $0xFFFF  }
0x3e8: {  	_ =	shalt  }

</sc_bundles>
